<compile_context>
chip_gen: v7x
topology: tpu7x:2x2x1
jax: 0.10.2.dev20260603
libtpu: 0.0.44.dev20260713+nightly
codegen_flags: <defaults>
</compile_context>

<pallas_src>
import jax
import jax.numpy as jnp
from jax import lax
from jax.experimental import pallas as pl
from jax.experimental.pallas import tpu as pltpu
from jax.experimental.pallas import tpu_sc as plsc

H = 512
W = 512
P = H * W
NC = 2
NS = 16
NW = NC * NS
PPW = P // NW
NB = 2
BATCH = PPW // NB
BHALF = BATCH // 2
CHH = BHALF // 16
MAGIC = 8388608.0


def _sc_euler(tabx_hbm, taby_hbm, nv_hbm, out_hbm, nv, idxa, idxb, g,
              dcx, dcy, ax, ay, tabs, sema, semb):
    c = lax.axis_index("c")
    s = lax.axis_index("s")
    wid = c * NS + s
    base = wid * PPW

    seg = P // NS
    pltpu.async_copy(tabx_hbm.at[pl.ds(s * seg, seg)], tabs.at[pl.ds(s * seg, seg)], sema).wait()
    pltpu.async_copy(taby_hbm.at[pl.ds(s * seg, seg)], tabs.at[pl.ds(P + s * seg, seg)], semb).wait()
    plsc.subcore_barrier()

    pltpu.sync_copy(nv_hbm, nv)
    n = nv[...][0]
    iota = lax.iota(jnp.int32, 16)

    def wait_half(sem, h):
        goff = h * 2 * BHALF
        pltpu.make_async_copy(tabx_hbm.at[pl.ds(0, 2 * BHALF)],
                              g.at[pl.ds(goff, 2 * BHALF)], sem).wait()

    def fire_half(sem, h, idxr):
        goff = h * 2 * BHALF
        pltpu.async_copy(tabs.at[idxr.at[0]], g.at[pl.ds(goff, 2 * BHALF)], sem)

    for b in range(NB):
        bbase = base + b * BATCH

        def make_pass(h, idxr, first):
            goff = h * 2 * BHALF
            poff = h * BHALF

            def compute_chunk(j):
                sl = pl.ds(poff + j * 16, 16)
                p = bbase + poff + j * 16 + iota
                cx = (p & (W - 1)).astype(jnp.float32)
                cy = (p >> 9).astype(jnp.float32)
                gxv = g[pl.ds(goff + j * 16, 16)]
                gyv = g[pl.ds(goff + BHALF + j * 16, 16)]
                if first:
                    ax[sl] = jnp.zeros((16,), jnp.float32)
                    ay[sl] = jnp.zeros((16,), jnp.float32)
                    tx = cx + gxv
                    ty = cy + gyv
                    mb0 = None
                else:
                    ax[sl] = ax[sl] + gxv
                    ay[sl] = ay[sl] + gyv
                    dxl = dcx[sl]
                    dyl = dcy[sl]
                    mb0 = dxl < -0.5
                    tx = jnp.where(mb0, cx, dxl) + gxv
                    ty = dyl + gyv
                oob = (tx > W - 1.0) | (tx < 0.0) | (ty > H - 1.0) | (ty < 0.0)
                m = oob if first else (mb0 | oob)
                dxe = jnp.where(m, cx, tx)
                dye = jnp.where(m, cy, ty)
                dcx[sl] = jnp.where(m, -1.0 - cx, tx)
                dcy[sl] = dye
                rx = ((dxe + MAGIC) - MAGIC).astype(jnp.int32)
                ry = ((dye + MAGIC) - MAGIC).astype(jnp.int32)
                idx = (ry << 9) | rx
                idxr[0, pl.ds(j * 16, 16)] = idx
                idxr[0, pl.ds(BHALF + j * 16, 16)] = idx + P
            return compute_chunk

        pass_a0 = make_pass(0, idxa, True)
        pass_b0 = make_pass(1, idxb, True)
        pass_a = make_pass(0, idxa, False)
        pass_b = make_pass(1, idxb, False)

        pltpu.async_copy(tabs.at[pl.ds(bbase, BHALF)], g.at[pl.ds(0, BHALF)], sema)
        pltpu.async_copy(tabs.at[pl.ds(P + bbase, BHALF)], g.at[pl.ds(BHALF, BHALF)], sema)
        pltpu.async_copy(tabs.at[pl.ds(bbase + BHALF, BHALF)], g.at[pl.ds(2 * BHALF, BHALF)], semb)
        pltpu.async_copy(tabs.at[pl.ds(P + bbase + BHALF, BHALF)], g.at[pl.ds(3 * BHALF, BHALF)], semb)

        wait_half(sema, 0)
        plsc.parallel_loop(0, CHH, unroll=4)(pass_a0)
        fire_half(sema, 0, idxa)
        wait_half(semb, 1)
        plsc.parallel_loop(0, CHH, unroll=4)(pass_b0)
        fire_half(semb, 1, idxb)

        def iter_body(it, _):
            wait_half(sema, 0)
            plsc.parallel_loop(0, CHH, unroll=4)(pass_a)
            fire_half(sema, 0, idxa)
            wait_half(semb, 1)
            plsc.parallel_loop(0, CHH, unroll=4)(pass_b)
            fire_half(semb, 1, idxb)
            return 0

        lax.fori_loop(1, n, iter_body, 0)

        wait_half(sema, 0)
        wait_half(semb, 1)

        for h in range(2):
            goff = h * 2 * BHALF
            poff = h * BHALF

            @plsc.parallel_loop(0, CHH, unroll=4)
            def fin_chunk(j):
                sl = pl.ds(poff + j * 16, 16)
                ax[sl] = ax[sl] + g[pl.ds(goff + j * 16, 16)]
                ay[sl] = ay[sl] + g[pl.ds(goff + BHALF + j * 16, 16)]

        pltpu.sync_copy(ax, out_hbm.at[0, pl.ds(bbase, BATCH)])
        pltpu.sync_copy(ay, out_hbm.at[1, pl.ds(bbase, BATCH)])


@jax.jit
def kernel(motion, destination_frame):
    tabx = motion[0, 0].reshape(P).astype(jnp.float32)
    taby = motion[0, 1].reshape(P).astype(jnp.float32)
    nvec = jnp.broadcast_to(destination_frame.astype(jnp.int32).reshape(1), (16,))
    mesh = plsc.VectorSubcoreMesh(core_axis_name="c", subcore_axis_name="s")
    out = pl.kernel(
        _sc_euler,
        out_type=jax.ShapeDtypeStruct((2, P), jnp.float32),
        mesh=mesh,
        scratch_types=[
            pltpu.VMEM((16,), jnp.int32),
            pltpu.VMEM((1, 2 * BHALF), jnp.int32),
            pltpu.VMEM((1, 2 * BHALF), jnp.int32),
            pltpu.VMEM((2 * BATCH,), jnp.float32),
            pltpu.VMEM((BATCH,), jnp.float32),
            pltpu.VMEM((BATCH,), jnp.float32),
            pltpu.VMEM((BATCH,), jnp.float32),
            pltpu.VMEM((BATCH,), jnp.float32),
            pltpu.VMEM_SHARED((2 * P,), jnp.float32),
            pltpu.SemaphoreType.DMA,
            pltpu.SemaphoreType.DMA,
        ],
    )(tabx, taby, nvec)
    return out.reshape(1, 2, H, W)

# --- scband reference (transcript-rebuilt; emitter-appended) ---
"""Pipeline reference for scband-euler-integration-7060926235109 (READ-ONLY COPY).

The authoritative reference and input builder live on the scoring server;
editing this copy changes nothing except your own understanding.
"""

import jax, jax.numpy as jnp
import numpy as np
from jax import lax


def _euler_integration(motion, destination_frame):
    # motion: [1, 2, H, W]
    b, c, H, W = motion.shape
    assert b == 1 and c == 2
    yy, xx = jnp.meshgrid(jnp.arange(H, dtype=jnp.float32), jnp.arange(W, dtype=jnp.float32), indexing='ij')
    coord_f = jnp.stack([xx, yy], axis=0)  # [2, H, W] float, coord[0]=x, coord[1]=y
    destination_coords = coord_f
    destination_coords_ = coord_f
    invalid_mask = jnp.zeros((1, H, W), dtype=bool)
    m0 = motion[0]  # [2, H, W]
    displacements = jnp.zeros((1, 2, H, W), dtype=jnp.float32)
    visible_pixels = jnp.ones((1, 1, H, W), dtype=jnp.float32)

    def body(frame_id, carry):
        destination_coords, destination_coords_, invalid_mask, displacements, visible_pixels = carry
        iy = jnp.round(destination_coords[1]).astype(jnp.int32)
        ix = jnp.round(destination_coords[0]).astype(jnp.int32)
        destination_coords = destination_coords + m0[:, iy, ix]
        out_of_bounds_x = jnp.logical_or(destination_coords[0] > W - 1, destination_coords[0] < 0)
        out_of_bounds_y = jnp.logical_or(destination_coords[1] > H - 1, destination_coords[1] < 0)
        invalid_mask = jnp.logical_or(out_of_bounds_x[None], invalid_mask)
        invalid_mask = jnp.logical_or(out_of_bounds_y[None], invalid_mask)
        mask2 = jnp.broadcast_to(invalid_mask, destination_coords.shape)
        destination_coords = jnp.where(mask2, coord_f, destination_coords)
        iy2 = jnp.round(destination_coords[1]).astype(jnp.int32)
        ix2 = jnp.round(destination_coords[0]).astype(jnp.int32)
        destination_coords_ = destination_coords_ + m0[:, iy2, ix2]
        displacements = (destination_coords_ - coord_f)[None]
        visible_pixels = jnp.logical_not(invalid_mask).astype(jnp.float32)[None]
        return (destination_coords, destination_coords_, invalid_mask, displacements, visible_pixels)

    carry = (destination_coords, destination_coords_, invalid_mask, displacements, visible_pixels)
    carry = lax.fori_loop(0, destination_frame.astype(jnp.int32), body, carry)
    destination_coords, destination_coords_, invalid_mask, displacements, visible_pixels = carry
    return displacements, visible_pixels


def setup_inputs(seed: int = 0) -> dict:
    key = jax.random.key(seed)
    k1, k2 = jax.random.split(key)
    B, H, W = 1, 512, 512
    motion = jax.random.normal(k1, (B, 2, H, W), dtype=jnp.float32)
    destination_frame = jax.random.randint(k2, (B,), 1, 32, dtype=jnp.int64 if jax.config.jax_enable_x64 else jnp.int32)
    return {"motion": motion, "destination_frame": destination_frame}


def reference(motion, destination_frame):
    B = motion.shape[0]
    disp_list = []
    vis_list = []
    for bi in range(B):
        d, v = _euler_integration(motion[bi:bi + 1], destination_frame[bi])
        disp_list.append(d)
        vis_list.append(v)
    displacements = jnp.concatenate(disp_list, axis=0)
    # show_visible_pixels=False -> return displacements only
    return displacements

if __name__ == "__main__":
    import jax
    _d = setup_inputs()
    print(jax.jit(kernel)(*tuple(_d.values())))

</pallas_src>

<mosaic_0001>
#map = affine_map<(d0, d1) -> (0)>
#map1 = affine_map<(d0, d1) -> (0, 0)>
module attributes {stable_mosaic.version = 14 : i64} {
  func.func @_sc_euler(%arg0: i32, %arg1: i32, %arg2: memref<262144xf32, #tpu.memory_space<hbm>>, %arg3: memref<262144xf32, #tpu.memory_space<hbm>>, %arg4: memref<16xi32, #tpu.memory_space<hbm>>, %arg5: memref<2x262144xf32, #tpu.memory_space<hbm>>, %arg6: memref<16xi32, #tpu.memory_space<vmem>>, %arg7: memref<1x4096xi32, #tpu.memory_space<vmem>>, %arg8: memref<1x4096xi32, #tpu.memory_space<vmem>>, %arg9: memref<8192xf32, #tpu.memory_space<vmem>>, %arg10: memref<4096xf32, #tpu.memory_space<vmem>>, %arg11: memref<4096xf32, #tpu.memory_space<vmem>>, %arg12: memref<4096xf32, #tpu.memory_space<vmem>>, %arg13: memref<4096xf32, #tpu.memory_space<vmem>>, %arg14: memref<524288xf32, #tpu.memory_space<vmem_shared>>, %arg15: memref<!tpu.dma_semaphore, #tpu.memory_space<semaphore_mem>>, %arg16: memref<!tpu.dma_semaphore, #tpu.memory_space<semaphore_mem>>) attributes {dimension_semantics = [#tpu.dimension_semantics<core_parallel>, #tpu.dimension_semantics<subcore_parallel>], iteration_bounds = array<i64: 2, 16>, scalar_prefetch = 0 : i64, scratch_operands = 11 : i64, tpu.core_type = #tpu.core_type<sc_vector_subcore>, window_params = [{transform_indices = #map}, {transform_indices = #map}, {transform_indices = #map}, {transform_indices = #map1}]} {
    %mul3A = arith.constant 16 : i32
    %mul3A_0 = arith.muli %arg0, %mul3A : i32
    %add3A = arith.addi %mul3A_0, %arg1 : i32
    %mul3A_1 = arith.constant 8192 : i32
    %mul3A_2 = arith.muli %add3A, %mul3A_1 : i32
    %mul3A_3 = arith.constant 16384 : i32
    %mul3A_4 = arith.muli %arg1, %mul3A_3 : i32
    %mul3A_5 = arith.constant 16384 : i32
    %mul3A_6 = arith.muli %arg1, %mul3A_5 : i32
    %dma_start3A = tpu.memref_slice %arg14[%mul3A_6] : memref<524288xf32, #tpu.memory_space<vmem_shared>> -> memref<16384xf32, #tpu.memory_space<vmem_shared>>
    %dma_start3A_7 = tpu.memref_slice %arg2[%mul3A_4] : memref<262144xf32, #tpu.memory_space<hbm>> -> memref<16384xf32, #tpu.memory_space<hbm>>
    tpu.enqueue_dma source(%dma_start3A_7 : memref<16384xf32, #tpu.memory_space<hbm>>) target(%dma_start3A : memref<16384xf32, #tpu.memory_space<vmem_shared>>) target_semaphore(%arg15 : memref<!tpu.dma_semaphore, #tpu.memory_space<semaphore_mem>>)
    %dma_wait3A = tpu.memref_slice %arg14[%mul3A_6] : memref<524288xf32, #tpu.memory_space<vmem_shared>> -> memref<16384xf32, #tpu.memory_space<vmem_shared>>
    %dma_wait3A_8 = tpu.memref_slice %arg2[%mul3A_4] : memref<262144xf32, #tpu.memory_space<hbm>> -> memref<16384xf32, #tpu.memory_space<hbm>>
    tpu.wait_dma2 semaphore(%arg15 : memref<!tpu.dma_semaphore, #tpu.memory_space<semaphore_mem>>) src(%dma_wait3A_8 : memref<16384xf32, #tpu.memory_space<hbm>>) dst(%dma_wait3A : memref<16384xf32, #tpu.memory_space<vmem_shared>>)
    %mul3A_9 = arith.constant 16384 : i32
    %mul3A_10 = arith.muli %arg1, %mul3A_9 : i32
    %mul3A_11 = arith.constant 16384 : i32
    %mul3A_12 = arith.muli %arg1, %mul3A_11 : i32
    %add3A_13 = arith.constant 262144 : i32
    %add3A_14 = arith.addi %add3A_13, %mul3A_12 : i32
    %dma_start3A_15 = tpu.memref_slice %arg14[%add3A_14] : memref<524288xf32, #tpu.memory_space<vmem_shared>> -> memref<16384xf32, #tpu.memory_space<vmem_shared>>
    %dma_start3A_16 = tpu.memref_slice %arg3[%mul3A_10] : memref<262144xf32, #tpu.memory_space<hbm>> -> memref<16384xf32, #tpu.memory_space<hbm>>
    tpu.enqueue_dma source(%dma_start3A_16 : memref<16384xf32, #tpu.memory_space<hbm>>) target(%dma_start3A_15 : memref<16384xf32, #tpu.memory_space<vmem_shared>>) target_semaphore(%arg16 : memref<!tpu.dma_semaphore, #tpu.memory_space<semaphore_mem>>)
    %dma_wait3A_17 = tpu.memref_slice %arg14[%add3A_14] : memref<524288xf32, #tpu.memory_space<vmem_shared>> -> memref<16384xf32, #tpu.memory_space<vmem_shared>>
    %dma_wait3A_18 = tpu.memref_slice %arg3[%mul3A_10] : memref<262144xf32, #tpu.memory_space<hbm>> -> memref<16384xf32, #tpu.memory_space<hbm>>
    tpu.wait_dma2 semaphore(%arg16 : memref<!tpu.dma_semaphore, #tpu.memory_space<semaphore_mem>>) src(%dma_wait3A_18 : memref<16384xf32, #tpu.memory_space<hbm>>) dst(%dma_wait3A_17 : memref<16384xf32, #tpu.memory_space<vmem_shared>>)
    %barrier3A = arith.constant 0 : index
    tpu.barrier barrier_id(%barrier3A)
    "tpu.region"() ({
      %run_scoped3A_234 = tpu.sem_alloc : memref<!tpu.dma_semaphore, #tpu.memory_space<semaphore_mem>>
      tpu.enqueue_dma source(%arg4 : memref<16xi32, #tpu.memory_space<hbm>>) target(%arg6 : memref<16xi32, #tpu.memory_space<vmem>>) target_semaphore(%run_scoped3A_234 : memref<!tpu.dma_semaphore, #tpu.memory_space<semaphore_mem>>)
      tpu.wait_dma2 semaphore(%run_scoped3A_234 : memref<!tpu.dma_semaphore, #tpu.memory_space<semaphore_mem>>) src(%arg4 : memref<16xi32, #tpu.memory_space<hbm>>) dst(%arg6 : memref<16xi32, #tpu.memory_space<vmem>>)
      tpu.yield
    }) : () -> ()
    %get3A = arith.constant 0 : index
    %get3A_19 = tpu.vector_load %arg6[%get3A] {strides = array<i32>} : memref<16xi32, #tpu.memory_space<vmem>>, vector<16xi32>,
    %get3A_20 = vector.shape_cast %get3A_19 : vector<16xi32> to vector<16xi32>
    %slice3A = vector.extract_strided_slice %get3A_20 {offsets = [0], sizes = [1], strides = [1]} : vector<16xi32> to vector<1xi32>
    %squeeze3A = vector.extract %slice3A[0] : i32 from vector<1xi32>
    %iota3A = tpu.iota {dimensions = array<i32: 0>} : vector<16xi32>
    %add3A_21 = arith.constant 0 : i32
    %add3A_22 = arith.addi %mul3A_2, %add3A_21 : i32
    %dma_start3A_23 = arith.constant 0 : i32
    %dma_start3A_24 = tpu.memref_slice %arg9[%dma_start3A_23] : memref<8192xf32, #tpu.memory_space<vmem>> -> memref<2048xf32, #tpu.memory_space<vmem>>
    %dma_start3A_25 = tpu.memref_slice %arg14[%add3A_22] : memref<524288xf32, #tpu.memory_space<vmem_shared>> -> memref<2048xf32, #tpu.memory_space<vmem_shared>>
    %dma_start3A_26 = arith.constant 0 : i32
    %dma_start3A_27 = tpu.memref_slice %arg9[%dma_start3A_26] : memref<8192xf32, #tpu.memory_space<vmem>> -> memref<2048xf32, #tpu.memory_space<vmem>>
    %dma_start3A_28 = tpu.memref_slice %arg14[%add3A_22] : memref<524288xf32, #tpu.memory_space<vmem_shared>> -> memref<2048xf32, #tpu.memory_space<vmem_shared>>
    tpu.enqueue_dma source(%dma_start3A_28 : memref<2048xf32, #tpu.memory_space<vmem_shared>>) target(%dma_start3A_27 : memref<2048xf32, #tpu.memory_space<vmem>>) target_semaphore(%arg15 : memref<!tpu.dma_semaphore, #tpu.memory_space<semaphore_mem>>)
    %add3A_29 = arith.constant 262144 : i32
    %add3A_30 = arith.addi %add3A_29, %add3A_22 : i32
    %dma_start3A_31 = arith.constant 2048 : i32
    %dma_start3A_32 = tpu.memref_slice %arg9[%dma_start3A_31] : memref<8192xf32, #tpu.memory_space<vmem>> -> memref<2048xf32, #tpu.memory_space<vmem>>
    %dma_start3A_33 = tpu.memref_slice %arg14[%add3A_30] : memref<524288xf32, #tpu.memory_space<vmem_shared>> -> memref<2048xf32, #tpu.memory_space<vmem_shared>>
    %dma_start3A_34 = arith.constant 2048 : i32
    %dma_start3A_35 = tpu.memref_slice %arg9[%dma_start3A_34] : memref<8192xf32, #tpu.memory_space<vmem>> -> memref<2048xf32, #tpu.memory_space<vmem>>
    %dma_start3A_36 = tpu.memref_slice %arg14[%add3A_30] : memref<524288xf32, #tpu.memory_space<vmem_shared>> -> memref<2048xf32, #tpu.memory_space<vmem_shared>>
    tpu.enqueue_dma source(%dma_start3A_36 : memref<2048xf32, #tpu.memory_space<vmem_shared>>) target(%dma_start3A_35 : memref<2048xf32, #tpu.memory_space<vmem>>) target_semaphore(%arg15 : memref<!tpu.dma_semaphore, #tpu.memory_space<semaphore_mem>>)
    %add3A_37 = arith.constant 2048 : i32
    %add3A_38 = arith.addi %add3A_22, %add3A_37 : i32
    %dma_start3A_39 = arith.constant 4096 : i32
    %dma_start3A_40 = tpu.memref_slice %arg9[%dma_start3A_39] : memref<8192xf32, #tpu.memory_space<vmem>> -> memref<2048xf32, #tpu.memory_space<vmem>>
    %dma_start3A_41 = tpu.memref_slice %arg14[%add3A_38] : memref<524288xf32, #tpu.memory_space<vmem_shared>> -> memref<2048xf32, #tpu.memory_space<vmem_shared>>
    %dma_start3A_42 = arith.constant 4096 : i32
    %dma_start3A_43 = tpu.memref_slice %arg9[%dma_start3A_42] : memref<8192xf32, #tpu.memory_space<vmem>> -> memref<2048xf32, #tpu.memory_space<vmem>>
    %dma_start3A_44 = tpu.memref_slice %arg14[%add3A_38] : memref<524288xf32, #tpu.memory_space<vmem_shared>> -> memref<2048xf32, #tpu.memory_space<vmem_shared>>
    tpu.enqueue_dma source(%dma_start3A_44 : memref<2048xf32, #tpu.memory_space<vmem_shared>>) target(%dma_start3A_43 : memref<2048xf32, #tpu.memory_space<vmem>>) target_semaphore(%arg16 : memref<!tpu.dma_semaphore, #tpu.memory_space<semaphore_mem>>)
    %add3A_45 = arith.constant 262144 : i32
    %add3A_46 = arith.addi %add3A_45, %add3A_22 : i32
    %add3A_47 = arith.constant 2048 : i32
    %add3A_48 = arith.addi %add3A_46, %add3A_47 : i32
    %dma_start3A_49 = arith.constant 6144 : i32
    %dma_start3A_50 = tpu.memref_slice %arg9[%dma_start3A_49] : memref<8192xf32, #tpu.memory_space<vmem>> -> memref<2048xf32, #tpu.memory_space<vmem>>
    %dma_start3A_51 = tpu.memref_slice %arg14[%add3A_48] : memref<524288xf32, #tpu.memory_space<vmem_shared>> -> memref<2048xf32, #tpu.memory_space<vmem_shared>>
    %dma_start3A_52 = arith.constant 6144 : i32
    %dma_start3A_53 = tpu.memref_slice %arg9[%dma_start3A_52] : memref<8192xf32, #tpu.memory_space<vmem>> -> memref<2048xf32, #tpu.memory_space<vmem>>
    %dma_start3A_54 = tpu.memref_slice %arg14[%add3A_48] : memref<524288xf32, #tpu.memory_space<vmem_shared>> -> memref<2048xf32, #tpu.memory_space<vmem_shared>>
    tpu.enqueue_dma source(%dma_start3A_54 : memref<2048xf32, #tpu.memory_space<vmem_shared>>) target(%dma_start3A_53 : memref<2048xf32, #tpu.memory_space<vmem>>) target_semaphore(%arg16 : memref<!tpu.dma_semaphore, #tpu.memory_space<semaphore_mem>>)
    %dma_wait3A_55 = arith.constant 0 : i32
    %dma_wait3A_56 = tpu.memref_slice %arg9[%dma_wait3A_55] : memref<8192xf32, #tpu.memory_space<vmem>> -> memref<4096xf32, #tpu.memory_space<vmem>>
    %dma_wait3A_57 = arith.constant 0 : i32
    %dma_wait3A_58 = tpu.memref_slice %arg2[%dma_wait3A_57] : memref<262144xf32, #tpu.memory_space<hbm>> -> memref<4096xf32, #tpu.memory_space<hbm>>
    %dma_wait3A_59 = arith.constant 0 : i32
    %dma_wait3A_60 = tpu.memref_slice %arg9[%dma_wait3A_59] : memref<8192xf32, #tpu.memory_space<vmem>> -> memref<4096xf32, #tpu.memory_space<vmem>>
    %dma_wait3A_61 = arith.constant 0 : i32
    %dma_wait3A_62 = tpu.memref_slice %arg2[%dma_wait3A_61] : memref<262144xf32, #tpu.memory_space<hbm>> -> memref<4096xf32, #tpu.memory_space<hbm>>
    tpu.wait_dma2 semaphore(%arg15 : memref<!tpu.dma_semaphore, #tpu.memory_space<semaphore_mem>>) src(%dma_wait3A_62 : memref<4096xf32, #tpu.memory_space<hbm>>) dst(%dma_wait3A_60 : memref<4096xf32, #tpu.memory_space<vmem>>)
    %parallel_loop3A = arith.constant 0 : i32
    %parallel_loop3A_63 = arith.constant 128 : i32
    %parallel_loop3A_64 = arith.constant 1 : i32
    scf.for %parallel_loop3A_234 = %parallel_loop3A to %parallel_loop3A_63 step %parallel_loop3A_64  : i32 {
      %parallel_loop3A_235 = arith.constant 16 : i32
      %parallel_loop3A_236 = arith.muli %parallel_loop3A_234, %parallel_loop3A_235 : i32
      %parallel_loop3A_237 = arith.constant 0 : i32
      %parallel_loop3A_238 = arith.addi %parallel_loop3A_237, %parallel_loop3A_236 : i32
      %parallel_loop3A_239 = arith.constant 0 : i32
      %parallel_loop3A_240 = arith.addi %add3A_22, %parallel_loop3A_239 : i32
      %parallel_loop3A_241 = arith.constant 16 : i32
      %parallel_loop3A_242 = arith.muli %parallel_loop3A_234, %parallel_loop3A_241 : i32
      %parallel_loop3A_243 = arith.addi %parallel_loop3A_240, %parallel_loop3A_242 : i32
      %parallel_loop3A_244 = vector.broadcast %parallel_loop3A_243 : i32 to vector<16xi32>
      %parallel_loop3A_245 = arith.addi %parallel_loop3A_244, %iota3A : vector<16xi32>
      %parallel_loop3A_246 = arith.constant 511 : i32
      %parallel_loop3A_247 = vector.broadcast %parallel_loop3A_246 : i32 to vector<16xi32>
      %parallel_loop3A_248 = arith.andi %parallel_loop3A_245, %parallel_loop3A_247 : vector<16xi32>
      %parallel_loop3A_249 = arith.sitofp %parallel_loop3A_248 : vector<16xi32> to vector<16xf32>
      %parallel_loop3A_250 = arith.constant 9 : i32
      %parallel_loop3A_251 = vector.broadcast %parallel_loop3A_250 : i32 to vector<16xi32>
      %parallel_loop3A_252 = arith.shrsi %parallel_loop3A_245, %parallel_loop3A_251 : vector<16xi32>
      %parallel_loop3A_253 = arith.sitofp %parallel_loop3A_252 : vector<16xi32> to vector<16xf32>
      %parallel_loop3A_254 = arith.constant 16 : i32
      %parallel_loop3A_255 = arith.muli %parallel_loop3A_234, %parallel_loop3A_254 : i32
      %parallel_loop3A_256 = arith.constant 0 : i32
      %parallel_loop3A_257 = arith.addi %parallel_loop3A_256, %parallel_loop3A_255 : i32
      %parallel_loop3A_258 = arith.index_cast %parallel_loop3A_257 : i32 to index
      %parallel_loop3A_259 = tpu.vector_load %arg9[%parallel_loop3A_258] {strides = array<i32>} : memref<8192xf32, #tpu.memory_space<vmem>>, vector<16xf32>,
      %parallel_loop3A_260 = vector.shape_cast %parallel_loop3A_259 : vector<16xf32> to vector<16xf32>
      %parallel_loop3A_261 = arith.constant 16 : i32
      %parallel_loop3A_262 = arith.muli %parallel_loop3A_234, %parallel_loop3A_261 : i32
      %parallel_loop3A_263 = arith.constant 2048 : i32
      %parallel_loop3A_264 = arith.addi %parallel_loop3A_263, %parallel_loop3A_262 : i32
      %parallel_loop3A_265 = arith.index_cast %parallel_loop3A_264 : i32 to index
      %parallel_loop3A_266 = tpu.vector_load %arg9[%parallel_loop3A_265] {strides = array<i32>} : memref<8192xf32, #tpu.memory_space<vmem>>, vector<16xf32>,
      %parallel_loop3A_267 = vector.shape_cast %parallel_loop3A_266 : vector<16xf32> to vector<16xf32>
      %parallel_loop3A_268 = arith.constant 0.000000e+00 : f32
      %parallel_loop3A_269 = vector.broadcast %parallel_loop3A_268 : f32 to vector<16xf32>
      %parallel_loop3A_270 = arith.index_cast %parallel_loop3A_238 : i32 to index
      %parallel_loop3A_271 = tpu.vector_load %arg12[%parallel_loop3A_270] {strides = array<i32>} : memref<4096xf32, #tpu.memory_space<vmem>>, vector<16xf32>,
      %parallel_loop3A_272 = vector.shape_cast %parallel_loop3A_271 : vector<16xf32> to vector<16xf32>
      %parallel_loop3A_273 = vector.shape_cast %parallel_loop3A_269 : vector<16xf32> to vector<16xf32>
      tpu.vector_store %arg12[%parallel_loop3A_270], %parallel_loop3A_273 {strides = array<i32>} : memref<4096xf32, #tpu.memory_space<vmem>>, vector<16xf32>,
      %parallel_loop3A_274 = arith.constant 0.000000e+00 : f32
      %parallel_loop3A_275 = vector.broadcast %parallel_loop3A_274 : f32 to vector<16xf32>
      %parallel_loop3A_276 = arith.index_cast %parallel_loop3A_238 : i32 to index
      %parallel_loop3A_277 = tpu.vector_load %arg13[%parallel_loop3A_276] {strides = array<i32>} : memref<4096xf32, #tpu.memory_space<vmem>>, vector<16xf32>,
      %parallel_loop3A_278 = vector.shape_cast %parallel_loop3A_277 : vector<16xf32> to vector<16xf32>
      %parallel_loop3A_279 = vector.shape_cast %parallel_loop3A_275 : vector<16xf32> to vector<16xf32>
      tpu.vector_store %arg13[%parallel_loop3A_276], %parallel_loop3A_279 {strides = array<i32>} : memref<4096xf32, #tpu.memory_space<vmem>>, vector<16xf32>,
      %parallel_loop3A_280 = arith.addf %parallel_loop3A_249, %parallel_loop3A_260 : vector<16xf32>
      %parallel_loop3A_281 = arith.addf %parallel_loop3A_253, %parallel_loop3A_267 : vector<16xf32>
      %parallel_loop3A_282 = arith.constant 5.110000e+02 : f32
      %parallel_loop3A_283 = vector.broadcast %parallel_loop3A_282 : f32 to vector<16xf32>
      %parallel_loop3A_284 = arith.cmpf ogt, %parallel_loop3A_280, %parallel_loop3A_283 : vector<16xf32>
      %parallel_loop3A_285 = arith.constant 0.000000e+00 : f32
      %parallel_loop3A_286 = vector.broadcast %parallel_loop3A_285 : f32 to vector<16xf32>
      %parallel_loop3A_287 = arith.cmpf olt, %parallel_loop3A_280, %parallel_loop3A_286 : vector<16xf32>
      %parallel_loop3A_288 = arith.ori %parallel_loop3A_284, %parallel_loop3A_287 : vector<16xi1>
      %parallel_loop3A_289 = arith.constant 5.110000e+02 : f32
      %parallel_loop3A_290 = vector.broadcast %parallel_loop3A_289 : f32 to vector<16xf32>
      %parallel_loop3A_291 = arith.cmpf ogt, %parallel_loop3A_281, %parallel_loop3A_290 : vector<16xf32>
      %parallel_loop3A_292 = arith.ori %parallel_loop3A_288, %parallel_loop3A_291 : vector<16xi1>
      %parallel_loop3A_293 = arith.constant 0.000000e+00 : f32
      %parallel_loop3A_294 = vector.broadcast %parallel_loop3A_293 : f32 to vector<16xf32>
      %parallel_loop3A_295 = arith.cmpf olt, %parallel_loop3A_281, %parallel_loop3A_294 : vector<16xf32>
      %parallel_loop3A_296 = arith.ori %parallel_loop3A_292, %parallel_loop3A_295 : vector<16xi1>
      %parallel_loop3A_297 = arith.select %parallel_loop3A_296, %parallel_loop3A_249, %parallel_loop3A_280 : vector<16xi1>, vector<16xf32>
      %parallel_loop3A_298 = arith.select %parallel_loop3A_296, %parallel_loop3A_253, %parallel_loop3A_281 : vector<16xi1>, vector<16xf32>
      %parallel_loop3A_299 = arith.constant -1.000000e+00 : f32
      %parallel_loop3A_300 = vector.broadcast %parallel_loop3A_299 : f32 to vector<16xf32>
      %parallel_loop3A_301 = arith.subf %parallel_loop3A_300, %parallel_loop3A_249 : vector<16xf32>
      %parallel_loop3A_302 = arith.select %parallel_loop3A_296, %parallel_loop3A_301, %parallel_loop3A_280 : vector<16xi1>, vector<16xf32>
      %parallel_loop3A_303 = arith.index_cast %parallel_loop3A_238 : i32 to index
      %parallel_loop3A_304 = tpu.vector_load %arg10[%parallel_loop3A_303] {strides = array<i32>} : memref<4096xf32, #tpu.memory_space<vmem>>, vector<16xf32>,
      %parallel_loop3A_305 = vector.shape_cast %parallel_loop3A_304 : vector<16xf32> to vector<16xf32>
      %parallel_loop3A_306 = vector.shape_cast %parallel_loop3A_302 : vector<16xf32> to vector<16xf32>
      tpu.vector_store %arg10[%parallel_loop3A_303], %parallel_loop3A_306 {strides = array<i32>} : memref<4096xf32, #tpu.memory_space<vmem>>, vector<16xf32>,
      %parallel_loop3A_307 = arith.index_cast %parallel_loop3A_238 : i32 to index
      %parallel_loop3A_308 = tpu.vector_load %arg11[%parallel_loop3A_307] {strides = array<i32>} : memref<4096xf32, #tpu.memory_space<vmem>>, vector<16xf32>,
      %parallel_loop3A_309 = vector.shape_cast %parallel_loop3A_308 : vector<16xf32> to vector<16xf32>
      %parallel_loop3A_310 = vector.shape_cast %parallel_loop3A_298 : vector<16xf32> to vector<16xf32>
      tpu.vector_store %arg11[%parallel_loop3A_307], %parallel_loop3A_310 {strides = array<i32>} : memref<4096xf32, #tpu.memory_space<vmem>>, vector<16xf32>,
      %parallel_loop3A_311 = arith.constant 0x4B000000 : f32
      %parallel_loop3A_312 = vector.broadcast %parallel_loop3A_311 : f32 to vector<16xf32>
      %parallel_loop3A_313 = arith.addf %parallel_loop3A_297, %parallel_loop3A_312 : vector<16xf32>
      %parallel_loop3A_314 = arith.constant 0x4B000000 : f32
      %parallel_loop3A_315 = vector.broadcast %parallel_loop3A_314 : f32 to vector<16xf32>
      %parallel_loop3A_316 = arith.subf %parallel_loop3A_313, %parallel_loop3A_315 : vector<16xf32>
      %parallel_loop3A_317 = arith.fptosi %parallel_loop3A_316 : vector<16xf32> to vector<16xi32>
      %parallel_loop3A_318 = arith.constant 0x4B000000 : f32
      %parallel_loop3A_319 = vector.broadcast %parallel_loop3A_318 : f32 to vector<16xf32>
      %parallel_loop3A_320 = arith.addf %parallel_loop3A_298, %parallel_loop3A_319 : vector<16xf32>
      %parallel_loop3A_321 = arith.constant 0x4B000000 : f32
      %parallel_loop3A_322 = vector.broadcast %parallel_loop3A_321 : f32 to vector<16xf32>
      %parallel_loop3A_323 = arith.subf %parallel_loop3A_320, %parallel_loop3A_322 : vector<16xf32>
      %parallel_loop3A_324 = arith.fptosi %parallel_loop3A_323 : vector<16xf32> to vector<16xi32>
      %parallel_loop3A_325 = arith.constant 9 : i32
      %parallel_loop3A_326 = vector.broadcast %parallel_loop3A_325 : i32 to vector<16xi32>
      %parallel_loop3A_327 = arith.shli %parallel_loop3A_324, %parallel_loop3A_326 : vector<16xi32>
      %parallel_loop3A_328 = arith.ori %parallel_loop3A_327, %parallel_loop3A_317 : vector<16xi32>
      %parallel_loop3A_329 = arith.constant 16 : i32
      %parallel_loop3A_330 = arith.muli %parallel_loop3A_234, %parallel_loop3A_329 : i32
      %parallel_loop3A_331 = arith.constant 0 : i32
      %parallel_loop3A_332 = arith.index_cast %parallel_loop3A_331 : i32 to index
      %parallel_loop3A_333 = arith.index_cast %parallel_loop3A_330 : i32 to index
      %parallel_loop3A_334 = tpu.vector_load %arg7[%parallel_loop3A_332, %parallel_loop3A_333] {strides = array<i32>} : memref<1x4096xi32, #tpu.memory_space<vmem>>, vector<1x16xi32>,
      %parallel_loop3A_335 = vector.shape_cast %parallel_loop3A_334 : vector<1x16xi32> to vector<16xi32>
      %parallel_loop3A_336 = vector.shape_cast %parallel_loop3A_328 : vector<16xi32> to vector<1x16xi32>
      tpu.vector_store %arg7[%parallel_loop3A_332, %parallel_loop3A_333], %parallel_loop3A_336 {strides = array<i32>} : memref<1x4096xi32, #tpu.memory_space<vmem>>, vector<1x16xi32>,
      %parallel_loop3A_337 = arith.constant 262144 : i32
      %parallel_loop3A_338 = vector.broadcast %parallel_loop3A_337 : i32 to vector<16xi32>
      %parallel_loop3A_339 = arith.addi %parallel_loop3A_328, %parallel_loop3A_338 : vector<16xi32>
      %parallel_loop3A_340 = arith.constant 16 : i32
      %parallel_loop3A_341 = arith.muli %parallel_loop3A_234, %parallel_loop3A_340 : i32
      %parallel_loop3A_342 = arith.constant 2048 : i32
      %parallel_loop3A_343 = arith.addi %parallel_loop3A_342, %parallel_loop3A_341 : i32
      %parallel_loop3A_344 = arith.constant 0 : i32
      %parallel_loop3A_345 = arith.index_cast %parallel_loop3A_344 : i32 to index
      %parallel_loop3A_346 = arith.index_cast %parallel_loop3A_343 : i32 to index
      %parallel_loop3A_347 = tpu.vector_load %arg7[%parallel_loop3A_345, %parallel_loop3A_346] {strides = array<i32>} : memref<1x4096xi32, #tpu.memory_space<vmem>>, vector<1x16xi32>,
      %parallel_loop3A_348 = vector.shape_cast %parallel_loop3A_347 : vector<1x16xi32> to vector<16xi32>
      %parallel_loop3A_349 = vector.shape_cast %parallel_loop3A_339 : vector<16xi32> to vector<1x16xi32>
      tpu.vector_store %arg7[%parallel_loop3A_345, %parallel_loop3A_346], %parallel_loop3A_349 {strides = array<i32>} : memref<1x4096xi32, #tpu.memory_space<vmem>>, vector<1x16xi32>,
    } {sc.loop_unroll_factor = 4 : i64, sc.parallel_access}
    %dma_start3A_65 = arith.constant 0 : i32
    %dma_start3A_66 = arith.constant 0 : i32
    %dma_start3A_67 = tpu.memref_slice %arg9[%dma_start3A_66] : memref<8192xf32, #tpu.memory_space<vmem>> -> memref<4096xf32, #tpu.memory_space<vmem>>
    %dma_start3A_68 = arith.constant 0 : i32
    %dma_start3A_69 = tpu.memref_slice %arg7[%dma_start3A_65, %dma_start3A_68] : memref<1x4096xi32, #tpu.memory_space<vmem>> -> memref<1x4096xi32, #tpu.memory_space<vmem>>
    %dma_start3A_70 = tpu.memref_squeeze %dma_start3A_69 : memref<1x4096xi32, #tpu.memory_space<vmem>> -> memref<4096xi32, #tpu.memory_space<vmem>>
    %dma_start3A_71 = arith.constant 0 : i32
    %dma_start3A_72 = tpu.memref_slice %arg14[%dma_start3A_71] : memref<524288xf32, #tpu.memory_space<vmem_shared>> -> memref<524288xf32, #tpu.memory_space<vmem_shared>>
    tpu.enqueue_indirect_dma source(%dma_start3A_72 : memref<524288xf32, #tpu.memory_space<vmem_shared>>) target(%dma_start3A_67 : memref<4096xf32, #tpu.memory_space<vmem>>) offsets(%dma_start3A_70 : memref<4096xi32, #tpu.memory_space<vmem>>) semaphore(%arg15 : memref<!tpu.dma_semaphore, #tpu.memory_space<semaphore_mem>>)
    %dma_wait3A_73 = arith.constant 4096 : i32
    %dma_wait3A_74 = tpu.memref_slice %arg9[%dma_wait3A_73] : memref<8192xf32, #tpu.memory_space<vmem>> -> memref<4096xf32, #tpu.memory_space<vmem>>
    %dma_wait3A_75 = arith.constant 0 : i32
    %dma_wait3A_76 = tpu.memref_slice %arg2[%dma_wait3A_75] : memref<262144xf32, #tpu.memory_space<hbm>> -> memref<4096xf32, #tpu.memory_space<hbm>>
    %dma_wait3A_77 = arith.constant 4096 : i32
    %dma_wait3A_78 = tpu.memref_slice %arg9[%dma_wait3A_77] : memref<8192xf32, #tpu.memory_space<vmem>> -> memref<4096xf32, #tpu.memory_space<vmem>>
    %dma_wait3A_79 = arith.constant 0 : i32
    %dma_wait3A_80 = tpu.memref_slice %arg2[%dma_wait3A_79] : memref<262144xf32, #tpu.memory_space<hbm>> -> memref<4096xf32, #tpu.memory_space<hbm>>
    tpu.wait_dma2 semaphore(%arg16 : memref<!tpu.dma_semaphore, #tpu.memory_space<semaphore_mem>>) src(%dma_wait3A_80 : memref<4096xf32, #tpu.memory_space<hbm>>) dst(%dma_wait3A_78 : memref<4096xf32, #tpu.memory_space<vmem>>)
    %parallel_loop3A_81 = arith.constant 0 : i32
    %parallel_loop3A_82 = arith.constant 128 : i32
    %parallel_loop3A_83 = arith.constant 1 : i32
    scf.for %parallel_loop3A_234 = %parallel_loop3A_81 to %parallel_loop3A_82 step %parallel_loop3A_83  : i32 {
      %parallel_loop3A_235 = arith.constant 16 : i32
      %parallel_loop3A_236 = arith.muli %parallel_loop3A_234, %parallel_loop3A_235 : i32
      %parallel_loop3A_237 = arith.constant 2048 : i32
      %parallel_loop3A_238 = arith.addi %parallel_loop3A_237, %parallel_loop3A_236 : i32
      %parallel_loop3A_239 = arith.constant 2048 : i32
      %parallel_loop3A_240 = arith.addi %add3A_22, %parallel_loop3A_239 : i32
      %parallel_loop3A_241 = arith.constant 16 : i32
      %parallel_loop3A_242 = arith.muli %parallel_loop3A_234, %parallel_loop3A_241 : i32
      %parallel_loop3A_243 = arith.addi %parallel_loop3A_240, %parallel_loop3A_242 : i32
      %parallel_loop3A_244 = vector.broadcast %parallel_loop3A_243 : i32 to vector<16xi32>
      %parallel_loop3A_245 = arith.addi %parallel_loop3A_244, %iota3A : vector<16xi32>
      %parallel_loop3A_246 = arith.constant 511 : i32
      %parallel_loop3A_247 = vector.broadcast %parallel_loop3A_246 : i32 to vector<16xi32>
      %parallel_loop3A_248 = arith.andi %parallel_loop3A_245, %parallel_loop3A_247 : vector<16xi32>
      %parallel_loop3A_249 = arith.sitofp %parallel_loop3A_248 : vector<16xi32> to vector<16xf32>
      %parallel_loop3A_250 = arith.constant 9 : i32
      %parallel_loop3A_251 = vector.broadcast %parallel_loop3A_250 : i32 to vector<16xi32>
      %parallel_loop3A_252 = arith.shrsi %parallel_loop3A_245, %parallel_loop3A_251 : vector<16xi32>
      %parallel_loop3A_253 = arith.sitofp %parallel_loop3A_252 : vector<16xi32> to vector<16xf32>
      %parallel_loop3A_254 = arith.constant 16 : i32
      %parallel_loop3A_255 = arith.muli %parallel_loop3A_234, %parallel_loop3A_254 : i32
      %parallel_loop3A_256 = arith.constant 4096 : i32
      %parallel_loop3A_257 = arith.addi %parallel_loop3A_256, %parallel_loop3A_255 : i32
      %parallel_loop3A_258 = arith.index_cast %parallel_loop3A_257 : i32 to index
      %parallel_loop3A_259 = tpu.vector_load %arg9[%parallel_loop3A_258] {strides = array<i32>} : memref<8192xf32, #tpu.memory_space<vmem>>, vector<16xf32>,
      %parallel_loop3A_260 = vector.shape_cast %parallel_loop3A_259 : vector<16xf32> to vector<16xf32>
      %parallel_loop3A_261 = arith.constant 16 : i32
      %parallel_loop3A_262 = arith.muli %parallel_loop3A_234, %parallel_loop3A_261 : i32
      %parallel_loop3A_263 = arith.constant 6144 : i32
      %parallel_loop3A_264 = arith.addi %parallel_loop3A_263, %parallel_loop3A_262 : i32
      %parallel_loop3A_265 = arith.index_cast %parallel_loop3A_264 : i32 to index
      %parallel_loop3A_266 = tpu.vector_load %arg9[%parallel_loop3A_265] {strides = array<i32>} : memref<8192xf32, #tpu.memory_space<vmem>>, vector<16xf32>,
      %parallel_loop3A_267 = vector.shape_cast %parallel_loop3A_266 : vector<16xf32> to vector<16xf32>
      %parallel_loop3A_268 = arith.constant 0.000000e+00 : f32
      %parallel_loop3A_269 = vector.broadcast %parallel_loop3A_268 : f32 to vector<16xf32>
      %parallel_loop3A_270 = arith.index_cast %parallel_loop3A_238 : i32 to index
      %parallel_loop3A_271 = tpu.vector_load %arg12[%parallel_loop3A_270] {strides = array<i32>} : memref<4096xf32, #tpu.memory_space<vmem>>, vector<16xf32>,
      %parallel_loop3A_272 = vector.shape_cast %parallel_loop3A_271 : vector<16xf32> to vector<16xf32>
      %parallel_loop3A_273 = vector.shape_cast %parallel_loop3A_269 : vector<16xf32> to vector<16xf32>
      tpu.vector_store %arg12[%parallel_loop3A_270], %parallel_loop3A_273 {strides = array<i32>} : memref<4096xf32, #tpu.memory_space<vmem>>, vector<16xf32>,
      %parallel_loop3A_274 = arith.constant 0.000000e+00 : f32
      %parallel_loop3A_275 = vector.broadcast %parallel_loop3A_274 : f32 to vector<16xf32>
      %parallel_loop3A_276 = arith.index_cast %parallel_loop3A_238 : i32 to index
      %parallel_loop3A_277 = tpu.vector_load %arg13[%parallel_loop3A_276] {strides = array<i32>} : memref<4096xf32, #tpu.memory_space<vmem>>, vector<16xf32>,
      %parallel_loop3A_278 = vector.shape_cast %parallel_loop3A_277 : vector<16xf32> to vector<16xf32>
      %parallel_loop3A_279 = vector.shape_cast %parallel_loop3A_275 : vector<16xf32> to vector<16xf32>
      tpu.vector_store %arg13[%parallel_loop3A_276], %parallel_loop3A_279 {strides = array<i32>} : memref<4096xf32, #tpu.memory_space<vmem>>, vector<16xf32>,
      %parallel_loop3A_280 = arith.addf %parallel_loop3A_249, %parallel_loop3A_260 : vector<16xf32>
      %parallel_loop3A_281 = arith.addf %parallel_loop3A_253, %parallel_loop3A_267 : vector<16xf32>
      %parallel_loop3A_282 = arith.constant 5.110000e+02 : f32
      %parallel_loop3A_283 = vector.broadcast %parallel_loop3A_282 : f32 to vector<16xf32>
      %parallel_loop3A_284 = arith.cmpf ogt, %parallel_loop3A_280, %parallel_loop3A_283 : vector<16xf32>
      %parallel_loop3A_285 = arith.constant 0.000000e+00 : f32
      %parallel_loop3A_286 = vector.broadcast %parallel_loop3A_285 : f32 to vector<16xf32>
      %parallel_loop3A_287 = arith.cmpf olt, %parallel_loop3A_280, %parallel_loop3A_286 : vector<16xf32>
      %parallel_loop3A_288 = arith.ori %parallel_loop3A_284, %parallel_loop3A_287 : vector<16xi1>
      %parallel_loop3A_289 = arith.constant 5.110000e+02 : f32
      %parallel_loop3A_290 = vector.broadcast %parallel_loop3A_289 : f32 to vector<16xf32>
      %parallel_loop3A_291 = arith.cmpf ogt, %parallel_loop3A_281, %parallel_loop3A_290 : vector<16xf32>
      %parallel_loop3A_292 = arith.ori %parallel_loop3A_288, %parallel_loop3A_291 : vector<16xi1>
      %parallel_loop3A_293 = arith.constant 0.000000e+00 : f32
      %parallel_loop3A_294 = vector.broadcast %parallel_loop3A_293 : f32 to vector<16xf32>
      %parallel_loop3A_295 = arith.cmpf olt, %parallel_loop3A_281, %parallel_loop3A_294 : vector<16xf32>
      %parallel_loop3A_296 = arith.ori %parallel_loop3A_292, %parallel_loop3A_295 : vector<16xi1>
      %parallel_loop3A_297 = arith.select %parallel_loop3A_296, %parallel_loop3A_249, %parallel_loop3A_280 : vector<16xi1>, vector<16xf32>
      %parallel_loop3A_298 = arith.select %parallel_loop3A_296, %parallel_loop3A_253, %parallel_loop3A_281 : vector<16xi1>, vector<16xf32>
      %parallel_loop3A_299 = arith.constant -1.000000e+00 : f32
      %parallel_loop3A_300 = vector.broadcast %parallel_loop3A_299 : f32 to vector<16xf32>
      %parallel_loop3A_301 = arith.subf %parallel_loop3A_300, %parallel_loop3A_249 : vector<16xf32>
      %parallel_loop3A_302 = arith.select %parallel_loop3A_296, %parallel_loop3A_301, %parallel_loop3A_280 : vector<16xi1>, vector<16xf32>
      %parallel_loop3A_303 = arith.index_cast %parallel_loop3A_238 : i32 to index
      %parallel_loop3A_304 = tpu.vector_load %arg10[%parallel_loop3A_303] {strides = array<i32>} : memref<4096xf32, #tpu.memory_space<vmem>>, vector<16xf32>,
      %parallel_loop3A_305 = vector.shape_cast %parallel_loop3A_304 : vector<16xf32> to vector<16xf32>
      %parallel_loop3A_306 = vector.shape_cast %parallel_loop3A_302 : vector<16xf32> to vector<16xf32>
      tpu.vector_store %arg10[%parallel_loop3A_303], %parallel_loop3A_306 {strides = array<i32>} : memref<4096xf32, #tpu.memory_space<vmem>>, vector<16xf32>,
      %parallel_loop3A_307 = arith.index_cast %parallel_loop3A_238 : i32 to index
      %parallel_loop3A_308 = tpu.vector_load %arg11[%parallel_loop3A_307] {strides = array<i32>} : memref<4096xf32, #tpu.memory_space<vmem>>, vector<16xf32>,
      %parallel_loop3A_309 = vector.shape_cast %parallel_loop3A_308 : vector<16xf32> to vector<16xf32>
      %parallel_loop3A_310 = vector.shape_cast %parallel_loop3A_298 : vector<16xf32> to vector<16xf32>
      tpu.vector_store %arg11[%parallel_loop3A_307], %parallel_loop3A_310 {strides = array<i32>} : memref<4096xf32, #tpu.memory_space<vmem>>, vector<16xf32>,
      %parallel_loop3A_311 = arith.constant 0x4B000000 : f32
      %parallel_loop3A_312 = vector.broadcast %parallel_loop3A_311 : f32 to vector<16xf32>
      %parallel_loop3A_313 = arith.addf %parallel_loop3A_297, %parallel_loop3A_312 : vector<16xf32>
      %parallel_loop3A_314 = arith.constant 0x4B000000 : f32
      %parallel_loop3A_315 = vector.broadcast %parallel_loop3A_314 : f32 to vector<16xf32>
      %parallel_loop3A_316 = arith.subf %parallel_loop3A_313, %parallel_loop3A_315 : vector<16xf32>
      %parallel_loop3A_317 = arith.fptosi %parallel_loop3A_316 : vector<16xf32> to vector<16xi32>
      %parallel_loop3A_318 = arith.constant 0x4B000000 : f32
      %parallel_loop3A_319 = vector.broadcast %parallel_loop3A_318 : f32 to vector<16xf32>
      %parallel_loop3A_320 = arith.addf %parallel_loop3A_298, %parallel_loop3A_319 : vector<16xf32>
      %parallel_loop3A_321 = arith.constant 0x4B000000 : f32
      %parallel_loop3A_322 = vector.broadcast %parallel_loop3A_321 : f32 to vector<16xf32>
      %parallel_loop3A_323 = arith.subf %parallel_loop3A_320, %parallel_loop3A_322 : vector<16xf32>
      %parallel_loop3A_324 = arith.fptosi %parallel_loop3A_323 : vector<16xf32> to vector<16xi32>
      %parallel_loop3A_325 = arith.constant 9 : i32
      %parallel_loop3A_326 = vector.broadcast %parallel_loop3A_325 : i32 to vector<16xi32>
      %parallel_loop3A_327 = arith.shli %parallel_loop3A_324, %parallel_loop3A_326 : vector<16xi32>
      %parallel_loop3A_328 = arith.ori %parallel_loop3A_327, %parallel_loop3A_317 : vector<16xi32>
      %parallel_loop3A_329 = arith.constant 16 : i32
      %parallel_loop3A_330 = arith.muli %parallel_loop3A_234, %parallel_loop3A_329 : i32
      %parallel_loop3A_331 = arith.constant 0 : i32
      %parallel_loop3A_332 = arith.index_cast %parallel_loop3A_331 : i32 to index
      %parallel_loop3A_333 = arith.index_cast %parallel_loop3A_330 : i32 to index
      %parallel_loop3A_334 = tpu.vector_load %arg8[%parallel_loop3A_332, %parallel_loop3A_333] {strides = array<i32>} : memref<1x4096xi32, #tpu.memory_space<vmem>>, vector<1x16xi32>,
      %parallel_loop3A_335 = vector.shape_cast %parallel_loop3A_334 : vector<1x16xi32> to vector<16xi32>
      %parallel_loop3A_336 = vector.shape_cast %parallel_loop3A_328 : vector<16xi32> to vector<1x16xi32>
      tpu.vector_store %arg8[%parallel_loop3A_332, %parallel_loop3A_333], %parallel_loop3A_336 {strides = array<i32>} : memref<1x4096xi32, #tpu.memory_space<vmem>>, vector<1x16xi32>,
      %parallel_loop3A_337 = arith.constant 262144 : i32
      %parallel_loop3A_338 = vector.broadcast %parallel_loop3A_337 : i32 to vector<16xi32>
      %parallel_loop3A_339 = arith.addi %parallel_loop3A_328, %parallel_loop3A_338 : vector<16xi32>
      %parallel_loop3A_340 = arith.constant 16 : i32
      %parallel_loop3A_341 = arith.muli %parallel_loop3A_234, %parallel_loop3A_340 : i32
      %parallel_loop3A_342 = arith.constant 2048 : i32
      %parallel_loop3A_343 = arith.addi %parallel_loop3A_342, %parallel_loop3A_341 : i32
      %parallel_loop3A_344 = arith.constant 0 : i32
      %parallel_loop3A_345 = arith.index_cast %parallel_loop3A_344 : i32 to index
      %parallel_loop3A_346 = arith.index_cast %parallel_loop3A_343 : i32 to index
      %parallel_loop3A_347 = tpu.vector_load %arg8[%parallel_loop3A_345, %parallel_loop3A_346] {strides = array<i32>} : memref<1x4096xi32, #tpu.memory_space<vmem>>, vector<1x16xi32>,
      %parallel_loop3A_348 = vector.shape_cast %parallel_loop3A_347 : vector<1x16xi32> to vector<16xi32>
      %parallel_loop3A_349 = vector.shape_cast %parallel_loop3A_339 : vector<16xi32> to vector<1x16xi32>
      tpu.vector_store %arg8[%parallel_loop3A_345, %parallel_loop3A_346], %parallel_loop3A_349 {strides = array<i32>} : memref<1x4096xi32, #tpu.memory_space<vmem>>, vector<1x16xi32>,
    } {sc.loop_unroll_factor = 4 : i64, sc.parallel_access}
    %dma_start3A_84 = arith.constant 0 : i32
    %dma_start3A_85 = arith.constant 4096 : i32
    %dma_start3A_86 = tpu.memref_slice %arg9[%dma_start3A_85] : memref<8192xf32, #tpu.memory_space<vmem>> -> memref<4096xf32, #tpu.memory_space<vmem>>
    %dma_start3A_87 = arith.constant 0 : i32
    %dma_start3A_88 = tpu.memref_slice %arg8[%dma_start3A_84, %dma_start3A_87] : memref<1x4096xi32, #tpu.memory_space<vmem>> -> memref<1x4096xi32, #tpu.memory_space<vmem>>
    %dma_start3A_89 = tpu.memref_squeeze %dma_start3A_88 : memref<1x4096xi32, #tpu.memory_space<vmem>> -> memref<4096xi32, #tpu.memory_space<vmem>>
    %dma_start3A_90 = arith.constant 0 : i32
    %dma_start3A_91 = tpu.memref_slice %arg14[%dma_start3A_90] : memref<524288xf32, #tpu.memory_space<vmem_shared>> -> memref<524288xf32, #tpu.memory_space<vmem_shared>>
    tpu.enqueue_indirect_dma source(%dma_start3A_91 : memref<524288xf32, #tpu.memory_space<vmem_shared>>) target(%dma_start3A_86 : memref<4096xf32, #tpu.memory_space<vmem>>) offsets(%dma_start3A_89 : memref<4096xi32, #tpu.memory_space<vmem>>) semaphore(%arg16 : memref<!tpu.dma_semaphore, #tpu.memory_space<semaphore_mem>>)
    %while3A = arith.constant 1 : i32
    %while3A_92 = arith.constant 0 : i32
    %while3A_93 = arith.subi %squeeze3A, %while3A : i32
    %while3A_94 = arith.addi %while3A, %while3A_93 : i32
    %while3A_95 = arith.constant 1 : i32
    %while3A_96 = arith.divsi %while3A_93, %while3A_95 : i32
    %while3A_97 = arith.muli %while3A_96, %while3A_95 : i32
    %while3A_98 = arith.addi %while3A, %while3A_97 : i32
    %while3A_99 = arith.constant 1 : i32
    %while3A_100 = scf.for %while3A_234 = %while3A to %while3A_98 step %while3A_99 iter_args(%while3A_235 = %while3A_92) -> (i32)  : i32 {
      %dma_wait3A_236 = arith.constant 0 : i32
      %dma_wait3A_237 = tpu.memref_slice %arg9[%dma_wait3A_236] : memref<8192xf32, #tpu.memory_space<vmem>> -> memref<4096xf32, #tpu.memory_space<vmem>>
      %dma_wait3A_238 = arith.constant 0 : i32
      %dma_wait3A_239 = tpu.memref_slice %arg2[%dma_wait3A_238] : memref<262144xf32, #tpu.memory_space<hbm>> -> memref<4096xf32, #tpu.memory_space<hbm>>
      %dma_wait3A_240 = arith.constant 0 : i32
      %dma_wait3A_241 = tpu.memref_slice %arg9[%dma_wait3A_240] : memref<8192xf32, #tpu.memory_space<vmem>> -> memref<4096xf32, #tpu.memory_space<vmem>>
      %dma_wait3A_242 = arith.constant 0 : i32
      %dma_wait3A_243 = tpu.memref_slice %arg2[%dma_wait3A_242] : memref<262144xf32, #tpu.memory_space<hbm>> -> memref<4096xf32, #tpu.memory_space<hbm>>
      tpu.wait_dma2 semaphore(%arg15 : memref<!tpu.dma_semaphore, #tpu.memory_space<semaphore_mem>>) src(%dma_wait3A_243 : memref<4096xf32, #tpu.memory_space<hbm>>) dst(%dma_wait3A_241 : memref<4096xf32, #tpu.memory_space<vmem>>)
      %parallel_loop3A_244 = arith.constant 0 : i32
      %parallel_loop3A_245 = arith.constant 128 : i32
      %parallel_loop3A_246 = arith.constant 1 : i32
      scf.for %parallel_loop3A_275 = %parallel_loop3A_244 to %parallel_loop3A_245 step %parallel_loop3A_246  : i32 {
        %parallel_loop3A_276 = arith.constant 16 : i32
        %parallel_loop3A_277 = arith.muli %parallel_loop3A_275, %parallel_loop3A_276 : i32
        %parallel_loop3A_278 = arith.constant 0 : i32
        %parallel_loop3A_279 = arith.addi %parallel_loop3A_278, %parallel_loop3A_277 : i32
        %parallel_loop3A_280 = arith.constant 0 : i32
        %parallel_loop3A_281 = arith.addi %add3A_22, %parallel_loop3A_280 : i32
        %parallel_loop3A_282 = arith.constant 16 : i32
        %parallel_loop3A_283 = arith.muli %parallel_loop3A_275, %parallel_loop3A_282 : i32
        %parallel_loop3A_284 = arith.addi %parallel_loop3A_281, %parallel_loop3A_283 : i32
        %parallel_loop3A_285 = vector.broadcast %parallel_loop3A_284 : i32 to vector<16xi32>
        %parallel_loop3A_286 = arith.addi %parallel_loop3A_285, %iota3A : vector<16xi32>
        %parallel_loop3A_287 = arith.constant 511 : i32
        %parallel_loop3A_288 = vector.broadcast %parallel_loop3A_287 : i32 to vector<16xi32>
        %parallel_loop3A_289 = arith.andi %parallel_loop3A_286, %parallel_loop3A_288 : vector<16xi32>
        %parallel_loop3A_290 = arith.sitofp %parallel_loop3A_289 : vector<16xi32> to vector<16xf32>
        %parallel_loop3A_291 = arith.constant 9 : i32
        %parallel_loop3A_292 = vector.broadcast %parallel_loop3A_291 : i32 to vector<16xi32>
        %parallel_loop3A_293 = arith.shrsi %parallel_loop3A_286, %parallel_loop3A_292 : vector<16xi32>
        %parallel_loop3A_294 = arith.sitofp %parallel_loop3A_293 : vector<16xi32> to vector<16xf32>
        %parallel_loop3A_295 = arith.constant 16 : i32
        %parallel_loop3A_296 = arith.muli %parallel_loop3A_275, %parallel_loop3A_295 : i32
        %parallel_loop3A_297 = arith.constant 0 : i32
        %parallel_loop3A_298 = arith.addi %parallel_loop3A_297, %parallel_loop3A_296 : i32
        %parallel_loop3A_299 = arith.index_cast %parallel_loop3A_298 : i32 to index
        %parallel_loop3A_300 = tpu.vector_load %arg9[%parallel_loop3A_299] {strides = array<i32>} : memref<8192xf32, #tpu.memory_space<vmem>>, vector<16xf32>,
        %parallel_loop3A_301 = vector.shape_cast %parallel_loop3A_300 : vector<16xf32> to vector<16xf32>
        %parallel_loop3A_302 = arith.constant 16 : i32
        %parallel_loop3A_303 = arith.muli %parallel_loop3A_275, %parallel_loop3A_302 : i32
        %parallel_loop3A_304 = arith.constant 2048 : i32
        %parallel_loop3A_305 = arith.addi %parallel_loop3A_304, %parallel_loop3A_303 : i32
        %parallel_loop3A_306 = arith.index_cast %parallel_loop3A_305 : i32 to index
        %parallel_loop3A_307 = tpu.vector_load %arg9[%parallel_loop3A_306] {strides = array<i32>} : memref<8192xf32, #tpu.memory_space<vmem>>, vector<16xf32>,
        %parallel_loop3A_308 = vector.shape_cast %parallel_loop3A_307 : vector<16xf32> to vector<16xf32>
        %parallel_loop3A_309 = arith.index_cast %parallel_loop3A_279 : i32 to index
        %parallel_loop3A_310 = tpu.vector_load %arg12[%parallel_loop3A_309] {strides = array<i32>} : memref<4096xf32, #tpu.memory_space<vmem>>, vector<16xf32>,
        %parallel_loop3A_311 = vector.shape_cast %parallel_loop3A_310 : vector<16xf32> to vector<16xf32>
        %parallel_loop3A_312 = arith.addf %parallel_loop3A_311, %parallel_loop3A_301 : vector<16xf32>
        %parallel_loop3A_313 = arith.index_cast %parallel_loop3A_279 : i32 to index
        %parallel_loop3A_314 = tpu.vector_load %arg12[%parallel_loop3A_313] {strides = array<i32>} : memref<4096xf32, #tpu.memory_space<vmem>>, vector<16xf32>,
        %parallel_loop3A_315 = vector.shape_cast %parallel_loop3A_314 : vector<16xf32> to vector<16xf32>
        %parallel_loop3A_316 = vector.shape_cast %parallel_loop3A_312 : vector<16xf32> to vector<16xf32>
        tpu.vector_store %arg12[%parallel_loop3A_313], %parallel_loop3A_316 {strides = array<i32>} : memref<4096xf32, #tpu.memory_space<vmem>>, vector<16xf32>,
        %parallel_loop3A_317 = arith.index_cast %parallel_loop3A_279 : i32 to index
        %parallel_loop3A_318 = tpu.vector_load %arg13[%parallel_loop3A_317] {strides = array<i32>} : memref<4096xf32, #tpu.memory_space<vmem>>, vector<16xf32>,
        %parallel_loop3A_319 = vector.shape_cast %parallel_loop3A_318 : vector<16xf32> to vector<16xf32>
        %parallel_loop3A_320 = arith.addf %parallel_loop3A_319, %parallel_loop3A_308 : vector<16xf32>
        %parallel_loop3A_321 = arith.index_cast %parallel_loop3A_279 : i32 to index
        %parallel_loop3A_322 = tpu.vector_load %arg13[%parallel_loop3A_321] {strides = array<i32>} : memref<4096xf32, #tpu.memory_space<vmem>>, vector<16xf32>,
        %parallel_loop3A_323 = vector.shape_cast %parallel_loop3A_322 : vector<16xf32> to vector<16xf32>
        %parallel_loop3A_324 = vector.shape_cast %parallel_loop3A_320 : vector<16xf32> to vector<16xf32>
        tpu.vector_store %arg13[%parallel_loop3A_321], %parallel_loop3A_324 {strides = array<i32>} : memref<4096xf32, #tpu.memory_space<vmem>>, vector<16xf32>,
        %parallel_loop3A_325 = arith.index_cast %parallel_loop3A_279 : i32 to index
        %parallel_loop3A_326 = tpu.vector_load %arg10[%parallel_loop3A_325] {strides = array<i32>} : memref<4096xf32, #tpu.memory_space<vmem>>, vector<16xf32>,
        %parallel_loop3A_327 = vector.shape_cast %parallel_loop3A_326 : vector<16xf32> to vector<16xf32>
        %parallel_loop3A_328 = arith.index_cast %parallel_loop3A_279 : i32 to index
        %parallel_loop3A_329 = tpu.vector_load %arg11[%parallel_loop3A_328] {strides = array<i32>} : memref<4096xf32, #tpu.memory_space<vmem>>, vector<16xf32>,
        %parallel_loop3A_330 = vector.shape_cast %parallel_loop3A_329 : vector<16xf32> to vector<16xf32>
        %parallel_loop3A_331 = arith.constant -5.000000e-01 : f32
        %parallel_loop3A_332 = vector.broadcast %parallel_loop3A_331 : f32 to vector<16xf32>
        %parallel_loop3A_333 = arith.cmpf olt, %parallel_loop3A_327, %parallel_loop3A_332 : vector<16xf32>
        %parallel_loop3A_334 = arith.select %parallel_loop3A_333, %parallel_loop3A_290, %parallel_loop3A_327 : vector<16xi1>, vector<16xf32>
        %parallel_loop3A_335 = arith.addf %parallel_loop3A_334, %parallel_loop3A_301 : vector<16xf32>
        %parallel_loop3A_336 = arith.addf %parallel_loop3A_330, %parallel_loop3A_308 : vector<16xf32>
        %parallel_loop3A_337 = arith.constant 5.110000e+02 : f32
        %parallel_loop3A_338 = vector.broadcast %parallel_loop3A_337 : f32 to vector<16xf32>
        %parallel_loop3A_339 = arith.cmpf ogt, %parallel_loop3A_335, %parallel_loop3A_338 : vector<16xf32>
        %parallel_loop3A_340 = arith.constant 0.000000e+00 : f32
        %parallel_loop3A_341 = vector.broadcast %parallel_loop3A_340 : f32 to vector<16xf32>
        %parallel_loop3A_342 = arith.cmpf olt, %parallel_loop3A_335, %parallel_loop3A_341 : vector<16xf32>
        %parallel_loop3A_343 = arith.ori %parallel_loop3A_339, %parallel_loop3A_342 : vector<16xi1>
        %parallel_loop3A_344 = arith.constant 5.110000e+02 : f32
        %parallel_loop3A_345 = vector.broadcast %parallel_loop3A_344 : f32 to vector<16xf32>
        %parallel_loop3A_346 = arith.cmpf ogt, %parallel_loop3A_336, %parallel_loop3A_345 : vector<16xf32>
        %parallel_loop3A_347 = arith.ori %parallel_loop3A_343, %parallel_loop3A_346 : vector<16xi1>
        %parallel_loop3A_348 = arith.constant 0.000000e+00 : f32
        %parallel_loop3A_349 = vector.broadcast %parallel_loop3A_348 : f32 to vector<16xf32>
        %parallel_loop3A_350 = arith.cmpf olt, %parallel_loop3A_336, %parallel_loop3A_349 : vector<16xf32>
        %parallel_loop3A_351 = arith.ori %parallel_loop3A_347, %parallel_loop3A_350 : vector<16xi1>
        %parallel_loop3A_352 = arith.ori %parallel_loop3A_333, %parallel_loop3A_351 : vector<16xi1>
        %parallel_loop3A_353 = arith.select %parallel_loop3A_352, %parallel_loop3A_290, %parallel_loop3A_335 : vector<16xi1>, vector<16xf32>
        %parallel_loop3A_354 = arith.select %parallel_loop3A_352, %parallel_loop3A_294, %parallel_loop3A_336 : vector<16xi1>, vector<16xf32>
        %parallel_loop3A_355 = arith.constant -1.000000e+00 : f32
        %parallel_loop3A_356 = vector.broadcast %parallel_loop3A_355 : f32 to vector<16xf32>
        %parallel_loop3A_357 = arith.subf %parallel_loop3A_356, %parallel_loop3A_290 : vector<16xf32>
        %parallel_loop3A_358 = arith.select %parallel_loop3A_352, %parallel_loop3A_357, %parallel_loop3A_335 : vector<16xi1>, vector<16xf32>
        %parallel_loop3A_359 = arith.index_cast %parallel_loop3A_279 : i32 to index
        %parallel_loop3A_360 = tpu.vector_load %arg10[%parallel_loop3A_359] {strides = array<i32>} : memref<4096xf32, #tpu.memory_space<vmem>>, vector<16xf32>,
        %parallel_loop3A_361 = vector.shape_cast %parallel_loop3A_360 : vector<16xf32> to vector<16xf32>
        %parallel_loop3A_362 = vector.shape_cast %parallel_loop3A_358 : vector<16xf32> to vector<16xf32>
        tpu.vector_store %arg10[%parallel_loop3A_359], %parallel_loop3A_362 {strides = array<i32>} : memref<4096xf32, #tpu.memory_space<vmem>>, vector<16xf32>,
        %parallel_loop3A_363 = arith.index_cast %parallel_loop3A_279 : i32 to index
        %parallel_loop3A_364 = tpu.vector_load %arg11[%parallel_loop3A_363] {strides = array<i32>} : memref<4096xf32, #tpu.memory_space<vmem>>, vector<16xf32>,
        %parallel_loop3A_365 = vector.shape_cast %parallel_loop3A_364 : vector<16xf32> to vector<16xf32>
        %parallel_loop3A_366 = vector.shape_cast %parallel_loop3A_354 : vector<16xf32> to vector<16xf32>
        tpu.vector_store %arg11[%parallel_loop3A_363], %parallel_loop3A_366 {strides = array<i32>} : memref<4096xf32, #tpu.memory_space<vmem>>, vector<16xf32>,
        %parallel_loop3A_367 = arith.constant 0x4B000000 : f32
        %parallel_loop3A_368 = vector.broadcast %parallel_loop3A_367 : f32 to vector<16xf32>
        %parallel_loop3A_369 = arith.addf %parallel_loop3A_353, %parallel_loop3A_368 : vector<16xf32>
        %parallel_loop3A_370 = arith.constant 0x4B000000 : f32
        %parallel_loop3A_371 = vector.broadcast %parallel_loop3A_370 : f32 to vector<16xf32>
        %parallel_loop3A_372 = arith.subf %parallel_loop3A_369, %parallel_loop3A_371 : vector<16xf32>
        %parallel_loop3A_373 = arith.fptosi %parallel_loop3A_372 : vector<16xf32> to vector<16xi32>
        %parallel_loop3A_374 = arith.constant 0x4B000000 : f32
        %parallel_loop3A_375 = vector.broadcast %parallel_loop3A_374 : f32 to vector<16xf32>
        %parallel_loop3A_376 = arith.addf %parallel_loop3A_354, %parallel_loop3A_375 : vector<16xf32>
        %parallel_loop3A_377 = arith.constant 0x4B000000 : f32
        %parallel_loop3A_378 = vector.broadcast %parallel_loop3A_377 : f32 to vector<16xf32>
        %parallel_loop3A_379 = arith.subf %parallel_loop3A_376, %parallel_loop3A_378 : vector<16xf32>
        %parallel_loop3A_380 = arith.fptosi %parallel_loop3A_379 : vector<16xf32> to vector<16xi32>
        %parallel_loop3A_381 = arith.constant 9 : i32
        %parallel_loop3A_382 = vector.broadcast %parallel_loop3A_381 : i32 to vector<16xi32>
        %parallel_loop3A_383 = arith.shli %parallel_loop3A_380, %parallel_loop3A_382 : vector<16xi32>
        %parallel_loop3A_384 = arith.ori %parallel_loop3A_383, %parallel_loop3A_373 : vector<16xi32>
        %parallel_loop3A_385 = arith.constant 16 : i32
        %parallel_loop3A_386 = arith.muli %parallel_loop3A_275, %parallel_loop3A_385 : i32
        %parallel_loop3A_387 = arith.constant 0 : i32
        %parallel_loop3A_388 = arith.index_cast %parallel_loop3A_387 : i32 to index
        %parallel_loop3A_389 = arith.index_cast %parallel_loop3A_386 : i32 to index
        %parallel_loop3A_390 = tpu.vector_load %arg7[%parallel_loop3A_388, %parallel_loop3A_389] {strides = array<i32>} : memref<1x4096xi32, #tpu.memory_space<vmem>>, vector<1x16xi32>,
        %parallel_loop3A_391 = vector.shape_cast %parallel_loop3A_390 : vector<1x16xi32> to vector<16xi32>
        %parallel_loop3A_392 = vector.shape_cast %parallel_loop3A_384 : vector<16xi32> to vector<1x16xi32>
        tpu.vector_store %arg7[%parallel_loop3A_388, %parallel_loop3A_389], %parallel_loop3A_392 {strides = array<i32>} : memref<1x4096xi32, #tpu.memory_space<vmem>>, vector<1x16xi32>,
        %parallel_loop3A_393 = arith.constant 262144 : i32
        %parallel_loop3A_394 = vector.broadcast %parallel_loop3A_393 : i32 to vector<16xi32>
        %parallel_loop3A_395 = arith.addi %parallel_loop3A_384, %parallel_loop3A_394 : vector<16xi32>
        %parallel_loop3A_396 = arith.constant 16 : i32
        %parallel_loop3A_397 = arith.muli %parallel_loop3A_275, %parallel_loop3A_396 : i32
        %parallel_loop3A_398 = arith.constant 2048 : i32
        %parallel_loop3A_399 = arith.addi %parallel_loop3A_398, %parallel_loop3A_397 : i32
        %parallel_loop3A_400 = arith.constant 0 : i32
        %parallel_loop3A_401 = arith.index_cast %parallel_loop3A_400 : i32 to index
        %parallel_loop3A_402 = arith.index_cast %parallel_loop3A_399 : i32 to index
        %parallel_loop3A_403 = tpu.vector_load %arg7[%parallel_loop3A_401, %parallel_loop3A_402] {strides = array<i32>} : memref<1x4096xi32, #tpu.memory_space<vmem>>, vector<1x16xi32>,
        %parallel_loop3A_404 = vector.shape_cast %parallel_loop3A_403 : vector<1x16xi32> to vector<16xi32>
        %parallel_loop3A_405 = vector.shape_cast %parallel_loop3A_395 : vector<16xi32> to vector<1x16xi32>
        tpu.vector_store %arg7[%parallel_loop3A_401, %parallel_loop3A_402], %parallel_loop3A_405 {strides = array<i32>} : memref<1x4096xi32, #tpu.memory_space<vmem>>, vector<1x16xi32>,
      } {sc.loop_unroll_factor = 4 : i64, sc.parallel_access}
      %dma_start3A_247 = arith.constant 0 : i32
      %dma_start3A_248 = arith.constant 0 : i32
      %dma_start3A_249 = tpu.memref_slice %arg9[%dma_start3A_248] : memref<8192xf32, #tpu.memory_space<vmem>> -> memref<4096xf32, #tpu.memory_space<vmem>>
      %dma_start3A_250 = arith.constant 0 : i32
      %dma_start3A_251 = tpu.memref_slice %arg7[%dma_start3A_247, %dma_start3A_250] : memref<1x4096xi32, #tpu.memory_space<vmem>> -> memref<1x4096xi32, #tpu.memory_space<vmem>>
      %dma_start3A_252 = tpu.memref_squeeze %dma_start3A_251 : memref<1x4096xi32, #tpu.memory_space<vmem>> -> memref<4096xi32, #tpu.memory_space<vmem>>
      %dma_start3A_253 = arith.constant 0 : i32
      %dma_start3A_254 = tpu.memref_slice %arg14[%dma_start3A_253] : memref<524288xf32, #tpu.memory_space<vmem_shared>> -> memref<524288xf32, #tpu.memory_space<vmem_shared>>
      tpu.enqueue_indirect_dma source(%dma_start3A_254 : memref<524288xf32, #tpu.memory_space<vmem_shared>>) target(%dma_start3A_249 : memref<4096xf32, #tpu.memory_space<vmem>>) offsets(%dma_start3A_252 : memref<4096xi32, #tpu.memory_space<vmem>>) semaphore(%arg15 : memref<!tpu.dma_semaphore, #tpu.memory_space<semaphore_mem>>)
      %dma_wait3A_255 = arith.constant 4096 : i32
      %dma_wait3A_256 = tpu.memref_slice %arg9[%dma_wait3A_255] : memref<8192xf32, #tpu.memory_space<vmem>> -> memref<4096xf32, #tpu.memory_space<vmem>>
      %dma_wait3A_257 = arith.constant 0 : i32
      %dma_wait3A_258 = tpu.memref_slice %arg2[%dma_wait3A_257] : memref<262144xf32, #tpu.memory_space<hbm>> -> memref<4096xf32, #tpu.memory_space<hbm>>
      %dma_wait3A_259 = arith.constant 4096 : i32
      %dma_wait3A_260 = tpu.memref_slice %arg9[%dma_wait3A_259] : memref<8192xf32, #tpu.memory_space<vmem>> -> memref<4096xf32, #tpu.memory_space<vmem>>
      %dma_wait3A_261 = arith.constant 0 : i32
      %dma_wait3A_262 = tpu.memref_slice %arg2[%dma_wait3A_261] : memref<262144xf32, #tpu.memory_space<hbm>> -> memref<4096xf32, #tpu.memory_space<hbm>>
      tpu.wait_dma2 semaphore(%arg16 : memref<!tpu.dma_semaphore, #tpu.memory_space<semaphore_mem>>) src(%dma_wait3A_262 : memref<4096xf32, #tpu.memory_space<hbm>>) dst(%dma_wait3A_260 : memref<4096xf32, #tpu.memory_space<vmem>>)
      %parallel_loop3A_263 = arith.constant 0 : i32
      %parallel_loop3A_264 = arith.constant 128 : i32
      %parallel_loop3A_265 = arith.constant 1 : i32
      scf.for %parallel_loop3A_275 = %parallel_loop3A_263 to %parallel_loop3A_264 step %parallel_loop3A_265  : i32 {
        %parallel_loop3A_276 = arith.constant 16 : i32
        %parallel_loop3A_277 = arith.muli %parallel_loop3A_275, %parallel_loop3A_276 : i32
        %parallel_loop3A_278 = arith.constant 2048 : i32
        %parallel_loop3A_279 = arith.addi %parallel_loop3A_278, %parallel_loop3A_277 : i32
        %parallel_loop3A_280 = arith.constant 2048 : i32
        %parallel_loop3A_281 = arith.addi %add3A_22, %parallel_loop3A_280 : i32
        %parallel_loop3A_282 = arith.constant 16 : i32
        %parallel_loop3A_283 = arith.muli %parallel_loop3A_275, %parallel_loop3A_282 : i32
        %parallel_loop3A_284 = arith.addi %parallel_loop3A_281, %parallel_loop3A_283 : i32
        %parallel_loop3A_285 = vector.broadcast %parallel_loop3A_284 : i32 to vector<16xi32>
        %parallel_loop3A_286 = arith.addi %parallel_loop3A_285, %iota3A : vector<16xi32>
        %parallel_loop3A_287 = arith.constant 511 : i32
        %parallel_loop3A_288 = vector.broadcast %parallel_loop3A_287 : i32 to vector<16xi32>
        %parallel_loop3A_289 = arith.andi %parallel_loop3A_286, %parallel_loop3A_288 : vector<16xi32>
        %parallel_loop3A_290 = arith.sitofp %parallel_loop3A_289 : vector<16xi32> to vector<16xf32>
        %parallel_loop3A_291 = arith.constant 9 : i32
        %parallel_loop3A_292 = vector.broadcast %parallel_loop3A_291 : i32 to vector<16xi32>
        %parallel_loop3A_293 = arith.shrsi %parallel_loop3A_286, %parallel_loop3A_292 : vector<16xi32>
        %parallel_loop3A_294 = arith.sitofp %parallel_loop3A_293 : vector<16xi32> to vector<16xf32>
        %parallel_loop3A_295 = arith.constant 16 : i32
        %parallel_loop3A_296 = arith.muli %parallel_loop3A_275, %parallel_loop3A_295 : i32
        %parallel_loop3A_297 = arith.constant 4096 : i32
        %parallel_loop3A_298 = arith.addi %parallel_loop3A_297, %parallel_loop3A_296 : i32
        %parallel_loop3A_299 = arith.index_cast %parallel_loop3A_298 : i32 to index
        %parallel_loop3A_300 = tpu.vector_load %arg9[%parallel_loop3A_299] {strides = array<i32>} : memref<8192xf32, #tpu.memory_space<vmem>>, vector<16xf32>,
        %parallel_loop3A_301 = vector.shape_cast %parallel_loop3A_300 : vector<16xf32> to vector<16xf32>
        %parallel_loop3A_302 = arith.constant 16 : i32
        %parallel_loop3A_303 = arith.muli %parallel_loop3A_275, %parallel_loop3A_302 : i32
        %parallel_loop3A_304 = arith.constant 6144 : i32
        %parallel_loop3A_305 = arith.addi %parallel_loop3A_304, %parallel_loop3A_303 : i32
        %parallel_loop3A_306 = arith.index_cast %parallel_loop3A_305 : i32 to index
        %parallel_loop3A_307 = tpu.vector_load %arg9[%parallel_loop3A_306] {strides = array<i32>} : memref<8192xf32, #tpu.memory_space<vmem>>, vector<16xf32>,
        %parallel_loop3A_308 = vector.shape_cast %parallel_loop3A_307 : vector<16xf32> to vector<16xf32>
        %parallel_loop3A_309 = arith.index_cast %parallel_loop3A_279 : i32 to index
        %parallel_loop3A_310 = tpu.vector_load %arg12[%parallel_loop3A_309] {strides = array<i32>} : memref<4096xf32, #tpu.memory_space<vmem>>, vector<16xf32>,
        %parallel_loop3A_311 = vector.shape_cast %parallel_loop3A_310 : vector<16xf32> to vector<16xf32>
        %parallel_loop3A_312 = arith.addf %parallel_loop3A_311, %parallel_loop3A_301 : vector<16xf32>
        %parallel_loop3A_313 = arith.index_cast %parallel_loop3A_279 : i32 to index
        %parallel_loop3A_314 = tpu.vector_load %arg12[%parallel_loop3A_313] {strides = array<i32>} : memref<4096xf32, #tpu.memory_space<vmem>>, vector<16xf32>,
        %parallel_loop3A_315 = vector.shape_cast %parallel_loop3A_314 : vector<16xf32> to vector<16xf32>
        %parallel_loop3A_316 = vector.shape_cast %parallel_loop3A_312 : vector<16xf32> to vector<16xf32>
        tpu.vector_store %arg12[%parallel_loop3A_313], %parallel_loop3A_316 {strides = array<i32>} : memref<4096xf32, #tpu.memory_space<vmem>>, vector<16xf32>,
        %parallel_loop3A_317 = arith.index_cast %parallel_loop3A_279 : i32 to index
        %parallel_loop3A_318 = tpu.vector_load %arg13[%parallel_loop3A_317] {strides = array<i32>} : memref<4096xf32, #tpu.memory_space<vmem>>, vector<16xf32>,
        %parallel_loop3A_319 = vector.shape_cast %parallel_loop3A_318 : vector<16xf32> to vector<16xf32>
        %parallel_loop3A_320 = arith.addf %parallel_loop3A_319, %parallel_loop3A_308 : vector<16xf32>
        %parallel_loop3A_321 = arith.index_cast %parallel_loop3A_279 : i32 to index
        %parallel_loop3A_322 = tpu.vector_load %arg13[%parallel_loop3A_321] {strides = array<i32>} : memref<4096xf32, #tpu.memory_space<vmem>>, vector<16xf32>,
        %parallel_loop3A_323 = vector.shape_cast %parallel_loop3A_322 : vector<16xf32> to vector<16xf32>
        %parallel_loop3A_324 = vector.shape_cast %parallel_loop3A_320 : vector<16xf32> to vector<16xf32>
        tpu.vector_store %arg13[%parallel_loop3A_321], %parallel_loop3A_324 {strides = array<i32>} : memref<4096xf32, #tpu.memory_space<vmem>>, vector<16xf32>,
        %parallel_loop3A_325 = arith.index_cast %parallel_loop3A_279 : i32 to index
        %parallel_loop3A_326 = tpu.vector_load %arg10[%parallel_loop3A_325] {strides = array<i32>} : memref<4096xf32, #tpu.memory_space<vmem>>, vector<16xf32>,
        %parallel_loop3A_327 = vector.shape_cast %parallel_loop3A_326 : vector<16xf32> to vector<16xf32>
        %parallel_loop3A_328 = arith.index_cast %parallel_loop3A_279 : i32 to index
        %parallel_loop3A_329 = tpu.vector_load %arg11[%parallel_loop3A_328] {strides = array<i32>} : memref<4096xf32, #tpu.memory_space<vmem>>, vector<16xf32>,
        %parallel_loop3A_330 = vector.shape_cast %parallel_loop3A_329 : vector<16xf32> to vector<16xf32>
        %parallel_loop3A_331 = arith.constant -5.000000e-01 : f32
        %parallel_loop3A_332 = vector.broadcast %parallel_loop3A_331 : f32 to vector<16xf32>
        %parallel_loop3A_333 = arith.cmpf olt, %parallel_loop3A_327, %parallel_loop3A_332 : vector<16xf32>
        %parallel_loop3A_334 = arith.select %parallel_loop3A_333, %parallel_loop3A_290, %parallel_loop3A_327 : vector<16xi1>, vector<16xf32>
        %parallel_loop3A_335 = arith.addf %parallel_loop3A_334, %parallel_loop3A_301 : vector<16xf32>
        %parallel_loop3A_336 = arith.addf %parallel_loop3A_330, %parallel_loop3A_308 : vector<16xf32>
        %parallel_loop3A_337 = arith.constant 5.110000e+02 : f32
        %parallel_loop3A_338 = vector.broadcast %parallel_loop3A_337 : f32 to vector<16xf32>
        %parallel_loop3A_339 = arith.cmpf ogt, %parallel_loop3A_335, %parallel_loop3A_338 : vector<16xf32>
        %parallel_loop3A_340 = arith.constant 0.000000e+00 : f32
        %parallel_loop3A_341 = vector.broadcast %parallel_loop3A_340 : f32 to vector<16xf32>
        %parallel_loop3A_342 = arith.cmpf olt, %parallel_loop3A_335, %parallel_loop3A_341 : vector<16xf32>
        %parallel_loop3A_343 = arith.ori %parallel_loop3A_339, %parallel_loop3A_342 : vector<16xi1>
        %parallel_loop3A_344 = arith.constant 5.110000e+02 : f32
        %parallel_loop3A_345 = vector.broadcast %parallel_loop3A_344 : f32 to vector<16xf32>
        %parallel_loop3A_346 = arith.cmpf ogt, %parallel_loop3A_336, %parallel_loop3A_345 : vector<16xf32>
        %parallel_loop3A_347 = arith.ori %parallel_loop3A_343, %parallel_loop3A_346 : vector<16xi1>
        %parallel_loop3A_348 = arith.constant 0.000000e+00 : f32
        %parallel_loop3A_349 = vector.broadcast %parallel_loop3A_348 : f32 to vector<16xf32>
        %parallel_loop3A_350 = arith.cmpf olt, %parallel_loop3A_336, %parallel_loop3A_349 : vector<16xf32>
        %parallel_loop3A_351 = arith.ori %parallel_loop3A_347, %parallel_loop3A_350 : vector<16xi1>
        %parallel_loop3A_352 = arith.ori %parallel_loop3A_333, %parallel_loop3A_351 : vector<16xi1>
        %parallel_loop3A_353 = arith.select %parallel_loop3A_352, %parallel_loop3A_290, %parallel_loop3A_335 : vector<16xi1>, vector<16xf32>
        %parallel_loop3A_354 = arith.select %parallel_loop3A_352, %parallel_loop3A_294, %parallel_loop3A_336 : vector<16xi1>, vector<16xf32>
        %parallel_loop3A_355 = arith.constant -1.000000e+00 : f32
        %parallel_loop3A_356 = vector.broadcast %parallel_loop3A_355 : f32 to vector<16xf32>
        %parallel_loop3A_357 = arith.subf %parallel_loop3A_356, %parallel_loop3A_290 : vector<16xf32>
        %parallel_loop3A_358 = arith.select %parallel_loop3A_352, %parallel_loop3A_357, %parallel_loop3A_335 : vector<16xi1>, vector<16xf32>
        %parallel_loop3A_359 = arith.index_cast %parallel_loop3A_279 : i32 to index
        %parallel_loop3A_360 = tpu.vector_load %arg10[%parallel_loop3A_359] {strides = array<i32>} : memref<4096xf32, #tpu.memory_space<vmem>>, vector<16xf32>,
        %parallel_loop3A_361 = vector.shape_cast %parallel_loop3A_360 : vector<16xf32> to vector<16xf32>
        %parallel_loop3A_362 = vector.shape_cast %parallel_loop3A_358 : vector<16xf32> to vector<16xf32>
        tpu.vector_store %arg10[%parallel_loop3A_359], %parallel_loop3A_362 {strides = array<i32>} : memref<4096xf32, #tpu.memory_space<vmem>>, vector<16xf32>,
        %parallel_loop3A_363 = arith.index_cast %parallel_loop3A_279 : i32 to index
        %parallel_loop3A_364 = tpu.vector_load %arg11[%parallel_loop3A_363] {strides = array<i32>} : memref<4096xf32, #tpu.memory_space<vmem>>, vector<16xf32>,
        %parallel_loop3A_365 = vector.shape_cast %parallel_loop3A_364 : vector<16xf32> to vector<16xf32>
        %parallel_loop3A_366 = vector.shape_cast %parallel_loop3A_354 : vector<16xf32> to vector<16xf32>
        tpu.vector_store %arg11[%parallel_loop3A_363], %parallel_loop3A_366 {strides = array<i32>} : memref<4096xf32, #tpu.memory_space<vmem>>, vector<16xf32>,
        %parallel_loop3A_367 = arith.constant 0x4B000000 : f32
        %parallel_loop3A_368 = vector.broadcast %parallel_loop3A_367 : f32 to vector<16xf32>
        %parallel_loop3A_369 = arith.addf %parallel_loop3A_353, %parallel_loop3A_368 : vector<16xf32>
        %parallel_loop3A_370 = arith.constant 0x4B000000 : f32
        %parallel_loop3A_371 = vector.broadcast %parallel_loop3A_370 : f32 to vector<16xf32>
        %parallel_loop3A_372 = arith.subf %parallel_loop3A_369, %parallel_loop3A_371 : vector<16xf32>
        %parallel_loop3A_373 = arith.fptosi %parallel_loop3A_372 : vector<16xf32> to vector<16xi32>
        %parallel_loop3A_374 = arith.constant 0x4B000000 : f32
        %parallel_loop3A_375 = vector.broadcast %parallel_loop3A_374 : f32 to vector<16xf32>
        %parallel_loop3A_376 = arith.addf %parallel_loop3A_354, %parallel_loop3A_375 : vector<16xf32>
        %parallel_loop3A_377 = arith.constant 0x4B000000 : f32
        %parallel_loop3A_378 = vector.broadcast %parallel_loop3A_377 : f32 to vector<16xf32>
        %parallel_loop3A_379 = arith.subf %parallel_loop3A_376, %parallel_loop3A_378 : vector<16xf32>
        %parallel_loop3A_380 = arith.fptosi %parallel_loop3A_379 : vector<16xf32> to vector<16xi32>
        %parallel_loop3A_381 = arith.constant 9 : i32
        %parallel_loop3A_382 = vector.broadcast %parallel_loop3A_381 : i32 to vector<16xi32>
        %parallel_loop3A_383 = arith.shli %parallel_loop3A_380, %parallel_loop3A_382 : vector<16xi32>
        %parallel_loop3A_384 = arith.ori %parallel_loop3A_383, %parallel_loop3A_373 : vector<16xi32>
        %parallel_loop3A_385 = arith.constant 16 : i32
        %parallel_loop3A_386 = arith.muli %parallel_loop3A_275, %parallel_loop3A_385 : i32
        %parallel_loop3A_387 = arith.constant 0 : i32
        %parallel_loop3A_388 = arith.index_cast %parallel_loop3A_387 : i32 to index
        %parallel_loop3A_389 = arith.index_cast %parallel_loop3A_386 : i32 to index
        %parallel_loop3A_390 = tpu.vector_load %arg8[%parallel_loop3A_388, %parallel_loop3A_389] {strides = array<i32>} : memref<1x4096xi32, #tpu.memory_space<vmem>>, vector<1x16xi32>,
        %parallel_loop3A_391 = vector.shape_cast %parallel_loop3A_390 : vector<1x16xi32> to vector<16xi32>
        %parallel_loop3A_392 = vector.shape_cast %parallel_loop3A_384 : vector<16xi32> to vector<1x16xi32>
        tpu.vector_store %arg8[%parallel_loop3A_388, %parallel_loop3A_389], %parallel_loop3A_392 {strides = array<i32>} : memref<1x4096xi32, #tpu.memory_space<vmem>>, vector<1x16xi32>,
        %parallel_loop3A_393 = arith.constant 262144 : i32
        %parallel_loop3A_394 = vector.broadcast %parallel_loop3A_393 : i32 to vector<16xi32>
        %parallel_loop3A_395 = arith.addi %parallel_loop3A_384, %parallel_loop3A_394 : vector<16xi32>
        %parallel_loop3A_396 = arith.constant 16 : i32
        %parallel_loop3A_397 = arith.muli %parallel_loop3A_275, %parallel_loop3A_396 : i32
        %parallel_loop3A_398 = arith.constant 2048 : i32
        %parallel_loop3A_399 = arith.addi %parallel_loop3A_398, %parallel_loop3A_397 : i32
        %parallel_loop3A_400 = arith.constant 0 : i32
        %parallel_loop3A_401 = arith.index_cast %parallel_loop3A_400 : i32 to index
        %parallel_loop3A_402 = arith.index_cast %parallel_loop3A_399 : i32 to index
        %parallel_loop3A_403 = tpu.vector_load %arg8[%parallel_loop3A_401, %parallel_loop3A_402] {strides = array<i32>} : memref<1x4096xi32, #tpu.memory_space<vmem>>, vector<1x16xi32>,
        %parallel_loop3A_404 = vector.shape_cast %parallel_loop3A_403 : vector<1x16xi32> to vector<16xi32>
        %parallel_loop3A_405 = vector.shape_cast %parallel_loop3A_395 : vector<16xi32> to vector<1x16xi32>
        tpu.vector_store %arg8[%parallel_loop3A_401, %parallel_loop3A_402], %parallel_loop3A_405 {strides = array<i32>} : memref<1x4096xi32, #tpu.memory_space<vmem>>, vector<1x16xi32>,
      } {sc.loop_unroll_factor = 4 : i64, sc.parallel_access}
      %dma_start3A_266 = arith.constant 0 : i32
      %dma_start3A_267 = arith.constant 4096 : i32
      %dma_start3A_268 = tpu.memref_slice %arg9[%dma_start3A_267] : memref<8192xf32, #tpu.memory_space<vmem>> -> memref<4096xf32, #tpu.memory_space<vmem>>
      %dma_start3A_269 = arith.constant 0 : i32
      %dma_start3A_270 = tpu.memref_slice %arg8[%dma_start3A_266, %dma_start3A_269] : memref<1x4096xi32, #tpu.memory_space<vmem>> -> memref<1x4096xi32, #tpu.memory_space<vmem>>
      %dma_start3A_271 = tpu.memref_squeeze %dma_start3A_270 : memref<1x4096xi32, #tpu.memory_space<vmem>> -> memref<4096xi32, #tpu.memory_space<vmem>>
      %dma_start3A_272 = arith.constant 0 : i32
      %dma_start3A_273 = tpu.memref_slice %arg14[%dma_start3A_272] : memref<524288xf32, #tpu.memory_space<vmem_shared>> -> memref<524288xf32, #tpu.memory_space<vmem_shared>>
      tpu.enqueue_indirect_dma source(%dma_start3A_273 : memref<524288xf32, #tpu.memory_space<vmem_shared>>) target(%dma_start3A_268 : memref<4096xf32, #tpu.memory_space<vmem>>) offsets(%dma_start3A_271 : memref<4096xi32, #tpu.memory_space<vmem>>) semaphore(%arg16 : memref<!tpu.dma_semaphore, #tpu.memory_space<semaphore_mem>>)
      %while3A_274 = arith.constant 0 : i32
      scf.yield %while3A_274 : i32
    }
    %while3A_101 = arith.constant 1 : i32
    %while3A_102 = scf.for %while3A_234 = %while3A_98 to %while3A_94 step %while3A_101 iter_args(%while3A_235 = %while3A_100) -> (i32)  : i32 {
      %dma_wait3A_236 = arith.constant 0 : i32
      %dma_wait3A_237 = tpu.memref_slice %arg9[%dma_wait3A_236] : memref<8192xf32, #tpu.memory_space<vmem>> -> memref<4096xf32, #tpu.memory_space<vmem>>
      %dma_wait3A_238 = arith.constant 0 : i32
      %dma_wait3A_239 = tpu.memref_slice %arg2[%dma_wait3A_238] : memref<262144xf32, #tpu.memory_space<hbm>> -> memref<4096xf32, #tpu.memory_space<hbm>>
      %dma_wait3A_240 = arith.constant 0 : i32
      %dma_wait3A_241 = tpu.memref_slice %arg9[%dma_wait3A_240] : memref<8192xf32, #tpu.memory_space<vmem>> -> memref<4096xf32, #tpu.memory_space<vmem>>
      %dma_wait3A_242 = arith.constant 0 : i32
      %dma_wait3A_243 = tpu.memref_slice %arg2[%dma_wait3A_242] : memref<262144xf32, #tpu.memory_space<hbm>> -> memref<4096xf32, #tpu.memory_space<hbm>>
      tpu.wait_dma2 semaphore(%arg15 : memref<!tpu.dma_semaphore, #tpu.memory_space<semaphore_mem>>) src(%dma_wait3A_243 : memref<4096xf32, #tpu.memory_space<hbm>>) dst(%dma_wait3A_241 : memref<4096xf32, #tpu.memory_space<vmem>>)
      %parallel_loop3A_244 = arith.constant 0 : i32
      %parallel_loop3A_245 = arith.constant 128 : i32
      %parallel_loop3A_246 = arith.constant 1 : i32
      scf.for %parallel_loop3A_275 = %parallel_loop3A_244 to %parallel_loop3A_245 step %parallel_loop3A_246  : i32 {
        %parallel_loop3A_276 = arith.constant 16 : i32
        %parallel_loop3A_277 = arith.muli %parallel_loop3A_275, %parallel_loop3A_276 : i32
        %parallel_loop3A_278 = arith.constant 0 : i32
        %parallel_loop3A_279 = arith.addi %parallel_loop3A_278, %parallel_loop3A_277 : i32
        %parallel_loop3A_280 = arith.constant 0 : i32
        %parallel_loop3A_281 = arith.addi %add3A_22, %parallel_loop3A_280 : i32
        %parallel_loop3A_282 = arith.constant 16 : i32
        %parallel_loop3A_283 = arith.muli %parallel_loop3A_275, %parallel_loop3A_282 : i32
        %parallel_loop3A_284 = arith.addi %parallel_loop3A_281, %parallel_loop3A_283 : i32
        %parallel_loop3A_285 = vector.broadcast %parallel_loop3A_284 : i32 to vector<16xi32>
        %parallel_loop3A_286 = arith.addi %parallel_loop3A_285, %iota3A : vector<16xi32>
        %parallel_loop3A_287 = arith.constant 511 : i32
        %parallel_loop3A_288 = vector.broadcast %parallel_loop3A_287 : i32 to vector<16xi32>
        %parallel_loop3A_289 = arith.andi %parallel_loop3A_286, %parallel_loop3A_288 : vector<16xi32>
        %parallel_loop3A_290 = arith.sitofp %parallel_loop3A_289 : vector<16xi32> to vector<16xf32>
        %parallel_loop3A_291 = arith.constant 9 : i32
        %parallel_loop3A_292 = vector.broadcast %parallel_loop3A_291 : i32 to vector<16xi32>
        %parallel_loop3A_293 = arith.shrsi %parallel_loop3A_286, %parallel_loop3A_292 : vector<16xi32>
        %parallel_loop3A_294 = arith.sitofp %parallel_loop3A_293 : vector<16xi32> to vector<16xf32>
        %parallel_loop3A_295 = arith.constant 16 : i32
        %parallel_loop3A_296 = arith.muli %parallel_loop3A_275, %parallel_loop3A_295 : i32
        %parallel_loop3A_297 = arith.constant 0 : i32
        %parallel_loop3A_298 = arith.addi %parallel_loop3A_297, %parallel_loop3A_296 : i32
        %parallel_loop3A_299 = arith.index_cast %parallel_loop3A_298 : i32 to index
        %parallel_loop3A_300 = tpu.vector_load %arg9[%parallel_loop3A_299] {strides = array<i32>} : memref<8192xf32, #tpu.memory_space<vmem>>, vector<16xf32>,
        %parallel_loop3A_301 = vector.shape_cast %parallel_loop3A_300 : vector<16xf32> to vector<16xf32>
        %parallel_loop3A_302 = arith.constant 16 : i32
        %parallel_loop3A_303 = arith.muli %parallel_loop3A_275, %parallel_loop3A_302 : i32
        %parallel_loop3A_304 = arith.constant 2048 : i32
        %parallel_loop3A_305 = arith.addi %parallel_loop3A_304, %parallel_loop3A_303 : i32
        %parallel_loop3A_306 = arith.index_cast %parallel_loop3A_305 : i32 to index
        %parallel_loop3A_307 = tpu.vector_load %arg9[%parallel_loop3A_306] {strides = array<i32>} : memref<8192xf32, #tpu.memory_space<vmem>>, vector<16xf32>,
        %parallel_loop3A_308 = vector.shape_cast %parallel_loop3A_307 : vector<16xf32> to vector<16xf32>
        %parallel_loop3A_309 = arith.index_cast %parallel_loop3A_279 : i32 to index
        %parallel_loop3A_310 = tpu.vector_load %arg12[%parallel_loop3A_309] {strides = array<i32>} : memref<4096xf32, #tpu.memory_space<vmem>>, vector<16xf32>,
        %parallel_loop3A_311 = vector.shape_cast %parallel_loop3A_310 : vector<16xf32> to vector<16xf32>
        %parallel_loop3A_312 = arith.addf %parallel_loop3A_311, %parallel_loop3A_301 : vector<16xf32>
        %parallel_loop3A_313 = arith.index_cast %parallel_loop3A_279 : i32 to index
        %parallel_loop3A_314 = tpu.vector_load %arg12[%parallel_loop3A_313] {strides = array<i32>} : memref<4096xf32, #tpu.memory_space<vmem>>, vector<16xf32>,
        %parallel_loop3A_315 = vector.shape_cast %parallel_loop3A_314 : vector<16xf32> to vector<16xf32>
        %parallel_loop3A_316 = vector.shape_cast %parallel_loop3A_312 : vector<16xf32> to vector<16xf32>
        tpu.vector_store %arg12[%parallel_loop3A_313], %parallel_loop3A_316 {strides = array<i32>} : memref<4096xf32, #tpu.memory_space<vmem>>, vector<16xf32>,
        %parallel_loop3A_317 = arith.index_cast %parallel_loop3A_279 : i32 to index
        %parallel_loop3A_318 = tpu.vector_load %arg13[%parallel_loop3A_317] {strides = array<i32>} : memref<4096xf32, #tpu.memory_space<vmem>>, vector<16xf32>,
        %parallel_loop3A_319 = vector.shape_cast %parallel_loop3A_318 : vector<16xf32> to vector<16xf32>
        %parallel_loop3A_320 = arith.addf %parallel_loop3A_319, %parallel_loop3A_308 : vector<16xf32>
        %parallel_loop3A_321 = arith.index_cast %parallel_loop3A_279 : i32 to index
        %parallel_loop3A_322 = tpu.vector_load %arg13[%parallel_loop3A_321] {strides = array<i32>} : memref<4096xf32, #tpu.memory_space<vmem>>, vector<16xf32>,
        %parallel_loop3A_323 = vector.shape_cast %parallel_loop3A_322 : vector<16xf32> to vector<16xf32>
        %parallel_loop3A_324 = vector.shape_cast %parallel_loop3A_320 : vector<16xf32> to vector<16xf32>
        tpu.vector_store %arg13[%parallel_loop3A_321], %parallel_loop3A_324 {strides = array<i32>} : memref<4096xf32, #tpu.memory_space<vmem>>, vector<16xf32>,
        %parallel_loop3A_325 = arith.index_cast %parallel_loop3A_279 : i32 to index
        %parallel_loop3A_326 = tpu.vector_load %arg10[%parallel_loop3A_325] {strides = array<i32>} : memref<4096xf32, #tpu.memory_space<vmem>>, vector<16xf32>,
        %parallel_loop3A_327 = vector.shape_cast %parallel_loop3A_326 : vector<16xf32> to vector<16xf32>
        %parallel_loop3A_328 = arith.index_cast %parallel_loop3A_279 : i32 to index
        %parallel_loop3A_329 = tpu.vector_load %arg11[%parallel_loop3A_328] {strides = array<i32>} : memref<4096xf32, #tpu.memory_space<vmem>>, vector<16xf32>,
        %parallel_loop3A_330 = vector.shape_cast %parallel_loop3A_329 : vector<16xf32> to vector<16xf32>
        %parallel_loop3A_331 = arith.constant -5.000000e-01 : f32
        %parallel_loop3A_332 = vector.broadcast %parallel_loop3A_331 : f32 to vector<16xf32>
        %parallel_loop3A_333 = arith.cmpf olt, %parallel_loop3A_327, %parallel_loop3A_332 : vector<16xf32>
        %parallel_loop3A_334 = arith.select %parallel_loop3A_333, %parallel_loop3A_290, %parallel_loop3A_327 : vector<16xi1>, vector<16xf32>
        %parallel_loop3A_335 = arith.addf %parallel_loop3A_334, %parallel_loop3A_301 : vector<16xf32>
        %parallel_loop3A_336 = arith.addf %parallel_loop3A_330, %parallel_loop3A_308 : vector<16xf32>
        %parallel_loop3A_337 = arith.constant 5.110000e+02 : f32
        %parallel_loop3A_338 = vector.broadcast %parallel_loop3A_337 : f32 to vector<16xf32>
        %parallel_loop3A_339 = arith.cmpf ogt, %parallel_loop3A_335, %parallel_loop3A_338 : vector<16xf32>
        %parallel_loop3A_340 = arith.constant 0.000000e+00 : f32
        %parallel_loop3A_341 = vector.broadcast %parallel_loop3A_340 : f32 to vector<16xf32>
        %parallel_loop3A_342 = arith.cmpf olt, %parallel_loop3A_335, %parallel_loop3A_341 : vector<16xf32>
        %parallel_loop3A_343 = arith.ori %parallel_loop3A_339, %parallel_loop3A_342 : vector<16xi1>
        %parallel_loop3A_344 = arith.constant 5.110000e+02 : f32
        %parallel_loop3A_345 = vector.broadcast %parallel_loop3A_344 : f32 to vector<16xf32>
        %parallel_loop3A_346 = arith.cmpf ogt, %parallel_loop3A_336, %parallel_loop3A_345 : vector<16xf32>
        %parallel_loop3A_347 = arith.ori %parallel_loop3A_343, %parallel_loop3A_346 : vector<16xi1>
        %parallel_loop3A_348 = arith.constant 0.000000e+00 : f32
        %parallel_loop3A_349 = vector.broadcast %parallel_loop3A_348 : f32 to vector<16xf32>
        %parallel_loop3A_350 = arith.cmpf olt, %parallel_loop3A_336, %parallel_loop3A_349 : vector<16xf32>
        %parallel_loop3A_351 = arith.ori %parallel_loop3A_347, %parallel_loop3A_350 : vector<16xi1>
        %parallel_loop3A_352 = arith.ori %parallel_loop3A_333, %parallel_loop3A_351 : vector<16xi1>
        %parallel_loop3A_353 = arith.select %parallel_loop3A_352, %parallel_loop3A_290, %parallel_loop3A_335 : vector<16xi1>, vector<16xf32>
        %parallel_loop3A_354 = arith.select %parallel_loop3A_352, %parallel_loop3A_294, %parallel_loop3A_336 : vector<16xi1>, vector<16xf32>
        %parallel_loop3A_355 = arith.constant -1.000000e+00 : f32
        %parallel_loop3A_356 = vector.broadcast %parallel_loop3A_355 : f32 to vector<16xf32>
        %parallel_loop3A_357 = arith.subf %parallel_loop3A_356, %parallel_loop3A_290 : vector<16xf32>
        %parallel_loop3A_358 = arith.select %parallel_loop3A_352, %parallel_loop3A_357, %parallel_loop3A_335 : vector<16xi1>, vector<16xf32>
        %parallel_loop3A_359 = arith.index_cast %parallel_loop3A_279 : i32 to index
        %parallel_loop3A_360 = tpu.vector_load %arg10[%parallel_loop3A_359] {strides = array<i32>} : memref<4096xf32, #tpu.memory_space<vmem>>, vector<16xf32>,
        %parallel_loop3A_361 = vector.shape_cast %parallel_loop3A_360 : vector<16xf32> to vector<16xf32>
        %parallel_loop3A_362 = vector.shape_cast %parallel_loop3A_358 : vector<16xf32> to vector<16xf32>
        tpu.vector_store %arg10[%parallel_loop3A_359], %parallel_loop3A_362 {strides = array<i32>} : memref<4096xf32, #tpu.memory_space<vmem>>, vector<16xf32>,
        %parallel_loop3A_363 = arith.index_cast %parallel_loop3A_279 : i32 to index
        %parallel_loop3A_364 = tpu.vector_load %arg11[%parallel_loop3A_363] {strides = array<i32>} : memref<4096xf32, #tpu.memory_space<vmem>>, vector<16xf32>,
        %parallel_loop3A_365 = vector.shape_cast %parallel_loop3A_364 : vector<16xf32> to vector<16xf32>
        %parallel_loop3A_366 = vector.shape_cast %parallel_loop3A_354 : vector<16xf32> to vector<16xf32>
        tpu.vector_store %arg11[%parallel_loop3A_363], %parallel_loop3A_366 {strides = array<i32>} : memref<4096xf32, #tpu.memory_space<vmem>>, vector<16xf32>,
        %parallel_loop3A_367 = arith.constant 0x4B000000 : f32
        %parallel_loop3A_368 = vector.broadcast %parallel_loop3A_367 : f32 to vector<16xf32>
        %parallel_loop3A_369 = arith.addf %parallel_loop3A_353, %parallel_loop3A_368 : vector<16xf32>
        %parallel_loop3A_370 = arith.constant 0x4B000000 : f32
        %parallel_loop3A_371 = vector.broadcast %parallel_loop3A_370 : f32 to vector<16xf32>
        %parallel_loop3A_372 = arith.subf %parallel_loop3A_369, %parallel_loop3A_371 : vector<16xf32>
        %parallel_loop3A_373 = arith.fptosi %parallel_loop3A_372 : vector<16xf32> to vector<16xi32>
        %parallel_loop3A_374 = arith.constant 0x4B000000 : f32
        %parallel_loop3A_375 = vector.broadcast %parallel_loop3A_374 : f32 to vector<16xf32>
        %parallel_loop3A_376 = arith.addf %parallel_loop3A_354, %parallel_loop3A_375 : vector<16xf32>
        %parallel_loop3A_377 = arith.constant 0x4B000000 : f32
        %parallel_loop3A_378 = vector.broadcast %parallel_loop3A_377 : f32 to vector<16xf32>
        %parallel_loop3A_379 = arith.subf %parallel_loop3A_376, %parallel_loop3A_378 : vector<16xf32>
        %parallel_loop3A_380 = arith.fptosi %parallel_loop3A_379 : vector<16xf32> to vector<16xi32>
        %parallel_loop3A_381 = arith.constant 9 : i32
        %parallel_loop3A_382 = vector.broadcast %parallel_loop3A_381 : i32 to vector<16xi32>
        %parallel_loop3A_383 = arith.shli %parallel_loop3A_380, %parallel_loop3A_382 : vector<16xi32>
        %parallel_loop3A_384 = arith.ori %parallel_loop3A_383, %parallel_loop3A_373 : vector<16xi32>
        %parallel_loop3A_385 = arith.constant 16 : i32
        %parallel_loop3A_386 = arith.muli %parallel_loop3A_275, %parallel_loop3A_385 : i32
        %parallel_loop3A_387 = arith.constant 0 : i32
        %parallel_loop3A_388 = arith.index_cast %parallel_loop3A_387 : i32 to index
        %parallel_loop3A_389 = arith.index_cast %parallel_loop3A_386 : i32 to index
        %parallel_loop3A_390 = tpu.vector_load %arg7[%parallel_loop3A_388, %parallel_loop3A_389] {strides = array<i32>} : memref<1x4096xi32, #tpu.memory_space<vmem>>, vector<1x16xi32>,
        %parallel_loop3A_391 = vector.shape_cast %parallel_loop3A_390 : vector<1x16xi32> to vector<16xi32>
        %parallel_loop3A_392 = vector.shape_cast %parallel_loop3A_384 : vector<16xi32> to vector<1x16xi32>
        tpu.vector_store %arg7[%parallel_loop3A_388, %parallel_loop3A_389], %parallel_loop3A_392 {strides = array<i32>} : memref<1x4096xi32, #tpu.memory_space<vmem>>, vector<1x16xi32>,
        %parallel_loop3A_393 = arith.constant 262144 : i32
        %parallel_loop3A_394 = vector.broadcast %parallel_loop3A_393 : i32 to vector<16xi32>
        %parallel_loop3A_395 = arith.addi %parallel_loop3A_384, %parallel_loop3A_394 : vector<16xi32>
        %parallel_loop3A_396 = arith.constant 16 : i32
        %parallel_loop3A_397 = arith.muli %parallel_loop3A_275, %parallel_loop3A_396 : i32
        %parallel_loop3A_398 = arith.constant 2048 : i32
        %parallel_loop3A_399 = arith.addi %parallel_loop3A_398, %parallel_loop3A_397 : i32
        %parallel_loop3A_400 = arith.constant 0 : i32
        %parallel_loop3A_401 = arith.index_cast %parallel_loop3A_400 : i32 to index
        %parallel_loop3A_402 = arith.index_cast %parallel_loop3A_399 : i32 to index
        %parallel_loop3A_403 = tpu.vector_load %arg7[%parallel_loop3A_401, %parallel_loop3A_402] {strides = array<i32>} : memref<1x4096xi32, #tpu.memory_space<vmem>>, vector<1x16xi32>,
        %parallel_loop3A_404 = vector.shape_cast %parallel_loop3A_403 : vector<1x16xi32> to vector<16xi32>
        %parallel_loop3A_405 = vector.shape_cast %parallel_loop3A_395 : vector<16xi32> to vector<1x16xi32>
        tpu.vector_store %arg7[%parallel_loop3A_401, %parallel_loop3A_402], %parallel_loop3A_405 {strides = array<i32>} : memref<1x4096xi32, #tpu.memory_space<vmem>>, vector<1x16xi32>,
      } {sc.loop_unroll_factor = 4 : i64, sc.parallel_access}
      %dma_start3A_247 = arith.constant 0 : i32
      %dma_start3A_248 = arith.constant 0 : i32
      %dma_start3A_249 = tpu.memref_slice %arg9[%dma_start3A_248] : memref<8192xf32, #tpu.memory_space<vmem>> -> memref<4096xf32, #tpu.memory_space<vmem>>
      %dma_start3A_250 = arith.constant 0 : i32
      %dma_start3A_251 = tpu.memref_slice %arg7[%dma_start3A_247, %dma_start3A_250] : memref<1x4096xi32, #tpu.memory_space<vmem>> -> memref<1x4096xi32, #tpu.memory_space<vmem>>
      %dma_start3A_252 = tpu.memref_squeeze %dma_start3A_251 : memref<1x4096xi32, #tpu.memory_space<vmem>> -> memref<4096xi32, #tpu.memory_space<vmem>>
      %dma_start3A_253 = arith.constant 0 : i32
      %dma_start3A_254 = tpu.memref_slice %arg14[%dma_start3A_253] : memref<524288xf32, #tpu.memory_space<vmem_shared>> -> memref<524288xf32, #tpu.memory_space<vmem_shared>>
      tpu.enqueue_indirect_dma source(%dma_start3A_254 : memref<524288xf32, #tpu.memory_space<vmem_shared>>) target(%dma_start3A_249 : memref<4096xf32, #tpu.memory_space<vmem>>) offsets(%dma_start3A_252 : memref<4096xi32, #tpu.memory_space<vmem>>) semaphore(%arg15 : memref<!tpu.dma_semaphore, #tpu.memory_space<semaphore_mem>>)
      %dma_wait3A_255 = arith.constant 4096 : i32
      %dma_wait3A_256 = tpu.memref_slice %arg9[%dma_wait3A_255] : memref<8192xf32, #tpu.memory_space<vmem>> -> memref<4096xf32, #tpu.memory_space<vmem>>
      %dma_wait3A_257 = arith.constant 0 : i32
      %dma_wait3A_258 = tpu.memref_slice %arg2[%dma_wait3A_257] : memref<262144xf32, #tpu.memory_space<hbm>> -> memref<4096xf32, #tpu.memory_space<hbm>>
      %dma_wait3A_259 = arith.constant 4096 : i32
      %dma_wait3A_260 = tpu.memref_slice %arg9[%dma_wait3A_259] : memref<8192xf32, #tpu.memory_space<vmem>> -> memref<4096xf32, #tpu.memory_space<vmem>>
      %dma_wait3A_261 = arith.constant 0 : i32
      %dma_wait3A_262 = tpu.memref_slice %arg2[%dma_wait3A_261] : memref<262144xf32, #tpu.memory_space<hbm>> -> memref<4096xf32, #tpu.memory_space<hbm>>
      tpu.wait_dma2 semaphore(%arg16 : memref<!tpu.dma_semaphore, #tpu.memory_space<semaphore_mem>>) src(%dma_wait3A_262 : memref<4096xf32, #tpu.memory_space<hbm>>) dst(%dma_wait3A_260 : memref<4096xf32, #tpu.memory_space<vmem>>)
      %parallel_loop3A_263 = arith.constant 0 : i32
      %parallel_loop3A_264 = arith.constant 128 : i32
      %parallel_loop3A_265 = arith.constant 1 : i32
      scf.for %parallel_loop3A_275 = %parallel_loop3A_263 to %parallel_loop3A_264 step %parallel_loop3A_265  : i32 {
        %parallel_loop3A_276 = arith.constant 16 : i32
        %parallel_loop3A_277 = arith.muli %parallel_loop3A_275, %parallel_loop3A_276 : i32
        %parallel_loop3A_278 = arith.constant 2048 : i32
        %parallel_loop3A_279 = arith.addi %parallel_loop3A_278, %parallel_loop3A_277 : i32
        %parallel_loop3A_280 = arith.constant 2048 : i32
        %parallel_loop3A_281 = arith.addi %add3A_22, %parallel_loop3A_280 : i32
        %parallel_loop3A_282 = arith.constant 16 : i32
        %parallel_loop3A_283 = arith.muli %parallel_loop3A_275, %parallel_loop3A_282 : i32
        %parallel_loop3A_284 = arith.addi %parallel_loop3A_281, %parallel_loop3A_283 : i32
        %parallel_loop3A_285 = vector.broadcast %parallel_loop3A_284 : i32 to vector<16xi32>
        %parallel_loop3A_286 = arith.addi %parallel_loop3A_285, %iota3A : vector<16xi32>
        %parallel_loop3A_287 = arith.constant 511 : i32
        %parallel_loop3A_288 = vector.broadcast %parallel_loop3A_287 : i32 to vector<16xi32>
        %parallel_loop3A_289 = arith.andi %parallel_loop3A_286, %parallel_loop3A_288 : vector<16xi32>
        %parallel_loop3A_290 = arith.sitofp %parallel_loop3A_289 : vector<16xi32> to vector<16xf32>
        %parallel_loop3A_291 = arith.constant 9 : i32
        %parallel_loop3A_292 = vector.broadcast %parallel_loop3A_291 : i32 to vector<16xi32>
        %parallel_loop3A_293 = arith.shrsi %parallel_loop3A_286, %parallel_loop3A_292 : vector<16xi32>
        %parallel_loop3A_294 = arith.sitofp %parallel_loop3A_293 : vector<16xi32> to vector<16xf32>
        %parallel_loop3A_295 = arith.constant 16 : i32
        %parallel_loop3A_296 = arith.muli %parallel_loop3A_275, %parallel_loop3A_295 : i32
        %parallel_loop3A_297 = arith.constant 4096 : i32
        %parallel_loop3A_298 = arith.addi %parallel_loop3A_297, %parallel_loop3A_296 : i32
        %parallel_loop3A_299 = arith.index_cast %parallel_loop3A_298 : i32 to index
        %parallel_loop3A_300 = tpu.vector_load %arg9[%parallel_loop3A_299] {strides = array<i32>} : memref<8192xf32, #tpu.memory_space<vmem>>, vector<16xf32>,
        %parallel_loop3A_301 = vector.shape_cast %parallel_loop3A_300 : vector<16xf32> to vector<16xf32>
        %parallel_loop3A_302 = arith.constant 16 : i32
        %parallel_loop3A_303 = arith.muli %parallel_loop3A_275, %parallel_loop3A_302 : i32
        %parallel_loop3A_304 = arith.constant 6144 : i32
        %parallel_loop3A_305 = arith.addi %parallel_loop3A_304, %parallel_loop3A_303 : i32
        %parallel_loop3A_306 = arith.index_cast %parallel_loop3A_305 : i32 to index
        %parallel_loop3A_307 = tpu.vector_load %arg9[%parallel_loop3A_306] {strides = array<i32>} : memref<8192xf32, #tpu.memory_space<vmem>>, vector<16xf32>,
        %parallel_loop3A_308 = vector.shape_cast %parallel_loop3A_307 : vector<16xf32> to vector<16xf32>
        %parallel_loop3A_309 = arith.index_cast %parallel_loop3A_279 : i32 to index
        %parallel_loop3A_310 = tpu.vector_load %arg12[%parallel_loop3A_309] {strides = array<i32>} : memref<4096xf32, #tpu.memory_space<vmem>>, vector<16xf32>,
        %parallel_loop3A_311 = vector.shape_cast %parallel_loop3A_310 : vector<16xf32> to vector<16xf32>
        %parallel_loop3A_312 = arith.addf %parallel_loop3A_311, %parallel_loop3A_301 : vector<16xf32>
        %parallel_loop3A_313 = arith.index_cast %parallel_loop3A_279 : i32 to index
        %parallel_loop3A_314 = tpu.vector_load %arg12[%parallel_loop3A_313] {strides = array<i32>} : memref<4096xf32, #tpu.memory_space<vmem>>, vector<16xf32>,
        %parallel_loop3A_315 = vector.shape_cast %parallel_loop3A_314 : vector<16xf32> to vector<16xf32>
        %parallel_loop3A_316 = vector.shape_cast %parallel_loop3A_312 : vector<16xf32> to vector<16xf32>
        tpu.vector_store %arg12[%parallel_loop3A_313], %parallel_loop3A_316 {strides = array<i32>} : memref<4096xf32, #tpu.memory_space<vmem>>, vector<16xf32>,
        %parallel_loop3A_317 = arith.index_cast %parallel_loop3A_279 : i32 to index
        %parallel_loop3A_318 = tpu.vector_load %arg13[%parallel_loop3A_317] {strides = array<i32>} : memref<4096xf32, #tpu.memory_space<vmem>>, vector<16xf32>,
        %parallel_loop3A_319 = vector.shape_cast %parallel_loop3A_318 : vector<16xf32> to vector<16xf32>
        %parallel_loop3A_320 = arith.addf %parallel_loop3A_319, %parallel_loop3A_308 : vector<16xf32>
        %parallel_loop3A_321 = arith.index_cast %parallel_loop3A_279 : i32 to index
        %parallel_loop3A_322 = tpu.vector_load %arg13[%parallel_loop3A_321] {strides = array<i32>} : memref<4096xf32, #tpu.memory_space<vmem>>, vector<16xf32>,
        %parallel_loop3A_323 = vector.shape_cast %parallel_loop3A_322 : vector<16xf32> to vector<16xf32>
        %parallel_loop3A_324 = vector.shape_cast %parallel_loop3A_320 : vector<16xf32> to vector<16xf32>
        tpu.vector_store %arg13[%parallel_loop3A_321], %parallel_loop3A_324 {strides = array<i32>} : memref<4096xf32, #tpu.memory_space<vmem>>, vector<16xf32>,
        %parallel_loop3A_325 = arith.index_cast %parallel_loop3A_279 : i32 to index
        %parallel_loop3A_326 = tpu.vector_load %arg10[%parallel_loop3A_325] {strides = array<i32>} : memref<4096xf32, #tpu.memory_space<vmem>>, vector<16xf32>,
        %parallel_loop3A_327 = vector.shape_cast %parallel_loop3A_326 : vector<16xf32> to vector<16xf32>
        %parallel_loop3A_328 = arith.index_cast %parallel_loop3A_279 : i32 to index
        %parallel_loop3A_329 = tpu.vector_load %arg11[%parallel_loop3A_328] {strides = array<i32>} : memref<4096xf32, #tpu.memory_space<vmem>>, vector<16xf32>,
        %parallel_loop3A_330 = vector.shape_cast %parallel_loop3A_329 : vector<16xf32> to vector<16xf32>
        %parallel_loop3A_331 = arith.constant -5.000000e-01 : f32
        %parallel_loop3A_332 = vector.broadcast %parallel_loop3A_331 : f32 to vector<16xf32>
        %parallel_loop3A_333 = arith.cmpf olt, %parallel_loop3A_327, %parallel_loop3A_332 : vector<16xf32>
        %parallel_loop3A_334 = arith.select %parallel_loop3A_333, %parallel_loop3A_290, %parallel_loop3A_327 : vector<16xi1>, vector<16xf32>
        %parallel_loop3A_335 = arith.addf %parallel_loop3A_334, %parallel_loop3A_301 : vector<16xf32>
        %parallel_loop3A_336 = arith.addf %parallel_loop3A_330, %parallel_loop3A_308 : vector<16xf32>
        %parallel_loop3A_337 = arith.constant 5.110000e+02 : f32
        %parallel_loop3A_338 = vector.broadcast %parallel_loop3A_337 : f32 to vector<16xf32>
        %parallel_loop3A_339 = arith.cmpf ogt, %parallel_loop3A_335, %parallel_loop3A_338 : vector<16xf32>
        %parallel_loop3A_340 = arith.constant 0.000000e+00 : f32
        %parallel_loop3A_341 = vector.broadcast %parallel_loop3A_340 : f32 to vector<16xf32>
        %parallel_loop3A_342 = arith.cmpf olt, %parallel_loop3A_335, %parallel_loop3A_341 : vector<16xf32>
        %parallel_loop3A_343 = arith.ori %parallel_loop3A_339, %parallel_loop3A_342 : vector<16xi1>
        %parallel_loop3A_344 = arith.constant 5.110000e+02 : f32
        %parallel_loop3A_345 = vector.broadcast %parallel_loop3A_344 : f32 to vector<16xf32>
        %parallel_loop3A_346 = arith.cmpf ogt, %parallel_loop3A_336, %parallel_loop3A_345 : vector<16xf32>
        %parallel_loop3A_347 = arith.ori %parallel_loop3A_343, %parallel_loop3A_346 : vector<16xi1>
        %parallel_loop3A_348 = arith.constant 0.000000e+00 : f32
        %parallel_loop3A_349 = vector.broadcast %parallel_loop3A_348 : f32 to vector<16xf32>
        %parallel_loop3A_350 = arith.cmpf olt, %parallel_loop3A_336, %parallel_loop3A_349 : vector<16xf32>
        %parallel_loop3A_351 = arith.ori %parallel_loop3A_347, %parallel_loop3A_350 : vector<16xi1>
        %parallel_loop3A_352 = arith.ori %parallel_loop3A_333, %parallel_loop3A_351 : vector<16xi1>
        %parallel_loop3A_353 = arith.select %parallel_loop3A_352, %parallel_loop3A_290, %parallel_loop3A_335 : vector<16xi1>, vector<16xf32>
        %parallel_loop3A_354 = arith.select %parallel_loop3A_352, %parallel_loop3A_294, %parallel_loop3A_336 : vector<16xi1>, vector<16xf32>
        %parallel_loop3A_355 = arith.constant -1.000000e+00 : f32
        %parallel_loop3A_356 = vector.broadcast %parallel_loop3A_355 : f32 to vector<16xf32>
        %parallel_loop3A_357 = arith.subf %parallel_loop3A_356, %parallel_loop3A_290 : vector<16xf32>
        %parallel_loop3A_358 = arith.select %parallel_loop3A_352, %parallel_loop3A_357, %parallel_loop3A_335 : vector<16xi1>, vector<16xf32>
        %parallel_loop3A_359 = arith.index_cast %parallel_loop3A_279 : i32 to index
        %parallel_loop3A_360 = tpu.vector_load %arg10[%parallel_loop3A_359] {strides = array<i32>} : memref<4096xf32, #tpu.memory_space<vmem>>, vector<16xf32>,
        %parallel_loop3A_361 = vector.shape_cast %parallel_loop3A_360 : vector<16xf32> to vector<16xf32>
        %parallel_loop3A_362 = vector.shape_cast %parallel_loop3A_358 : vector<16xf32> to vector<16xf32>
        tpu.vector_store %arg10[%parallel_loop3A_359], %parallel_loop3A_362 {strides = array<i32>} : memref<4096xf32, #tpu.memory_space<vmem>>, vector<16xf32>,
        %parallel_loop3A_363 = arith.index_cast %parallel_loop3A_279 : i32 to index
        %parallel_loop3A_364 = tpu.vector_load %arg11[%parallel_loop3A_363] {strides = array<i32>} : memref<4096xf32, #tpu.memory_space<vmem>>, vector<16xf32>,
        %parallel_loop3A_365 = vector.shape_cast %parallel_loop3A_364 : vector<16xf32> to vector<16xf32>
        %parallel_loop3A_366 = vector.shape_cast %parallel_loop3A_354 : vector<16xf32> to vector<16xf32>
        tpu.vector_store %arg11[%parallel_loop3A_363], %parallel_loop3A_366 {strides = array<i32>} : memref<4096xf32, #tpu.memory_space<vmem>>, vector<16xf32>,
        %parallel_loop3A_367 = arith.constant 0x4B000000 : f32
        %parallel_loop3A_368 = vector.broadcast %parallel_loop3A_367 : f32 to vector<16xf32>
        %parallel_loop3A_369 = arith.addf %parallel_loop3A_353, %parallel_loop3A_368 : vector<16xf32>
        %parallel_loop3A_370 = arith.constant 0x4B000000 : f32
        %parallel_loop3A_371 = vector.broadcast %parallel_loop3A_370 : f32 to vector<16xf32>
        %parallel_loop3A_372 = arith.subf %parallel_loop3A_369, %parallel_loop3A_371 : vector<16xf32>
        %parallel_loop3A_373 = arith.fptosi %parallel_loop3A_372 : vector<16xf32> to vector<16xi32>
        %parallel_loop3A_374 = arith.constant 0x4B000000 : f32
        %parallel_loop3A_375 = vector.broadcast %parallel_loop3A_374 : f32 to vector<16xf32>
        %parallel_loop3A_376 = arith.addf %parallel_loop3A_354, %parallel_loop3A_375 : vector<16xf32>
        %parallel_loop3A_377 = arith.constant 0x4B000000 : f32
        %parallel_loop3A_378 = vector.broadcast %parallel_loop3A_377 : f32 to vector<16xf32>
        %parallel_loop3A_379 = arith.subf %parallel_loop3A_376, %parallel_loop3A_378 : vector<16xf32>
        %parallel_loop3A_380 = arith.fptosi %parallel_loop3A_379 : vector<16xf32> to vector<16xi32>
        %parallel_loop3A_381 = arith.constant 9 : i32
        %parallel_loop3A_382 = vector.broadcast %parallel_loop3A_381 : i32 to vector<16xi32>
        %parallel_loop3A_383 = arith.shli %parallel_loop3A_380, %parallel_loop3A_382 : vector<16xi32>
        %parallel_loop3A_384 = arith.ori %parallel_loop3A_383, %parallel_loop3A_373 : vector<16xi32>
        %parallel_loop3A_385 = arith.constant 16 : i32
        %parallel_loop3A_386 = arith.muli %parallel_loop3A_275, %parallel_loop3A_385 : i32
        %parallel_loop3A_387 = arith.constant 0 : i32
        %parallel_loop3A_388 = arith.index_cast %parallel_loop3A_387 : i32 to index
        %parallel_loop3A_389 = arith.index_cast %parallel_loop3A_386 : i32 to index
        %parallel_loop3A_390 = tpu.vector_load %arg8[%parallel_loop3A_388, %parallel_loop3A_389] {strides = array<i32>} : memref<1x4096xi32, #tpu.memory_space<vmem>>, vector<1x16xi32>,
        %parallel_loop3A_391 = vector.shape_cast %parallel_loop3A_390 : vector<1x16xi32> to vector<16xi32>
        %parallel_loop3A_392 = vector.shape_cast %parallel_loop3A_384 : vector<16xi32> to vector<1x16xi32>
        tpu.vector_store %arg8[%parallel_loop3A_388, %parallel_loop3A_389], %parallel_loop3A_392 {strides = array<i32>} : memref<1x4096xi32, #tpu.memory_space<vmem>>, vector<1x16xi32>,
        %parallel_loop3A_393 = arith.constant 262144 : i32
        %parallel_loop3A_394 = vector.broadcast %parallel_loop3A_393 : i32 to vector<16xi32>
        %parallel_loop3A_395 = arith.addi %parallel_loop3A_384, %parallel_loop3A_394 : vector<16xi32>
        %parallel_loop3A_396 = arith.constant 16 : i32
        %parallel_loop3A_397 = arith.muli %parallel_loop3A_275, %parallel_loop3A_396 : i32
        %parallel_loop3A_398 = arith.constant 2048 : i32
        %parallel_loop3A_399 = arith.addi %parallel_loop3A_398, %parallel_loop3A_397 : i32
        %parallel_loop3A_400 = arith.constant 0 : i32
        %parallel_loop3A_401 = arith.index_cast %parallel_loop3A_400 : i32 to index
        %parallel_loop3A_402 = arith.index_cast %parallel_loop3A_399 : i32 to index
        %parallel_loop3A_403 = tpu.vector_load %arg8[%parallel_loop3A_401, %parallel_loop3A_402] {strides = array<i32>} : memref<1x4096xi32, #tpu.memory_space<vmem>>, vector<1x16xi32>,
        %parallel_loop3A_404 = vector.shape_cast %parallel_loop3A_403 : vector<1x16xi32> to vector<16xi32>
        %parallel_loop3A_405 = vector.shape_cast %parallel_loop3A_395 : vector<16xi32> to vector<1x16xi32>
        tpu.vector_store %arg8[%parallel_loop3A_401, %parallel_loop3A_402], %parallel_loop3A_405 {strides = array<i32>} : memref<1x4096xi32, #tpu.memory_space<vmem>>, vector<1x16xi32>,
      } {sc.loop_unroll_factor = 4 : i64, sc.parallel_access}
      %dma_start3A_266 = arith.constant 0 : i32
      %dma_start3A_267 = arith.constant 4096 : i32
      %dma_start3A_268 = tpu.memref_slice %arg9[%dma_start3A_267] : memref<8192xf32, #tpu.memory_space<vmem>> -> memref<4096xf32, #tpu.memory_space<vmem>>
      %dma_start3A_269 = arith.constant 0 : i32
      %dma_start3A_270 = tpu.memref_slice %arg8[%dma_start3A_266, %dma_start3A_269] : memref<1x4096xi32, #tpu.memory_space<vmem>> -> memref<1x4096xi32, #tpu.memory_space<vmem>>
      %dma_start3A_271 = tpu.memref_squeeze %dma_start3A_270 : memref<1x4096xi32, #tpu.memory_space<vmem>> -> memref<4096xi32, #tpu.memory_space<vmem>>
      %dma_start3A_272 = arith.constant 0 : i32
      %dma_start3A_273 = tpu.memref_slice %arg14[%dma_start3A_272] : memref<524288xf32, #tpu.memory_space<vmem_shared>> -> memref<524288xf32, #tpu.memory_space<vmem_shared>>
      tpu.enqueue_indirect_dma source(%dma_start3A_273 : memref<524288xf32, #tpu.memory_space<vmem_shared>>) target(%dma_start3A_268 : memref<4096xf32, #tpu.memory_space<vmem>>) offsets(%dma_start3A_271 : memref<4096xi32, #tpu.memory_space<vmem>>) semaphore(%arg16 : memref<!tpu.dma_semaphore, #tpu.memory_space<semaphore_mem>>)
      %while3A_274 = arith.constant 0 : i32
      scf.yield %while3A_274 : i32
    }
    %dma_wait3A_103 = arith.constant 0 : i32
    %dma_wait3A_104 = tpu.memref_slice %arg9[%dma_wait3A_103] : memref<8192xf32, #tpu.memory_space<vmem>> -> memref<4096xf32, #tpu.memory_space<vmem>>
    %dma_wait3A_105 = arith.constant 0 : i32
    %dma_wait3A_106 = tpu.memref_slice %arg2[%dma_wait3A_105] : memref<262144xf32, #tpu.memory_space<hbm>> -> memref<4096xf32, #tpu.memory_space<hbm>>
    %dma_wait3A_107 = arith.constant 0 : i32
    %dma_wait3A_108 = tpu.memref_slice %arg9[%dma_wait3A_107] : memref<8192xf32, #tpu.memory_space<vmem>> -> memref<4096xf32, #tpu.memory_space<vmem>>
    %dma_wait3A_109 = arith.constant 0 : i32
    %dma_wait3A_110 = tpu.memref_slice %arg2[%dma_wait3A_109] : memref<262144xf32, #tpu.memory_space<hbm>> -> memref<4096xf32, #tpu.memory_space<hbm>>
    tpu.wait_dma2 semaphore(%arg15 : memref<!tpu.dma_semaphore, #tpu.memory_space<semaphore_mem>>) src(%dma_wait3A_110 : memref<4096xf32, #tpu.memory_space<hbm>>) dst(%dma_wait3A_108 : memref<4096xf32, #tpu.memory_space<vmem>>)
    %dma_wait3A_111 = arith.constant 4096 : i32
    %dma_wait3A_112 = tpu.memref_slice %arg9[%dma_wait3A_111] : memref<8192xf32, #tpu.memory_space<vmem>> -> memref<4096xf32, #tpu.memory_space<vmem>>
    %dma_wait3A_113 = arith.constant 0 : i32
    %dma_wait3A_114 = tpu.memref_slice %arg2[%dma_wait3A_113] : memref<262144xf32, #tpu.memory_space<hbm>> -> memref<4096xf32, #tpu.memory_space<hbm>>
    %dma_wait3A_115 = arith.constant 4096 : i32
    %dma_wait3A_116 = tpu.memref_slice %arg9[%dma_wait3A_115] : memref<8192xf32, #tpu.memory_space<vmem>> -> memref<4096xf32, #tpu.memory_space<vmem>>
    %dma_wait3A_117 = arith.constant 0 : i32
    %dma_wait3A_118 = tpu.memref_slice %arg2[%dma_wait3A_117] : memref<262144xf32, #tpu.memory_space<hbm>> -> memref<4096xf32, #tpu.memory_space<hbm>>
    tpu.wait_dma2 semaphore(%arg16 : memref<!tpu.dma_semaphore, #tpu.memory_space<semaphore_mem>>) src(%dma_wait3A_118 : memref<4096xf32, #tpu.memory_space<hbm>>) dst(%dma_wait3A_116 : memref<4096xf32, #tpu.memory_space<vmem>>)
    %parallel_loop3A_119 = arith.constant 0 : i32
    %parallel_loop3A_120 = arith.constant 128 : i32
    %parallel_loop3A_121 = arith.constant 1 : i32
    scf.for %parallel_loop3A_234 = %parallel_loop3A_119 to %parallel_loop3A_120 step %parallel_loop3A_121  : i32 {
      %parallel_loop3A_235 = arith.constant 16 : i32
      %parallel_loop3A_236 = arith.muli %parallel_loop3A_234, %parallel_loop3A_235 : i32
      %parallel_loop3A_237 = arith.constant 0 : i32
      %parallel_loop3A_238 = arith.addi %parallel_loop3A_237, %parallel_loop3A_236 : i32
      %parallel_loop3A_239 = arith.index_cast %parallel_loop3A_238 : i32 to index
      %parallel_loop3A_240 = tpu.vector_load %arg12[%parallel_loop3A_239] {strides = array<i32>} : memref<4096xf32, #tpu.memory_space<vmem>>, vector<16xf32>,
      %parallel_loop3A_241 = vector.shape_cast %parallel_loop3A_240 : vector<16xf32> to vector<16xf32>
      %parallel_loop3A_242 = arith.constant 16 : i32
      %parallel_loop3A_243 = arith.muli %parallel_loop3A_234, %parallel_loop3A_242 : i32
      %parallel_loop3A_244 = arith.constant 0 : i32
      %parallel_loop3A_245 = arith.addi %parallel_loop3A_244, %parallel_loop3A_243 : i32
      %parallel_loop3A_246 = arith.index_cast %parallel_loop3A_245 : i32 to index
      %parallel_loop3A_247 = tpu.vector_load %arg9[%parallel_loop3A_246] {strides = array<i32>} : memref<8192xf32, #tpu.memory_space<vmem>>, vector<16xf32>,
      %parallel_loop3A_248 = vector.shape_cast %parallel_loop3A_247 : vector<16xf32> to vector<16xf32>
      %parallel_loop3A_249 = arith.addf %parallel_loop3A_241, %parallel_loop3A_248 : vector<16xf32>
      %parallel_loop3A_250 = arith.index_cast %parallel_loop3A_238 : i32 to index
      %parallel_loop3A_251 = tpu.vector_load %arg12[%parallel_loop3A_250] {strides = array<i32>} : memref<4096xf32, #tpu.memory_space<vmem>>, vector<16xf32>,
      %parallel_loop3A_252 = vector.shape_cast %parallel_loop3A_251 : vector<16xf32> to vector<16xf32>
      %parallel_loop3A_253 = vector.shape_cast %parallel_loop3A_249 : vector<16xf32> to vector<16xf32>
      tpu.vector_store %arg12[%parallel_loop3A_250], %parallel_loop3A_253 {strides = array<i32>} : memref<4096xf32, #tpu.memory_space<vmem>>, vector<16xf32>,
      %parallel_loop3A_254 = arith.index_cast %parallel_loop3A_238 : i32 to index
      %parallel_loop3A_255 = tpu.vector_load %arg13[%parallel_loop3A_254] {strides = array<i32>} : memref<4096xf32, #tpu.memory_space<vmem>>, vector<16xf32>,
      %parallel_loop3A_256 = vector.shape_cast %parallel_loop3A_255 : vector<16xf32> to vector<16xf32>
      %parallel_loop3A_257 = arith.constant 16 : i32
      %parallel_loop3A_258 = arith.muli %parallel_loop3A_234, %parallel_loop3A_257 : i32
      %parallel_loop3A_259 = arith.constant 2048 : i32
      %parallel_loop3A_260 = arith.addi %parallel_loop3A_259, %parallel_loop3A_258 : i32
      %parallel_loop3A_261 = arith.index_cast %parallel_loop3A_260 : i32 to index
      %parallel_loop3A_262 = tpu.vector_load %arg9[%parallel_loop3A_261] {strides = array<i32>} : memref<8192xf32, #tpu.memory_space<vmem>>, vector<16xf32>,
      %parallel_loop3A_263 = vector.shape_cast %parallel_loop3A_262 : vector<16xf32> to vector<16xf32>
      %parallel_loop3A_264 = arith.addf %parallel_loop3A_256, %parallel_loop3A_263 : vector<16xf32>
      %parallel_loop3A_265 = arith.index_cast %parallel_loop3A_238 : i32 to index
      %parallel_loop3A_266 = tpu.vector_load %arg13[%parallel_loop3A_265] {strides = array<i32>} : memref<4096xf32, #tpu.memory_space<vmem>>, vector<16xf32>,
      %parallel_loop3A_267 = vector.shape_cast %parallel_loop3A_266 : vector<16xf32> to vector<16xf32>
      %parallel_loop3A_268 = vector.shape_cast %parallel_loop3A_264 : vector<16xf32> to vector<16xf32>
      tpu.vector_store %arg13[%parallel_loop3A_265], %parallel_loop3A_268 {strides = array<i32>} : memref<4096xf32, #tpu.memory_space<vmem>>, vector<16xf32>,
    } {sc.loop_unroll_factor = 4 : i64, sc.parallel_access}
    %parallel_loop3A_122 = arith.constant 0 : i32
    %parallel_loop3A_123 = arith.constant 128 : i32
    %parallel_loop3A_124 = arith.constant 1 : i32
    scf.for %parallel_loop3A_234 = %parallel_loop3A_122 to %parallel_loop3A_123 step %parallel_loop3A_124  : i32 {
      %parallel_loop3A_235 = arith.constant 16 : i32
      %parallel_loop3A_236 = arith.muli %parallel_loop3A_234, %parallel_loop3A_235 : i32
      %parallel_loop3A_237 = arith.constant 2048 : i32
      %parallel_loop3A_238 = arith.addi %parallel_loop3A_237, %parallel_loop3A_236 : i32
      %parallel_loop3A_239 = arith.index_cast %parallel_loop3A_238 : i32 to index
      %parallel_loop3A_240 = tpu.vector_load %arg12[%parallel_loop3A_239] {strides = array<i32>} : memref<4096xf32, #tpu.memory_space<vmem>>, vector<16xf32>,
      %parallel_loop3A_241 = vector.shape_cast %parallel_loop3A_240 : vector<16xf32> to vector<16xf32>
      %parallel_loop3A_242 = arith.constant 16 : i32
      %parallel_loop3A_243 = arith.muli %parallel_loop3A_234, %parallel_loop3A_242 : i32
      %parallel_loop3A_244 = arith.constant 4096 : i32
      %parallel_loop3A_245 = arith.addi %parallel_loop3A_244, %parallel_loop3A_243 : i32
      %parallel_loop3A_246 = arith.index_cast %parallel_loop3A_245 : i32 to index
      %parallel_loop3A_247 = tpu.vector_load %arg9[%parallel_loop3A_246] {strides = array<i32>} : memref<8192xf32, #tpu.memory_space<vmem>>, vector<16xf32>,
      %parallel_loop3A_248 = vector.shape_cast %parallel_loop3A_247 : vector<16xf32> to vector<16xf32>
      %parallel_loop3A_249 = arith.addf %parallel_loop3A_241, %parallel_loop3A_248 : vector<16xf32>
      %parallel_loop3A_250 = arith.index_cast %parallel_loop3A_238 : i32 to index
      %parallel_loop3A_251 = tpu.vector_load %arg12[%parallel_loop3A_250] {strides = array<i32>} : memref<4096xf32, #tpu.memory_space<vmem>>, vector<16xf32>,
      %parallel_loop3A_252 = vector.shape_cast %parallel_loop3A_251 : vector<16xf32> to vector<16xf32>
      %parallel_loop3A_253 = vector.shape_cast %parallel_loop3A_249 : vector<16xf32> to vector<16xf32>
      tpu.vector_store %arg12[%parallel_loop3A_250], %parallel_loop3A_253 {strides = array<i32>} : memref<4096xf32, #tpu.memory_space<vmem>>, vector<16xf32>,
      %parallel_loop3A_254 = arith.index_cast %parallel_loop3A_238 : i32 to index
      %parallel_loop3A_255 = tpu.vector_load %arg13[%parallel_loop3A_254] {strides = array<i32>} : memref<4096xf32, #tpu.memory_space<vmem>>, vector<16xf32>,
      %parallel_loop3A_256 = vector.shape_cast %parallel_loop3A_255 : vector<16xf32> to vector<16xf32>
      %parallel_loop3A_257 = arith.constant 16 : i32
      %parallel_loop3A_258 = arith.muli %parallel_loop3A_234, %parallel_loop3A_257 : i32
      %parallel_loop3A_259 = arith.constant 6144 : i32
      %parallel_loop3A_260 = arith.addi %parallel_loop3A_259, %parallel_loop3A_258 : i32
      %parallel_loop3A_261 = arith.index_cast %parallel_loop3A_260 : i32 to index
      %parallel_loop3A_262 = tpu.vector_load %arg9[%parallel_loop3A_261] {strides = array<i32>} : memref<8192xf32, #tpu.memory_space<vmem>>, vector<16xf32>,
      %parallel_loop3A_263 = vector.shape_cast %parallel_loop3A_262 : vector<16xf32> to vector<16xf32>
      %parallel_loop3A_264 = arith.addf %parallel_loop3A_256, %parallel_loop3A_263 : vector<16xf32>
      %parallel_loop3A_265 = arith.index_cast %parallel_loop3A_238 : i32 to index
      %parallel_loop3A_266 = tpu.vector_load %arg13[%parallel_loop3A_265] {strides = array<i32>} : memref<4096xf32, #tpu.memory_space<vmem>>, vector<16xf32>,
      %parallel_loop3A_267 = vector.shape_cast %parallel_loop3A_266 : vector<16xf32> to vector<16xf32>
      %parallel_loop3A_268 = vector.shape_cast %parallel_loop3A_264 : vector<16xf32> to vector<16xf32>
      tpu.vector_store %arg13[%parallel_loop3A_265], %parallel_loop3A_268 {strides = array<i32>} : memref<4096xf32, #tpu.memory_space<vmem>>, vector<16xf32>,
    } {sc.loop_unroll_factor = 4 : i64, sc.parallel_access}
    %run_scoped3A = arith.constant 0 : i32
    "tpu.region"() ({
      %run_scoped3A_234 = tpu.sem_alloc : memref<!tpu.dma_semaphore, #tpu.memory_space<semaphore_mem>>
      %dma_start3A_235 = tpu.memref_slice %arg5[%run_scoped3A, %add3A_22] : memref<2x262144xf32, #tpu.memory_space<hbm>> -> memref<1x4096xf32, #tpu.memory_space<hbm>>
      %dma_start3A_236 = tpu.memref_squeeze %dma_start3A_235 : memref<1x4096xf32, #tpu.memory_space<hbm>> -> memref<4096xf32, #tpu.memory_space<hbm>>
      %dma_start3A_237 = tpu.memref_slice %arg5[%run_scoped3A, %add3A_22] : memref<2x262144xf32, #tpu.memory_space<hbm>> -> memref<1x4096xf32, #tpu.memory_space<hbm>>
      %dma_start3A_238 = tpu.memref_squeeze %dma_start3A_237 : memref<1x4096xf32, #tpu.memory_space<hbm>> -> memref<4096xf32, #tpu.memory_space<hbm>>
      tpu.enqueue_dma source(%arg12 : memref<4096xf32, #tpu.memory_space<vmem>>) target(%dma_start3A_238 : memref<4096xf32, #tpu.memory_space<hbm>>) target_semaphore(%run_scoped3A_234 : memref<!tpu.dma_semaphore, #tpu.memory_space<semaphore_mem>>)
      %dma_wait3A_239 = tpu.memref_slice %arg5[%run_scoped3A, %add3A_22] : memref<2x262144xf32, #tpu.memory_space<hbm>> -> memref<1x4096xf32, #tpu.memory_space<hbm>>
      %dma_wait3A_240 = tpu.memref_squeeze %dma_wait3A_239 : memref<1x4096xf32, #tpu.memory_space<hbm>> -> memref<4096xf32, #tpu.memory_space<hbm>>
      %dma_wait3A_241 = tpu.memref_slice %arg5[%run_scoped3A, %add3A_22] : memref<2x262144xf32, #tpu.memory_space<hbm>> -> memref<1x4096xf32, #tpu.memory_space<hbm>>
      %dma_wait3A_242 = tpu.memref_squeeze %dma_wait3A_241 : memref<1x4096xf32, #tpu.memory_space<hbm>> -> memref<4096xf32, #tpu.memory_space<hbm>>
      tpu.wait_dma2 semaphore(%run_scoped3A_234 : memref<!tpu.dma_semaphore, #tpu.memory_space<semaphore_mem>>) src(%arg12 : memref<4096xf32, #tpu.memory_space<vmem>>) dst(%dma_wait3A_242 : memref<4096xf32, #tpu.memory_space<hbm>>)
      tpu.yield
    }) : () -> ()
    %run_scoped3A_125 = arith.constant 1 : i32
    "tpu.region"() ({
      %run_scoped3A_234 = tpu.sem_alloc : memref<!tpu.dma_semaphore, #tpu.memory_space<semaphore_mem>>
      %dma_start3A_235 = tpu.memref_slice %arg5[%run_scoped3A_125, %add3A_22] : memref<2x262144xf32, #tpu.memory_space<hbm>> -> memref<1x4096xf32, #tpu.memory_space<hbm>>
      %dma_start3A_236 = tpu.memref_squeeze %dma_start3A_235 : memref<1x4096xf32, #tpu.memory_space<hbm>> -> memref<4096xf32, #tpu.memory_space<hbm>>
      %dma_start3A_237 = tpu.memref_slice %arg5[%run_scoped3A_125, %add3A_22] : memref<2x262144xf32, #tpu.memory_space<hbm>> -> memref<1x4096xf32, #tpu.memory_space<hbm>>
      %dma_start3A_238 = tpu.memref_squeeze %dma_start3A_237 : memref<1x4096xf32, #tpu.memory_space<hbm>> -> memref<4096xf32, #tpu.memory_space<hbm>>
      tpu.enqueue_dma source(%arg13 : memref<4096xf32, #tpu.memory_space<vmem>>) target(%dma_start3A_238 : memref<4096xf32, #tpu.memory_space<hbm>>) target_semaphore(%run_scoped3A_234 : memref<!tpu.dma_semaphore, #tpu.memory_space<semaphore_mem>>)
      %dma_wait3A_239 = tpu.memref_slice %arg5[%run_scoped3A_125, %add3A_22] : memref<2x262144xf32, #tpu.memory_space<hbm>> -> memref<1x4096xf32, #tpu.memory_space<hbm>>
      %dma_wait3A_240 = tpu.memref_squeeze %dma_wait3A_239 : memref<1x4096xf32, #tpu.memory_space<hbm>> -> memref<4096xf32, #tpu.memory_space<hbm>>
      %dma_wait3A_241 = tpu.memref_slice %arg5[%run_scoped3A_125, %add3A_22] : memref<2x262144xf32, #tpu.memory_space<hbm>> -> memref<1x4096xf32, #tpu.memory_space<hbm>>
      %dma_wait3A_242 = tpu.memref_squeeze %dma_wait3A_241 : memref<1x4096xf32, #tpu.memory_space<hbm>> -> memref<4096xf32, #tpu.memory_space<hbm>>
      tpu.wait_dma2 semaphore(%run_scoped3A_234 : memref<!tpu.dma_semaphore, #tpu.memory_space<semaphore_mem>>) src(%arg13 : memref<4096xf32, #tpu.memory_space<vmem>>) dst(%dma_wait3A_242 : memref<4096xf32, #tpu.memory_space<hbm>>)
      tpu.yield
    }) : () -> ()
    %add3A_126 = arith.constant 4096 : i32
    %add3A_127 = arith.addi %mul3A_2, %add3A_126 : i32
    %dma_start3A_128 = arith.constant 0 : i32
    %dma_start3A_129 = tpu.memref_slice %arg9[%dma_start3A_128] : memref<8192xf32, #tpu.memory_space<vmem>> -> memref<2048xf32, #tpu.memory_space<vmem>>
    %dma_start3A_130 = tpu.memref_slice %arg14[%add3A_127] : memref<524288xf32, #tpu.memory_space<vmem_shared>> -> memref<2048xf32, #tpu.memory_space<vmem_shared>>
    %dma_start3A_131 = arith.constant 0 : i32
    %dma_start3A_132 = tpu.memref_slice %arg9[%dma_start3A_131] : memref<8192xf32, #tpu.memory_space<vmem>> -> memref<2048xf32, #tpu.memory_space<vmem>>
    %dma_start3A_133 = tpu.memref_slice %arg14[%add3A_127] : memref<524288xf32, #tpu.memory_space<vmem_shared>> -> memref<2048xf32, #tpu.memory_space<vmem_shared>>
    tpu.enqueue_dma source(%dma_start3A_133 : memref<2048xf32, #tpu.memory_space<vmem_shared>>) target(%dma_start3A_132 : memref<2048xf32, #tpu.memory_space<vmem>>) target_semaphore(%arg15 : memref<!tpu.dma_semaphore, #tpu.memory_space<semaphore_mem>>)
    %add3A_134 = arith.constant 262144 : i32
    %add3A_135 = arith.addi %add3A_134, %add3A_127 : i32
    %dma_start3A_136 = arith.constant 2048 : i32
    %dma_start3A_137 = tpu.memref_slice %arg9[%dma_start3A_136] : memref<8192xf32, #tpu.memory_space<vmem>> -> memref<2048xf32, #tpu.memory_space<vmem>>
    %dma_start3A_138 = tpu.memref_slice %arg14[%add3A_135] : memref<524288xf32, #tpu.memory_space<vmem_shared>> -> memref<2048xf32, #tpu.memory_space<vmem_shared>>
    %dma_start3A_139 = arith.constant 2048 : i32
    %dma_start3A_140 = tpu.memref_slice %arg9[%dma_start3A_139] : memref<8192xf32, #tpu.memory_space<vmem>> -> memref<2048xf32, #tpu.memory_space<vmem>>
    %dma_start3A_141 = tpu.memref_slice %arg14[%add3A_135] : memref<524288xf32, #tpu.memory_space<vmem_shared>> -> memref<2048xf32, #tpu.memory_space<vmem_shared>>
    tpu.enqueue_dma source(%dma_start3A_141 : memref<2048xf32, #tpu.memory_space<vmem_shared>>) target(%dma_start3A_140 : memref<2048xf32, #tpu.memory_space<vmem>>) target_semaphore(%arg15 : memref<!tpu.dma_semaphore, #tpu.memory_space<semaphore_mem>>)
    %add3A_142 = arith.constant 2048 : i32
    %add3A_143 = arith.addi %add3A_127, %add3A_142 : i32
    %dma_start3A_144 = arith.constant 4096 : i32
    %dma_start3A_145 = tpu.memref_slice %arg9[%dma_start3A_144] : memref<8192xf32, #tpu.memory_space<vmem>> -> memref<2048xf32, #tpu.memory_space<vmem>>
    %dma_start3A_146 = tpu.memref_slice %arg14[%add3A_143] : memref<524288xf32, #tpu.memory_space<vmem_shared>> -> memref<2048xf32, #tpu.memory_space<vmem_shared>>
    %dma_start3A_147 = arith.constant 4096 : i32
    %dma_start3A_148 = tpu.memref_slice %arg9[%dma_start3A_147] : memref<8192xf32, #tpu.memory_space<vmem>> -> memref<2048xf32, #tpu.memory_space<vmem>>
    %dma_start3A_149 = tpu.memref_slice %arg14[%add3A_143] : memref<524288xf32, #tpu.memory_space<vmem_shared>> -> memref<2048xf32, #tpu.memory_space<vmem_shared>>
    tpu.enqueue_dma source(%dma_start3A_149 : memref<2048xf32, #tpu.memory_space<vmem_shared>>) target(%dma_start3A_148 : memref<2048xf32, #tpu.memory_space<vmem>>) target_semaphore(%arg16 : memref<!tpu.dma_semaphore, #tpu.memory_space<semaphore_mem>>)
    %add3A_150 = arith.constant 262144 : i32
    %add3A_151 = arith.addi %add3A_150, %add3A_127 : i32
    %add3A_152 = arith.constant 2048 : i32
    %add3A_153 = arith.addi %add3A_151, %add3A_152 : i32
    %dma_start3A_154 = arith.constant 6144 : i32
    %dma_start3A_155 = tpu.memref_slice %arg9[%dma_start3A_154] : memref<8192xf32, #tpu.memory_space<vmem>> -> memref<2048xf32, #tpu.memory_space<vmem>>
    %dma_start3A_156 = tpu.memref_slice %arg14[%add3A_153] : memref<524288xf32, #tpu.memory_space<vmem_shared>> -> memref<2048xf32, #tpu.memory_space<vmem_shared>>
    %dma_start3A_157 = arith.constant 6144 : i32
    %dma_start3A_158 = tpu.memref_slice %arg9[%dma_start3A_157] : memref<8192xf32, #tpu.memory_space<vmem>> -> memref<2048xf32, #tpu.memory_space<vmem>>
    %dma_start3A_159 = tpu.memref_slice %arg14[%add3A_153] : memref<524288xf32, #tpu.memory_space<vmem_shared>> -> memref<2048xf32, #tpu.memory_space<vmem_shared>>
    tpu.enqueue_dma source(%dma_start3A_159 : memref<2048xf32, #tpu.memory_space<vmem_shared>>) target(%dma_start3A_158 : memref<2048xf32, #tpu.memory_space<vmem>>) target_semaphore(%arg16 : memref<!tpu.dma_semaphore, #tpu.memory_space<semaphore_mem>>)
    %dma_wait3A_160 = arith.constant 0 : i32
    %dma_wait3A_161 = tpu.memref_slice %arg9[%dma_wait3A_160] : memref<8192xf32, #tpu.memory_space<vmem>> -> memref<4096xf32, #tpu.memory_space<vmem>>
    %dma_wait3A_162 = arith.constant 0 : i32
    %dma_wait3A_163 = tpu.memref_slice %arg2[%dma_wait3A_162] : memref<262144xf32, #tpu.memory_space<hbm>> -> memref<4096xf32, #tpu.memory_space<hbm>>
    %dma_wait3A_164 = arith.constant 0 : i32
    %dma_wait3A_165 = tpu.memref_slice %arg9[%dma_wait3A_164] : memref<8192xf32, #tpu.memory_space<vmem>> -> memref<4096xf32, #tpu.memory_space<vmem>>
    %dma_wait3A_166 = arith.constant 0 : i32
    %dma_wait3A_167 = tpu.memref_slice %arg2[%dma_wait3A_166] : memref<262144xf32, #tpu.memory_space<hbm>> -> memref<4096xf32, #tpu.memory_space<hbm>>
    tpu.wait_dma2 semaphore(%arg15 : memref<!tpu.dma_semaphore, #tpu.memory_space<semaphore_mem>>) src(%dma_wait3A_167 : memref<4096xf32, #tpu.memory_space<hbm>>) dst(%dma_wait3A_165 : memref<4096xf32, #tpu.memory_space<vmem>>)
    %parallel_loop3A_168 = arith.constant 0 : i32
    %parallel_loop3A_169 = arith.constant 128 : i32
    %parallel_loop3A_170 = arith.constant 1 : i32
    scf.for %parallel_loop3A_234 = %parallel_loop3A_168 to %parallel_loop3A_169 step %parallel_loop3A_170  : i32 {
      %parallel_loop3A_235 = arith.constant 16 : i32
      %parallel_loop3A_236 = arith.muli %parallel_loop3A_234, %parallel_loop3A_235 : i32
      %parallel_loop3A_237 = arith.constant 0 : i32
      %parallel_loop3A_238 = arith.addi %parallel_loop3A_237, %parallel_loop3A_236 : i32
      %parallel_loop3A_239 = arith.constant 0 : i32
      %parallel_loop3A_240 = arith.addi %add3A_127, %parallel_loop3A_239 : i32
      %parallel_loop3A_241 = arith.constant 16 : i32
      %parallel_loop3A_242 = arith.muli %parallel_loop3A_234, %parallel_loop3A_241 : i32
      %parallel_loop3A_243 = arith.addi %parallel_loop3A_240, %parallel_loop3A_242 : i32
      %parallel_loop3A_244 = vector.broadcast %parallel_loop3A_243 : i32 to vector<16xi32>
      %parallel_loop3A_245 = arith.addi %parallel_loop3A_244, %iota3A : vector<16xi32>
      %parallel_loop3A_246 = arith.constant 511 : i32
      %parallel_loop3A_247 = vector.broadcast %parallel_loop3A_246 : i32 to vector<16xi32>
      %parallel_loop3A_248 = arith.andi %parallel_loop3A_245, %parallel_loop3A_247 : vector<16xi32>
      %parallel_loop3A_249 = arith.sitofp %parallel_loop3A_248 : vector<16xi32> to vector<16xf32>
      %parallel_loop3A_250 = arith.constant 9 : i32
      %parallel_loop3A_251 = vector.broadcast %parallel_loop3A_250 : i32 to vector<16xi32>
      %parallel_loop3A_252 = arith.shrsi %parallel_loop3A_245, %parallel_loop3A_251 : vector<16xi32>
      %parallel_loop3A_253 = arith.sitofp %parallel_loop3A_252 : vector<16xi32> to vector<16xf32>
      %parallel_loop3A_254 = arith.constant 16 : i32
      %parallel_loop3A_255 = arith.muli %parallel_loop3A_234, %parallel_loop3A_254 : i32
      %parallel_loop3A_256 = arith.constant 0 : i32
      %parallel_loop3A_257 = arith.addi %parallel_loop3A_256, %parallel_loop3A_255 : i32
      %parallel_loop3A_258 = arith.index_cast %parallel_loop3A_257 : i32 to index
      %parallel_loop3A_259 = tpu.vector_load %arg9[%parallel_loop3A_258] {strides = array<i32>} : memref<8192xf32, #tpu.memory_space<vmem>>, vector<16xf32>,
      %parallel_loop3A_260 = vector.shape_cast %parallel_loop3A_259 : vector<16xf32> to vector<16xf32>
      %parallel_loop3A_261 = arith.constant 16 : i32
      %parallel_loop3A_262 = arith.muli %parallel_loop3A_234, %parallel_loop3A_261 : i32
      %parallel_loop3A_263 = arith.constant 2048 : i32
      %parallel_loop3A_264 = arith.addi %parallel_loop3A_263, %parallel_loop3A_262 : i32
      %parallel_loop3A_265 = arith.index_cast %parallel_loop3A_264 : i32 to index
      %parallel_loop3A_266 = tpu.vector_load %arg9[%parallel_loop3A_265] {strides = array<i32>} : memref<8192xf32, #tpu.memory_space<vmem>>, vector<16xf32>,
      %parallel_loop3A_267 = vector.shape_cast %parallel_loop3A_266 : vector<16xf32> to vector<16xf32>
      %parallel_loop3A_268 = arith.constant 0.000000e+00 : f32
      %parallel_loop3A_269 = vector.broadcast %parallel_loop3A_268 : f32 to vector<16xf32>
      %parallel_loop3A_270 = arith.index_cast %parallel_loop3A_238 : i32 to index
      %parallel_loop3A_271 = tpu.vector_load %arg12[%parallel_loop3A_270] {strides = array<i32>} : memref<4096xf32, #tpu.memory_space<vmem>>, vector<16xf32>,
      %parallel_loop3A_272 = vector.shape_cast %parallel_loop3A_271 : vector<16xf32> to vector<16xf32>
      %parallel_loop3A_273 = vector.shape_cast %parallel_loop3A_269 : vector<16xf32> to vector<16xf32>
      tpu.vector_store %arg12[%parallel_loop3A_270], %parallel_loop3A_273 {strides = array<i32>} : memref<4096xf32, #tpu.memory_space<vmem>>, vector<16xf32>,
      %parallel_loop3A_274 = arith.constant 0.000000e+00 : f32
      %parallel_loop3A_275 = vector.broadcast %parallel_loop3A_274 : f32 to vector<16xf32>
      %parallel_loop3A_276 = arith.index_cast %parallel_loop3A_238 : i32 to index
      %parallel_loop3A_277 = tpu.vector_load %arg13[%parallel_loop3A_276] {strides = array<i32>} : memref<4096xf32, #tpu.memory_space<vmem>>, vector<16xf32>,
      %parallel_loop3A_278 = vector.shape_cast %parallel_loop3A_277 : vector<16xf32> to vector<16xf32>
      %parallel_loop3A_279 = vector.shape_cast %parallel_loop3A_275 : vector<16xf32> to vector<16xf32>
      tpu.vector_store %arg13[%parallel_loop3A_276], %parallel_loop3A_279 {strides = array<i32>} : memref<4096xf32, #tpu.memory_space<vmem>>, vector<16xf32>,
      %parallel_loop3A_280 = arith.addf %parallel_loop3A_249, %parallel_loop3A_260 : vector<16xf32>
      %parallel_loop3A_281 = arith.addf %parallel_loop3A_253, %parallel_loop3A_267 : vector<16xf32>
      %parallel_loop3A_282 = arith.constant 5.110000e+02 : f32
      %parallel_loop3A_283 = vector.broadcast %parallel_loop3A_282 : f32 to vector<16xf32>
      %parallel_loop3A_284 = arith.cmpf ogt, %parallel_loop3A_280, %parallel_loop3A_283 : vector<16xf32>
      %parallel_loop3A_285 = arith.constant 0.000000e+00 : f32
      %parallel_loop3A_286 = vector.broadcast %parallel_loop3A_285 : f32 to vector<16xf32>
      %parallel_loop3A_287 = arith.cmpf olt, %parallel_loop3A_280, %parallel_loop3A_286 : vector<16xf32>
      %parallel_loop3A_288 = arith.ori %parallel_loop3A_284, %parallel_loop3A_287 : vector<16xi1>
      %parallel_loop3A_289 = arith.constant 5.110000e+02 : f32
      %parallel_loop3A_290 = vector.broadcast %parallel_loop3A_289 : f32 to vector<16xf32>
      %parallel_loop3A_291 = arith.cmpf ogt, %parallel_loop3A_281, %parallel_loop3A_290 : vector<16xf32>
      %parallel_loop3A_292 = arith.ori %parallel_loop3A_288, %parallel_loop3A_291 : vector<16xi1>
      %parallel_loop3A_293 = arith.constant 0.000000e+00 : f32
      %parallel_loop3A_294 = vector.broadcast %parallel_loop3A_293 : f32 to vector<16xf32>
      %parallel_loop3A_295 = arith.cmpf olt, %parallel_loop3A_281, %parallel_loop3A_294 : vector<16xf32>
      %parallel_loop3A_296 = arith.ori %parallel_loop3A_292, %parallel_loop3A_295 : vector<16xi1>
      %parallel_loop3A_297 = arith.select %parallel_loop3A_296, %parallel_loop3A_249, %parallel_loop3A_280 : vector<16xi1>, vector<16xf32>
      %parallel_loop3A_298 = arith.select %parallel_loop3A_296, %parallel_loop3A_253, %parallel_loop3A_281 : vector<16xi1>, vector<16xf32>
      %parallel_loop3A_299 = arith.constant -1.000000e+00 : f32
      %parallel_loop3A_300 = vector.broadcast %parallel_loop3A_299 : f32 to vector<16xf32>
      %parallel_loop3A_301 = arith.subf %parallel_loop3A_300, %parallel_loop3A_249 : vector<16xf32>
      %parallel_loop3A_302 = arith.select %parallel_loop3A_296, %parallel_loop3A_301, %parallel_loop3A_280 : vector<16xi1>, vector<16xf32>
      %parallel_loop3A_303 = arith.index_cast %parallel_loop3A_238 : i32 to index
      %parallel_loop3A_304 = tpu.vector_load %arg10[%parallel_loop3A_303] {strides = array<i32>} : memref<4096xf32, #tpu.memory_space<vmem>>, vector<16xf32>,
      %parallel_loop3A_305 = vector.shape_cast %parallel_loop3A_304 : vector<16xf32> to vector<16xf32>
      %parallel_loop3A_306 = vector.shape_cast %parallel_loop3A_302 : vector<16xf32> to vector<16xf32>
      tpu.vector_store %arg10[%parallel_loop3A_303], %parallel_loop3A_306 {strides = array<i32>} : memref<4096xf32, #tpu.memory_space<vmem>>, vector<16xf32>,
      %parallel_loop3A_307 = arith.index_cast %parallel_loop3A_238 : i32 to index
      %parallel_loop3A_308 = tpu.vector_load %arg11[%parallel_loop3A_307] {strides = array<i32>} : memref<4096xf32, #tpu.memory_space<vmem>>, vector<16xf32>,
      %parallel_loop3A_309 = vector.shape_cast %parallel_loop3A_308 : vector<16xf32> to vector<16xf32>
      %parallel_loop3A_310 = vector.shape_cast %parallel_loop3A_298 : vector<16xf32> to vector<16xf32>
      tpu.vector_store %arg11[%parallel_loop3A_307], %parallel_loop3A_310 {strides = array<i32>} : memref<4096xf32, #tpu.memory_space<vmem>>, vector<16xf32>,
      %parallel_loop3A_311 = arith.constant 0x4B000000 : f32
      %parallel_loop3A_312 = vector.broadcast %parallel_loop3A_311 : f32 to vector<16xf32>
      %parallel_loop3A_313 = arith.addf %parallel_loop3A_297, %parallel_loop3A_312 : vector<16xf32>
      %parallel_loop3A_314 = arith.constant 0x4B000000 : f32
      %parallel_loop3A_315 = vector.broadcast %parallel_loop3A_314 : f32 to vector<16xf32>
      %parallel_loop3A_316 = arith.subf %parallel_loop3A_313, %parallel_loop3A_315 : vector<16xf32>
      %parallel_loop3A_317 = arith.fptosi %parallel_loop3A_316 : vector<16xf32> to vector<16xi32>
      %parallel_loop3A_318 = arith.constant 0x4B000000 : f32
      %parallel_loop3A_319 = vector.broadcast %parallel_loop3A_318 : f32 to vector<16xf32>
      %parallel_loop3A_320 = arith.addf %parallel_loop3A_298, %parallel_loop3A_319 : vector<16xf32>
      %parallel_loop3A_321 = arith.constant 0x4B000000 : f32
      %parallel_loop3A_322 = vector.broadcast %parallel_loop3A_321 : f32 to vector<16xf32>
      %parallel_loop3A_323 = arith.subf %parallel_loop3A_320, %parallel_loop3A_322 : vector<16xf32>
      %parallel_loop3A_324 = arith.fptosi %parallel_loop3A_323 : vector<16xf32> to vector<16xi32>
      %parallel_loop3A_325 = arith.constant 9 : i32
      %parallel_loop3A_326 = vector.broadcast %parallel_loop3A_325 : i32 to vector<16xi32>
      %parallel_loop3A_327 = arith.shli %parallel_loop3A_324, %parallel_loop3A_326 : vector<16xi32>
      %parallel_loop3A_328 = arith.ori %parallel_loop3A_327, %parallel_loop3A_317 : vector<16xi32>
      %parallel_loop3A_329 = arith.constant 16 : i32
      %parallel_loop3A_330 = arith.muli %parallel_loop3A_234, %parallel_loop3A_329 : i32
      %parallel_loop3A_331 = arith.constant 0 : i32
      %parallel_loop3A_332 = arith.index_cast %parallel_loop3A_331 : i32 to index
      %parallel_loop3A_333 = arith.index_cast %parallel_loop3A_330 : i32 to index
      %parallel_loop3A_334 = tpu.vector_load %arg7[%parallel_loop3A_332, %parallel_loop3A_333] {strides = array<i32>} : memref<1x4096xi32, #tpu.memory_space<vmem>>, vector<1x16xi32>,
      %parallel_loop3A_335 = vector.shape_cast %parallel_loop3A_334 : vector<1x16xi32> to vector<16xi32>
      %parallel_loop3A_336 = vector.shape_cast %parallel_loop3A_328 : vector<16xi32> to vector<1x16xi32>
      tpu.vector_store %arg7[%parallel_loop3A_332, %parallel_loop3A_333], %parallel_loop3A_336 {strides = array<i32>} : memref<1x4096xi32, #tpu.memory_space<vmem>>, vector<1x16xi32>,
      %parallel_loop3A_337 = arith.constant 262144 : i32
      %parallel_loop3A_338 = vector.broadcast %parallel_loop3A_337 : i32 to vector<16xi32>
      %parallel_loop3A_339 = arith.addi %parallel_loop3A_328, %parallel_loop3A_338 : vector<16xi32>
      %parallel_loop3A_340 = arith.constant 16 : i32
      %parallel_loop3A_341 = arith.muli %parallel_loop3A_234, %parallel_loop3A_340 : i32
      %parallel_loop3A_342 = arith.constant 2048 : i32
      %parallel_loop3A_343 = arith.addi %parallel_loop3A_342, %parallel_loop3A_341 : i32
      %parallel_loop3A_344 = arith.constant 0 : i32
      %parallel_loop3A_345 = arith.index_cast %parallel_loop3A_344 : i32 to index
      %parallel_loop3A_346 = arith.index_cast %parallel_loop3A_343 : i32 to index
      %parallel_loop3A_347 = tpu.vector_load %arg7[%parallel_loop3A_345, %parallel_loop3A_346] {strides = array<i32>} : memref<1x4096xi32, #tpu.memory_space<vmem>>, vector<1x16xi32>,
      %parallel_loop3A_348 = vector.shape_cast %parallel_loop3A_347 : vector<1x16xi32> to vector<16xi32>
      %parallel_loop3A_349 = vector.shape_cast %parallel_loop3A_339 : vector<16xi32> to vector<1x16xi32>
      tpu.vector_store %arg7[%parallel_loop3A_345, %parallel_loop3A_346], %parallel_loop3A_349 {strides = array<i32>} : memref<1x4096xi32, #tpu.memory_space<vmem>>, vector<1x16xi32>,
    } {sc.loop_unroll_factor = 4 : i64, sc.parallel_access}
    %dma_start3A_171 = arith.constant 0 : i32
    %dma_start3A_172 = arith.constant 0 : i32
    %dma_start3A_173 = tpu.memref_slice %arg9[%dma_start3A_172] : memref<8192xf32, #tpu.memory_space<vmem>> -> memref<4096xf32, #tpu.memory_space<vmem>>
    %dma_start3A_174 = arith.constant 0 : i32
    %dma_start3A_175 = tpu.memref_slice %arg7[%dma_start3A_171, %dma_start3A_174] : memref<1x4096xi32, #tpu.memory_space<vmem>> -> memref<1x4096xi32, #tpu.memory_space<vmem>>
    %dma_start3A_176 = tpu.memref_squeeze %dma_start3A_175 : memref<1x4096xi32, #tpu.memory_space<vmem>> -> memref<4096xi32, #tpu.memory_space<vmem>>
    %dma_start3A_177 = arith.constant 0 : i32
    %dma_start3A_178 = tpu.memref_slice %arg14[%dma_start3A_177] : memref<524288xf32, #tpu.memory_space<vmem_shared>> -> memref<524288xf32, #tpu.memory_space<vmem_shared>>
    tpu.enqueue_indirect_dma source(%dma_start3A_178 : memref<524288xf32, #tpu.memory_space<vmem_shared>>) target(%dma_start3A_173 : memref<4096xf32, #tpu.memory_space<vmem>>) offsets(%dma_start3A_176 : memref<4096xi32, #tpu.memory_space<vmem>>) semaphore(%arg15 : memref<!tpu.dma_semaphore, #tpu.memory_space<semaphore_mem>>)
    %dma_wait3A_179 = arith.constant 4096 : i32
    %dma_wait3A_180 = tpu.memref_slice %arg9[%dma_wait3A_179] : memref<8192xf32, #tpu.memory_space<vmem>> -> memref<4096xf32, #tpu.memory_space<vmem>>
    %dma_wait3A_181 = arith.constant 0 : i32
    %dma_wait3A_182 = tpu.memref_slice %arg2[%dma_wait3A_181] : memref<262144xf32, #tpu.memory_space<hbm>> -> memref<4096xf32, #tpu.memory_space<hbm>>
    %dma_wait3A_183 = arith.constant 4096 : i32
    %dma_wait3A_184 = tpu.memref_slice %arg9[%dma_wait3A_183] : memref<8192xf32, #tpu.memory_space<vmem>> -> memref<4096xf32, #tpu.memory_space<vmem>>
    %dma_wait3A_185 = arith.constant 0 : i32
    %dma_wait3A_186 = tpu.memref_slice %arg2[%dma_wait3A_185] : memref<262144xf32, #tpu.memory_space<hbm>> -> memref<4096xf32, #tpu.memory_space<hbm>>
    tpu.wait_dma2 semaphore(%arg16 : memref<!tpu.dma_semaphore, #tpu.memory_space<semaphore_mem>>) src(%dma_wait3A_186 : memref<4096xf32, #tpu.memory_space<hbm>>) dst(%dma_wait3A_184 : memref<4096xf32, #tpu.memory_space<vmem>>)
    %parallel_loop3A_187 = arith.constant 0 : i32
    %parallel_loop3A_188 = arith.constant 128 : i32
    %parallel_loop3A_189 = arith.constant 1 : i32
    scf.for %parallel_loop3A_234 = %parallel_loop3A_187 to %parallel_loop3A_188 step %parallel_loop3A_189  : i32 {
      %parallel_loop3A_235 = arith.constant 16 : i32
      %parallel_loop3A_236 = arith.muli %parallel_loop3A_234, %parallel_loop3A_235 : i32
      %parallel_loop3A_237 = arith.constant 2048 : i32
      %parallel_loop3A_238 = arith.addi %parallel_loop3A_237, %parallel_loop3A_236 : i32
      %parallel_loop3A_239 = arith.constant 2048 : i32
      %parallel_loop3A_240 = arith.addi %add3A_127, %parallel_loop3A_239 : i32
      %parallel_loop3A_241 = arith.constant 16 : i32
      %parallel_loop3A_242 = arith.muli %parallel_loop3A_234, %parallel_loop3A_241 : i32
      %parallel_loop3A_243 = arith.addi %parallel_loop3A_240, %parallel_loop3A_242 : i32
      %parallel_loop3A_244 = vector.broadcast %parallel_loop3A_243 : i32 to vector<16xi32>
      %parallel_loop3A_245 = arith.addi %parallel_loop3A_244, %iota3A : vector<16xi32>
      %parallel_loop3A_246 = arith.constant 511 : i32
      %parallel_loop3A_247 = vector.broadcast %parallel_loop3A_246 : i32 to vector<16xi32>
      %parallel_loop3A_248 = arith.andi %parallel_loop3A_245, %parallel_loop3A_247 : vector<16xi32>
      %parallel_loop3A_249 = arith.sitofp %parallel_loop3A_248 : vector<16xi32> to vector<16xf32>
      %parallel_loop3A_250 = arith.constant 9 : i32
      %parallel_loop3A_251 = vector.broadcast %parallel_loop3A_250 : i32 to vector<16xi32>
      %parallel_loop3A_252 = arith.shrsi %parallel_loop3A_245, %parallel_loop3A_251 : vector<16xi32>
      %parallel_loop3A_253 = arith.sitofp %parallel_loop3A_252 : vector<16xi32> to vector<16xf32>
      %parallel_loop3A_254 = arith.constant 16 : i32
      %parallel_loop3A_255 = arith.muli %parallel_loop3A_234, %parallel_loop3A_254 : i32
      %parallel_loop3A_256 = arith.constant 4096 : i32
      %parallel_loop3A_257 = arith.addi %parallel_loop3A_256, %parallel_loop3A_255 : i32
      %parallel_loop3A_258 = arith.index_cast %parallel_loop3A_257 : i32 to index
      %parallel_loop3A_259 = tpu.vector_load %arg9[%parallel_loop3A_258] {strides = array<i32>} : memref<8192xf32, #tpu.memory_space<vmem>>, vector<16xf32>,
      %parallel_loop3A_260 = vector.shape_cast %parallel_loop3A_259 : vector<16xf32> to vector<16xf32>
      %parallel_loop3A_261 = arith.constant 16 : i32
      %parallel_loop3A_262 = arith.muli %parallel_loop3A_234, %parallel_loop3A_261 : i32
      %parallel_loop3A_263 = arith.constant 6144 : i32
      %parallel_loop3A_264 = arith.addi %parallel_loop3A_263, %parallel_loop3A_262 : i32
      %parallel_loop3A_265 = arith.index_cast %parallel_loop3A_264 : i32 to index
      %parallel_loop3A_266 = tpu.vector_load %arg9[%parallel_loop3A_265] {strides = array<i32>} : memref<8192xf32, #tpu.memory_space<vmem>>, vector<16xf32>,
      %parallel_loop3A_267 = vector.shape_cast %parallel_loop3A_266 : vector<16xf32> to vector<16xf32>
      %parallel_loop3A_268 = arith.constant 0.000000e+00 : f32
      %parallel_loop3A_269 = vector.broadcast %parallel_loop3A_268 : f32 to vector<16xf32>
      %parallel_loop3A_270 = arith.index_cast %parallel_loop3A_238 : i32 to index
      %parallel_loop3A_271 = tpu.vector_load %arg12[%parallel_loop3A_270] {strides = array<i32>} : memref<4096xf32, #tpu.memory_space<vmem>>, vector<16xf32>,
      %parallel_loop3A_272 = vector.shape_cast %parallel_loop3A_271 : vector<16xf32> to vector<16xf32>
      %parallel_loop3A_273 = vector.shape_cast %parallel_loop3A_269 : vector<16xf32> to vector<16xf32>
      tpu.vector_store %arg12[%parallel_loop3A_270], %parallel_loop3A_273 {strides = array<i32>} : memref<4096xf32, #tpu.memory_space<vmem>>, vector<16xf32>,
      %parallel_loop3A_274 = arith.constant 0.000000e+00 : f32
      %parallel_loop3A_275 = vector.broadcast %parallel_loop3A_274 : f32 to vector<16xf32>
      %parallel_loop3A_276 = arith.index_cast %parallel_loop3A_238 : i32 to index
      %parallel_loop3A_277 = tpu.vector_load %arg13[%parallel_loop3A_276] {strides = array<i32>} : memref<4096xf32, #tpu.memory_space<vmem>>, vector<16xf32>,
      %parallel_loop3A_278 = vector.shape_cast %parallel_loop3A_277 : vector<16xf32> to vector<16xf32>
      %parallel_loop3A_279 = vector.shape_cast %parallel_loop3A_275 : vector<16xf32> to vector<16xf32>
      tpu.vector_store %arg13[%parallel_loop3A_276], %parallel_loop3A_279 {strides = array<i32>} : memref<4096xf32, #tpu.memory_space<vmem>>, vector<16xf32>,
      %parallel_loop3A_280 = arith.addf %parallel_loop3A_249, %parallel_loop3A_260 : vector<16xf32>
      %parallel_loop3A_281 = arith.addf %parallel_loop3A_253, %parallel_loop3A_267 : vector<16xf32>
      %parallel_loop3A_282 = arith.constant 5.110000e+02 : f32
      %parallel_loop3A_283 = vector.broadcast %parallel_loop3A_282 : f32 to vector<16xf32>
      %parallel_loop3A_284 = arith.cmpf ogt, %parallel_loop3A_280, %parallel_loop3A_283 : vector<16xf32>
      %parallel_loop3A_285 = arith.constant 0.000000e+00 : f32
      %parallel_loop3A_286 = vector.broadcast %parallel_loop3A_285 : f32 to vector<16xf32>
      %parallel_loop3A_287 = arith.cmpf olt, %parallel_loop3A_280, %parallel_loop3A_286 : vector<16xf32>
      %parallel_loop3A_288 = arith.ori %parallel_loop3A_284, %parallel_loop3A_287 : vector<16xi1>
      %parallel_loop3A_289 = arith.constant 5.110000e+02 : f32
      %parallel_loop3A_290 = vector.broadcast %parallel_loop3A_289 : f32 to vector<16xf32>
      %parallel_loop3A_291 = arith.cmpf ogt, %parallel_loop3A_281, %parallel_loop3A_290 : vector<16xf32>
      %parallel_loop3A_292 = arith.ori %parallel_loop3A_288, %parallel_loop3A_291 : vector<16xi1>
      %parallel_loop3A_293 = arith.constant 0.000000e+00 : f32
      %parallel_loop3A_294 = vector.broadcast %parallel_loop3A_293 : f32 to vector<16xf32>
      %parallel_loop3A_295 = arith.cmpf olt, %parallel_loop3A_281, %parallel_loop3A_294 : vector<16xf32>
      %parallel_loop3A_296 = arith.ori %parallel_loop3A_292, %parallel_loop3A_295 : vector<16xi1>
      %parallel_loop3A_297 = arith.select %parallel_loop3A_296, %parallel_loop3A_249, %parallel_loop3A_280 : vector<16xi1>, vector<16xf32>
      %parallel_loop3A_298 = arith.select %parallel_loop3A_296, %parallel_loop3A_253, %parallel_loop3A_281 : vector<16xi1>, vector<16xf32>
      %parallel_loop3A_299 = arith.constant -1.000000e+00 : f32
      %parallel_loop3A_300 = vector.broadcast %parallel_loop3A_299 : f32 to vector<16xf32>
      %parallel_loop3A_301 = arith.subf %parallel_loop3A_300, %parallel_loop3A_249 : vector<16xf32>
      %parallel_loop3A_302 = arith.select %parallel_loop3A_296, %parallel_loop3A_301, %parallel_loop3A_280 : vector<16xi1>, vector<16xf32>
      %parallel_loop3A_303 = arith.index_cast %parallel_loop3A_238 : i32 to index
      %parallel_loop3A_304 = tpu.vector_load %arg10[%parallel_loop3A_303] {strides = array<i32>} : memref<4096xf32, #tpu.memory_space<vmem>>, vector<16xf32>,
      %parallel_loop3A_305 = vector.shape_cast %parallel_loop3A_304 : vector<16xf32> to vector<16xf32>
      %parallel_loop3A_306 = vector.shape_cast %parallel_loop3A_302 : vector<16xf32> to vector<16xf32>
      tpu.vector_store %arg10[%parallel_loop3A_303], %parallel_loop3A_306 {strides = array<i32>} : memref<4096xf32, #tpu.memory_space<vmem>>, vector<16xf32>,
      %parallel_loop3A_307 = arith.index_cast %parallel_loop3A_238 : i32 to index
      %parallel_loop3A_308 = tpu.vector_load %arg11[%parallel_loop3A_307] {strides = array<i32>} : memref<4096xf32, #tpu.memory_space<vmem>>, vector<16xf32>,
      %parallel_loop3A_309 = vector.shape_cast %parallel_loop3A_308 : vector<16xf32> to vector<16xf32>
      %parallel_loop3A_310 = vector.shape_cast %parallel_loop3A_298 : vector<16xf32> to vector<16xf32>
      tpu.vector_store %arg11[%parallel_loop3A_307], %parallel_loop3A_310 {strides = array<i32>} : memref<4096xf32, #tpu.memory_space<vmem>>, vector<16xf32>,
      %parallel_loop3A_311 = arith.constant 0x4B000000 : f32
      %parallel_loop3A_312 = vector.broadcast %parallel_loop3A_311 : f32 to vector<16xf32>
      %parallel_loop3A_313 = arith.addf %parallel_loop3A_297, %parallel_loop3A_312 : vector<16xf32>
      %parallel_loop3A_314 = arith.constant 0x4B000000 : f32
      %parallel_loop3A_315 = vector.broadcast %parallel_loop3A_314 : f32 to vector<16xf32>
      %parallel_loop3A_316 = arith.subf %parallel_loop3A_313, %parallel_loop3A_315 : vector<16xf32>
      %parallel_loop3A_317 = arith.fptosi %parallel_loop3A_316 : vector<16xf32> to vector<16xi32>
      %parallel_loop3A_318 = arith.constant 0x4B000000 : f32
      %parallel_loop3A_319 = vector.broadcast %parallel_loop3A_318 : f32 to vector<16xf32>
      %parallel_loop3A_320 = arith.addf %parallel_loop3A_298, %parallel_loop3A_319 : vector<16xf32>
      %parallel_loop3A_321 = arith.constant 0x4B000000 : f32
      %parallel_loop3A_322 = vector.broadcast %parallel_loop3A_321 : f32 to vector<16xf32>
      %parallel_loop3A_323 = arith.subf %parallel_loop3A_320, %parallel_loop3A_322 : vector<16xf32>
      %parallel_loop3A_324 = arith.fptosi %parallel_loop3A_323 : vector<16xf32> to vector<16xi32>
      %parallel_loop3A_325 = arith.constant 9 : i32
      %parallel_loop3A_326 = vector.broadcast %parallel_loop3A_325 : i32 to vector<16xi32>
      %parallel_loop3A_327 = arith.shli %parallel_loop3A_324, %parallel_loop3A_326 : vector<16xi32>
      %parallel_loop3A_328 = arith.ori %parallel_loop3A_327, %parallel_loop3A_317 : vector<16xi32>
      %parallel_loop3A_329 = arith.constant 16 : i32
      %parallel_loop3A_330 = arith.muli %parallel_loop3A_234, %parallel_loop3A_329 : i32
      %parallel_loop3A_331 = arith.constant 0 : i32
      %parallel_loop3A_332 = arith.index_cast %parallel_loop3A_331 : i32 to index
      %parallel_loop3A_333 = arith.index_cast %parallel_loop3A_330 : i32 to index
      %parallel_loop3A_334 = tpu.vector_load %arg8[%parallel_loop3A_332, %parallel_loop3A_333] {strides = array<i32>} : memref<1x4096xi32, #tpu.memory_space<vmem>>, vector<1x16xi32>,
      %parallel_loop3A_335 = vector.shape_cast %parallel_loop3A_334 : vector<1x16xi32> to vector<16xi32>
      %parallel_loop3A_336 = vector.shape_cast %parallel_loop3A_328 : vector<16xi32> to vector<1x16xi32>
      tpu.vector_store %arg8[%parallel_loop3A_332, %parallel_loop3A_333], %parallel_loop3A_336 {strides = array<i32>} : memref<1x4096xi32, #tpu.memory_space<vmem>>, vector<1x16xi32>,
      %parallel_loop3A_337 = arith.constant 262144 : i32
      %parallel_loop3A_338 = vector.broadcast %parallel_loop3A_337 : i32 to vector<16xi32>
      %parallel_loop3A_339 = arith.addi %parallel_loop3A_328, %parallel_loop3A_338 : vector<16xi32>
      %parallel_loop3A_340 = arith.constant 16 : i32
      %parallel_loop3A_341 = arith.muli %parallel_loop3A_234, %parallel_loop3A_340 : i32
      %parallel_loop3A_342 = arith.constant 2048 : i32
      %parallel_loop3A_343 = arith.addi %parallel_loop3A_342, %parallel_loop3A_341 : i32
      %parallel_loop3A_344 = arith.constant 0 : i32
      %parallel_loop3A_345 = arith.index_cast %parallel_loop3A_344 : i32 to index
      %parallel_loop3A_346 = arith.index_cast %parallel_loop3A_343 : i32 to index
      %parallel_loop3A_347 = tpu.vector_load %arg8[%parallel_loop3A_345, %parallel_loop3A_346] {strides = array<i32>} : memref<1x4096xi32, #tpu.memory_space<vmem>>, vector<1x16xi32>,
      %parallel_loop3A_348 = vector.shape_cast %parallel_loop3A_347 : vector<1x16xi32> to vector<16xi32>
      %parallel_loop3A_349 = vector.shape_cast %parallel_loop3A_339 : vector<16xi32> to vector<1x16xi32>
      tpu.vector_store %arg8[%parallel_loop3A_345, %parallel_loop3A_346], %parallel_loop3A_349 {strides = array<i32>} : memref<1x4096xi32, #tpu.memory_space<vmem>>, vector<1x16xi32>,
    } {sc.loop_unroll_factor = 4 : i64, sc.parallel_access}
    %dma_start3A_190 = arith.constant 0 : i32
    %dma_start3A_191 = arith.constant 4096 : i32
    %dma_start3A_192 = tpu.memref_slice %arg9[%dma_start3A_191] : memref<8192xf32, #tpu.memory_space<vmem>> -> memref<4096xf32, #tpu.memory_space<vmem>>
    %dma_start3A_193 = arith.constant 0 : i32
    %dma_start3A_194 = tpu.memref_slice %arg8[%dma_start3A_190, %dma_start3A_193] : memref<1x4096xi32, #tpu.memory_space<vmem>> -> memref<1x4096xi32, #tpu.memory_space<vmem>>
    %dma_start3A_195 = tpu.memref_squeeze %dma_start3A_194 : memref<1x4096xi32, #tpu.memory_space<vmem>> -> memref<4096xi32, #tpu.memory_space<vmem>>
    %dma_start3A_196 = arith.constant 0 : i32
    %dma_start3A_197 = tpu.memref_slice %arg14[%dma_start3A_196] : memref<524288xf32, #tpu.memory_space<vmem_shared>> -> memref<524288xf32, #tpu.memory_space<vmem_shared>>
    tpu.enqueue_indirect_dma source(%dma_start3A_197 : memref<524288xf32, #tpu.memory_space<vmem_shared>>) target(%dma_start3A_192 : memref<4096xf32, #tpu.memory_space<vmem>>) offsets(%dma_start3A_195 : memref<4096xi32, #tpu.memory_space<vmem>>) semaphore(%arg16 : memref<!tpu.dma_semaphore, #tpu.memory_space<semaphore_mem>>)
    %while3A_198 = arith.constant 1 : i32
    %while3A_199 = arith.constant 0 : i32
    %while3A_200 = arith.subi %squeeze3A, %while3A_198 : i32
    %while3A_201 = arith.addi %while3A_198, %while3A_200 : i32
    %while3A_202 = arith.constant 1 : i32
    %while3A_203 = arith.divsi %while3A_200, %while3A_202 : i32
    %while3A_204 = arith.muli %while3A_203, %while3A_202 : i32
    %while3A_205 = arith.addi %while3A_198, %while3A_204 : i32
    %while3A_206 = arith.constant 1 : i32
    %while3A_207 = scf.for %while3A_234 = %while3A_198 to %while3A_205 step %while3A_206 iter_args(%while3A_235 = %while3A_199) -> (i32)  : i32 {
      %dma_wait3A_236 = arith.constant 0 : i32
      %dma_wait3A_237 = tpu.memref_slice %arg9[%dma_wait3A_236] : memref<8192xf32, #tpu.memory_space<vmem>> -> memref<4096xf32, #tpu.memory_space<vmem>>
      %dma_wait3A_238 = arith.constant 0 : i32
      %dma_wait3A_239 = tpu.memref_slice %arg2[%dma_wait3A_238] : memref<262144xf32, #tpu.memory_space<hbm>> -> memref<4096xf32, #tpu.memory_space<hbm>>
      %dma_wait3A_240 = arith.constant 0 : i32
      %dma_wait3A_241 = tpu.memref_slice %arg9[%dma_wait3A_240] : memref<8192xf32, #tpu.memory_space<vmem>> -> memref<4096xf32, #tpu.memory_space<vmem>>
      %dma_wait3A_242 = arith.constant 0 : i32
      %dma_wait3A_243 = tpu.memref_slice %arg2[%dma_wait3A_242] : memref<262144xf32, #tpu.memory_space<hbm>> -> memref<4096xf32, #tpu.memory_space<hbm>>
      tpu.wait_dma2 semaphore(%arg15 : memref<!tpu.dma_semaphore, #tpu.memory_space<semaphore_mem>>) src(%dma_wait3A_243 : memref<4096xf32, #tpu.memory_space<hbm>>) dst(%dma_wait3A_241 : memref<4096xf32, #tpu.memory_space<vmem>>)
      %parallel_loop3A_244 = arith.constant 0 : i32
      %parallel_loop3A_245 = arith.constant 128 : i32
      %parallel_loop3A_246 = arith.constant 1 : i32
      scf.for %parallel_loop3A_275 = %parallel_loop3A_244 to %parallel_loop3A_245 step %parallel_loop3A_246  : i32 {
        %parallel_loop3A_276 = arith.constant 16 : i32
        %parallel_loop3A_277 = arith.muli %parallel_loop3A_275, %parallel_loop3A_276 : i32
        %parallel_loop3A_278 = arith.constant 0 : i32
        %parallel_loop3A_279 = arith.addi %parallel_loop3A_278, %parallel_loop3A_277 : i32
        %parallel_loop3A_280 = arith.constant 0 : i32
        %parallel_loop3A_281 = arith.addi %add3A_127, %parallel_loop3A_280 : i32
        %parallel_loop3A_282 = arith.constant 16 : i32
        %parallel_loop3A_283 = arith.muli %parallel_loop3A_275, %parallel_loop3A_282 : i32
        %parallel_loop3A_284 = arith.addi %parallel_loop3A_281, %parallel_loop3A_283 : i32
        %parallel_loop3A_285 = vector.broadcast %parallel_loop3A_284 : i32 to vector<16xi32>
        %parallel_loop3A_286 = arith.addi %parallel_loop3A_285, %iota3A : vector<16xi32>
        %parallel_loop3A_287 = arith.constant 511 : i32
        %parallel_loop3A_288 = vector.broadcast %parallel_loop3A_287 : i32 to vector<16xi32>
        %parallel_loop3A_289 = arith.andi %parallel_loop3A_286, %parallel_loop3A_288 : vector<16xi32>
        %parallel_loop3A_290 = arith.sitofp %parallel_loop3A_289 : vector<16xi32> to vector<16xf32>
        %parallel_loop3A_291 = arith.constant 9 : i32
        %parallel_loop3A_292 = vector.broadcast %parallel_loop3A_291 : i32 to vector<16xi32>
        %parallel_loop3A_293 = arith.shrsi %parallel_loop3A_286, %parallel_loop3A_292 : vector<16xi32>
        %parallel_loop3A_294 = arith.sitofp %parallel_loop3A_293 : vector<16xi32> to vector<16xf32>
        %parallel_loop3A_295 = arith.constant 16 : i32
        %parallel_loop3A_296 = arith.muli %parallel_loop3A_275, %parallel_loop3A_295 : i32
        %parallel_loop3A_297 = arith.constant 0 : i32
        %parallel_loop3A_298 = arith.addi %parallel_loop3A_297, %parallel_loop3A_296 : i32
        %parallel_loop3A_299 = arith.index_cast %parallel_loop3A_298 : i32 to index
        %parallel_loop3A_300 = tpu.vector_load %arg9[%parallel_loop3A_299] {strides = array<i32>} : memref<8192xf32, #tpu.memory_space<vmem>>, vector<16xf32>,
        %parallel_loop3A_301 = vector.shape_cast %parallel_loop3A_300 : vector<16xf32> to vector<16xf32>
        %parallel_loop3A_302 = arith.constant 16 : i32
        %parallel_loop3A_303 = arith.muli %parallel_loop3A_275, %parallel_loop3A_302 : i32
        %parallel_loop3A_304 = arith.constant 2048 : i32
        %parallel_loop3A_305 = arith.addi %parallel_loop3A_304, %parallel_loop3A_303 : i32
        %parallel_loop3A_306 = arith.index_cast %parallel_loop3A_305 : i32 to index
        %parallel_loop3A_307 = tpu.vector_load %arg9[%parallel_loop3A_306] {strides = array<i32>} : memref<8192xf32, #tpu.memory_space<vmem>>, vector<16xf32>,
        %parallel_loop3A_308 = vector.shape_cast %parallel_loop3A_307 : vector<16xf32> to vector<16xf32>
        %parallel_loop3A_309 = arith.index_cast %parallel_loop3A_279 : i32 to index
        %parallel_loop3A_310 = tpu.vector_load %arg12[%parallel_loop3A_309] {strides = array<i32>} : memref<4096xf32, #tpu.memory_space<vmem>>, vector<16xf32>,
        %parallel_loop3A_311 = vector.shape_cast %parallel_loop3A_310 : vector<16xf32> to vector<16xf32>
        %parallel_loop3A_312 = arith.addf %parallel_loop3A_311, %parallel_loop3A_301 : vector<16xf32>
        %parallel_loop3A_313 = arith.index_cast %parallel_loop3A_279 : i32 to index
        %parallel_loop3A_314 = tpu.vector_load %arg12[%parallel_loop3A_313] {strides = array<i32>} : memref<4096xf32, #tpu.memory_space<vmem>>, vector<16xf32>,
        %parallel_loop3A_315 = vector.shape_cast %parallel_loop3A_314 : vector<16xf32> to vector<16xf32>
        %parallel_loop3A_316 = vector.shape_cast %parallel_loop3A_312 : vector<16xf32> to vector<16xf32>
        tpu.vector_store %arg12[%parallel_loop3A_313], %parallel_loop3A_316 {strides = array<i32>} : memref<4096xf32, #tpu.memory_space<vmem>>, vector<16xf32>,
        %parallel_loop3A_317 = arith.index_cast %parallel_loop3A_279 : i32 to index
        %parallel_loop3A_318 = tpu.vector_load %arg13[%parallel_loop3A_317] {strides = array<i32>} : memref<4096xf32, #tpu.memory_space<vmem>>, vector<16xf32>,
        %parallel_loop3A_319 = vector.shape_cast %parallel_loop3A_318 : vector<16xf32> to vector<16xf32>
        %parallel_loop3A_320 = arith.addf %parallel_loop3A_319, %parallel_loop3A_308 : vector<16xf32>
        %parallel_loop3A_321 = arith.index_cast %parallel_loop3A_279 : i32 to index
        %parallel_loop3A_322 = tpu.vector_load %arg13[%parallel_loop3A_321] {strides = array<i32>} : memref<4096xf32, #tpu.memory_space<vmem>>, vector<16xf32>,
        %parallel_loop3A_323 = vector.shape_cast %parallel_loop3A_322 : vector<16xf32> to vector<16xf32>
        %parallel_loop3A_324 = vector.shape_cast %parallel_loop3A_320 : vector<16xf32> to vector<16xf32>
        tpu.vector_store %arg13[%parallel_loop3A_321], %parallel_loop3A_324 {strides = array<i32>} : memref<4096xf32, #tpu.memory_space<vmem>>, vector<16xf32>,
        %parallel_loop3A_325 = arith.index_cast %parallel_loop3A_279 : i32 to index
        %parallel_loop3A_326 = tpu.vector_load %arg10[%parallel_loop3A_325] {strides = array<i32>} : memref<4096xf32, #tpu.memory_space<vmem>>, vector<16xf32>,
        %parallel_loop3A_327 = vector.shape_cast %parallel_loop3A_326 : vector<16xf32> to vector<16xf32>
        %parallel_loop3A_328 = arith.index_cast %parallel_loop3A_279 : i32 to index
        %parallel_loop3A_329 = tpu.vector_load %arg11[%parallel_loop3A_328] {strides = array<i32>} : memref<4096xf32, #tpu.memory_space<vmem>>, vector<16xf32>,
        %parallel_loop3A_330 = vector.shape_cast %parallel_loop3A_329 : vector<16xf32> to vector<16xf32>
        %parallel_loop3A_331 = arith.constant -5.000000e-01 : f32
        %parallel_loop3A_332 = vector.broadcast %parallel_loop3A_331 : f32 to vector<16xf32>
        %parallel_loop3A_333 = arith.cmpf olt, %parallel_loop3A_327, %parallel_loop3A_332 : vector<16xf32>
        %parallel_loop3A_334 = arith.select %parallel_loop3A_333, %parallel_loop3A_290, %parallel_loop3A_327 : vector<16xi1>, vector<16xf32>
        %parallel_loop3A_335 = arith.addf %parallel_loop3A_334, %parallel_loop3A_301 : vector<16xf32>
        %parallel_loop3A_336 = arith.addf %parallel_loop3A_330, %parallel_loop3A_308 : vector<16xf32>
        %parallel_loop3A_337 = arith.constant 5.110000e+02 : f32
        %parallel_loop3A_338 = vector.broadcast %parallel_loop3A_337 : f32 to vector<16xf32>
        %parallel_loop3A_339 = arith.cmpf ogt, %parallel_loop3A_335, %parallel_loop3A_338 : vector<16xf32>
        %parallel_loop3A_340 = arith.constant 0.000000e+00 : f32
        %parallel_loop3A_341 = vector.broadcast %parallel_loop3A_340 : f32 to vector<16xf32>
        %parallel_loop3A_342 = arith.cmpf olt, %parallel_loop3A_335, %parallel_loop3A_341 : vector<16xf32>
        %parallel_loop3A_343 = arith.ori %parallel_loop3A_339, %parallel_loop3A_342 : vector<16xi1>
        %parallel_loop3A_344 = arith.constant 5.110000e+02 : f32
        %parallel_loop3A_345 = vector.broadcast %parallel_loop3A_344 : f32 to vector<16xf32>
        %parallel_loop3A_346 = arith.cmpf ogt, %parallel_loop3A_336, %parallel_loop3A_345 : vector<16xf32>
        %parallel_loop3A_347 = arith.ori %parallel_loop3A_343, %parallel_loop3A_346 : vector<16xi1>
        %parallel_loop3A_348 = arith.constant 0.000000e+00 : f32
        %parallel_loop3A_349 = vector.broadcast %parallel_loop3A_348 : f32 to vector<16xf32>
        %parallel_loop3A_350 = arith.cmpf olt, %parallel_loop3A_336, %parallel_loop3A_349 : vector<16xf32>
        %parallel_loop3A_351 = arith.ori %parallel_loop3A_347, %parallel_loop3A_350 : vector<16xi1>
        %parallel_loop3A_352 = arith.ori %parallel_loop3A_333, %parallel_loop3A_351 : vector<16xi1>
        %parallel_loop3A_353 = arith.select %parallel_loop3A_352, %parallel_loop3A_290, %parallel_loop3A_335 : vector<16xi1>, vector<16xf32>
        %parallel_loop3A_354 = arith.select %parallel_loop3A_352, %parallel_loop3A_294, %parallel_loop3A_336 : vector<16xi1>, vector<16xf32>
        %parallel_loop3A_355 = arith.constant -1.000000e+00 : f32
        %parallel_loop3A_356 = vector.broadcast %parallel_loop3A_355 : f32 to vector<16xf32>
        %parallel_loop3A_357 = arith.subf %parallel_loop3A_356, %parallel_loop3A_290 : vector<16xf32>
        %parallel_loop3A_358 = arith.select %parallel_loop3A_352, %parallel_loop3A_357, %parallel_loop3A_335 : vector<16xi1>, vector<16xf32>
        %parallel_loop3A_359 = arith.index_cast %parallel_loop3A_279 : i32 to index
        %parallel_loop3A_360 = tpu.vector_load %arg10[%parallel_loop3A_359] {strides = array<i32>} : memref<4096xf32, #tpu.memory_space<vmem>>, vector<16xf32>,
        %parallel_loop3A_361 = vector.shape_cast %parallel_loop3A_360 : vector<16xf32> to vector<16xf32>
        %parallel_loop3A_362 = vector.shape_cast %parallel_loop3A_358 : vector<16xf32> to vector<16xf32>
        tpu.vector_store %arg10[%parallel_loop3A_359], %parallel_loop3A_362 {strides = array<i32>} : memref<4096xf32, #tpu.memory_space<vmem>>, vector<16xf32>,
        %parallel_loop3A_363 = arith.index_cast %parallel_loop3A_279 : i32 to index
        %parallel_loop3A_364 = tpu.vector_load %arg11[%parallel_loop3A_363] {strides = array<i32>} : memref<4096xf32, #tpu.memory_space<vmem>>, vector<16xf32>,
        %parallel_loop3A_365 = vector.shape_cast %parallel_loop3A_364 : vector<16xf32> to vector<16xf32>
        %parallel_loop3A_366 = vector.shape_cast %parallel_loop3A_354 : vector<16xf32> to vector<16xf32>
        tpu.vector_store %arg11[%parallel_loop3A_363], %parallel_loop3A_366 {strides = array<i32>} : memref<4096xf32, #tpu.memory_space<vmem>>, vector<16xf32>,
        %parallel_loop3A_367 = arith.constant 0x4B000000 : f32
        %parallel_loop3A_368 = vector.broadcast %parallel_loop3A_367 : f32 to vector<16xf32>
        %parallel_loop3A_369 = arith.addf %parallel_loop3A_353, %parallel_loop3A_368 : vector<16xf32>
        %parallel_loop3A_370 = arith.constant 0x4B000000 : f32
        %parallel_loop3A_371 = vector.broadcast %parallel_loop3A_370 : f32 to vector<16xf32>
        %parallel_loop3A_372 = arith.subf %parallel_loop3A_369, %parallel_loop3A_371 : vector<16xf32>
        %parallel_loop3A_373 = arith.fptosi %parallel_loop3A_372 : vector<16xf32> to vector<16xi32>
        %parallel_loop3A_374 = arith.constant 0x4B000000 : f32
        %parallel_loop3A_375 = vector.broadcast %parallel_loop3A_374 : f32 to vector<16xf32>
        %parallel_loop3A_376 = arith.addf %parallel_loop3A_354, %parallel_loop3A_375 : vector<16xf32>
        %parallel_loop3A_377 = arith.constant 0x4B000000 : f32
        %parallel_loop3A_378 = vector.broadcast %parallel_loop3A_377 : f32 to vector<16xf32>
        %parallel_loop3A_379 = arith.subf %parallel_loop3A_376, %parallel_loop3A_378 : vector<16xf32>
        %parallel_loop3A_380 = arith.fptosi %parallel_loop3A_379 : vector<16xf32> to vector<16xi32>
        %parallel_loop3A_381 = arith.constant 9 : i32
        %parallel_loop3A_382 = vector.broadcast %parallel_loop3A_381 : i32 to vector<16xi32>
        %parallel_loop3A_383 = arith.shli %parallel_loop3A_380, %parallel_loop3A_382 : vector<16xi32>
        %parallel_loop3A_384 = arith.ori %parallel_loop3A_383, %parallel_loop3A_373 : vector<16xi32>
        %parallel_loop3A_385 = arith.constant 16 : i32
        %parallel_loop3A_386 = arith.muli %parallel_loop3A_275, %parallel_loop3A_385 : i32
        %parallel_loop3A_387 = arith.constant 0 : i32
        %parallel_loop3A_388 = arith.index_cast %parallel_loop3A_387 : i32 to index
        %parallel_loop3A_389 = arith.index_cast %parallel_loop3A_386 : i32 to index
        %parallel_loop3A_390 = tpu.vector_load %arg7[%parallel_loop3A_388, %parallel_loop3A_389] {strides = array<i32>} : memref<1x4096xi32, #tpu.memory_space<vmem>>, vector<1x16xi32>,
        %parallel_loop3A_391 = vector.shape_cast %parallel_loop3A_390 : vector<1x16xi32> to vector<16xi32>
        %parallel_loop3A_392 = vector.shape_cast %parallel_loop3A_384 : vector<16xi32> to vector<1x16xi32>
        tpu.vector_store %arg7[%parallel_loop3A_388, %parallel_loop3A_389], %parallel_loop3A_392 {strides = array<i32>} : memref<1x4096xi32, #tpu.memory_space<vmem>>, vector<1x16xi32>,
        %parallel_loop3A_393 = arith.constant 262144 : i32
        %parallel_loop3A_394 = vector.broadcast %parallel_loop3A_393 : i32 to vector<16xi32>
        %parallel_loop3A_395 = arith.addi %parallel_loop3A_384, %parallel_loop3A_394 : vector<16xi32>
        %parallel_loop3A_396 = arith.constant 16 : i32
        %parallel_loop3A_397 = arith.muli %parallel_loop3A_275, %parallel_loop3A_396 : i32
        %parallel_loop3A_398 = arith.constant 2048 : i32
        %parallel_loop3A_399 = arith.addi %parallel_loop3A_398, %parallel_loop3A_397 : i32
        %parallel_loop3A_400 = arith.constant 0 : i32
        %parallel_loop3A_401 = arith.index_cast %parallel_loop3A_400 : i32 to index
        %parallel_loop3A_402 = arith.index_cast %parallel_loop3A_399 : i32 to index
        %parallel_loop3A_403 = tpu.vector_load %arg7[%parallel_loop3A_401, %parallel_loop3A_402] {strides = array<i32>} : memref<1x4096xi32, #tpu.memory_space<vmem>>, vector<1x16xi32>,
        %parallel_loop3A_404 = vector.shape_cast %parallel_loop3A_403 : vector<1x16xi32> to vector<16xi32>
        %parallel_loop3A_405 = vector.shape_cast %parallel_loop3A_395 : vector<16xi32> to vector<1x16xi32>
        tpu.vector_store %arg7[%parallel_loop3A_401, %parallel_loop3A_402], %parallel_loop3A_405 {strides = array<i32>} : memref<1x4096xi32, #tpu.memory_space<vmem>>, vector<1x16xi32>,
      } {sc.loop_unroll_factor = 4 : i64, sc.parallel_access}
      %dma_start3A_247 = arith.constant 0 : i32
      %dma_start3A_248 = arith.constant 0 : i32
      %dma_start3A_249 = tpu.memref_slice %arg9[%dma_start3A_248] : memref<8192xf32, #tpu.memory_space<vmem>> -> memref<4096xf32, #tpu.memory_space<vmem>>
      %dma_start3A_250 = arith.constant 0 : i32
      %dma_start3A_251 = tpu.memref_slice %arg7[%dma_start3A_247, %dma_start3A_250] : memref<1x4096xi32, #tpu.memory_space<vmem>> -> memref<1x4096xi32, #tpu.memory_space<vmem>>
      %dma_start3A_252 = tpu.memref_squeeze %dma_start3A_251 : memref<1x4096xi32, #tpu.memory_space<vmem>> -> memref<4096xi32, #tpu.memory_space<vmem>>
      %dma_start3A_253 = arith.constant 0 : i32
      %dma_start3A_254 = tpu.memref_slice %arg14[%dma_start3A_253] : memref<524288xf32, #tpu.memory_space<vmem_shared>> -> memref<524288xf32, #tpu.memory_space<vmem_shared>>
      tpu.enqueue_indirect_dma source(%dma_start3A_254 : memref<524288xf32, #tpu.memory_space<vmem_shared>>) target(%dma_start3A_249 : memref<4096xf32, #tpu.memory_space<vmem>>) offsets(%dma_start3A_252 : memref<4096xi32, #tpu.memory_space<vmem>>) semaphore(%arg15 : memref<!tpu.dma_semaphore, #tpu.memory_space<semaphore_mem>>)
      %dma_wait3A_255 = arith.constant 4096 : i32
      %dma_wait3A_256 = tpu.memref_slice %arg9[%dma_wait3A_255] : memref<8192xf32, #tpu.memory_space<vmem>> -> memref<4096xf32, #tpu.memory_space<vmem>>
      %dma_wait3A_257 = arith.constant 0 : i32
      %dma_wait3A_258 = tpu.memref_slice %arg2[%dma_wait3A_257] : memref<262144xf32, #tpu.memory_space<hbm>> -> memref<4096xf32, #tpu.memory_space<hbm>>
      %dma_wait3A_259 = arith.constant 4096 : i32
      %dma_wait3A_260 = tpu.memref_slice %arg9[%dma_wait3A_259] : memref<8192xf32, #tpu.memory_space<vmem>> -> memref<4096xf32, #tpu.memory_space<vmem>>
      %dma_wait3A_261 = arith.constant 0 : i32
      %dma_wait3A_262 = tpu.memref_slice %arg2[%dma_wait3A_261] : memref<262144xf32, #tpu.memory_space<hbm>> -> memref<4096xf32, #tpu.memory_space<hbm>>
      tpu.wait_dma2 semaphore(%arg16 : memref<!tpu.dma_semaphore, #tpu.memory_space<semaphore_mem>>) src(%dma_wait3A_262 : memref<4096xf32, #tpu.memory_space<hbm>>) dst(%dma_wait3A_260 : memref<4096xf32, #tpu.memory_space<vmem>>)
      %parallel_loop3A_263 = arith.constant 0 : i32
      %parallel_loop3A_264 = arith.constant 128 : i32
      %parallel_loop3A_265 = arith.constant 1 : i32
      scf.for %parallel_loop3A_275 = %parallel_loop3A_263 to %parallel_loop3A_264 step %parallel_loop3A_265  : i32 {
        %parallel_loop3A_276 = arith.constant 16 : i32
        %parallel_loop3A_277 = arith.muli %parallel_loop3A_275, %parallel_loop3A_276 : i32
        %parallel_loop3A_278 = arith.constant 2048 : i32
        %parallel_loop3A_279 = arith.addi %parallel_loop3A_278, %parallel_loop3A_277 : i32
        %parallel_loop3A_280 = arith.constant 2048 : i32
        %parallel_loop3A_281 = arith.addi %add3A_127, %parallel_loop3A_280 : i32
        %parallel_loop3A_282 = arith.constant 16 : i32
        %parallel_loop3A_283 = arith.muli %parallel_loop3A_275, %parallel_loop3A_282 : i32
        %parallel_loop3A_284 = arith.addi %parallel_loop3A_281, %parallel_loop3A_283 : i32
        %parallel_loop3A_285 = vector.broadcast %parallel_loop3A_284 : i32 to vector<16xi32>
        %parallel_loop3A_286 = arith.addi %parallel_loop3A_285, %iota3A : vector<16xi32>
        %parallel_loop3A_287 = arith.constant 511 : i32
        %parallel_loop3A_288 = vector.broadcast %parallel_loop3A_287 : i32 to vector<16xi32>
        %parallel_loop3A_289 = arith.andi %parallel_loop3A_286, %parallel_loop3A_288 : vector<16xi32>
        %parallel_loop3A_290 = arith.sitofp %parallel_loop3A_289 : vector<16xi32> to vector<16xf32>
        %parallel_loop3A_291 = arith.constant 9 : i32
        %parallel_loop3A_292 = vector.broadcast %parallel_loop3A_291 : i32 to vector<16xi32>
        %parallel_loop3A_293 = arith.shrsi %parallel_loop3A_286, %parallel_loop3A_292 : vector<16xi32>
        %parallel_loop3A_294 = arith.sitofp %parallel_loop3A_293 : vector<16xi32> to vector<16xf32>
        %parallel_loop3A_295 = arith.constant 16 : i32
        %parallel_loop3A_296 = arith.muli %parallel_loop3A_275, %parallel_loop3A_295 : i32
        %parallel_loop3A_297 = arith.constant 4096 : i32
        %parallel_loop3A_298 = arith.addi %parallel_loop3A_297, %parallel_loop3A_296 : i32
        %parallel_loop3A_299 = arith.index_cast %parallel_loop3A_298 : i32 to index
        %parallel_loop3A_300 = tpu.vector_load %arg9[%parallel_loop3A_299] {strides = array<i32>} : memref<8192xf32, #tpu.memory_space<vmem>>, vector<16xf32>,
        %parallel_loop3A_301 = vector.shape_cast %parallel_loop3A_300 : vector<16xf32> to vector<16xf32>
        %parallel_loop3A_302 = arith.constant 16 : i32
        %parallel_loop3A_303 = arith.muli %parallel_loop3A_275, %parallel_loop3A_302 : i32
        %parallel_loop3A_304 = arith.constant 6144 : i32
        %parallel_loop3A_305 = arith.addi %parallel_loop3A_304, %parallel_loop3A_303 : i32
        %parallel_loop3A_306 = arith.index_cast %parallel_loop3A_305 : i32 to index
        %parallel_loop3A_307 = tpu.vector_load %arg9[%parallel_loop3A_306] {strides = array<i32>} : memref<8192xf32, #tpu.memory_space<vmem>>, vector<16xf32>,
        %parallel_loop3A_308 = vector.shape_cast %parallel_loop3A_307 : vector<16xf32> to vector<16xf32>
        %parallel_loop3A_309 = arith.index_cast %parallel_loop3A_279 : i32 to index
        %parallel_loop3A_310 = tpu.vector_load %arg12[%parallel_loop3A_309] {strides = array<i32>} : memref<4096xf32, #tpu.memory_space<vmem>>, vector<16xf32>,
        %parallel_loop3A_311 = vector.shape_cast %parallel_loop3A_310 : vector<16xf32> to vector<16xf32>
        %parallel_loop3A_312 = arith.addf %parallel_loop3A_311, %parallel_loop3A_301 : vector<16xf32>
        %parallel_loop3A_313 = arith.index_cast %parallel_loop3A_279 : i32 to index
        %parallel_loop3A_314 = tpu.vector_load %arg12[%parallel_loop3A_313] {strides = array<i32>} : memref<4096xf32, #tpu.memory_space<vmem>>, vector<16xf32>,
        %parallel_loop3A_315 = vector.shape_cast %parallel_loop3A_314 : vector<16xf32> to vector<16xf32>
        %parallel_loop3A_316 = vector.shape_cast %parallel_loop3A_312 : vector<16xf32> to vector<16xf32>
        tpu.vector_store %arg12[%parallel_loop3A_313], %parallel_loop3A_316 {strides = array<i32>} : memref<4096xf32, #tpu.memory_space<vmem>>, vector<16xf32>,
        %parallel_loop3A_317 = arith.index_cast %parallel_loop3A_279 : i32 to index
        %parallel_loop3A_318 = tpu.vector_load %arg13[%parallel_loop3A_317] {strides = array<i32>} : memref<4096xf32, #tpu.memory_space<vmem>>, vector<16xf32>,
        %parallel_loop3A_319 = vector.shape_cast %parallel_loop3A_318 : vector<16xf32> to vector<16xf32>
        %parallel_loop3A_320 = arith.addf %parallel_loop3A_319, %parallel_loop3A_308 : vector<16xf32>
        %parallel_loop3A_321 = arith.index_cast %parallel_loop3A_279 : i32 to index
        %parallel_loop3A_322 = tpu.vector_load %arg13[%parallel_loop3A_321] {strides = array<i32>} : memref<4096xf32, #tpu.memory_space<vmem>>, vector<16xf32>,
        %parallel_loop3A_323 = vector.shape_cast %parallel_loop3A_322 : vector<16xf32> to vector<16xf32>
        %parallel_loop3A_324 = vector.shape_cast %parallel_loop3A_320 : vector<16xf32> to vector<16xf32>
        tpu.vector_store %arg13[%parallel_loop3A_321], %parallel_loop3A_324 {strides = array<i32>} : memref<4096xf32, #tpu.memory_space<vmem>>, vector<16xf32>,
        %parallel_loop3A_325 = arith.index_cast %parallel_loop3A_279 : i32 to index
        %parallel_loop3A_326 = tpu.vector_load %arg10[%parallel_loop3A_325] {strides = array<i32>} : memref<4096xf32, #tpu.memory_space<vmem>>, vector<16xf32>,
        %parallel_loop3A_327 = vector.shape_cast %parallel_loop3A_326 : vector<16xf32> to vector<16xf32>
        %parallel_loop3A_328 = arith.index_cast %parallel_loop3A_279 : i32 to index
        %parallel_loop3A_329 = tpu.vector_load %arg11[%parallel_loop3A_328] {strides = array<i32>} : memref<4096xf32, #tpu.memory_space<vmem>>, vector<16xf32>,
        %parallel_loop3A_330 = vector.shape_cast %parallel_loop3A_329 : vector<16xf32> to vector<16xf32>
        %parallel_loop3A_331 = arith.constant -5.000000e-01 : f32
        %parallel_loop3A_332 = vector.broadcast %parallel_loop3A_331 : f32 to vector<16xf32>
        %parallel_loop3A_333 = arith.cmpf olt, %parallel_loop3A_327, %parallel_loop3A_332 : vector<16xf32>
        %parallel_loop3A_334 = arith.select %parallel_loop3A_333, %parallel_loop3A_290, %parallel_loop3A_327 : vector<16xi1>, vector<16xf32>
        %parallel_loop3A_335 = arith.addf %parallel_loop3A_334, %parallel_loop3A_301 : vector<16xf32>
        %parallel_loop3A_336 = arith.addf %parallel_loop3A_330, %parallel_loop3A_308 : vector<16xf32>
        %parallel_loop3A_337 = arith.constant 5.110000e+02 : f32
        %parallel_loop3A_338 = vector.broadcast %parallel_loop3A_337 : f32 to vector<16xf32>
        %parallel_loop3A_339 = arith.cmpf ogt, %parallel_loop3A_335, %parallel_loop3A_338 : vector<16xf32>
        %parallel_loop3A_340 = arith.constant 0.000000e+00 : f32
        %parallel_loop3A_341 = vector.broadcast %parallel_loop3A_340 : f32 to vector<16xf32>
        %parallel_loop3A_342 = arith.cmpf olt, %parallel_loop3A_335, %parallel_loop3A_341 : vector<16xf32>
        %parallel_loop3A_343 = arith.ori %parallel_loop3A_339, %parallel_loop3A_342 : vector<16xi1>
        %parallel_loop3A_344 = arith.constant 5.110000e+02 : f32
        %parallel_loop3A_345 = vector.broadcast %parallel_loop3A_344 : f32 to vector<16xf32>
        %parallel_loop3A_346 = arith.cmpf ogt, %parallel_loop3A_336, %parallel_loop3A_345 : vector<16xf32>
        %parallel_loop3A_347 = arith.ori %parallel_loop3A_343, %parallel_loop3A_346 : vector<16xi1>
        %parallel_loop3A_348 = arith.constant 0.000000e+00 : f32
        %parallel_loop3A_349 = vector.broadcast %parallel_loop3A_348 : f32 to vector<16xf32>
        %parallel_loop3A_350 = arith.cmpf olt, %parallel_loop3A_336, %parallel_loop3A_349 : vector<16xf32>
        %parallel_loop3A_351 = arith.ori %parallel_loop3A_347, %parallel_loop3A_350 : vector<16xi1>
        %parallel_loop3A_352 = arith.ori %parallel_loop3A_333, %parallel_loop3A_351 : vector<16xi1>
        %parallel_loop3A_353 = arith.select %parallel_loop3A_352, %parallel_loop3A_290, %parallel_loop3A_335 : vector<16xi1>, vector<16xf32>
        %parallel_loop3A_354 = arith.select %parallel_loop3A_352, %parallel_loop3A_294, %parallel_loop3A_336 : vector<16xi1>, vector<16xf32>
        %parallel_loop3A_355 = arith.constant -1.000000e+00 : f32
        %parallel_loop3A_356 = vector.broadcast %parallel_loop3A_355 : f32 to vector<16xf32>
        %parallel_loop3A_357 = arith.subf %parallel_loop3A_356, %parallel_loop3A_290 : vector<16xf32>
        %parallel_loop3A_358 = arith.select %parallel_loop3A_352, %parallel_loop3A_357, %parallel_loop3A_335 : vector<16xi1>, vector<16xf32>
        %parallel_loop3A_359 = arith.index_cast %parallel_loop3A_279 : i32 to index
        %parallel_loop3A_360 = tpu.vector_load %arg10[%parallel_loop3A_359] {strides = array<i32>} : memref<4096xf32, #tpu.memory_space<vmem>>, vector<16xf32>,
        %parallel_loop3A_361 = vector.shape_cast %parallel_loop3A_360 : vector<16xf32> to vector<16xf32>
        %parallel_loop3A_362 = vector.shape_cast %parallel_loop3A_358 : vector<16xf32> to vector<16xf32>
        tpu.vector_store %arg10[%parallel_loop3A_359], %parallel_loop3A_362 {strides = array<i32>} : memref<4096xf32, #tpu.memory_space<vmem>>, vector<16xf32>,
        %parallel_loop3A_363 = arith.index_cast %parallel_loop3A_279 : i32 to index
        %parallel_loop3A_364 = tpu.vector_load %arg11[%parallel_loop3A_363] {strides = array<i32>} : memref<4096xf32, #tpu.memory_space<vmem>>, vector<16xf32>,
        %parallel_loop3A_365 = vector.shape_cast %parallel_loop3A_364 : vector<16xf32> to vector<16xf32>
        %parallel_loop3A_366 = vector.shape_cast %parallel_loop3A_354 : vector<16xf32> to vector<16xf32>
        tpu.vector_store %arg11[%parallel_loop3A_363], %parallel_loop3A_366 {strides = array<i32>} : memref<4096xf32, #tpu.memory_space<vmem>>, vector<16xf32>,
        %parallel_loop3A_367 = arith.constant 0x4B000000 : f32
        %parallel_loop3A_368 = vector.broadcast %parallel_loop3A_367 : f32 to vector<16xf32>
        %parallel_loop3A_369 = arith.addf %parallel_loop3A_353, %parallel_loop3A_368 : vector<16xf32>
        %parallel_loop3A_370 = arith.constant 0x4B000000 : f32
        %parallel_loop3A_371 = vector.broadcast %parallel_loop3A_370 : f32 to vector<16xf32>
        %parallel_loop3A_372 = arith.subf %parallel_loop3A_369, %parallel_loop3A_371 : vector<16xf32>
        %parallel_loop3A_373 = arith.fptosi %parallel_loop3A_372 : vector<16xf32> to vector<16xi32>
        %parallel_loop3A_374 = arith.constant 0x4B000000 : f32
        %parallel_loop3A_375 = vector.broadcast %parallel_loop3A_374 : f32 to vector<16xf32>
        %parallel_loop3A_376 = arith.addf %parallel_loop3A_354, %parallel_loop3A_375 : vector<16xf32>
        %parallel_loop3A_377 = arith.constant 0x4B000000 : f32
        %parallel_loop3A_378 = vector.broadcast %parallel_loop3A_377 : f32 to vector<16xf32>
        %parallel_loop3A_379 = arith.subf %parallel_loop3A_376, %parallel_loop3A_378 : vector<16xf32>
        %parallel_loop3A_380 = arith.fptosi %parallel_loop3A_379 : vector<16xf32> to vector<16xi32>
        %parallel_loop3A_381 = arith.constant 9 : i32
        %parallel_loop3A_382 = vector.broadcast %parallel_loop3A_381 : i32 to vector<16xi32>
        %parallel_loop3A_383 = arith.shli %parallel_loop3A_380, %parallel_loop3A_382 : vector<16xi32>
        %parallel_loop3A_384 = arith.ori %parallel_loop3A_383, %parallel_loop3A_373 : vector<16xi32>
        %parallel_loop3A_385 = arith.constant 16 : i32
        %parallel_loop3A_386 = arith.muli %parallel_loop3A_275, %parallel_loop3A_385 : i32
        %parallel_loop3A_387 = arith.constant 0 : i32
        %parallel_loop3A_388 = arith.index_cast %parallel_loop3A_387 : i32 to index
        %parallel_loop3A_389 = arith.index_cast %parallel_loop3A_386 : i32 to index
        %parallel_loop3A_390 = tpu.vector_load %arg8[%parallel_loop3A_388, %parallel_loop3A_389] {strides = array<i32>} : memref<1x4096xi32, #tpu.memory_space<vmem>>, vector<1x16xi32>,
        %parallel_loop3A_391 = vector.shape_cast %parallel_loop3A_390 : vector<1x16xi32> to vector<16xi32>
        %parallel_loop3A_392 = vector.shape_cast %parallel_loop3A_384 : vector<16xi32> to vector<1x16xi32>
        tpu.vector_store %arg8[%parallel_loop3A_388, %parallel_loop3A_389], %parallel_loop3A_392 {strides = array<i32>} : memref<1x4096xi32, #tpu.memory_space<vmem>>, vector<1x16xi32>,
        %parallel_loop3A_393 = arith.constant 262144 : i32
        %parallel_loop3A_394 = vector.broadcast %parallel_loop3A_393 : i32 to vector<16xi32>
        %parallel_loop3A_395 = arith.addi %parallel_loop3A_384, %parallel_loop3A_394 : vector<16xi32>
        %parallel_loop3A_396 = arith.constant 16 : i32
        %parallel_loop3A_397 = arith.muli %parallel_loop3A_275, %parallel_loop3A_396 : i32
        %parallel_loop3A_398 = arith.constant 2048 : i32
        %parallel_loop3A_399 = arith.addi %parallel_loop3A_398, %parallel_loop3A_397 : i32
        %parallel_loop3A_400 = arith.constant 0 : i32
        %parallel_loop3A_401 = arith.index_cast %parallel_loop3A_400 : i32 to index
        %parallel_loop3A_402 = arith.index_cast %parallel_loop3A_399 : i32 to index
        %parallel_loop3A_403 = tpu.vector_load %arg8[%parallel_loop3A_401, %parallel_loop3A_402] {strides = array<i32>} : memref<1x4096xi32, #tpu.memory_space<vmem>>, vector<1x16xi32>,
        %parallel_loop3A_404 = vector.shape_cast %parallel_loop3A_403 : vector<1x16xi32> to vector<16xi32>
        %parallel_loop3A_405 = vector.shape_cast %parallel_loop3A_395 : vector<16xi32> to vector<1x16xi32>
        tpu.vector_store %arg8[%parallel_loop3A_401, %parallel_loop3A_402], %parallel_loop3A_405 {strides = array<i32>} : memref<1x4096xi32, #tpu.memory_space<vmem>>, vector<1x16xi32>,
      } {sc.loop_unroll_factor = 4 : i64, sc.parallel_access}
      %dma_start3A_266 = arith.constant 0 : i32
      %dma_start3A_267 = arith.constant 4096 : i32
      %dma_start3A_268 = tpu.memref_slice %arg9[%dma_start3A_267] : memref<8192xf32, #tpu.memory_space<vmem>> -> memref<4096xf32, #tpu.memory_space<vmem>>
      %dma_start3A_269 = arith.constant 0 : i32
      %dma_start3A_270 = tpu.memref_slice %arg8[%dma_start3A_266, %dma_start3A_269] : memref<1x4096xi32, #tpu.memory_space<vmem>> -> memref<1x4096xi32, #tpu.memory_space<vmem>>
      %dma_start3A_271 = tpu.memref_squeeze %dma_start3A_270 : memref<1x4096xi32, #tpu.memory_space<vmem>> -> memref<4096xi32, #tpu.memory_space<vmem>>
      %dma_start3A_272 = arith.constant 0 : i32
      %dma_start3A_273 = tpu.memref_slice %arg14[%dma_start3A_272] : memref<524288xf32, #tpu.memory_space<vmem_shared>> -> memref<524288xf32, #tpu.memory_space<vmem_shared>>
      tpu.enqueue_indirect_dma source(%dma_start3A_273 : memref<524288xf32, #tpu.memory_space<vmem_shared>>) target(%dma_start3A_268 : memref<4096xf32, #tpu.memory_space<vmem>>) offsets(%dma_start3A_271 : memref<4096xi32, #tpu.memory_space<vmem>>) semaphore(%arg16 : memref<!tpu.dma_semaphore, #tpu.memory_space<semaphore_mem>>)
      %while3A_274 = arith.constant 0 : i32
      scf.yield %while3A_274 : i32
    }
    %while3A_208 = arith.constant 1 : i32
    %while3A_209 = scf.for %while3A_234 = %while3A_205 to %while3A_201 step %while3A_208 iter_args(%while3A_235 = %while3A_207) -> (i32)  : i32 {
      %dma_wait3A_236 = arith.constant 0 : i32
      %dma_wait3A_237 = tpu.memref_slice %arg9[%dma_wait3A_236] : memref<8192xf32, #tpu.memory_space<vmem>> -> memref<4096xf32, #tpu.memory_space<vmem>>
      %dma_wait3A_238 = arith.constant 0 : i32
      %dma_wait3A_239 = tpu.memref_slice %arg2[%dma_wait3A_238] : memref<262144xf32, #tpu.memory_space<hbm>> -> memref<4096xf32, #tpu.memory_space<hbm>>
      %dma_wait3A_240 = arith.constant 0 : i32
      %dma_wait3A_241 = tpu.memref_slice %arg9[%dma_wait3A_240] : memref<8192xf32, #tpu.memory_space<vmem>> -> memref<4096xf32, #tpu.memory_space<vmem>>
      %dma_wait3A_242 = arith.constant 0 : i32
      %dma_wait3A_243 = tpu.memref_slice %arg2[%dma_wait3A_242] : memref<262144xf32, #tpu.memory_space<hbm>> -> memref<4096xf32, #tpu.memory_space<hbm>>
      tpu.wait_dma2 semaphore(%arg15 : memref<!tpu.dma_semaphore, #tpu.memory_space<semaphore_mem>>) src(%dma_wait3A_243 : memref<4096xf32, #tpu.memory_space<hbm>>) dst(%dma_wait3A_241 : memref<4096xf32, #tpu.memory_space<vmem>>)
      %parallel_loop3A_244 = arith.constant 0 : i32
      %parallel_loop3A_245 = arith.constant 128 : i32
      %parallel_loop3A_246 = arith.constant 1 : i32
      scf.for %parallel_loop3A_275 = %parallel_loop3A_244 to %parallel_loop3A_245 step %parallel_loop3A_246  : i32 {
        %parallel_loop3A_276 = arith.constant 16 : i32
        %parallel_loop3A_277 = arith.muli %parallel_loop3A_275, %parallel_loop3A_276 : i32
        %parallel_loop3A_278 = arith.constant 0 : i32
        %parallel_loop3A_279 = arith.addi %parallel_loop3A_278, %parallel_loop3A_277 : i32
        %parallel_loop3A_280 = arith.constant 0 : i32
        %parallel_loop3A_281 = arith.addi %add3A_127, %parallel_loop3A_280 : i32
        %parallel_loop3A_282 = arith.constant 16 : i32
        %parallel_loop3A_283 = arith.muli %parallel_loop3A_275, %parallel_loop3A_282 : i32
        %parallel_loop3A_284 = arith.addi %parallel_loop3A_281, %parallel_loop3A_283 : i32
        %parallel_loop3A_285 = vector.broadcast %parallel_loop3A_284 : i32 to vector<16xi32>
        %parallel_loop3A_286 = arith.addi %parallel_loop3A_285, %iota3A : vector<16xi32>
        %parallel_loop3A_287 = arith.constant 511 : i32
        %parallel_loop3A_288 = vector.broadcast %parallel_loop3A_287 : i32 to vector<16xi32>
        %parallel_loop3A_289 = arith.andi %parallel_loop3A_286, %parallel_loop3A_288 : vector<16xi32>
        %parallel_loop3A_290 = arith.sitofp %parallel_loop3A_289 : vector<16xi32> to vector<16xf32>
        %parallel_loop3A_291 = arith.constant 9 : i32
        %parallel_loop3A_292 = vector.broadcast %parallel_loop3A_291 : i32 to vector<16xi32>
        %parallel_loop3A_293 = arith.shrsi %parallel_loop3A_286, %parallel_loop3A_292 : vector<16xi32>
        %parallel_loop3A_294 = arith.sitofp %parallel_loop3A_293 : vector<16xi32> to vector<16xf32>
        %parallel_loop3A_295 = arith.constant 16 : i32
        %parallel_loop3A_296 = arith.muli %parallel_loop3A_275, %parallel_loop3A_295 : i32
        %parallel_loop3A_297 = arith.constant 0 : i32
        %parallel_loop3A_298 = arith.addi %parallel_loop3A_297, %parallel_loop3A_296 : i32
        %parallel_loop3A_299 = arith.index_cast %parallel_loop3A_298 : i32 to index
        %parallel_loop3A_300 = tpu.vector_load %arg9[%parallel_loop3A_299] {strides = array<i32>} : memref<8192xf32, #tpu.memory_space<vmem>>, vector<16xf32>,
        %parallel_loop3A_301 = vector.shape_cast %parallel_loop3A_300 : vector<16xf32> to vector<16xf32>
        %parallel_loop3A_302 = arith.constant 16 : i32
        %parallel_loop3A_303 = arith.muli %parallel_loop3A_275, %parallel_loop3A_302 : i32
        %parallel_loop3A_304 = arith.constant 2048 : i32
        %parallel_loop3A_305 = arith.addi %parallel_loop3A_304, %parallel_loop3A_303 : i32
        %parallel_loop3A_306 = arith.index_cast %parallel_loop3A_305 : i32 to index
        %parallel_loop3A_307 = tpu.vector_load %arg9[%parallel_loop3A_306] {strides = array<i32>} : memref<8192xf32, #tpu.memory_space<vmem>>, vector<16xf32>,
        %parallel_loop3A_308 = vector.shape_cast %parallel_loop3A_307 : vector<16xf32> to vector<16xf32>
        %parallel_loop3A_309 = arith.index_cast %parallel_loop3A_279 : i32 to index
        %parallel_loop3A_310 = tpu.vector_load %arg12[%parallel_loop3A_309] {strides = array<i32>} : memref<4096xf32, #tpu.memory_space<vmem>>, vector<16xf32>,
        %parallel_loop3A_311 = vector.shape_cast %parallel_loop3A_310 : vector<16xf32> to vector<16xf32>
        %parallel_loop3A_312 = arith.addf %parallel_loop3A_311, %parallel_loop3A_301 : vector<16xf32>
        %parallel_loop3A_313 = arith.index_cast %parallel_loop3A_279 : i32 to index
        %parallel_loop3A_314 = tpu.vector_load %arg12[%parallel_loop3A_313] {strides = array<i32>} : memref<4096xf32, #tpu.memory_space<vmem>>, vector<16xf32>,
        %parallel_loop3A_315 = vector.shape_cast %parallel_loop3A_314 : vector<16xf32> to vector<16xf32>
        %parallel_loop3A_316 = vector.shape_cast %parallel_loop3A_312 : vector<16xf32> to vector<16xf32>
        tpu.vector_store %arg12[%parallel_loop3A_313], %parallel_loop3A_316 {strides = array<i32>} : memref<4096xf32, #tpu.memory_space<vmem>>, vector<16xf32>,
        %parallel_loop3A_317 = arith.index_cast %parallel_loop3A_279 : i32 to index
        %parallel_loop3A_318 = tpu.vector_load %arg13[%parallel_loop3A_317] {strides = array<i32>} : memref<4096xf32, #tpu.memory_space<vmem>>, vector<16xf32>,
        %parallel_loop3A_319 = vector.shape_cast %parallel_loop3A_318 : vector<16xf32> to vector<16xf32>
        %parallel_loop3A_320 = arith.addf %parallel_loop3A_319, %parallel_loop3A_308 : vector<16xf32>
        %parallel_loop3A_321 = arith.index_cast %parallel_loop3A_279 : i32 to index
        %parallel_loop3A_322 = tpu.vector_load %arg13[%parallel_loop3A_321] {strides = array<i32>} : memref<4096xf32, #tpu.memory_space<vmem>>, vector<16xf32>,
        %parallel_loop3A_323 = vector.shape_cast %parallel_loop3A_322 : vector<16xf32> to vector<16xf32>
        %parallel_loop3A_324 = vector.shape_cast %parallel_loop3A_320 : vector<16xf32> to vector<16xf32>
        tpu.vector_store %arg13[%parallel_loop3A_321], %parallel_loop3A_324 {strides = array<i32>} : memref<4096xf32, #tpu.memory_space<vmem>>, vector<16xf32>,
        %parallel_loop3A_325 = arith.index_cast %parallel_loop3A_279 : i32 to index
        %parallel_loop3A_326 = tpu.vector_load %arg10[%parallel_loop3A_325] {strides = array<i32>} : memref<4096xf32, #tpu.memory_space<vmem>>, vector<16xf32>,
        %parallel_loop3A_327 = vector.shape_cast %parallel_loop3A_326 : vector<16xf32> to vector<16xf32>
        %parallel_loop3A_328 = arith.index_cast %parallel_loop3A_279 : i32 to index
        %parallel_loop3A_329 = tpu.vector_load %arg11[%parallel_loop3A_328] {strides = array<i32>} : memref<4096xf32, #tpu.memory_space<vmem>>, vector<16xf32>,
        %parallel_loop3A_330 = vector.shape_cast %parallel_loop3A_329 : vector<16xf32> to vector<16xf32>
        %parallel_loop3A_331 = arith.constant -5.000000e-01 : f32
        %parallel_loop3A_332 = vector.broadcast %parallel_loop3A_331 : f32 to vector<16xf32>
        %parallel_loop3A_333 = arith.cmpf olt, %parallel_loop3A_327, %parallel_loop3A_332 : vector<16xf32>
        %parallel_loop3A_334 = arith.select %parallel_loop3A_333, %parallel_loop3A_290, %parallel_loop3A_327 : vector<16xi1>, vector<16xf32>
        %parallel_loop3A_335 = arith.addf %parallel_loop3A_334, %parallel_loop3A_301 : vector<16xf32>
        %parallel_loop3A_336 = arith.addf %parallel_loop3A_330, %parallel_loop3A_308 : vector<16xf32>
        %parallel_loop3A_337 = arith.constant 5.110000e+02 : f32
        %parallel_loop3A_338 = vector.broadcast %parallel_loop3A_337 : f32 to vector<16xf32>
        %parallel_loop3A_339 = arith.cmpf ogt, %parallel_loop3A_335, %parallel_loop3A_338 : vector<16xf32>
        %parallel_loop3A_340 = arith.constant 0.000000e+00 : f32
        %parallel_loop3A_341 = vector.broadcast %parallel_loop3A_340 : f32 to vector<16xf32>
        %parallel_loop3A_342 = arith.cmpf olt, %parallel_loop3A_335, %parallel_loop3A_341 : vector<16xf32>
        %parallel_loop3A_343 = arith.ori %parallel_loop3A_339, %parallel_loop3A_342 : vector<16xi1>
        %parallel_loop3A_344 = arith.constant 5.110000e+02 : f32
        %parallel_loop3A_345 = vector.broadcast %parallel_loop3A_344 : f32 to vector<16xf32>
        %parallel_loop3A_346 = arith.cmpf ogt, %parallel_loop3A_336, %parallel_loop3A_345 : vector<16xf32>
        %parallel_loop3A_347 = arith.ori %parallel_loop3A_343, %parallel_loop3A_346 : vector<16xi1>
        %parallel_loop3A_348 = arith.constant 0.000000e+00 : f32
        %parallel_loop3A_349 = vector.broadcast %parallel_loop3A_348 : f32 to vector<16xf32>
        %parallel_loop3A_350 = arith.cmpf olt, %parallel_loop3A_336, %parallel_loop3A_349 : vector<16xf32>
        %parallel_loop3A_351 = arith.ori %parallel_loop3A_347, %parallel_loop3A_350 : vector<16xi1>
        %parallel_loop3A_352 = arith.ori %parallel_loop3A_333, %parallel_loop3A_351 : vector<16xi1>
        %parallel_loop3A_353 = arith.select %parallel_loop3A_352, %parallel_loop3A_290, %parallel_loop3A_335 : vector<16xi1>, vector<16xf32>
        %parallel_loop3A_354 = arith.select %parallel_loop3A_352, %parallel_loop3A_294, %parallel_loop3A_336 : vector<16xi1>, vector<16xf32>
        %parallel_loop3A_355 = arith.constant -1.000000e+00 : f32
        %parallel_loop3A_356 = vector.broadcast %parallel_loop3A_355 : f32 to vector<16xf32>
        %parallel_loop3A_357 = arith.subf %parallel_loop3A_356, %parallel_loop3A_290 : vector<16xf32>
        %parallel_loop3A_358 = arith.select %parallel_loop3A_352, %parallel_loop3A_357, %parallel_loop3A_335 : vector<16xi1>, vector<16xf32>
        %parallel_loop3A_359 = arith.index_cast %parallel_loop3A_279 : i32 to index
        %parallel_loop3A_360 = tpu.vector_load %arg10[%parallel_loop3A_359] {strides = array<i32>} : memref<4096xf32, #tpu.memory_space<vmem>>, vector<16xf32>,
        %parallel_loop3A_361 = vector.shape_cast %parallel_loop3A_360 : vector<16xf32> to vector<16xf32>
        %parallel_loop3A_362 = vector.shape_cast %parallel_loop3A_358 : vector<16xf32> to vector<16xf32>
        tpu.vector_store %arg10[%parallel_loop3A_359], %parallel_loop3A_362 {strides = array<i32>} : memref<4096xf32, #tpu.memory_space<vmem>>, vector<16xf32>,
        %parallel_loop3A_363 = arith.index_cast %parallel_loop3A_279 : i32 to index
        %parallel_loop3A_364 = tpu.vector_load %arg11[%parallel_loop3A_363] {strides = array<i32>} : memref<4096xf32, #tpu.memory_space<vmem>>, vector<16xf32>,
        %parallel_loop3A_365 = vector.shape_cast %parallel_loop3A_364 : vector<16xf32> to vector<16xf32>
        %parallel_loop3A_366 = vector.shape_cast %parallel_loop3A_354 : vector<16xf32> to vector<16xf32>
        tpu.vector_store %arg11[%parallel_loop3A_363], %parallel_loop3A_366 {strides = array<i32>} : memref<4096xf32, #tpu.memory_space<vmem>>, vector<16xf32>,
        %parallel_loop3A_367 = arith.constant 0x4B000000 : f32
        %parallel_loop3A_368 = vector.broadcast %parallel_loop3A_367 : f32 to vector<16xf32>
        %parallel_loop3A_369 = arith.addf %parallel_loop3A_353, %parallel_loop3A_368 : vector<16xf32>
        %parallel_loop3A_370 = arith.constant 0x4B000000 : f32
        %parallel_loop3A_371 = vector.broadcast %parallel_loop3A_370 : f32 to vector<16xf32>
        %parallel_loop3A_372 = arith.subf %parallel_loop3A_369, %parallel_loop3A_371 : vector<16xf32>
        %parallel_loop3A_373 = arith.fptosi %parallel_loop3A_372 : vector<16xf32> to vector<16xi32>
        %parallel_loop3A_374 = arith.constant 0x4B000000 : f32
        %parallel_loop3A_375 = vector.broadcast %parallel_loop3A_374 : f32 to vector<16xf32>
        %parallel_loop3A_376 = arith.addf %parallel_loop3A_354, %parallel_loop3A_375 : vector<16xf32>
        %parallel_loop3A_377 = arith.constant 0x4B000000 : f32
        %parallel_loop3A_378 = vector.broadcast %parallel_loop3A_377 : f32 to vector<16xf32>
        %parallel_loop3A_379 = arith.subf %parallel_loop3A_376, %parallel_loop3A_378 : vector<16xf32>
        %parallel_loop3A_380 = arith.fptosi %parallel_loop3A_379 : vector<16xf32> to vector<16xi32>
        %parallel_loop3A_381 = arith.constant 9 : i32
        %parallel_loop3A_382 = vector.broadcast %parallel_loop3A_381 : i32 to vector<16xi32>
        %parallel_loop3A_383 = arith.shli %parallel_loop3A_380, %parallel_loop3A_382 : vector<16xi32>
        %parallel_loop3A_384 = arith.ori %parallel_loop3A_383, %parallel_loop3A_373 : vector<16xi32>
        %parallel_loop3A_385 = arith.constant 16 : i32
        %parallel_loop3A_386 = arith.muli %parallel_loop3A_275, %parallel_loop3A_385 : i32
        %parallel_loop3A_387 = arith.constant 0 : i32
        %parallel_loop3A_388 = arith.index_cast %parallel_loop3A_387 : i32 to index
        %parallel_loop3A_389 = arith.index_cast %parallel_loop3A_386 : i32 to index
        %parallel_loop3A_390 = tpu.vector_load %arg7[%parallel_loop3A_388, %parallel_loop3A_389] {strides = array<i32>} : memref<1x4096xi32, #tpu.memory_space<vmem>>, vector<1x16xi32>,
        %parallel_loop3A_391 = vector.shape_cast %parallel_loop3A_390 : vector<1x16xi32> to vector<16xi32>
        %parallel_loop3A_392 = vector.shape_cast %parallel_loop3A_384 : vector<16xi32> to vector<1x16xi32>
        tpu.vector_store %arg7[%parallel_loop3A_388, %parallel_loop3A_389], %parallel_loop3A_392 {strides = array<i32>} : memref<1x4096xi32, #tpu.memory_space<vmem>>, vector<1x16xi32>,
        %parallel_loop3A_393 = arith.constant 262144 : i32
        %parallel_loop3A_394 = vector.broadcast %parallel_loop3A_393 : i32 to vector<16xi32>
        %parallel_loop3A_395 = arith.addi %parallel_loop3A_384, %parallel_loop3A_394 : vector<16xi32>
        %parallel_loop3A_396 = arith.constant 16 : i32
        %parallel_loop3A_397 = arith.muli %parallel_loop3A_275, %parallel_loop3A_396 : i32
        %parallel_loop3A_398 = arith.constant 2048 : i32
        %parallel_loop3A_399 = arith.addi %parallel_loop3A_398, %parallel_loop3A_397 : i32
        %parallel_loop3A_400 = arith.constant 0 : i32
        %parallel_loop3A_401 = arith.index_cast %parallel_loop3A_400 : i32 to index
        %parallel_loop3A_402 = arith.index_cast %parallel_loop3A_399 : i32 to index
        %parallel_loop3A_403 = tpu.vector_load %arg7[%parallel_loop3A_401, %parallel_loop3A_402] {strides = array<i32>} : memref<1x4096xi32, #tpu.memory_space<vmem>>, vector<1x16xi32>,
        %parallel_loop3A_404 = vector.shape_cast %parallel_loop3A_403 : vector<1x16xi32> to vector<16xi32>
        %parallel_loop3A_405 = vector.shape_cast %parallel_loop3A_395 : vector<16xi32> to vector<1x16xi32>
        tpu.vector_store %arg7[%parallel_loop3A_401, %parallel_loop3A_402], %parallel_loop3A_405 {strides = array<i32>} : memref<1x4096xi32, #tpu.memory_space<vmem>>, vector<1x16xi32>,
      } {sc.loop_unroll_factor = 4 : i64, sc.parallel_access}
      %dma_start3A_247 = arith.constant 0 : i32
      %dma_start3A_248 = arith.constant 0 : i32
      %dma_start3A_249 = tpu.memref_slice %arg9[%dma_start3A_248] : memref<8192xf32, #tpu.memory_space<vmem>> -> memref<4096xf32, #tpu.memory_space<vmem>>
      %dma_start3A_250 = arith.constant 0 : i32
      %dma_start3A_251 = tpu.memref_slice %arg7[%dma_start3A_247, %dma_start3A_250] : memref<1x4096xi32, #tpu.memory_space<vmem>> -> memref<1x4096xi32, #tpu.memory_space<vmem>>
      %dma_start3A_252 = tpu.memref_squeeze %dma_start3A_251 : memref<1x4096xi32, #tpu.memory_space<vmem>> -> memref<4096xi32, #tpu.memory_space<vmem>>
      %dma_start3A_253 = arith.constant 0 : i32
      %dma_start3A_254 = tpu.memref_slice %arg14[%dma_start3A_253] : memref<524288xf32, #tpu.memory_space<vmem_shared>> -> memref<524288xf32, #tpu.memory_space<vmem_shared>>
      tpu.enqueue_indirect_dma source(%dma_start3A_254 : memref<524288xf32, #tpu.memory_space<vmem_shared>>) target(%dma_start3A_249 : memref<4096xf32, #tpu.memory_space<vmem>>) offsets(%dma_start3A_252 : memref<4096xi32, #tpu.memory_space<vmem>>) semaphore(%arg15 : memref<!tpu.dma_semaphore, #tpu.memory_space<semaphore_mem>>)
      %dma_wait3A_255 = arith.constant 4096 : i32
      %dma_wait3A_256 = tpu.memref_slice %arg9[%dma_wait3A_255] : memref<8192xf32, #tpu.memory_space<vmem>> -> memref<4096xf32, #tpu.memory_space<vmem>>
      %dma_wait3A_257 = arith.constant 0 : i32
      %dma_wait3A_258 = tpu.memref_slice %arg2[%dma_wait3A_257] : memref<262144xf32, #tpu.memory_space<hbm>> -> memref<4096xf32, #tpu.memory_space<hbm>>
      %dma_wait3A_259 = arith.constant 4096 : i32
      %dma_wait3A_260 = tpu.memref_slice %arg9[%dma_wait3A_259] : memref<8192xf32, #tpu.memory_space<vmem>> -> memref<4096xf32, #tpu.memory_space<vmem>>
      %dma_wait3A_261 = arith.constant 0 : i32
      %dma_wait3A_262 = tpu.memref_slice %arg2[%dma_wait3A_261] : memref<262144xf32, #tpu.memory_space<hbm>> -> memref<4096xf32, #tpu.memory_space<hbm>>
      tpu.wait_dma2 semaphore(%arg16 : memref<!tpu.dma_semaphore, #tpu.memory_space<semaphore_mem>>) src(%dma_wait3A_262 : memref<4096xf32, #tpu.memory_space<hbm>>) dst(%dma_wait3A_260 : memref<4096xf32, #tpu.memory_space<vmem>>)
      %parallel_loop3A_263 = arith.constant 0 : i32
      %parallel_loop3A_264 = arith.constant 128 : i32
      %parallel_loop3A_265 = arith.constant 1 : i32
      scf.for %parallel_loop3A_275 = %parallel_loop3A_263 to %parallel_loop3A_264 step %parallel_loop3A_265  : i32 {
        %parallel_loop3A_276 = arith.constant 16 : i32
        %parallel_loop3A_277 = arith.muli %parallel_loop3A_275, %parallel_loop3A_276 : i32
        %parallel_loop3A_278 = arith.constant 2048 : i32
        %parallel_loop3A_279 = arith.addi %parallel_loop3A_278, %parallel_loop3A_277 : i32
        %parallel_loop3A_280 = arith.constant 2048 : i32
        %parallel_loop3A_281 = arith.addi %add3A_127, %parallel_loop3A_280 : i32
        %parallel_loop3A_282 = arith.constant 16 : i32
        %parallel_loop3A_283 = arith.muli %parallel_loop3A_275, %parallel_loop3A_282 : i32
        %parallel_loop3A_284 = arith.addi %parallel_loop3A_281, %parallel_loop3A_283 : i32
        %parallel_loop3A_285 = vector.broadcast %parallel_loop3A_284 : i32 to vector<16xi32>
        %parallel_loop3A_286 = arith.addi %parallel_loop3A_285, %iota3A : vector<16xi32>
        %parallel_loop3A_287 = arith.constant 511 : i32
        %parallel_loop3A_288 = vector.broadcast %parallel_loop3A_287 : i32 to vector<16xi32>
        %parallel_loop3A_289 = arith.andi %parallel_loop3A_286, %parallel_loop3A_288 : vector<16xi32>
        %parallel_loop3A_290 = arith.sitofp %parallel_loop3A_289 : vector<16xi32> to vector<16xf32>
        %parallel_loop3A_291 = arith.constant 9 : i32
        %parallel_loop3A_292 = vector.broadcast %parallel_loop3A_291 : i32 to vector<16xi32>
        %parallel_loop3A_293 = arith.shrsi %parallel_loop3A_286, %parallel_loop3A_292 : vector<16xi32>
        %parallel_loop3A_294 = arith.sitofp %parallel_loop3A_293 : vector<16xi32> to vector<16xf32>
        %parallel_loop3A_295 = arith.constant 16 : i32
        %parallel_loop3A_296 = arith.muli %parallel_loop3A_275, %parallel_loop3A_295 : i32
        %parallel_loop3A_297 = arith.constant 4096 : i32
        %parallel_loop3A_298 = arith.addi %parallel_loop3A_297, %parallel_loop3A_296 : i32
        %parallel_loop3A_299 = arith.index_cast %parallel_loop3A_298 : i32 to index
        %parallel_loop3A_300 = tpu.vector_load %arg9[%parallel_loop3A_299] {strides = array<i32>} : memref<8192xf32, #tpu.memory_space<vmem>>, vector<16xf32>,
        %parallel_loop3A_301 = vector.shape_cast %parallel_loop3A_300 : vector<16xf32> to vector<16xf32>
        %parallel_loop3A_302 = arith.constant 16 : i32
        %parallel_loop3A_303 = arith.muli %parallel_loop3A_275, %parallel_loop3A_302 : i32
        %parallel_loop3A_304 = arith.constant 6144 : i32
        %parallel_loop3A_305 = arith.addi %parallel_loop3A_304, %parallel_loop3A_303 : i32
        %parallel_loop3A_306 = arith.index_cast %parallel_loop3A_305 : i32 to index
        %parallel_loop3A_307 = tpu.vector_load %arg9[%parallel_loop3A_306] {strides = array<i32>} : memref<8192xf32, #tpu.memory_space<vmem>>, vector<16xf32>,
        %parallel_loop3A_308 = vector.shape_cast %parallel_loop3A_307 : vector<16xf32> to vector<16xf32>
        %parallel_loop3A_309 = arith.index_cast %parallel_loop3A_279 : i32 to index
        %parallel_loop3A_310 = tpu.vector_load %arg12[%parallel_loop3A_309] {strides = array<i32>} : memref<4096xf32, #tpu.memory_space<vmem>>, vector<16xf32>,
        %parallel_loop3A_311 = vector.shape_cast %parallel_loop3A_310 : vector<16xf32> to vector<16xf32>
        %parallel_loop3A_312 = arith.addf %parallel_loop3A_311, %parallel_loop3A_301 : vector<16xf32>
        %parallel_loop3A_313 = arith.index_cast %parallel_loop3A_279 : i32 to index
        %parallel_loop3A_314 = tpu.vector_load %arg12[%parallel_loop3A_313] {strides = array<i32>} : memref<4096xf32, #tpu.memory_space<vmem>>, vector<16xf32>,
        %parallel_loop3A_315 = vector.shape_cast %parallel_loop3A_314 : vector<16xf32> to vector<16xf32>
        %parallel_loop3A_316 = vector.shape_cast %parallel_loop3A_312 : vector<16xf32> to vector<16xf32>
        tpu.vector_store %arg12[%parallel_loop3A_313], %parallel_loop3A_316 {strides = array<i32>} : memref<4096xf32, #tpu.memory_space<vmem>>, vector<16xf32>,
        %parallel_loop3A_317 = arith.index_cast %parallel_loop3A_279 : i32 to index
        %parallel_loop3A_318 = tpu.vector_load %arg13[%parallel_loop3A_317] {strides = array<i32>} : memref<4096xf32, #tpu.memory_space<vmem>>, vector<16xf32>,
        %parallel_loop3A_319 = vector.shape_cast %parallel_loop3A_318 : vector<16xf32> to vector<16xf32>
        %parallel_loop3A_320 = arith.addf %parallel_loop3A_319, %parallel_loop3A_308 : vector<16xf32>
        %parallel_loop3A_321 = arith.index_cast %parallel_loop3A_279 : i32 to index
        %parallel_loop3A_322 = tpu.vector_load %arg13[%parallel_loop3A_321] {strides = array<i32>} : memref<4096xf32, #tpu.memory_space<vmem>>, vector<16xf32>,
        %parallel_loop3A_323 = vector.shape_cast %parallel_loop3A_322 : vector<16xf32> to vector<16xf32>
        %parallel_loop3A_324 = vector.shape_cast %parallel_loop3A_320 : vector<16xf32> to vector<16xf32>
        tpu.vector_store %arg13[%parallel_loop3A_321], %parallel_loop3A_324 {strides = array<i32>} : memref<4096xf32, #tpu.memory_space<vmem>>, vector<16xf32>,
        %parallel_loop3A_325 = arith.index_cast %parallel_loop3A_279 : i32 to index
        %parallel_loop3A_326 = tpu.vector_load %arg10[%parallel_loop3A_325] {strides = array<i32>} : memref<4096xf32, #tpu.memory_space<vmem>>, vector<16xf32>,
        %parallel_loop3A_327 = vector.shape_cast %parallel_loop3A_326 : vector<16xf32> to vector<16xf32>
        %parallel_loop3A_328 = arith.index_cast %parallel_loop3A_279 : i32 to index
        %parallel_loop3A_329 = tpu.vector_load %arg11[%parallel_loop3A_328] {strides = array<i32>} : memref<4096xf32, #tpu.memory_space<vmem>>, vector<16xf32>,
        %parallel_loop3A_330 = vector.shape_cast %parallel_loop3A_329 : vector<16xf32> to vector<16xf32>
        %parallel_loop3A_331 = arith.constant -5.000000e-01 : f32
        %parallel_loop3A_332 = vector.broadcast %parallel_loop3A_331 : f32 to vector<16xf32>
        %parallel_loop3A_333 = arith.cmpf olt, %parallel_loop3A_327, %parallel_loop3A_332 : vector<16xf32>
        %parallel_loop3A_334 = arith.select %parallel_loop3A_333, %parallel_loop3A_290, %parallel_loop3A_327 : vector<16xi1>, vector<16xf32>
        %parallel_loop3A_335 = arith.addf %parallel_loop3A_334, %parallel_loop3A_301 : vector<16xf32>
        %parallel_loop3A_336 = arith.addf %parallel_loop3A_330, %parallel_loop3A_308 : vector<16xf32>
        %parallel_loop3A_337 = arith.constant 5.110000e+02 : f32
        %parallel_loop3A_338 = vector.broadcast %parallel_loop3A_337 : f32 to vector<16xf32>
        %parallel_loop3A_339 = arith.cmpf ogt, %parallel_loop3A_335, %parallel_loop3A_338 : vector<16xf32>
        %parallel_loop3A_340 = arith.constant 0.000000e+00 : f32
        %parallel_loop3A_341 = vector.broadcast %parallel_loop3A_340 : f32 to vector<16xf32>
        %parallel_loop3A_342 = arith.cmpf olt, %parallel_loop3A_335, %parallel_loop3A_341 : vector<16xf32>
        %parallel_loop3A_343 = arith.ori %parallel_loop3A_339, %parallel_loop3A_342 : vector<16xi1>
        %parallel_loop3A_344 = arith.constant 5.110000e+02 : f32
        %parallel_loop3A_345 = vector.broadcast %parallel_loop3A_344 : f32 to vector<16xf32>
        %parallel_loop3A_346 = arith.cmpf ogt, %parallel_loop3A_336, %parallel_loop3A_345 : vector<16xf32>
        %parallel_loop3A_347 = arith.ori %parallel_loop3A_343, %parallel_loop3A_346 : vector<16xi1>
        %parallel_loop3A_348 = arith.constant 0.000000e+00 : f32
        %parallel_loop3A_349 = vector.broadcast %parallel_loop3A_348 : f32 to vector<16xf32>
        %parallel_loop3A_350 = arith.cmpf olt, %parallel_loop3A_336, %parallel_loop3A_349 : vector<16xf32>
        %parallel_loop3A_351 = arith.ori %parallel_loop3A_347, %parallel_loop3A_350 : vector<16xi1>
        %parallel_loop3A_352 = arith.ori %parallel_loop3A_333, %parallel_loop3A_351 : vector<16xi1>
        %parallel_loop3A_353 = arith.select %parallel_loop3A_352, %parallel_loop3A_290, %parallel_loop3A_335 : vector<16xi1>, vector<16xf32>
        %parallel_loop3A_354 = arith.select %parallel_loop3A_352, %parallel_loop3A_294, %parallel_loop3A_336 : vector<16xi1>, vector<16xf32>
        %parallel_loop3A_355 = arith.constant -1.000000e+00 : f32
        %parallel_loop3A_356 = vector.broadcast %parallel_loop3A_355 : f32 to vector<16xf32>
        %parallel_loop3A_357 = arith.subf %parallel_loop3A_356, %parallel_loop3A_290 : vector<16xf32>
        %parallel_loop3A_358 = arith.select %parallel_loop3A_352, %parallel_loop3A_357, %parallel_loop3A_335 : vector<16xi1>, vector<16xf32>
        %parallel_loop3A_359 = arith.index_cast %parallel_loop3A_279 : i32 to index
        %parallel_loop3A_360 = tpu.vector_load %arg10[%parallel_loop3A_359] {strides = array<i32>} : memref<4096xf32, #tpu.memory_space<vmem>>, vector<16xf32>,
        %parallel_loop3A_361 = vector.shape_cast %parallel_loop3A_360 : vector<16xf32> to vector<16xf32>
        %parallel_loop3A_362 = vector.shape_cast %parallel_loop3A_358 : vector<16xf32> to vector<16xf32>
        tpu.vector_store %arg10[%parallel_loop3A_359], %parallel_loop3A_362 {strides = array<i32>} : memref<4096xf32, #tpu.memory_space<vmem>>, vector<16xf32>,
        %parallel_loop3A_363 = arith.index_cast %parallel_loop3A_279 : i32 to index
        %parallel_loop3A_364 = tpu.vector_load %arg11[%parallel_loop3A_363] {strides = array<i32>} : memref<4096xf32, #tpu.memory_space<vmem>>, vector<16xf32>,
        %parallel_loop3A_365 = vector.shape_cast %parallel_loop3A_364 : vector<16xf32> to vector<16xf32>
        %parallel_loop3A_366 = vector.shape_cast %parallel_loop3A_354 : vector<16xf32> to vector<16xf32>
        tpu.vector_store %arg11[%parallel_loop3A_363], %parallel_loop3A_366 {strides = array<i32>} : memref<4096xf32, #tpu.memory_space<vmem>>, vector<16xf32>,
        %parallel_loop3A_367 = arith.constant 0x4B000000 : f32
        %parallel_loop3A_368 = vector.broadcast %parallel_loop3A_367 : f32 to vector<16xf32>
        %parallel_loop3A_369 = arith.addf %parallel_loop3A_353, %parallel_loop3A_368 : vector<16xf32>
        %parallel_loop3A_370 = arith.constant 0x4B000000 : f32
        %parallel_loop3A_371 = vector.broadcast %parallel_loop3A_370 : f32 to vector<16xf32>
        %parallel_loop3A_372 = arith.subf %parallel_loop3A_369, %parallel_loop3A_371 : vector<16xf32>
        %parallel_loop3A_373 = arith.fptosi %parallel_loop3A_372 : vector<16xf32> to vector<16xi32>
        %parallel_loop3A_374 = arith.constant 0x4B000000 : f32
        %parallel_loop3A_375 = vector.broadcast %parallel_loop3A_374 : f32 to vector<16xf32>
        %parallel_loop3A_376 = arith.addf %parallel_loop3A_354, %parallel_loop3A_375 : vector<16xf32>
        %parallel_loop3A_377 = arith.constant 0x4B000000 : f32
        %parallel_loop3A_378 = vector.broadcast %parallel_loop3A_377 : f32 to vector<16xf32>
        %parallel_loop3A_379 = arith.subf %parallel_loop3A_376, %parallel_loop3A_378 : vector<16xf32>
        %parallel_loop3A_380 = arith.fptosi %parallel_loop3A_379 : vector<16xf32> to vector<16xi32>
        %parallel_loop3A_381 = arith.constant 9 : i32
        %parallel_loop3A_382 = vector.broadcast %parallel_loop3A_381 : i32 to vector<16xi32>
        %parallel_loop3A_383 = arith.shli %parallel_loop3A_380, %parallel_loop3A_382 : vector<16xi32>
        %parallel_loop3A_384 = arith.ori %parallel_loop3A_383, %parallel_loop3A_373 : vector<16xi32>
        %parallel_loop3A_385 = arith.constant 16 : i32
        %parallel_loop3A_386 = arith.muli %parallel_loop3A_275, %parallel_loop3A_385 : i32
        %parallel_loop3A_387 = arith.constant 0 : i32
        %parallel_loop3A_388 = arith.index_cast %parallel_loop3A_387 : i32 to index
        %parallel_loop3A_389 = arith.index_cast %parallel_loop3A_386 : i32 to index
        %parallel_loop3A_390 = tpu.vector_load %arg8[%parallel_loop3A_388, %parallel_loop3A_389] {strides = array<i32>} : memref<1x4096xi32, #tpu.memory_space<vmem>>, vector<1x16xi32>,
        %parallel_loop3A_391 = vector.shape_cast %parallel_loop3A_390 : vector<1x16xi32> to vector<16xi32>
        %parallel_loop3A_392 = vector.shape_cast %parallel_loop3A_384 : vector<16xi32> to vector<1x16xi32>
        tpu.vector_store %arg8[%parallel_loop3A_388, %parallel_loop3A_389], %parallel_loop3A_392 {strides = array<i32>} : memref<1x4096xi32, #tpu.memory_space<vmem>>, vector<1x16xi32>,
        %parallel_loop3A_393 = arith.constant 262144 : i32
        %parallel_loop3A_394 = vector.broadcast %parallel_loop3A_393 : i32 to vector<16xi32>
        %parallel_loop3A_395 = arith.addi %parallel_loop3A_384, %parallel_loop3A_394 : vector<16xi32>
        %parallel_loop3A_396 = arith.constant 16 : i32
        %parallel_loop3A_397 = arith.muli %parallel_loop3A_275, %parallel_loop3A_396 : i32
        %parallel_loop3A_398 = arith.constant 2048 : i32
        %parallel_loop3A_399 = arith.addi %parallel_loop3A_398, %parallel_loop3A_397 : i32
        %parallel_loop3A_400 = arith.constant 0 : i32
        %parallel_loop3A_401 = arith.index_cast %parallel_loop3A_400 : i32 to index
        %parallel_loop3A_402 = arith.index_cast %parallel_loop3A_399 : i32 to index
        %parallel_loop3A_403 = tpu.vector_load %arg8[%parallel_loop3A_401, %parallel_loop3A_402] {strides = array<i32>} : memref<1x4096xi32, #tpu.memory_space<vmem>>, vector<1x16xi32>,
        %parallel_loop3A_404 = vector.shape_cast %parallel_loop3A_403 : vector<1x16xi32> to vector<16xi32>
        %parallel_loop3A_405 = vector.shape_cast %parallel_loop3A_395 : vector<16xi32> to vector<1x16xi32>
        tpu.vector_store %arg8[%parallel_loop3A_401, %parallel_loop3A_402], %parallel_loop3A_405 {strides = array<i32>} : memref<1x4096xi32, #tpu.memory_space<vmem>>, vector<1x16xi32>,
      } {sc.loop_unroll_factor = 4 : i64, sc.parallel_access}
      %dma_start3A_266 = arith.constant 0 : i32
      %dma_start3A_267 = arith.constant 4096 : i32
      %dma_start3A_268 = tpu.memref_slice %arg9[%dma_start3A_267] : memref<8192xf32, #tpu.memory_space<vmem>> -> memref<4096xf32, #tpu.memory_space<vmem>>
      %dma_start3A_269 = arith.constant 0 : i32
      %dma_start3A_270 = tpu.memref_slice %arg8[%dma_start3A_266, %dma_start3A_269] : memref<1x4096xi32, #tpu.memory_space<vmem>> -> memref<1x4096xi32, #tpu.memory_space<vmem>>
      %dma_start3A_271 = tpu.memref_squeeze %dma_start3A_270 : memref<1x4096xi32, #tpu.memory_space<vmem>> -> memref<4096xi32, #tpu.memory_space<vmem>>
      %dma_start3A_272 = arith.constant 0 : i32
      %dma_start3A_273 = tpu.memref_slice %arg14[%dma_start3A_272] : memref<524288xf32, #tpu.memory_space<vmem_shared>> -> memref<524288xf32, #tpu.memory_space<vmem_shared>>
      tpu.enqueue_indirect_dma source(%dma_start3A_273 : memref<524288xf32, #tpu.memory_space<vmem_shared>>) target(%dma_start3A_268 : memref<4096xf32, #tpu.memory_space<vmem>>) offsets(%dma_start3A_271 : memref<4096xi32, #tpu.memory_space<vmem>>) semaphore(%arg16 : memref<!tpu.dma_semaphore, #tpu.memory_space<semaphore_mem>>)
      %while3A_274 = arith.constant 0 : i32
      scf.yield %while3A_274 : i32
    }
    %dma_wait3A_210 = arith.constant 0 : i32
    %dma_wait3A_211 = tpu.memref_slice %arg9[%dma_wait3A_210] : memref<8192xf32, #tpu.memory_space<vmem>> -> memref<4096xf32, #tpu.memory_space<vmem>>
    %dma_wait3A_212 = arith.constant 0 : i32
    %dma_wait3A_213 = tpu.memref_slice %arg2[%dma_wait3A_212] : memref<262144xf32, #tpu.memory_space<hbm>> -> memref<4096xf32, #tpu.memory_space<hbm>>
    %dma_wait3A_214 = arith.constant 0 : i32
    %dma_wait3A_215 = tpu.memref_slice %arg9[%dma_wait3A_214] : memref<8192xf32, #tpu.memory_space<vmem>> -> memref<4096xf32, #tpu.memory_space<vmem>>
    %dma_wait3A_216 = arith.constant 0 : i32
    %dma_wait3A_217 = tpu.memref_slice %arg2[%dma_wait3A_216] : memref<262144xf32, #tpu.memory_space<hbm>> -> memref<4096xf32, #tpu.memory_space<hbm>>
    tpu.wait_dma2 semaphore(%arg15 : memref<!tpu.dma_semaphore, #tpu.memory_space<semaphore_mem>>) src(%dma_wait3A_217 : memref<4096xf32, #tpu.memory_space<hbm>>) dst(%dma_wait3A_215 : memref<4096xf32, #tpu.memory_space<vmem>>)
    %dma_wait3A_218 = arith.constant 4096 : i32
    %dma_wait3A_219 = tpu.memref_slice %arg9[%dma_wait3A_218] : memref<8192xf32, #tpu.memory_space<vmem>> -> memref<4096xf32, #tpu.memory_space<vmem>>
    %dma_wait3A_220 = arith.constant 0 : i32
    %dma_wait3A_221 = tpu.memref_slice %arg2[%dma_wait3A_220] : memref<262144xf32, #tpu.memory_space<hbm>> -> memref<4096xf32, #tpu.memory_space<hbm>>
    %dma_wait3A_222 = arith.constant 4096 : i32
    %dma_wait3A_223 = tpu.memref_slice %arg9[%dma_wait3A_222] : memref<8192xf32, #tpu.memory_space<vmem>> -> memref<4096xf32, #tpu.memory_space<vmem>>
    %dma_wait3A_224 = arith.constant 0 : i32
    %dma_wait3A_225 = tpu.memref_slice %arg2[%dma_wait3A_224] : memref<262144xf32, #tpu.memory_space<hbm>> -> memref<4096xf32, #tpu.memory_space<hbm>>
    tpu.wait_dma2 semaphore(%arg16 : memref<!tpu.dma_semaphore, #tpu.memory_space<semaphore_mem>>) src(%dma_wait3A_225 : memref<4096xf32, #tpu.memory_space<hbm>>) dst(%dma_wait3A_223 : memref<4096xf32, #tpu.memory_space<vmem>>)
    %parallel_loop3A_226 = arith.constant 0 : i32
    %parallel_loop3A_227 = arith.constant 128 : i32
    %parallel_loop3A_228 = arith.constant 1 : i32
    scf.for %parallel_loop3A_234 = %parallel_loop3A_226 to %parallel_loop3A_227 step %parallel_loop3A_228  : i32 {
      %parallel_loop3A_235 = arith.constant 16 : i32
      %parallel_loop3A_236 = arith.muli %parallel_loop3A_234, %parallel_loop3A_235 : i32
      %parallel_loop3A_237 = arith.constant 0 : i32
      %parallel_loop3A_238 = arith.addi %parallel_loop3A_237, %parallel_loop3A_236 : i32
      %parallel_loop3A_239 = arith.index_cast %parallel_loop3A_238 : i32 to index
      %parallel_loop3A_240 = tpu.vector_load %arg12[%parallel_loop3A_239] {strides = array<i32>} : memref<4096xf32, #tpu.memory_space<vmem>>, vector<16xf32>,
      %parallel_loop3A_241 = vector.shape_cast %parallel_loop3A_240 : vector<16xf32> to vector<16xf32>
      %parallel_loop3A_242 = arith.constant 16 : i32
      %parallel_loop3A_243 = arith.muli %parallel_loop3A_234, %parallel_loop3A_242 : i32
      %parallel_loop3A_244 = arith.constant 0 : i32
      %parallel_loop3A_245 = arith.addi %parallel_loop3A_244, %parallel_loop3A_243 : i32
      %parallel_loop3A_246 = arith.index_cast %parallel_loop3A_245 : i32 to index
      %parallel_loop3A_247 = tpu.vector_load %arg9[%parallel_loop3A_246] {strides = array<i32>} : memref<8192xf32, #tpu.memory_space<vmem>>, vector<16xf32>,
      %parallel_loop3A_248 = vector.shape_cast %parallel_loop3A_247 : vector<16xf32> to vector<16xf32>
      %parallel_loop3A_249 = arith.addf %parallel_loop3A_241, %parallel_loop3A_248 : vector<16xf32>
      %parallel_loop3A_250 = arith.index_cast %parallel_loop3A_238 : i32 to index
      %parallel_loop3A_251 = tpu.vector_load %arg12[%parallel_loop3A_250] {strides = array<i32>} : memref<4096xf32, #tpu.memory_space<vmem>>, vector<16xf32>,
      %parallel_loop3A_252 = vector.shape_cast %parallel_loop3A_251 : vector<16xf32> to vector<16xf32>
      %parallel_loop3A_253 = vector.shape_cast %parallel_loop3A_249 : vector<16xf32> to vector<16xf32>
      tpu.vector_store %arg12[%parallel_loop3A_250], %parallel_loop3A_253 {strides = array<i32>} : memref<4096xf32, #tpu.memory_space<vmem>>, vector<16xf32>,
      %parallel_loop3A_254 = arith.index_cast %parallel_loop3A_238 : i32 to index
      %parallel_loop3A_255 = tpu.vector_load %arg13[%parallel_loop3A_254] {strides = array<i32>} : memref<4096xf32, #tpu.memory_space<vmem>>, vector<16xf32>,
      %parallel_loop3A_256 = vector.shape_cast %parallel_loop3A_255 : vector<16xf32> to vector<16xf32>
      %parallel_loop3A_257 = arith.constant 16 : i32
      %parallel_loop3A_258 = arith.muli %parallel_loop3A_234, %parallel_loop3A_257 : i32
      %parallel_loop3A_259 = arith.constant 2048 : i32
      %parallel_loop3A_260 = arith.addi %parallel_loop3A_259, %parallel_loop3A_258 : i32
      %parallel_loop3A_261 = arith.index_cast %parallel_loop3A_260 : i32 to index
      %parallel_loop3A_262 = tpu.vector_load %arg9[%parallel_loop3A_261] {strides = array<i32>} : memref<8192xf32, #tpu.memory_space<vmem>>, vector<16xf32>,
      %parallel_loop3A_263 = vector.shape_cast %parallel_loop3A_262 : vector<16xf32> to vector<16xf32>
      %parallel_loop3A_264 = arith.addf %parallel_loop3A_256, %parallel_loop3A_263 : vector<16xf32>
      %parallel_loop3A_265 = arith.index_cast %parallel_loop3A_238 : i32 to index
      %parallel_loop3A_266 = tpu.vector_load %arg13[%parallel_loop3A_265] {strides = array<i32>} : memref<4096xf32, #tpu.memory_space<vmem>>, vector<16xf32>,
      %parallel_loop3A_267 = vector.shape_cast %parallel_loop3A_266 : vector<16xf32> to vector<16xf32>
      %parallel_loop3A_268 = vector.shape_cast %parallel_loop3A_264 : vector<16xf32> to vector<16xf32>
      tpu.vector_store %arg13[%parallel_loop3A_265], %parallel_loop3A_268 {strides = array<i32>} : memref<4096xf32, #tpu.memory_space<vmem>>, vector<16xf32>,
    } {sc.loop_unroll_factor = 4 : i64, sc.parallel_access}
    %parallel_loop3A_229 = arith.constant 0 : i32
    %parallel_loop3A_230 = arith.constant 128 : i32
    %parallel_loop3A_231 = arith.constant 1 : i32
    scf.for %parallel_loop3A_234 = %parallel_loop3A_229 to %parallel_loop3A_230 step %parallel_loop3A_231  : i32 {
      %parallel_loop3A_235 = arith.constant 16 : i32
      %parallel_loop3A_236 = arith.muli %parallel_loop3A_234, %parallel_loop3A_235 : i32
      %parallel_loop3A_237 = arith.constant 2048 : i32
      %parallel_loop3A_238 = arith.addi %parallel_loop3A_237, %parallel_loop3A_236 : i32
      %parallel_loop3A_239 = arith.index_cast %parallel_loop3A_238 : i32 to index
      %parallel_loop3A_240 = tpu.vector_load %arg12[%parallel_loop3A_239] {strides = array<i32>} : memref<4096xf32, #tpu.memory_space<vmem>>, vector<16xf32>,
      %parallel_loop3A_241 = vector.shape_cast %parallel_loop3A_240 : vector<16xf32> to vector<16xf32>
      %parallel_loop3A_242 = arith.constant 16 : i32
      %parallel_loop3A_243 = arith.muli %parallel_loop3A_234, %parallel_loop3A_242 : i32
      %parallel_loop3A_244 = arith.constant 4096 : i32
      %parallel_loop3A_245 = arith.addi %parallel_loop3A_244, %parallel_loop3A_243 : i32
      %parallel_loop3A_246 = arith.index_cast %parallel_loop3A_245 : i32 to index
      %parallel_loop3A_247 = tpu.vector_load %arg9[%parallel_loop3A_246] {strides = array<i32>} : memref<8192xf32, #tpu.memory_space<vmem>>, vector<16xf32>,
      %parallel_loop3A_248 = vector.shape_cast %parallel_loop3A_247 : vector<16xf32> to vector<16xf32>
      %parallel_loop3A_249 = arith.addf %parallel_loop3A_241, %parallel_loop3A_248 : vector<16xf32>
      %parallel_loop3A_250 = arith.index_cast %parallel_loop3A_238 : i32 to index
      %parallel_loop3A_251 = tpu.vector_load %arg12[%parallel_loop3A_250] {strides = array<i32>} : memref<4096xf32, #tpu.memory_space<vmem>>, vector<16xf32>,
      %parallel_loop3A_252 = vector.shape_cast %parallel_loop3A_251 : vector<16xf32> to vector<16xf32>
      %parallel_loop3A_253 = vector.shape_cast %parallel_loop3A_249 : vector<16xf32> to vector<16xf32>
      tpu.vector_store %arg12[%parallel_loop3A_250], %parallel_loop3A_253 {strides = array<i32>} : memref<4096xf32, #tpu.memory_space<vmem>>, vector<16xf32>,
      %parallel_loop3A_254 = arith.index_cast %parallel_loop3A_238 : i32 to index
      %parallel_loop3A_255 = tpu.vector_load %arg13[%parallel_loop3A_254] {strides = array<i32>} : memref<4096xf32, #tpu.memory_space<vmem>>, vector<16xf32>,
      %parallel_loop3A_256 = vector.shape_cast %parallel_loop3A_255 : vector<16xf32> to vector<16xf32>
      %parallel_loop3A_257 = arith.constant 16 : i32
      %parallel_loop3A_258 = arith.muli %parallel_loop3A_234, %parallel_loop3A_257 : i32
      %parallel_loop3A_259 = arith.constant 6144 : i32
      %parallel_loop3A_260 = arith.addi %parallel_loop3A_259, %parallel_loop3A_258 : i32
      %parallel_loop3A_261 = arith.index_cast %parallel_loop3A_260 : i32 to index
      %parallel_loop3A_262 = tpu.vector_load %arg9[%parallel_loop3A_261] {strides = array<i32>} : memref<8192xf32, #tpu.memory_space<vmem>>, vector<16xf32>,
      %parallel_loop3A_263 = vector.shape_cast %parallel_loop3A_262 : vector<16xf32> to vector<16xf32>
      %parallel_loop3A_264 = arith.addf %parallel_loop3A_256, %parallel_loop3A_263 : vector<16xf32>
      %parallel_loop3A_265 = arith.index_cast %parallel_loop3A_238 : i32 to index
      %parallel_loop3A_266 = tpu.vector_load %arg13[%parallel_loop3A_265] {strides = array<i32>} : memref<4096xf32, #tpu.memory_space<vmem>>, vector<16xf32>,
      %parallel_loop3A_267 = vector.shape_cast %parallel_loop3A_266 : vector<16xf32> to vector<16xf32>
      %parallel_loop3A_268 = vector.shape_cast %parallel_loop3A_264 : vector<16xf32> to vector<16xf32>
      tpu.vector_store %arg13[%parallel_loop3A_265], %parallel_loop3A_268 {strides = array<i32>} : memref<4096xf32, #tpu.memory_space<vmem>>, vector<16xf32>,
    } {sc.loop_unroll_factor = 4 : i64, sc.parallel_access}
    %run_scoped3A_232 = arith.constant 0 : i32
    "tpu.region"() ({
      %run_scoped3A_234 = tpu.sem_alloc : memref<!tpu.dma_semaphore, #tpu.memory_space<semaphore_mem>>
      %dma_start3A_235 = tpu.memref_slice %arg5[%run_scoped3A_232, %add3A_127] : memref<2x262144xf32, #tpu.memory_space<hbm>> -> memref<1x4096xf32, #tpu.memory_space<hbm>>
      %dma_start3A_236 = tpu.memref_squeeze %dma_start3A_235 : memref<1x4096xf32, #tpu.memory_space<hbm>> -> memref<4096xf32, #tpu.memory_space<hbm>>
      %dma_start3A_237 = tpu.memref_slice %arg5[%run_scoped3A_232, %add3A_127] : memref<2x262144xf32, #tpu.memory_space<hbm>> -> memref<1x4096xf32, #tpu.memory_space<hbm>>
      %dma_start3A_238 = tpu.memref_squeeze %dma_start3A_237 : memref<1x4096xf32, #tpu.memory_space<hbm>> -> memref<4096xf32, #tpu.memory_space<hbm>>
      tpu.enqueue_dma source(%arg12 : memref<4096xf32, #tpu.memory_space<vmem>>) target(%dma_start3A_238 : memref<4096xf32, #tpu.memory_space<hbm>>) target_semaphore(%run_scoped3A_234 : memref<!tpu.dma_semaphore, #tpu.memory_space<semaphore_mem>>)
      %dma_wait3A_239 = tpu.memref_slice %arg5[%run_scoped3A_232, %add3A_127] : memref<2x262144xf32, #tpu.memory_space<hbm>> -> memref<1x4096xf32, #tpu.memory_space<hbm>>
      %dma_wait3A_240 = tpu.memref_squeeze %dma_wait3A_239 : memref<1x4096xf32, #tpu.memory_space<hbm>> -> memref<4096xf32, #tpu.memory_space<hbm>>
      %dma_wait3A_241 = tpu.memref_slice %arg5[%run_scoped3A_232, %add3A_127] : memref<2x262144xf32, #tpu.memory_space<hbm>> -> memref<1x4096xf32, #tpu.memory_space<hbm>>
      %dma_wait3A_242 = tpu.memref_squeeze %dma_wait3A_241 : memref<1x4096xf32, #tpu.memory_space<hbm>> -> memref<4096xf32, #tpu.memory_space<hbm>>
      tpu.wait_dma2 semaphore(%run_scoped3A_234 : memref<!tpu.dma_semaphore, #tpu.memory_space<semaphore_mem>>) src(%arg12 : memref<4096xf32, #tpu.memory_space<vmem>>) dst(%dma_wait3A_242 : memref<4096xf32, #tpu.memory_space<hbm>>)
      tpu.yield
    }) : () -> ()
    %run_scoped3A_233 = arith.constant 1 : i32
    "tpu.region"() ({
      %run_scoped3A_234 = tpu.sem_alloc : memref<!tpu.dma_semaphore, #tpu.memory_space<semaphore_mem>>
      %dma_start3A_235 = tpu.memref_slice %arg5[%run_scoped3A_233, %add3A_127] : memref<2x262144xf32, #tpu.memory_space<hbm>> -> memref<1x4096xf32, #tpu.memory_space<hbm>>
      %dma_start3A_236 = tpu.memref_squeeze %dma_start3A_235 : memref<1x4096xf32, #tpu.memory_space<hbm>> -> memref<4096xf32, #tpu.memory_space<hbm>>
      %dma_start3A_237 = tpu.memref_slice %arg5[%run_scoped3A_233, %add3A_127] : memref<2x262144xf32, #tpu.memory_space<hbm>> -> memref<1x4096xf32, #tpu.memory_space<hbm>>
      %dma_start3A_238 = tpu.memref_squeeze %dma_start3A_237 : memref<1x4096xf32, #tpu.memory_space<hbm>> -> memref<4096xf32, #tpu.memory_space<hbm>>
      tpu.enqueue_dma source(%arg13 : memref<4096xf32, #tpu.memory_space<vmem>>) target(%dma_start3A_238 : memref<4096xf32, #tpu.memory_space<hbm>>) target_semaphore(%run_scoped3A_234 : memref<!tpu.dma_semaphore, #tpu.memory_space<semaphore_mem>>)
      %dma_wait3A_239 = tpu.memref_slice %arg5[%run_scoped3A_233, %add3A_127] : memref<2x262144xf32, #tpu.memory_space<hbm>> -> memref<1x4096xf32, #tpu.memory_space<hbm>>
      %dma_wait3A_240 = tpu.memref_squeeze %dma_wait3A_239 : memref<1x4096xf32, #tpu.memory_space<hbm>> -> memref<4096xf32, #tpu.memory_space<hbm>>
      %dma_wait3A_241 = tpu.memref_slice %arg5[%run_scoped3A_233, %add3A_127] : memref<2x262144xf32, #tpu.memory_space<hbm>> -> memref<1x4096xf32, #tpu.memory_space<hbm>>
      %dma_wait3A_242 = tpu.memref_squeeze %dma_wait3A_241 : memref<1x4096xf32, #tpu.memory_space<hbm>> -> memref<4096xf32, #tpu.memory_space<hbm>>
      tpu.wait_dma2 semaphore(%run_scoped3A_234 : memref<!tpu.dma_semaphore, #tpu.memory_space<semaphore_mem>>) src(%arg13 : memref<4096xf32, #tpu.memory_space<vmem>>) dst(%dma_wait3A_242 : memref<4096xf32, #tpu.memory_space<hbm>>)
      tpu.yield
    }) : () -> ()
    return
  }
}

</mosaic_0001>

<sc_bundles>
// kernel: kernel.3.cloned.1.call-start
scs
__scs_entry_jumppad:
0x0: {  	(pc) =	sbr.rel $0x88, $3  }
0x1: {  	(tag) =	ssettag $0x0;
	lr =	simm.s32 $0x1  }
0x2: {  	[smem:$0x3F9F] =	sst lr;
	_ =	strace $0xD0000000  }
0x3: {  	_ = 	snop  }
0x4: {  	_ = 	snop  }
0x5: {  	_ = 	snop  }
0x6: {  	_ = 	snop  }
0x7: {  	_ = 	snop  }
__scs_overlays_trampoline_lowered:
0x8: {  	[smem:$0x3FAE] =	sst s0  }
0x9: {  	[smem:$0x3FAF] =	sst s1  }
0xa: {  	[smem:$0x3FB0] =	sst s2  }
0xb: {  	[smem:$0x3FB1] =	sst s3  }
0xc: {  	[smem:$0x3FB2] =	sst s4  }
0xd: {  	[smem:$0x3FB3] =	sst s5  }
0xe: {  	[smem:$0x3FB4] =	sst s6  }
0xf: {  	[smem:$0x3FB5] =	sst s7  }
0x10: {  	[smem:$0x3FB6] =	sst s8  }
0x11: {  	[smem:$0x3FB7] =	sst s9;
	s0 =	simm.s32 @!p0 $0x0  }
0x12: {  	s1 =	sld [smem:$0x3F9D];
	s0 =	simm.s32 @p0 $0x1  }
0x13: {  	[smem:$0x3FB8] =	sst s0;
	s0 =	simm.s32 @!p1 $0x0  }
0x14: {  	s2 =	sld [smem:$0x3F9C];
	s0 =	simm.s32 @p1 $0x1  }
0x15: {  	[smem:$0x3FB9] =	sst s0;
	s0 =	simm.s32 @!p2 $0x0  }
0x16: {  	s3 =	sld [smem:$0x3FDB];
	s0 =	simm.s32 @p2 $0x1  }
0x17: {  	s4 =	simm.s32 $0x1BF5;
	[smem:$0x3FBB] =	sst s0  }
0x18: {  	s0 =	sld [smem:$0x3F9E];
	_ =	swait.ge [sflag:s4], $0x0  }
0x19: {  	s7 =	sld [smem:$0x3F9F]  }
0x1a: {  	s8 =	sadd.s32 $0xFFFFE003, lr  }
0x1b: {  	s9 =	sadd.s32 $0xFFFFFEF7, lr;
	s5 =	simm.s32 $0xFFFFFFFF;
	p2 =	slt.u32 s8, $0xFFFFF086  }
0x1c: {  	p1 =	slt.u32 s9, $0xF7A;
	s5 =	simm.s32 @!p2 $0x0  }
0x1d: {  	s5 =	simm.s32 @p1 $0x1;
	p0 =	seq.s32 s7, s2  }
0x1e: {  	s7 =	smul.u32 @!p0 $0xF7A, s2;
	p2 =	seq.s32 @!p0 s5, $0x0  }
0x1f: {  	s9 =	smul.u32 $0xF7A, s1;
	s8 =	simm.s32 @!p0 $0x1BF5;
	p2 =	por !p2, p0  }
0x20: {  	[sflag:s8] =	ssyncset.s32 @!p0 $0xFFFFF086;
	s6 =	sadd.s32 @!p0 s3, s7;
	s7 =	simm.s32 @!p0 $0x108  }
0x21: {  	s3 =	sadd.s32 s3, s9;
	s6 =	sadd.s32 @!p0 $0x88, s6;
	s7 =	simm.s32 @p2 $0x1082  }
0x22: {  	[simem:s7], [sflag:s8] =	dma.local @!p0 [hbm:s6], $0xF7A  }
0x23: {  	s9 =	sor.u32 $0xD0000000, s2;
	s6 =	simm.s32 $0x108;
	_ =	swait.ge @!p0 [sflag:s8], $0x0  }
0x24: {  	s3 =	sadd.s32 $0x88, s3;
	s6 =	simm.s32 @!p1 $0x1082;
	[sflag:s4] =	ssyncset.s32 $0xFFFFF086  }
0x25: {  	[simem:s6], [sflag:s4] =	dma.local [hbm:s3], $0xF7A  }
0x26: {  	[smem:$0x3F9F] =	sst s1;
	(tag) =	ssettag s2;
	_ =	strace s9  }
0x27: {  	s1 =	sld [smem:$0x3FAF]  }
0x28: {  	s2 =	sld [smem:$0x3FB0]  }
0x29: {  	s4 =	sld [smem:$0x3FB2]  }
0x2a: {  	p0 =	seq.s32 s5, $0x0;
	s5 =	sld [smem:$0x3FB3]  }
0x2b: {  	s6 =	sld [smem:$0x3FB4]  }
0x2c: {  	s7 =	sld [smem:$0x3FB5]  }
0x2d: {  	s3 =	simm.s32 $0x108;
	s8 =	sld [smem:$0x3FB6]  }
0x2e: {  	s3 =	simm.s32 @!p0 $0x1082;
	s9 =	sld [smem:$0x3FB7]  }
0x2f: {  	lr =	sadd.s32 s0, s3;
	s0 =	sld [smem:$0x3FAE]  }
0x30: {  	s3 =	sld [smem:$0x3FB1]  }
0x31: {  	[smem:$0x3FBA] =	sst s10  }
0x32: {  	s10 =	sld [smem:$0x3FB8];
	_ =	sdelay $0x3  }
0x33: {  	p0 =	seq.s32 s10, $0x1;
	s10 =	sld [smem:$0x3FBA];
	_ =	sdelay $0x3  }
0x34: {  	[smem:$0x3FBA] =	sst s10  }
0x35: {  	s10 =	sld [smem:$0x3FB9];
	_ =	sdelay $0x3  }
0x36: {  	p1 =	seq.s32 s10, $0x1;
	s10 =	sld [smem:$0x3FBA];
	_ =	sdelay $0x3  }
0x37: {  	[smem:$0x3FBA] =	sst s10  }
0x38: {  	s10 =	sld [smem:$0x3FBB]  }
0x39: {  	_ = 	snop;
	(pc) =	sbr.ind lr, $3  }
0x3a: {  	_ = 	snop  }
0x3b: {  	_ = 	snop  }
0x3c: {  	p2 =	seq.s32 s10, $0x1;
	s10 =	sld [smem:$0x3FBA]  }
0x3d: {  	_ =	shalt  }
0x3e: {  	_ =	shalt  }
0x3f: {  	_ =	shalt  }
0x40: {  	_ =	shalt  }
0x41: {  	_ =	shalt  }
0x42: {  	_ =	shalt  }
0x43: {  	_ =	shalt  }
0x44: {  	_ =	shalt  }
0x45: {  	_ =	shalt  }
0x46: {  	_ =	shalt  }
0x47: {  	_ =	shalt  }
0x48: {  	_ =	shalt  }
0x49: {  	_ =	shalt  }
0x4a: {  	_ =	shalt  }
0x4b: {  	_ =	shalt  }
0x4c: {  	_ =	shalt  }
0x4d: {  	_ =	shalt  }
0x4e: {  	_ =	shalt  }
0x4f: {  	_ =	shalt  }
0x50: {  	_ =	shalt  }
0x51: {  	_ =	shalt  }
0x52: {  	_ =	shalt  }
0x53: {  	_ =	shalt  }
0x54: {  	_ =	shalt  }
0x55: {  	_ =	shalt  }
0x56: {  	_ =	shalt  }
0x57: {  	_ =	shalt  }
0x58: {  	_ =	shalt  }
0x59: {  	_ =	shalt  }
0x5a: {  	_ =	shalt  }
0x5b: {  	_ =	shalt  }
0x5c: {  	_ =	shalt  }
0x5d: {  	_ =	shalt  }
0x5e: {  	_ =	shalt  }
0x5f: {  	_ =	shalt  }
0x60: {  	_ =	shalt  }
0x61: {  	_ =	shalt  }
0x62: {  	_ =	shalt  }
0x63: {  	_ =	shalt  }
0x64: {  	_ =	shalt  }
0x65: {  	_ =	shalt  }
0x66: {  	_ =	shalt  }
0x67: {  	_ =	shalt  }
0x68: {  	_ =	shalt  }
0x69: {  	_ =	shalt  }
0x6a: {  	_ =	shalt  }
0x6b: {  	_ =	shalt  }
0x6c: {  	_ =	shalt  }
0x6d: {  	_ =	shalt  }
0x6e: {  	_ =	shalt  }
0x6f: {  	_ =	shalt  }
0x70: {  	_ =	shalt  }
0x71: {  	_ =	shalt  }
0x72: {  	_ =	shalt  }
0x73: {  	_ =	shalt  }
0x74: {  	_ =	shalt  }
0x75: {  	_ =	shalt  }
0x76: {  	_ =	shalt  }
0x77: {  	_ =	shalt  }
0x78: {  	_ =	shalt  }
0x79: {  	_ =	shalt  }
0x7a: {  	_ =	shalt  }
0x7b: {  	_ =	shalt  }
0x7c: {  	_ =	shalt  }
0x7d: {  	_ =	shalt  }
0x7e: {  	_ =	shalt  }
0x7f: {  	_ =	shalt  }
0x80: {  	_ =	shalt  }
0x81: {  	_ =	shalt  }
0x82: {  	_ =	shalt  }
0x83: {  	_ =	shalt  }
0x84: {  	_ =	shalt  }
0x85: {  	_ =	shalt  }
0x86: {  	_ =	shalt  }
0x87: {  	_ =	shalt  }
.Lfunc_end0:
.L_simem_size_0:
called_computation_lowered:
.L_overlay_start_0:
0x88: {  	s2 =	sld [smem:$0x3FD9]  }
0x89: {  	s3 =	sld [smem:$0x3FFE];
	_ =	sdelay $0x1  }
0x8a: {  	s1 =	srdreg.scid  }
0x8b: {  	s0 =	sand.u32 $0x1, s1  }
0x8c: {  	s17 =	sshll.u32 s0, $0xA;
	s2 =	sadd.s32 s3, s2  }
0x8d: {  	s2 =	sadd.s32 s2, s17  }
0x8e: {  	[smem:$0x3FC6] =	sst s2  }
0x8f: {  	_ = 	snop  }
0x90: {  	s2 =	sld [smem:$0x3FD0];
	(tm) =	ssettm $0x1  }
0x91: {  	s18 =	sld [smem:$0x3FFB];
	_ =	sdelay $0x3  }
0x92: {  	_ =	strace s18  }
0x93: {  	s3 =	sld [smem:$0x3FFC];
	_ =	sdelay $0x3  }
0x94: {  	_ =	strace s3  }
0x95: {  	s3 =	sld [smem:$0x3FFD];
	_ =	sdelay $0x3  }
0x96: {  	_ =	strace s3  }
0x97: {  	_ =	strace $0x8FFFFFFF  }
0x98: {  	s19 =	sld [smem:$0x3FDB];
	_ =	sdelay $0x1  }
0x99: {  	s4 =	simm.s32 $_scs_section_size  }
0x9a: {  	s5 =	simm.s32 $_size__tile_overlayer_lowered;
	s6 =	simm.s32 $_tile_overlayer_lowered  }
0x9b: {  	s22 =	simm.s32 $0x1BFF;
	s21 =	sshll.u32 s6, $0x1;
	s3 =	sadd.s32 s4, s19  }
0x9c: {  	s7 =	simm.s32 $0x0;
	s20 =	sshll.u32 s5, $0x1;
	s5 =	sadd.s32 s21, s3  }
0x9d: {  	[timem:s7], [sflag:s22] =	dma.local [hbm:s5], s20  }
0x9e: {  	_ =	swait.ge [sflag:s22], s20  }
0x9f: {  	s4 =	ssub.s32 $0x0, s20;
	[sflag:s22] =	ssyncset.done $0x0  }
0xa0: {  	[sflag:s22] =	ssyncadd.s32 s4;
	_ =	sdelay $0x1  }
0xa1: {  	s23 =	simm.s32 $0x1B8B  }
0xa2: {  	_ =	swait.ge [sflag:s23], $0x1  }
0xa3: {  	[sflag:s23] =	ssyncset.done $0x0  }
0xa4: {  	s25 =	simm.s32 $0x1B8E;
	s24 =	sld [smem:$0x3FFE];
	[sflag:s23] =	ssyncadd.s32 $0xFFFFFFFF  }
0xa5: {  	s26 =	simm.s32 $execute0_lowered;
	[smem:$0x3FD2] =	sst s25  }
0xa6: {  	s5 =	sshll.u32 s26, $0x1;
	_ =	strace $0x80000046;
	[dreg:$0x1] =	wrdreg $0xFFFFFFFF  }
0xa7: {  	s28 =	simm.s32 $_size_execute0_lowered;
	s3 =	sadd.s32 s3, s5;
	[dreg:$0x0] =	wrdreg $0x0  }
0xa8: {  	s5 =	sshll.u32 s28, $0x1;
	[dreg:$0x2] =	wrdreg s3  }
0xa9: {  	[dreg:$0x3] =	wrdreg s5  }
0xaa: {  	[dreg:$0x4] =	wrdreg $0xC0  }
0xab: {  	_ =	task [dreg:s7], $0x5FFFF  }
0xac: {  	[dreg:$0x1] =	wrdreg $0xFFFFFFFF  }
0xad: {  	[dreg:$0x0] =	wrdreg $0x60  }
0xae: {  	[dreg:$0x2] =	wrdreg s2  }
0xaf: {  	[dreg:$0x3] =	wrdreg s24  }
0xb0: {  	[dreg:$0x4] =	wrdreg $0x80800  }
0xb1: {  	[dreg:$0x5] =	wrdreg $0x9  }
0xb2: {  	_ =	task.clear_ibuf [dreg:s7], $0x6FFFF;
	_ =	strace $0x90000046  }
0xb3: {  	s29 =	simm.s32 $0x9;
	_ =	strace $0x80000048  }
0xb4: {  	_ =	swait.ge [sflag:s29], $0x1  }
0xb5: {  	[sflag:s29] =	ssyncadd.s32 $0xFFFFFFFF  }
0xb6: {  	_ =	strace $0x90000048  }
0xb7: {  	_ =	sfence  }
0xb8: {  	s30 =	sld [smem:$0x0];
	_ =	sdelay $0x2  }
0xb9: {  	s31 =	sshll.u32 s1, $0xD;
	s1 =	sshrl.u32 s1, $0x2  }
0xba: {  	s3 =	sand.u32 $0x4000, s31;
	s1 =	sadd.s32 s1, s30  }
0xbb: {  	s0 =	sor.u32 s3, s0;
	s1 =	sshll.u32 s1, $0x11  }
0xbc: {  	s0 =	sor.u32 s1, s0  }
0xbd: {  	s0 =	sadd.s32 $0x8F2B, s0  }
0xbe: {  	[sflag:s0] =	ssyncadd.remote.s32 $0x1  }
0xbf: {  	_ =	sfence.sel $0xFFFF  }
0xc0: {  	[dreg:$0x0] =	wrdreg $0xFFFFFFFF;
	(pc) =	sbr.abs _section_cstart, $3  }
0xc1: {  	[dreg:$0x1] =	wrdreg $0xFFFFFFFF  }
0xc2: {  	_ =	task.clear_ibuf [dreg:s7], $0x2FFFF;
	_ =	strace $0x9FFFFFFF  }
0xc3: {  	(tm) =	ssettm $0x7FFFFFFF  }
tec
execute0_lowered:
.L_overlay_start_1:
0x0: {  	(tag) =	ssettag $0x1  }
0x1: {  	s0 =	rddreg [dreg:$0x0]  }
0x2: {  	s1 =	rddreg [dreg:$0x1]  }
0x3: {  	s2 =	rddreg [dreg:$0x2];
	s4 =	simm.s32 $0x0;
	s7 =	stileid.u32  }
0x4: {  	s3 =	srdreg.scid;
	s28 =	simm.s32 $0x1;
	s29 =	simm.s32 $0x2  }
0x5: {  	s30 =	simm.s32 $0x3;
	s31 =	simm.s32 $0x2080;
	[smem:$0x7FF] =	sst s4  }
0x6: {  	s25 =	sshll.u32 s7, $0xB;
	s3 =	sand.u32 $0x1, s3;
	s6 =	sadd.s32 $0x8800, s1  }
0x7: {  	s11 =	sshll.u32 s7, $0xE;
	_ =	strace $0x80000047;
	s8 =	sadd.s32 s25, s1  }
0x8: {  	s5 =	ssub.s32 $0x2, s3;
	[dreg:$0x4] =	wrdreg s6;
	s3 =	sshll.u32 s3, $0x11  }
0x9: {  	s6 =	sshll.u32 s7, $0xD;
	s0 =	sadd.s32 s0, s25;
	s26 =	sshrl.u32 s5, $0x1  }
0xa: {  	[dreg:$0x5] =	wrdreg s0;
	s14 =	sadd.s32 $0x800, s8;
	s10 =	ssub.s32 s5, s26  }
0xb: {  	s5 =	sor.u32 s6, s3;
	s6 =	sshll.u32 s7, $0x6;
	s7 =	sadd.s32 s11, s2  }
0xc: {  	[dreg:$0x7] =	wrdreg s14;
	s12 =	sor.u32 $0x1C01, s6;
	s11 =	sadd.s32 s5, s2  }
0xd: {  	s9 =	sadd.s32 $0x8A00, s1;
	[dreg:$0x6] =	wrdreg s12;
	s15 =	sadd.s32 $0x40000, s11  }
0xe: {  	s4 =	simm.s32 $0x1080;
	s16 =	sadd.s32 $0x800, s11;
	[dreg:$0x8] =	wrdreg s15  }
0xf: {  	s18 =	sshrl.u32 s5, $0x2;
	s17 =	sadd.s32 $0x40800, s11;
	[dreg:$0x9] =	wrdreg s16  }
0x10: {  	s1 =	sadd.s32 $0x8A10, s1;
	s20 =	sadd.s32 s9, s18;
	[dreg:$0xa] =	wrdreg s17  }
0x11: {  	s19 =	sor.u32 $0x1000, s5;
	s3 =	sadd.s32 s18, s1;
	[dreg:$0xb] =	wrdreg s20  }
0x12: {  	s0 =	simm.s32 $0x1000;
	s21 =	sadd.s32 s19, s2;
	[dreg:$0xc] =	wrdreg s3  }
0x13: {  	s8 =	simm.s32 $0x100;
	s22 =	sadd.s32 $0x41000, s11;
	[dreg:$0xd] =	wrdreg s21  }
0x14: {  	s13 =	sadd.s32 $0x40000, s7;
	s23 =	sadd.s32 $0x1800, s11;
	[dreg:$0xe] =	wrdreg s22  }
0x15: {  	s24 =	sshrl.u32 s19, $0x2;
	s25 =	sadd.s32 $0x41800, s11;
	[dreg:$0xf] =	wrdreg s23  }
0x16: {  	[dreg:$0x10] =	wrdreg s25;
	s26 =	sadd.s32 s9, s24;
	s1 =	sadd.s32 s24, s1  }
0x17: {  	s23 =	smax.u32 s10, $0x1;
	s24 =	sor.u32 $0x30, s5;
	s25 =	sshrl.u32 s13, $0x3  }
0x18: {  	s3 =	simm.s32 $0x80;
	s9 =	simm.s32 $0x0;
	[dreg:$0x11] =	wrdreg s26  }
0x19: {  	v0 =	vlaneseq.u32;
	v1 =	vimm.f32 $0.0e+00;
	[dreg:$0x12] =	wrdreg s1;
	s26 =	sor.u32 $0x1030, s5;
	s1 =	simm.s32 $0x3080  }
.LBB2_1:
0x1a: {  	s12 =	rddreg [dreg:$0x5]  }
0x1b: {  	s10 =	sshrl.u32 s7, $0x3;
	s13 =	rddreg [dreg:$0x6]  }
0x1c: {  	[spmem:s10], [sflag:s13] =	dma.local [hbm:s12], $0x800  }
0x1d: {  	_ =	swait.ge [sflag:s28], $0x800  }
0x1e: {  	[sflag:s28] =	ssyncset.done $0x0  }
0x1f: {  	s21 =	sor.u32 $0x1C02, s6;
	s22 =	rddreg [dreg:$0x7];
	[sflag:s28] =	ssyncadd.s32 $0xFFFFF800  }
0x20: {  	[spmem:s25], [sflag:s21] =	dma.local [hbm:s22], $0x800  }
0x21: {  	_ =	swait.ge [sflag:s29], $0x800  }
0x22: {  	[sflag:s29] =	ssyncset.done $0x0  }
0x23: {  	[sflag:s29] =	ssyncadd.s32 $0xFFFFF800  }
0x24: {  	[bflag:$0x0] =	sbarrier.arrive $0xFFFF  }
0x25: {  	s13 =	simm.s32 $0x0;
	s14 =	rddreg [dreg:$0x4]  }
0x26: {  	[tilespmem:s13], [sflag:$0x3] =	stream.linear.gather [hbm4b:s14+s13], $0x80, $0x38;
	[tilespmem:$0x10080] =	vst v63  }
0x27: {  	_ =	swait.ge [sflag:s30], $0x80  }
0x28: {  	[sflag:s30] =	ssyncset.done $0x0  }
0x29: {  	[sflag:s30] =	ssyncadd.s32 $0xFFFFFF80  }
0x2a: {  	v10 =	vld [tilespmem:$0x0];
	[tilespmem:s31], [sflag:$0x1] =	stream.linear.gather [spmem:s11], $0x800, $0x38  }
0x2b: {  	s16 =	simm.s32 $0x2880;
	s15 =	rddreg [dreg:$0x8]  }
0x2c: {  	[tilespmem:s16], [sflag:$0x1] =	stream.linear.gather [spmem:s15], $0x800, $0x38;
	[tilespmem:$0x10080] =	vst v63  }
0x2d: {  	s17 =	rddreg [dreg:$0x9]  }
0x2e: {  	[tilespmem:s1], [sflag:$0x2] =	stream.linear.gather [spmem:s17], $0x800, $0x38;
	[tilespmem:$0x10080] =	vst v63  }
0x2f: {  	s19 =	simm.s32 $0x3880;
	s18 =	rddreg [dreg:$0xa]  }
0x30: {  	[tilespmem:s19], [sflag:$0x2] =	stream.linear.gather [spmem:s18], $0x800, $0x38;
	[tilespmem:$0x10080] =	vst v63  }
0x31: {  	_ =	swait.ge [sflag:s28], $0x1000  }
0x32: {  	[sflag:s28] =	ssyncset.done $0x0  }
0x33: {  	s10 =	simm.s32 $0x0;
	[sflag:s28] =	ssyncadd.s32 $0xFFFFF000  }
0x34: {  	v4 =	vld [tilespmem:s10+$0x20B0]  }
0x35: {  	v3 =	vmov s24;
	v2 =	vor.u32 s24, v0;
	v5 =	vld [tilespmem:s10+$0x28B0]  }
0x36: {  	s20 =	sadd.s32 $0xFFFFFFD0, s24;
	v2 =	vand.u32 $0x1FF, v2;
	v3 =	vshrl.u32 v3, $0x9  }
0x37: {  	v6 =	vmov s20;
	v7 =	vor.u32 s20, v0;
	v12 =	vcvt.s32.f32 v2  }
0x38: {  	v3 =	vcvt.s32.f32 v3;
	v7 =	vand.u32 $0x1CF, v7;
	v6 =	vshrl.u32 v6, $0x9;
	s21 =	sadd.s32 $0xFFFFFFE0, s24;
	v17 =	vld [tilespmem:s10+$0x2880]  }
0x39: {  	v6 =	vcvt.s32.f32 v6;
	v8 =	vmov s21;
	v9 =	vor.u32 s21, v0;
	v19 =	vld [tilespmem:s10+$0x2890]  }
0x3a: {  	s22 =	sadd.s32 $0xFFFFFFF0, s24;
	v8 =	vshrl.u32 v8, $0x9;
	v11 =	vadd.f32 v12, v4;
	v13 =	vadd.f32 v3, v5  }
0x3b: {  	v9 =	vand.u32 $0x1FF, v9;
	v8 =	vcvt.s32.f32 v8;
	v5 =	vmov s22  }
0x3c: {  	v4 =	vor.u32 s22, v0;
	vm0 =	vgt.f32 v11, $5.110000000e+02;
	vm1 =	vgt.f32 v13, $5.110000000e+02  }
0x3d: {  	v14 =	vld [tilespmem:s10+$0x2080];
	v17 =	vadd.f32 v6, v17;
	vm2 =	vlt.f32 v11, $0.0e+00;
	vm0 =	vmor vm0, vm1  }
0x3e: {  	v18 =	vld [tilespmem:s10+$0x2090];
	v19 =	vadd.f32 v8, v19;
	vm1 =	vlt.f32 v13, $0.0e+00;
	vm0 =	vmor vm0, vm2  }
0x3f: {  	v21 =	vld [tilespmem:s10+$0x20A0];
	v4 =	vand.u32 $0x1FF, v4;
	v20 =	vshrl.u32 v5, $0x9;
	vm0 =	vmor vm1, vm0  }
0x40: {  	v23 =	vld [tilespmem:s10+$0x28A0];
	v5 =	vcvt.s32.f32 v7;
	v7 =	vcvt.s32.f32 v9;
	v22 =	vsel vm0, v3, v13  }
0x41: {  	v16 =	vcvt.s32.f32 v4;
	v9 =	vsel vm0, v12, v11;
	v13 =	vadd.f32 $8.388608000e+06, v22  }
0x42: {  	vm4 =	vgt.f32 v19, $5.110000000e+02;
	v15 =	vadd.f32 v5, v14;
	v14 =	vadd.f32 $8.388608000e+06, v9  }
0x43: {  	vm2 =	vgt.f32 v17, $5.110000000e+02;
	v9 =	vcvt.s32.f32 v20;
	v24 =	vadd.f32 $-8.388608000e+06, v13  }
0x44: {  	vm1 =	vgt.f32 v15, $5.110000000e+02;
	v13 =	vadd.f32 v7, v18;
	v18 =	vadd.f32 $-8.388608000e+06, v14  }
0x45: {  	vm1 =	vmor vm1, vm2;
	v14 =	vadd.f32 v16, v21;
	v21 =	vadd.f32 v9, v23  }
0x46: {  	v20 =	vtrunc.f32 v24;
	v18 =	vtrunc.f32 v18;
	vm3 =	vgt.f32 v13, $5.110000000e+02  }
0x47: {  	vm5 =	vgt.f32 v14, $5.110000000e+02;
	vm2 =	vgt.f32 v21, $5.110000000e+02;
	vm6 =	vlt.f32 v14, $0.0e+00  }
0x48: {  	vm7 =	vlt.f32 v21, $0.0e+00;
	v20 =	vcvt.f32.s32 v20;
	vm3 =	vmor vm3, vm4  }
0x49: {  	vm2 =	vmor vm5, vm2;
	vm4 =	vlt.f32 v15, $0.0e+00;
	vm5 =	vlt.f32 v13, $0.0e+00  }
0x4a: {  	v18 =	vcvt.f32.s32 v18;
	vm1 =	vmor vm1, vm4;
	vm3 =	vmor vm3, vm5  }
0x4b: {  	vm2 =	vmor vm2, vm6;
	vm4 =	vlt.f32 v17, $0.0e+00;
	vm5 =	vlt.f32 v19, $0.0e+00  }
0x4c: {  	[tilespmem:s10+$0x6080] =	vst v1;
	v20 =	vshll.u32 v20, $0x9;
	vm1 =	vmor vm4, vm1;
	vm6 =	vmor vm5, vm3  }
0x4d: {  	[tilespmem:s10+$0x60B0] =	vst v1;
	vm5 =	vmor vm7, vm2;
	v18 =	vor.u32 v18, v20;
	v17 =	vsel vm1, v6, v17  }
0x4e: {  	[tilespmem:s10+$0x50B0] =	vst v22;
	v19 =	vsel vm6, v8, v19;
	v22 =	vsel vm5, v9, v21;
	v21 =	vsel vm1, v5, v15  }
0x4f: {  	v20 =	vadd.s32 $0x40000, v18;
	v23 =	vadd.f32 $8.388608000e+06, v17;
	[tilespmem:s10+$0xB0] =	vst v18;
	v18 =	vadd.f32 $8.388608000e+06, v19  }
0x50: {  	[tilespmem:s10+$0x70B0] =	vst v1;
	v24 =	vsel vm6, v7, v13;
	v25 =	vadd.f32 $8.388608000e+06, v22;
	v21 =	vadd.f32 $8.388608000e+06, v21  }
0x51: {  	v24 =	vadd.f32 $8.388608000e+06, v24;
	[tilespmem:s10+$0x8B0] =	vst v20;
	v20 =	vsel vm5, v16, v14;
	v23 =	vadd.f32 $-8.388608000e+06, v23  }
0x52: {  	[tilespmem:s10+$0x7080] =	vst v1;
	v20 =	vadd.f32 $8.388608000e+06, v20;
	v18 =	vadd.f32 $-8.388608000e+06, v18  }
0x53: {  	[tilespmem:s10+$0x6090] =	vst v1;
	v25 =	vadd.f32 $-8.388608000e+06, v25;
	v21 =	vadd.f32 $-8.388608000e+06, v21  }
0x54: {  	[tilespmem:s10+$0x7090] =	vst v1;
	v24 =	vadd.f32 $-8.388608000e+06, v24;
	v23 =	vtrunc.f32 v23;
	v18 =	vtrunc.f32 v18  }
0x55: {  	[tilespmem:s10+$0x60A0] =	vst v1;
	v25 =	vtrunc.f32 v25;
	v27 =	vtrunc.f32 v21  }
0x56: {  	[tilespmem:s10+$0x70A0] =	vst v1;
	v26 =	vadd.f32 $-8.388608000e+06, v20;
	v24 =	vtrunc.f32 v24;
	v23 =	vcvt.f32.s32 v23  }
0x57: {  	[tilespmem:s10+$0x5080] =	vst v17;
	v17 =	vsub.f32 $-1.000000000e+00, v7;
	v18 =	vcvt.f32.s32 v18;
	v21 =	vcvt.f32.s32 v25  }
0x58: {  	[tilespmem:s10+$0x50A0] =	vst v22;
	v20 =	vsub.f32 $-1.000000000e+00, v5;
	v22 =	vcvt.f32.s32 v24;
	v25 =	vtrunc.f32 v26  }
0x59: {  	s12 =	simm.s32 $0x0;
	s13 =	simm.s32 $0x100;
	s14 =	smov.u32 s24;
	[tilespmem:s10+$0x5090] =	vst v19;
	v19 =	vshll.u32 v23, $0x9;
	v23 =	vcvt.f32.s32 v27;
	v24 =	vshll.u32 v18, $0x9  }
.LBB2_2:
0x5a: {  	v18 =	vsub.f32 $-1.000000000e+00, v16;
	v16 =	vcvt.f32.s32 v25;
	v21 =	vshll.u32 v21, $0x9  }
0x5b: {  	s15 =	sshra.s32 s13, $0x2;
	vm2 =	vmmov vm0;
	vm4 =	vmmov vm6;
	vm3 =	vmmov vm5  }
0x5c: {  	s12 =	sadd.s32 $0x4, s12;
	[tilespmem:s15+$0x6080] =	vst v1;
	v25 =	vld [tilespmem:s15+$0x20B0];
	v23 =	vor.u32 v23, v19;
	v22 =	vor.u32 v22, v24;
	v19 =	vsub.f32 $-1.000000000e+00, v12  }
0x5d: {  	s14 =	sadd.s32 $0x40, s14;
	p0 =	slt.u32 s12, $0x7C;
	v24 =	vld [tilespmem:s15+$0x28B0];
	[tilespmem:s10+$0x80] =	vst v23;
	v12 =	vadd.s32 $0x40000, v23;
	v23 =	vadd.s32 $0x40000, v22;
	v16 =	vor.u32 v16, v21  }
0x5e: {  	s16 =	sadd.s32 $0xFFFFFFD0, s14;
	s17 =	sadd.s32 $0xFFFFFFE0, s14;
	s18 =	sadd.s32 $0xFFFFFFF0, s14;
	v26 =	vmov s14;
	v27 =	vor.u32 s14, v0;
	v21 =	vld [tilespmem:s15+$0x2080];
	[tilespmem:s10+$0x880] =	vst v12;
	v28 =	vadd.s32 $0x40000, v16  }
0x5f: {  	v29 =	vmov s16;
	v26 =	vshrl.u32 v26, $0x9;
	v12 =	vand.u32 $0x1FF, v27;
	v30 =	vld [tilespmem:s15+$0x2880];
	[tilespmem:s10+$0x890] =	vst v23  }
0x60: {  	v26 =	vcvt.s32.f32 v26;
	v23 =	vor.u32 s16, v0;
	v12 =	vcvt.s32.f32 v12;
	v27 =	vld [tilespmem:s15+$0x2090];
	[tilespmem:s10+$0x8A0] =	vst v28  }
0x61: {  	v31 =	vor.u32 s17, v0;
	v33 =	vmov s18;
	v28 =	vmov s17;
	v32 =	vld [tilespmem:s15+$0x2890];
	[tilespmem:s10+$0x90] =	vst v22  }
0x62: {  	v22 =	vor.u32 s18, v0;
	v25 =	vadd.f32 v12, v25;
	v34 =	vld [tilespmem:s15+$0x20A0];
	v24 =	vadd.f32 v26, v24;
	[tilespmem:s10+$0xA0] =	vst v16  }
0x63: {  	v16 =	vand.u32 $0x1CF, v23;
	v23 =	vshrl.u32 v29, $0x9;
	v29 =	vand.u32 $0x1FF, v31;
	[tilespmem:s15+$0x7080] =	vst v1;
	v31 =	vld [tilespmem:s15+$0x28A0]  }
0x64: {  	v28 =	vshrl.u32 v28, $0x9;
	vm0 =	vgt.f32 v25, $5.110000000e+02;
	[tilespmem:s15+$0x6090] =	vst v1;
	vm5 =	vgt.f32 v24, $5.110000000e+02  }
0x65: {  	v22 =	vand.u32 $0x1FF, v22;
	vm6 =	vlt.f32 v25, $0.0e+00;
	[tilespmem:s15+$0x7090] =	vst v1;
	vm0 =	vmor vm0, vm5  }
0x66: {  	v33 =	vshrl.u32 v33, $0x9;
	vm5 =	vlt.f32 v24, $0.0e+00;
	[tilespmem:s15+$0x60A0] =	vst v1;
	vm0 =	vmor vm0, vm6  }
0x67: {  	v35 =	vcvt.s32.f32 v16;
	v23 =	vcvt.s32.f32 v23;
	[tilespmem:s15+$0x70A0] =	vst v1;
	vm0 =	vmor vm5, vm0  }
0x68: {  	v28 =	vcvt.s32.f32 v28;
	v29 =	vcvt.s32.f32 v29;
	[tilespmem:s15+$0x60B0] =	vst v1;
	v24 =	vsel vm0, v26, v24  }
0x69: {  	v16 =	vcvt.s32.f32 v22;
	v22 =	vsel vm0, v12, v25;
	[tilespmem:s15+$0x50B0] =	vst v24;
	v24 =	vadd.f32 $8.388608000e+06, v24  }
0x6a: {  	v21 =	vadd.f32 v35, v21;
	v26 =	vcvt.s32.f32 v33;
	v22 =	vadd.f32 $8.388608000e+06, v22;
	[tilespmem:s15+$0x70B0] =	vst v1  }
0x6b: {  	v30 =	vadd.f32 v23, v30;
	v33 =	vsel vm1, v20, v15;
	v24 =	vadd.f32 $-8.388608000e+06, v24  }
0x6c: {  	vm1 =	vgt.f32 v21, $5.110000000e+02;
	v20 =	vadd.f32 v29, v27;
	v15 =	vmovc v21;
	v22 =	vadd.f32 $-8.388608000e+06, v22;
	[tilespmem:s10+$0x4080] =	vst v33  }
0x6d: {  	v21 =	vadd.f32 v28, v32;
	v27 =	vadd.f32 v16, v34;
	v24 =	vtrunc.f32 v24  }
0x6e: {  	v31 =	vadd.f32 v26, v31;
	v22 =	vtrunc.f32 v22;
	v24 =	vcvt.f32.s32 v24  }
0x6f: {  	vm5 =	vgt.f32 v30, $5.110000000e+02;
	vm6 =	vgt.f32 v20, $5.110000000e+02;
	v22 =	vcvt.f32.s32 v22  }
0x70: {  	vm7 =	vgt.f32 v21, $5.110000000e+02;
	vm8 =	vgt.f32 v27, $5.110000000e+02;
	v24 =	vshll.u32 v24, $0x9  }
0x71: {  	vm1 =	vmor vm1, vm5;
	vm5 =	vgt.f32 v31, $5.110000000e+02;
	v22 =	vor.u32 v22, v24  }
0x72: {  	vm6 =	vmor vm6, vm7;
	vm5 =	vmor vm8, vm5;
	[tilespmem:s15+$0xB0] =	vst v22;
	v22 =	vadd.s32 $0x40000, v22  }
0x73: {  	vm9 =	vlt.f32 v27, $0.0e+00;
	vm7 =	vlt.f32 v15, $0.0e+00;
	vm8 =	vlt.f32 v20, $0.0e+00;
	[tilespmem:s15+$0x8B0] =	vst v22  }
0x74: {  	vm1 =	vmor vm1, vm7;
	vm6 =	vmor vm6, vm8;
	vm5 =	vmor vm5, vm9  }
0x75: {  	vm7 =	vlt.f32 v30, $0.0e+00;
	vm8 =	vlt.f32 v21, $0.0e+00;
	vm9 =	vlt.f32 v31, $0.0e+00  }
0x76: {  	vm1 =	vmor vm7, vm1;
	vm6 =	vmor vm8, vm6;
	vm5 =	vmor vm9, vm5  }
0x77: {  	v21 =	vsel vm6, v28, v21;
	v22 =	vsel vm1, v23, v30;
	v23 =	vsel vm5, v26, v31  }
0x78: {  	v24 =	vsel vm1, v35, v15;
	v26 =	vadd.f32 $8.388608000e+06, v21;
	[tilespmem:s15+$0x5080] =	vst v22;
	v22 =	vadd.f32 $8.388608000e+06, v22  }
0x79: {  	v28 =	vsel vm6, v29, v20;
	v30 =	vadd.f32 $8.388608000e+06, v23;
	[tilespmem:s15+$0x5090] =	vst v21;
	v21 =	vsel vm5, v16, v27  }
0x7a: {  	v17 =	vsel vm4, v17, v13;
	v13 =	vmovc v20;
	v28 =	vadd.f32 $8.388608000e+06, v28;
	v24 =	vadd.f32 $8.388608000e+06, v24;
	[tilespmem:s15+$0x50A0] =	vst v23  }
0x7b: {  	v20 =	vadd.f32 $-8.388608000e+06, v22;
	v21 =	vadd.f32 $8.388608000e+06, v21;
	[tilespmem:s10+$0x4090] =	vst v17;
	v17 =	vsel vm3, v18, v14;
	v14 =	vmovc v27  }
0x7c: {  	v22 =	vadd.f32 $-8.388608000e+06, v30;
	v18 =	vadd.f32 $-8.388608000e+06, v26;
	[tilespmem:s10+$0x40A0] =	vst v17;
	v17 =	vsel vm2, v19, v11;
	v11 =	vmovc v25  }
0x7d: {  	v19 =	vadd.f32 $-8.388608000e+06, v24;
	v23 =	vtrunc.f32 v20;
	v24 =	vadd.f32 $-8.388608000e+06, v28;
	[tilespmem:s10+$0x40B0] =	vst v17;
	s10 =	smov.u32 s15  }
.Ltmp0:
0x7e: {  	v17 =	vtrunc.f32 v18;
	v18 =	vadd.f32 $-8.388608000e+06, v21;
	v21 =	vtrunc.f32 v22;
	(pc) =	sbr.rel @p0 .LBB2_2-.Ltmp0, $4  }
0x7f: {  	v20 =	vsub.f32 $-1.000000000e+00, v35;
	v22 =	vcvt.f32.s32 v23;
	v26 =	vcvt.f32.s32 v17  }
0x80: {  	v23 =	vtrunc.f32 v19;
	v17 =	vsub.f32 $-1.000000000e+00, v29;
	v21 =	vcvt.f32.s32 v21  }
0x81: {  	v19 =	vshll.u32 v22, $0x9;
	v22 =	vtrunc.f32 v24;
	v25 =	vtrunc.f32 v18  }
0x82: {  	s13 =	sadd.s32 $0x100, s13;
	v23 =	vcvt.f32.s32 v23;
	v22 =	vcvt.f32.s32 v22;
	v24 =	vshll.u32 v26, $0x9  }
0x83: {  	v15 =	vsel vm1, v20, v15  }
0x84: {  	v19 =	vor.u32 v23, v19;
	[tilespmem:s10+$0x4080] =	vst v15  }
0x85: {  	vm2 =	vmmov vm6;
	v22 =	vor.u32 v22, v24;
	[tilespmem:s10+$0x80] =	vst v19  }
0x86: {  	v13 =	vsel vm2, v17, v13;
	[tilespmem:s10+$0x90] =	vst v22  }
0x87: {  	v18 =	vcvt.f32.s32 v25;
	v19 =	vadd.s32 $0x40000, v19;
	[tilespmem:s10+$0x4090] =	vst v13  }
0x88: {  	v21 =	vshll.u32 v21, $0x9;
	v16 =	vsub.f32 $-1.000000000e+00, v16;
	v23 =	vadd.s32 $0x40000, v22;
	[tilespmem:s10+$0x880] =	vst v19  }
0x89: {  	vm1 =	vmmov vm5;
	v12 =	vsub.f32 $-1.000000000e+00, v12;
	v18 =	vor.u32 v18, v21;
	[tilespmem:s10+$0x890] =	vst v23  }
0x8a: {  	vm0 =	vmmov vm0;
	v13 =	vsel vm1, v16, v14;
	[tilespmem:s10+$0xA0] =	vst v18  }
0x8b: {  	v11 =	vsel vm0, v12, v11;
	[tilespmem:s10+$0x40A0] =	vst v13  }
0x8c: {  	v19 =	vadd.s32 $0x40000, v18;
	[tilespmem:s10+$0x40B0] =	vst v11  }
0x8d: {  	[tilespmem:s10+$0x8A0] =	vst v19  }
0x8e: {  	[tilespmem:s31], [sflag:$0x1] =	stream.indirect.gather [spmem:s2], $0x1, s3, s0, $0xb8;
	[tilespmem:$0x10080] =	vst v63  }
0x8f: {  	_ =	swait.ge [sflag:s29], $0x1000  }
0x90: {  	[sflag:s29] =	ssyncset.done $0x0  }
0x91: {  	s10 =	simm.s32 $0x0;
	[sflag:s29] =	ssyncadd.s32 $0xFFFFF000  }
0x92: {  	s12 =	sadd.s32 $0x0, s5;
	v11 =	vld [tilespmem:s10+$0x30B0]  }
0x93: {  	s13 =	sadd.s32 $0x830, s12;
	s20 =	sadd.s32 $0x800, s12;
	v13 =	vld [tilespmem:s10+$0x38B0]  }
0x94: {  	s14 =	sadd.s32 $0x810, s12;
	v12 =	vmov s13;
	v14 =	vor.u32 s13, v0;
	v16 =	vor.u32 s20, v0  }
0x95: {  	s21 =	sadd.s32 $0x820, s12;
	v17 =	vmov s14;
	v14 =	vand.u32 $0x1FF, v14;
	v15 =	vshrl.u32 v12, $0x9  }
0x96: {  	v20 =	vor.u32 s21, v0;
	v12 =	vcvt.s32.f32 v14;
	v14 =	vcvt.s32.f32 v15  }
0x97: {  	s12 =	simm.s32 $0x0;
	v18 =	vor.u32 s14, v0;
	v16 =	vand.u32 $0x1FF, v16;
	v17 =	vshrl.u32 v17, $0x9  }
0x98: {  	s22 =	sand.u32 $0x7C0, s12;
	v20 =	vand.u32 $0x1FF, v20;
	v11 =	vadd.f32 v12, v11;
	v13 =	vadd.f32 v14, v13  }
0x99: {  	v15 =	vmov s20;
	v19 =	vmov s21;
	v18 =	vand.u32 $0x1FF, v18;
	v21 =	vld [tilespmem:s22+$0x3080]  }
0x9a: {  	v25 =	vcvt.s32.f32 v16;
	v22 =	vld [tilespmem:s22+$0x3880];
	vm0 =	vgt.f32 v11, $5.110000000e+02;
	vm1 =	vgt.f32 v13, $5.110000000e+02  }
0x9b: {  	v17 =	vcvt.s32.f32 v17;
	vm2 =	vlt.f32 v11, $0.0e+00;
	vm0 =	vmor vm0, vm1  }
0x9c: {  	v15 =	vshrl.u32 v15, $0x9;
	v23 =	vld [tilespmem:s10+$0x3090];
	vm1 =	vlt.f32 v13, $0.0e+00;
	vm0 =	vmor vm0, vm2  }
0x9d: {  	v16 =	vcvt.s32.f32 v20;
	v26 =	vcvt.s32.f32 v15;
	v24 =	vld [tilespmem:s10+$0x3890];
	vm0 =	vmor vm1, vm0  }
0x9e: {  	v19 =	vshrl.u32 v19, $0x9;
	v29 =	vld [tilespmem:s10+$0x38A0];
	v15 =	vadd.f32 v25, v21;
	v27 =	vsel vm0, v14, v13  }
0x9f: {  	v21 =	vadd.f32 v26, v22;
	v14 =	vld [tilespmem:s10+$0x30A0];
	v13 =	vsel vm0, v12, v11;
	v28 =	vadd.f32 $8.388608000e+06, v27  }
0xa0: {  	v18 =	vcvt.s32.f32 v18;
	v19 =	vcvt.s32.f32 v19;
	v13 =	vadd.f32 $8.388608000e+06, v13  }
0xa1: {  	vm2 =	vgt.f32 v21, $5.110000000e+02;
	vm1 =	vgt.f32 v15, $5.110000000e+02;
	v20 =	vadd.f32 $-8.388608000e+06, v28  }
0xa2: {  	vm1 =	vmor vm1, vm2;
	v22 =	vadd.f32 $-8.388608000e+06, v13;
	v13 =	vadd.f32 v18, v23  }
0xa3: {  	v23 =	vadd.f32 v17, v24;
	v24 =	vadd.f32 v19, v29;
	v20 =	vtrunc.f32 v20  }
0xa4: {  	v14 =	vadd.f32 v16, v14;
	v22 =	vtrunc.f32 v22;
	vm3 =	vgt.f32 v13, $5.110000000e+02  }
0xa5: {  	vm4 =	vgt.f32 v23, $5.110000000e+02;
	vm5 =	vgt.f32 v24, $5.110000000e+02;
	v20 =	vcvt.f32.s32 v20  }
0xa6: {  	v22 =	vcvt.f32.s32 v22;
	vm3 =	vmor vm3, vm4;
	vm4 =	vlt.f32 v15, $0.0e+00  }
0xa7: {  	vm2 =	vgt.f32 v14, $5.110000000e+02;
	vm1 =	vmor vm1, vm4;
	vm4 =	vlt.f32 v14, $0.0e+00  }
0xa8: {  	v20 =	vshll.u32 v20, $0x9;
	vm2 =	vmor vm2, vm5;
	vm5 =	vlt.f32 v13, $0.0e+00  }
0xa9: {  	v20 =	vor.u32 v22, v20;
	vm3 =	vmor vm3, vm5;
	vm5 =	vlt.f32 v21, $0.0e+00  }
0xaa: {  	[tilespmem:s10+$0x6890] =	vst v1;
	vm2 =	vmor vm2, vm4;
	vm4 =	vlt.f32 v23, $0.0e+00;
	vm1 =	vmor vm5, vm1  }
0xab: {  	[tilespmem:s10+$0x68B0] =	vst v1;
	v22 =	vadd.s32 $0x40000, v20;
	vm5 =	vmor vm4, vm3;
	vm3 =	vlt.f32 v24, $0.0e+00  }
0xac: {  	[tilespmem:s10+$0x78B0] =	vst v1;
	vm6 =	vmor vm3, vm2;
	v21 =	vsel vm1, v26, v21;
	v23 =	vsel vm5, v17, v23  }
0xad: {  	[tilespmem:s10+$0x58B0] =	vst v27;
	v17 =	vsel vm1, v25, v15;
	v24 =	vsel vm6, v19, v24;
	v19 =	vadd.f32 $8.388608000e+06, v21  }
0xae: {  	[tilespmem:s10+$0x10B0] =	vst v20;
	v26 =	vsel vm5, v18, v13;
	v20 =	vadd.f32 $8.388608000e+06, v23;
	v17 =	vadd.f32 $8.388608000e+06, v17  }
0xaf: {  	[tilespmem:s10+$0x18B0] =	vst v22;
	v22 =	vsel vm6, v16, v14;
	v26 =	vadd.f32 $8.388608000e+06, v26;
	v27 =	vadd.f32 $8.388608000e+06, v24  }
0xb0: {  	[tilespmem:s10+$0x6880] =	vst v1;
	v22 =	vadd.f32 $8.388608000e+06, v22;
	v19 =	vadd.f32 $-8.388608000e+06, v19  }
0xb1: {  	[tilespmem:s10+$0x7880] =	vst v1;
	v20 =	vadd.f32 $-8.388608000e+06, v20;
	v17 =	vadd.f32 $-8.388608000e+06, v17  }
0xb2: {  	[tilespmem:s10+$0x7890] =	vst v1;
	v26 =	vadd.f32 $-8.388608000e+06, v26;
	v27 =	vadd.f32 $-8.388608000e+06, v27;
	v19 =	vtrunc.f32 v19  }
0xb3: {  	[tilespmem:s10+$0x5880] =	vst v21;
	v21 =	vtrunc.f32 v20;
	v20 =	vsub.f32 $-1.000000000e+00, v25;
	v63 =	vtrunc.f32 v17  }
0xb4: {  	[tilespmem:s10+$0x68A0] =	vst v1;
	v17 =	vsub.f32 $-1.000000000e+00, v18;
	v18 =	vtrunc.f32 v26;
	v25 =	vcvt.f32.s32 v19  }
0xb5: {  	[tilespmem:s10+$0x78A0] =	vst v1;
	v22 =	vadd.f32 $-8.388608000e+06, v22;
	v27 =	vtrunc.f32 v27;
	v62 =	vcvt.f32.s32 v21  }
0xb6: {  	[tilespmem:s10+$0x5890] =	vst v23;
	v23 =	vcvt.f32.s32 v18;
	v19 =	vcvt.f32.s32 v27;
	v21 =	vshll.u32 v25, $0x9  }
0xb7: {  	s13 =	simm.s32 $0x0;
	s14 =	simm.s32 $0x100;
	[tilespmem:s10+$0x58A0] =	vst v24;
	v25 =	vtrunc.f32 v22;
	v22 =	vcvt.f32.s32 v63;
	v24 =	vshll.u32 v62, $0x9  }
.LBB2_4:
0xb8: {  	v18 =	vsub.f32 $-1.000000000e+00, v16;
	v16 =	vcvt.f32.s32 v25;
	v25 =	vshll.u32 v19, $0x9  }
0xb9: {  	s15 =	sshra.s32 s14, $0x2;
	s12 =	sadd.s32 $0x40, s12;
	vm2 =	vmmov vm0;
	vm4 =	vmmov vm5;
	vm3 =	vmmov vm6  }
0xba: {  	s13 =	sadd.s32 $0x4, s13;
	v19 =	vsub.f32 $-1.000000000e+00, v12;
	s16 =	sadd.s32 s12, s5;
	s17 =	sand.u32 $0x7C0, s12;
	[tilespmem:s15+$0x6890] =	vst v1;
	v26 =	vld [tilespmem:s15+$0x30B0];
	v21 =	vor.u32 v22, v21;
	v22 =	vor.u32 v23, v24  }
0xbb: {  	p0 =	slt.u32 s13, $0x7C;
	s18 =	sadd.s32 $0x800, s16;
	s19 =	sadd.s32 $0x830, s16;
	v23 =	vld [tilespmem:s15+$0x38B0];
	[tilespmem:s10+$0x1080] =	vst v21;
	v12 =	vadd.s32 $0x40000, v21;
	v21 =	vadd.s32 $0x40000, v22;
	v24 =	vor.u32 v16, v25  }
0xbc: {  	s20 =	sadd.s32 $0x810, s16;
	s16 =	sadd.s32 $0x820, s16;
	v16 =	vmov s18;
	v25 =	vld [tilespmem:s17+$0x3080];
	v27 =	vmov s19;
	v28 =	vor.u32 s19, v0;
	[tilespmem:s10+$0x1880] =	vst v12  }
0xbd: {  	v29 =	vor.u32 s18, v0;
	v30 =	vld [tilespmem:s17+$0x3880];
	v12 =	vand.u32 $0x1FF, v28;
	v27 =	vshrl.u32 v27, $0x9;
	[tilespmem:s10+$0x1890] =	vst v21  }
0xbe: {  	v21 =	vmov s20;
	v28 =	vld [tilespmem:s15+$0x3090];
	v12 =	vcvt.s32.f32 v12;
	v27 =	vcvt.s32.f32 v27;
	[tilespmem:s10+$0x1090] =	vst v22  }
0xbf: {  	v32 =	vmov s16;
	v33 =	vor.u32 s16, v0;
	v22 =	vor.u32 s20, v0;
	v31 =	vld [tilespmem:s15+$0x3890];
	[tilespmem:s10+$0x10A0] =	vst v24  }
0xc0: {  	v29 =	vand.u32 $0x1FF, v29;
	[tilespmem:s15+$0x6880] =	vst v1;
	v34 =	vld [tilespmem:s15+$0x30A0];
	v26 =	vadd.f32 v12, v26;
	v23 =	vadd.f32 v27, v23  }
0xc1: {  	v16 =	vshrl.u32 v16, $0x9;
	v21 =	vshrl.u32 v21, $0x9;
	v22 =	vand.u32 $0x1FF, v22;
	[tilespmem:s15+$0x7880] =	vst v1;
	v35 =	vld [tilespmem:s15+$0x38A0]  }
0xc2: {  	v33 =	vand.u32 $0x1FF, v33;
	[tilespmem:s15+$0x7890] =	vst v1;
	vm0 =	vgt.f32 v26, $5.110000000e+02;
	vm5 =	vgt.f32 v23, $5.110000000e+02  }
0xc3: {  	v32 =	vshrl.u32 v32, $0x9;
	vm6 =	vlt.f32 v26, $0.0e+00;
	[tilespmem:s15+$0x68A0] =	vst v1;
	vm0 =	vmor vm0, vm5  }
0xc4: {  	v29 =	vcvt.s32.f32 v29;
	vm5 =	vlt.f32 v23, $0.0e+00;
	[tilespmem:s15+$0x78A0] =	vst v1;
	vm0 =	vmor vm0, vm6  }
0xc5: {  	v36 =	vcvt.s32.f32 v16;
	v22 =	vcvt.s32.f32 v22;
	[tilespmem:s15+$0x68B0] =	vst v1;
	vm0 =	vmor vm5, vm0  }
0xc6: {  	v16 =	vcvt.s32.f32 v33;
	v21 =	vcvt.s32.f32 v21;
	[tilespmem:s15+$0x78B0] =	vst v1;
	v23 =	vsel vm0, v27, v23  }
0xc7: {  	v27 =	vcvt.s32.f32 v32;
	v32 =	vsel vm0, v12, v26;
	[tilespmem:s15+$0x58B0] =	vst v23;
	v23 =	vadd.f32 $8.388608000e+06, v23  }
0xc8: {  	v24 =	vadd.s32 $0x40000, v24;
	v25 =	vadd.f32 v29, v25;
	v32 =	vadd.f32 $8.388608000e+06, v32  }
0xc9: {  	v33 =	vsel vm1, v20, v15;
	v30 =	vadd.f32 v36, v30;
	v23 =	vadd.f32 $-8.388608000e+06, v23;
	[tilespmem:s10+$0x18A0] =	vst v24  }
0xca: {  	vm1 =	vgt.f32 v25, $5.110000000e+02;
	v20 =	vadd.f32 v22, v28;
	v15 =	vmovc v25;
	v24 =	vadd.f32 $-8.388608000e+06, v32;
	[tilespmem:s10+$0x4880] =	vst v33  }
0xcb: {  	v25 =	vadd.f32 v21, v31;
	v28 =	vadd.f32 v16, v34;
	v23 =	vtrunc.f32 v23  }
0xcc: {  	v31 =	vadd.f32 v27, v35;
	v24 =	vtrunc.f32 v24;
	v23 =	vcvt.f32.s32 v23  }
0xcd: {  	vm5 =	vgt.f32 v30, $5.110000000e+02;
	vm6 =	vgt.f32 v20, $5.110000000e+02;
	v24 =	vcvt.f32.s32 v24  }
0xce: {  	vm7 =	vgt.f32 v25, $5.110000000e+02;
	vm8 =	vgt.f32 v28, $5.110000000e+02;
	v23 =	vshll.u32 v23, $0x9  }
0xcf: {  	vm1 =	vmor vm1, vm5;
	vm5 =	vgt.f32 v31, $5.110000000e+02;
	v23 =	vor.u32 v24, v23  }
0xd0: {  	vm6 =	vmor vm6, vm7;
	vm5 =	vmor vm8, vm5;
	[tilespmem:s15+$0x10B0] =	vst v23;
	v23 =	vadd.s32 $0x40000, v23  }
0xd1: {  	vm7 =	vlt.f32 v15, $0.0e+00;
	vm9 =	vlt.f32 v28, $0.0e+00;
	vm8 =	vlt.f32 v20, $0.0e+00;
	[tilespmem:s15+$0x18B0] =	vst v23  }
0xd2: {  	vm1 =	vmor vm1, vm7;
	vm6 =	vmor vm6, vm8;
	vm7 =	vmor vm5, vm9  }
0xd3: {  	vm5 =	vlt.f32 v30, $0.0e+00;
	vm8 =	vlt.f32 v25, $0.0e+00;
	vm9 =	vlt.f32 v31, $0.0e+00  }
0xd4: {  	vm1 =	vmor vm5, vm1;
	vm5 =	vmor vm8, vm6;
	vm6 =	vmor vm9, vm7  }
0xd5: {  	v21 =	vsel vm5, v21, v25;
	v24 =	vsel vm6, v27, v31;
	v23 =	vsel vm1, v36, v30  }
0xd6: {  	v25 =	vsel vm1, v29, v15;
	v27 =	vadd.f32 $8.388608000e+06, v21;
	[tilespmem:s15+$0x5880] =	vst v23;
	v23 =	vadd.f32 $8.388608000e+06, v23  }
0xd7: {  	v31 =	vadd.f32 $8.388608000e+06, v24;
	v30 =	vsel vm5, v22, v20;
	[tilespmem:s15+$0x5890] =	vst v21;
	v21 =	vsel vm6, v16, v28  }
0xd8: {  	v17 =	vsel vm4, v17, v13;
	v13 =	vmovc v20;
	v25 =	vadd.f32 $8.388608000e+06, v25;
	v30 =	vadd.f32 $8.388608000e+06, v30;
	[tilespmem:s15+$0x58A0] =	vst v24  }
0xd9: {  	v20 =	vadd.f32 $-8.388608000e+06, v23;
	v21 =	vadd.f32 $8.388608000e+06, v21;
	[tilespmem:s10+$0x4890] =	vst v17;
	v17 =	vsel vm3, v18, v14;
	v14 =	vmovc v28  }
0xda: {  	v23 =	vadd.f32 $-8.388608000e+06, v31;
	v18 =	vadd.f32 $-8.388608000e+06, v27;
	[tilespmem:s10+$0x48A0] =	vst v17;
	v17 =	vsel vm2, v19, v11;
	v11 =	vmovc v26  }
0xdb: {  	v19 =	vadd.f32 $-8.388608000e+06, v25;
	v24 =	vtrunc.f32 v20;
	v25 =	vadd.f32 $-8.388608000e+06, v30;
	[tilespmem:s10+$0x48B0] =	vst v17;
	s10 =	smov.u32 s15  }
.Ltmp1:
0xdc: {  	v17 =	vtrunc.f32 v18;
	v18 =	vadd.f32 $-8.388608000e+06, v21;
	v21 =	vtrunc.f32 v23;
	(pc) =	sbr.rel @p0 .LBB2_4-.Ltmp1, $4  }
0xdd: {  	v20 =	vsub.f32 $-1.000000000e+00, v29;
	v23 =	vcvt.f32.s32 v24;
	v24 =	vcvt.f32.s32 v17  }
0xde: {  	v26 =	vtrunc.f32 v19;
	v17 =	vsub.f32 $-1.000000000e+00, v22;
	v19 =	vcvt.f32.s32 v21  }
0xdf: {  	v21 =	vshll.u32 v23, $0x9;
	v23 =	vtrunc.f32 v25;
	v25 =	vtrunc.f32 v18  }
0xe0: {  	s14 =	sadd.s32 $0x100, s14;
	v22 =	vcvt.f32.s32 v26;
	v23 =	vcvt.f32.s32 v23;
	v24 =	vshll.u32 v24, $0x9  }
0xe1: {  	(v2sf) =	vpush v10, $0x0;
	_ =	sdelay $0x4  }
0xe2: {  	v15 =	vsel vm1, v20, v15  }
0xe3: {  	v10 =	vor.u32 v22, v21;
	[tilespmem:s10+$0x4880] =	vst v15  }
0xe4: {  	v18 =	vor.u32 v23, v24;
	[tilespmem:s10+$0x1080] =	vst v10  }
0xe5: {  	v60 =	vcvt.f32.s32 v25;
	vm2 =	vmmov vm5;
	v10 =	vadd.s32 $0x40000, v10;
	[tilespmem:s10+$0x1090] =	vst v18  }
0xe6: {  	v62 =	vsel vm2, v17, v13;
	[tilespmem:s10+$0x1880] =	vst v10;
	v10 =	vshll.u32 v19, $0x9  }
0xe7: {  	[tilespmem:s10+$0x4890] =	vst v62;
	v10 =	vor.u32 v60, v10  }
0xe8: {  	v16 =	vsub.f32 $-1.000000000e+00, v16;
	[tilespmem:s10+$0x10A0] =	vst v10;
	v10 =	vadd.s32 $0x40000, v10  }
0xe9: {  	vm15 =	vmmov vm6;
	v61 =	vadd.s32 $0x40000, v18;
	[tilespmem:s10+$0x18A0] =	vst v10;
	v10 =	vsub.f32 $-1.000000000e+00, v12  }
0xea: {  	vm0 =	vmmov vm0;
	v63 =	vsel vm15, v16, v14;
	[tilespmem:s10+$0x1890] =	vst v61  }
0xeb: {  	[tilespmem:s10+$0x48A0] =	vst v63;
	v10 =	vsel vm0, v10, v11  }
0xec: {  	[tilespmem:s10+$0x48B0] =	vst v10;
	s10 =	spop (v2sf)  }
0xed: {  	p0 =	slt.s32 s10, $0x2  }
.Ltmp2:
0xee: {  	_ = 	snop;
	(pc) =	sbr.rel @p0 .LBB2_11-.Ltmp2, $3  }
0xef: {  	_ =	sdelay $0x1  }
0xf0: {  	s12 =	simm.s32 $0x1  }
0xf1: {  	[tilespmem:s1], [sflag:$0x2] =	stream.indirect.gather [spmem:s2], $0x1, s4, s0, $0xb8;
	[tilespmem:$0x10080] =	vst v63  }
.LBB2_6:
0xf2: {  	_ =	swait.ge [sflag:s28], $0x1000  }
0xf3: {  	[sflag:s28] =	ssyncset.done $0x0  }
0xf4: {  	s13 =	simm.s32 $0x0;
	[sflag:s28] =	ssyncadd.s32 $0xFFFFF000  }
0xf5: {  	v12 =	vld [tilespmem:s13+$0x20B0]  }
0xf6: {  	v11 =	vld [tilespmem:s13+$0x40B0]  }
0xf7: {  	v10 =	vld [tilespmem:s13+$0x28B0]  }
0xf8: {  	v13 =	vld [tilespmem:s13+$0x50B0]  }
0xf9: {  	v21 =	vld [tilespmem:s13+$0x40A0]  }
0xfa: {  	v15 =	vld [tilespmem:s13+$0x2880]  }
0xfb: {  	v22 =	vld [tilespmem:s13+$0x5080]  }
0xfc: {  	v17 =	vld [tilespmem:s13+$0x2890]  }
0xfd: {  	v25 =	vld [tilespmem:s13+$0x5090]  }
0xfe: {  	v23 =	vcvt.s32.f32 v2  }
0xff: {  	vm0 =	vlt.f32 v11, $-5.000000000e-01  }
0x100: {  	v24 =	vcvt.s32.f32 v4;
	v19 =	vld [tilespmem:s13+$0x4080];
	v13 =	vadd.f32 v13, v10;
	v11 =	vsel vm0, v23, v11  }
0x101: {  	v20 =	vld [tilespmem:s13+$0x4090];
	vm4 =	vlt.f32 v21, $-5.000000000e-01;
	v22 =	vadd.f32 v22, v15;
	v11 =	vadd.f32 v11, v12  }
0x102: {  	v14 =	vld [tilespmem:s13+$0x2080];
	v25 =	vadd.f32 v25, v17;
	v28 =	vsel vm4, v24, v21;
	vm2 =	vgt.f32 v13, $5.110000000e+02  }
0x103: {  	v16 =	vld [tilespmem:s13+$0x2090];
	vm5 =	vlt.f32 v13, $0.0e+00;
	vm6 =	vgt.f32 v22, $5.110000000e+02;
	vm1 =	vgt.f32 v11, $5.110000000e+02  }
0x104: {  	vm8 =	vgt.f32 v25, $5.110000000e+02;
	vm3 =	vlt.f32 v11, $0.0e+00;
	vm2 =	vmor vm1, vm2  }
0x105: {  	v18 =	vld [tilespmem:s13+$0x20A0];
	vm14 =	vlt.f32 v25, $0.0e+00;
	vm1 =	vlt.f32 v19, $-5.000000000e-01;
	vm2 =	vmor vm2, vm3  }
0x106: {  	vm3 =	vlt.f32 v20, $-5.000000000e-01;
	v26 =	vsel vm1, v5, v19;
	v19 =	vld [tilespmem:s13+$0x28A0];
	vm2 =	vmor vm5, vm2  }
0x107: {  	v27 =	vsel vm3, v7, v20;
	v20 =	vadd.f32 v26, v14;
	v26 =	vld [tilespmem:s13+$0x50A0];
	vm0 =	vmor vm0, vm2  }
0x108: {  	v21 =	vadd.f32 v27, v16;
	v29 =	vsel vm0, v3, v13;
	v13 =	vsel vm0, v23, v11  }
0x109: {  	vm2 =	vgt.f32 v20, $5.110000000e+02;
	v23 =	vsub.f32 $-1.000000000e+00, v23;
	v27 =	vadd.f32 $8.388608000e+06, v29  }
0x10a: {  	v30 =	vadd.f32 $8.388608000e+06, v13;
	vm5 =	vgt.f32 v21, $5.110000000e+02;
	v13 =	vadd.f32 v28, v18  }
0x10b: {  	vm2 =	vmor vm2, vm6;
	vm13 =	vlt.f32 v21, $0.0e+00;
	v27 =	vadd.f32 $-8.388608000e+06, v27  }
0x10c: {  	vm5 =	vmor vm5, vm8;
	v28 =	vadd.f32 $-8.388608000e+06, v30;
	v26 =	vadd.f32 v26, v19  }
0x10d: {  	vm7 =	vgt.f32 v13, $5.110000000e+02;
	vm9 =	vlt.f32 v13, $0.0e+00;
	vm5 =	vmor vm5, vm13  }
0x10e: {  	vm5 =	vmor vm14, vm5;
	v27 =	vtrunc.f32 v27;
	v28 =	vtrunc.f32 v28  }
0x10f: {  	vm6 =	vgt.f32 v26, $5.110000000e+02;
	vm15 =	vlt.f32 v26, $0.0e+00;
	vm3 =	vmor vm3, vm5  }
0x110: {  	v27 =	vcvt.f32.s32 v27;
	vm6 =	vmor vm7, vm6;
	vm7 =	vlt.f32 v20, $0.0e+00  }
0x111: {  	v28 =	vcvt.f32.s32 v28;
	v34 =	vsel vm3, v8, v25;
	vm2 =	vmor vm2, vm7  }
0x112: {  	vm6 =	vmor vm6, vm9;
	vm7 =	vlt.f32 v22, $0.0e+00;
	v27 =	vshll.u32 v27, $0x9  }
0x113: {  	vm2 =	vmor vm7, vm2;
	vm6 =	vmor vm15, vm6;
	v30 =	vor.u32 v28, v27  }
0x114: {  	vm2 =	vmor vm1, vm2;
	vm4 =	vmor vm4, vm6;
	v28 =	vsel vm3, v7, v21  }
0x115: {  	v22 =	vsel vm2, v6, v22;
	v38 =	vsel vm4, v9, v26;
	v26 =	vadd.f32 $8.388608000e+06, v34  }
0x116: {  	v27 =	vsel vm2, v5, v20;
	v28 =	vadd.f32 $8.388608000e+06, v28;
	v25 =	vadd.f32 $8.388608000e+06, v22  }
0x117: {  	v32 =	vsel vm4, v24, v13;
	v31 =	vadd.f32 $8.388608000e+06, v38;
	v27 =	vadd.f32 $8.388608000e+06, v27  }
0x118: {  	v32 =	vadd.f32 $8.388608000e+06, v32;
	v35 =	vadd.f32 $-8.388608000e+06, v26  }
0x119: {  	vm0 =	vmmov vm0;
	v39 =	vadd.f32 $-8.388608000e+06, v28;
	v33 =	vadd.f32 $-8.388608000e+06, v25  }
0x11a: {  	[tilespmem:s13+$0x5090] =	vst v34;
	v34 =	vld [tilespmem:s13+$0x70A0];
	v31 =	vadd.f32 $-8.388608000e+06, v31;
	v37 =	vadd.f32 $-8.388608000e+06, v27;
	v60 =	vtrunc.f32 v35  }
0x11b: {  	[tilespmem:s13+$0x50B0] =	vst v29;
	v26 =	vld [tilespmem:s13+$0x7080];
	v32 =	vadd.f32 $-8.388608000e+06, v32;
	v62 =	vtrunc.f32 v39;
	v29 =	vtrunc.f32 v33  }
0x11c: {  	v36 =	vadd.s32 $0x40000, v30;
	[tilespmem:s13+$0xB0] =	vst v30;
	v28 =	vld [tilespmem:s13+$0x70B0];
	v31 =	vtrunc.f32 v31;
	v41 =	vcvt.f32.s32 v60  }
0x11d: {  	[tilespmem:s13+$0x5080] =	vst v22;
	v22 =	vsub.f32 $-1.000000000e+00, v24;
	v25 =	vld [tilespmem:s13+$0x6080];
	v30 =	vtrunc.f32 v37;
	v63 =	vtrunc.f32 v32  }
0x11e: {  	v35 =	vsub.f32 $-1.000000000e+00, v5;
	v42 =	vcvt.f32.s32 v62;
	v40 =	vcvt.f32.s32 v29;
	v29 =	vld [tilespmem:s13+$0x6090]  }
0x11f: {  	v33 =	vsub.f32 $-1.000000000e+00, v7;
	v61 =	vcvt.f32.s32 v31;
	v31 =	vld [tilespmem:s13+$0x7090];
	v30 =	vcvt.f32.s32 v30  }
0x120: {  	[tilespmem:s13+$0x8B0] =	vst v36;
	v32 =	vld [tilespmem:s13+$0x60A0];
	v36 =	vcvt.f32.s32 v63;
	v41 =	vshll.u32 v41, $0x9;
	v40 =	vshll.u32 v40, $0x9  }
0x121: {  	s14 =	simm.s32 $0x0;
	s15 =	simm.s32 $0x100;
	s16 =	smov.u32 s24;
	[tilespmem:s13+$0x50A0] =	vst v38;
	v27 =	vld [tilespmem:s13+$0x60B0];
	v37 =	vshll.u32 v61, $0x9;
	v38 =	vor.u32 v30, v40;
	v30 =	vor.u32 v42, v41  }
.LBB2_7:
0x122: {  	v25 =	vadd.f32 v25, v14  }
0x123: {  	s17 =	sshra.s32 s15, $0x2;
	v26 =	vadd.f32 v26, v15;
	[tilespmem:s13+$0x80] =	vst v38;
	v14 =	vor.u32 v36, v37;
	vm1 =	vmmov vm4  }
0x124: {  	s14 =	sadd.s32 $0x4, s14;
	v24 =	vadd.s32 $0x40000, v38;
	v16 =	vadd.f32 v29, v16;
	v17 =	vadd.f32 v31, v17;
	v15 =	vld [tilespmem:s17+$0x20B0];
	[tilespmem:s13+$0x90] =	vst v30  }
0x125: {  	v18 =	vadd.f32 v32, v18;
	v19 =	vadd.f32 v34, v19;
	p1 =	slt.u32 s14, $0x7C;
	v29 =	vld [tilespmem:s17+$0x40B0];
	[tilespmem:s13+$0x880] =	vst v24;
	v24 =	vadd.s32 $0x40000, v30  }
0x126: {  	v27 =	vadd.f32 v27, v12;
	v28 =	vadd.f32 v28, v10;
	s16 =	sadd.s32 $0x40, s16;
	[tilespmem:s13+$0x890] =	vst v24;
	v24 =	vadd.s32 $0x40000, v14;
	v10 =	vld [tilespmem:s17+$0x28B0]  }
0x127: {  	v20 =	vsel vm2, v35, v20;
	v21 =	vsel vm3, v33, v21;
	s19 =	sadd.s32 $0xFFFFFFD0, s16;
	s20 =	sadd.s32 $0xFFFFFFE0, s16;
	s18 =	sadd.s32 $0xFFFFFFF0, s16;
	v36 =	vor.u32 s16, v0;
	v31 =	vld [tilespmem:s17+$0x50B0];
	[tilespmem:s13+$0x8A0] =	vst v24  }
0x128: {  	v30 =	vor.u32 s20, v0;
	v35 =	vand.u32 $0x1FF, v36;
	v24 =	vor.u32 s19, v0;
	v32 =	vld [tilespmem:s17+$0x4080];
	[tilespmem:s13+$0xA0] =	vst v14  }
0x129: {  	v33 =	vor.u32 s18, v0;
	v14 =	vand.u32 $0x1CF, v24;
	v24 =	vcvt.s32.f32 v35;
	v34 =	vld [tilespmem:s17+$0x4090];
	[tilespmem:s13+$0x4080] =	vst v20;
	v12 =	vmovc v15  }
0x12a: {  	v15 =	vand.u32 $0x1FF, v30;
	v20 =	vand.u32 $0x1FF, v33;
	v37 =	vld [tilespmem:s17+$0x40A0];
	vm5 =	vlt.f32 v29, $-5.000000000e-01;
	[tilespmem:s13+$0x4090] =	vst v21  }
0x12b: {  	v35 =	vcvt.s32.f32 v14;
	v33 =	vcvt.s32.f32 v15;
	v14 =	vld [tilespmem:s17+$0x2080];
	v21 =	vsel vm5, v24, v29;
	[tilespmem:s13+$0x6080] =	vst v25  }
0x12c: {  	v30 =	vcvt.s32.f32 v20;
	v15 =	vld [tilespmem:s17+$0x2880];
	v36 =	vadd.f32 v21, v12;
	v21 =	vadd.f32 v31, v10;
	[tilespmem:s13+$0x7080] =	vst v26  }
0x12d: {  	v38 =	vmov s19;
	v39 =	vmov s20;
	v29 =	vld [tilespmem:s17+$0x5080];
	vm2 =	vlt.f32 v32, $-5.000000000e-01;
	[tilespmem:s13+$0x6090] =	vst v16  }
0x12e: {  	v16 =	vld [tilespmem:s17+$0x2090];
	vm3 =	vlt.f32 v34, $-5.000000000e-01;
	vm4 =	vgt.f32 v36, $5.110000000e+02;
	vm6 =	vgt.f32 v21, $5.110000000e+02;
	[tilespmem:s13+$0x7090] =	vst v17  }
0x12f: {  	v20 =	vmov s16;
	vm7 =	vlt.f32 v36, $0.0e+00;
	v17 =	vld [tilespmem:s17+$0x2890];
	vm4 =	vmor vm4, vm6;
	[tilespmem:s13+$0x60A0] =	vst v18  }
0x130: {  	v20 =	vshrl.u32 v20, $0x9;
	v40 =	vld [tilespmem:s17+$0x5090];
	vm6 =	vmor vm4, vm7;
	vm7 =	vlt.f32 v21, $0.0e+00;
	[tilespmem:s13+$0x70A0] =	vst v19  }
0x131: {  	v25 =	vcvt.s32.f32 v20;
	vm4 =	vlt.f32 v37, $-5.000000000e-01;
	v18 =	vld [tilespmem:s17+$0x20A0];
	vm6 =	vmor vm7, vm6;
	[tilespmem:s13+$0x60B0] =	vst v27  }
0x132: {  	v20 =	vsel vm2, v35, v32;
	v26 =	vsel vm3, v33, v34;
	v19 =	vld [tilespmem:s17+$0x28A0];
	vm5 =	vmor vm5, vm6;
	[tilespmem:s13+$0x70B0] =	vst v28  }
0x133: {  	v20 =	vadd.f32 v20, v14;
	v28 =	vsel vm4, v30, v37;
	v27 =	vld [tilespmem:s17+$0x50A0];
	v31 =	vsel vm5, v25, v21  }
0x134: {  	v21 =	vadd.f32 v26, v16;
	v32 =	vsel vm5, v24, v36;
	v25 =	vld [tilespmem:s17+$0x6080];
	[tilespmem:s17+$0x50B0] =	vst v31;
	v31 =	vadd.f32 $8.388608000e+06, v31  }
0x135: {  	v37 =	vadd.f32 v29, v15;
	vm6 =	vgt.f32 v20, $5.110000000e+02;
	v32 =	vadd.f32 $8.388608000e+06, v32;
	v26 =	vld [tilespmem:s17+$0x7080]  }
0x136: {  	vm7 =	vgt.f32 v21, $5.110000000e+02;
	v29 =	vld [tilespmem:s17+$0x6090];
	v41 =	vadd.f32 v28, v18;
	v28 =	vadd.f32 $-8.388608000e+06, v31  }
0x137: {  	vm8 =	vgt.f32 v37, $5.110000000e+02;
	v40 =	vadd.f32 v40, v17;
	v42 =	vadd.f32 $-8.388608000e+06, v32;
	v31 =	vld [tilespmem:s17+$0x7090]  }
0x138: {  	v32 =	vld [tilespmem:s17+$0x60A0];
	v43 =	vadd.f32 v27, v19;
	vm9 =	vgt.f32 v41, $5.110000000e+02;
	v27 =	vtrunc.f32 v28  }
0x139: {  	vm10 =	vgt.f32 v40, $5.110000000e+02;
	v28 =	vtrunc.f32 v42;
	v34 =	vld [tilespmem:s17+$0x70A0];
	v42 =	vcvt.f32.s32 v27  }
0x13a: {  	vm6 =	vmor vm6, vm8;
	v44 =	vcvt.f32.s32 v28;
	vm8 =	vgt.f32 v43, $5.110000000e+02;
	v27 =	vld [tilespmem:s17+$0x60B0]  }
0x13b: {  	vm7 =	vmor vm7, vm10;
	vm8 =	vmor vm9, vm8;
	v28 =	vld [tilespmem:s17+$0x70B0];
	v42 =	vshll.u32 v42, $0x9  }
0x13c: {  	vm10 =	vlt.f32 v21, $0.0e+00;
	vm9 =	vlt.f32 v20, $0.0e+00;
	v42 =	vor.u32 v44, v42  }
0x13d: {  	vm11 =	vlt.f32 v41, $0.0e+00;
	v44 =	vmov s18;
	[tilespmem:s17+$0xB0] =	vst v42;
	v42 =	vadd.s32 $0x40000, v42  }
0x13e: {  	vm7 =	vmor vm7, vm10;
	vm6 =	vmor vm6, vm9;
	vm8 =	vmor vm8, vm11;
	[tilespmem:s17+$0x8B0] =	vst v42  }
0x13f: {  	vm10 =	vlt.f32 v40, $0.0e+00;
	vm9 =	vlt.f32 v37, $0.0e+00;
	vm11 =	vlt.f32 v43, $0.0e+00  }
0x140: {  	v38 =	vshrl.u32 v38, $0x9;
	v39 =	vshrl.u32 v39, $0x9;
	v42 =	vshrl.u32 v44, $0x9  }
0x141: {  	vm7 =	vmor vm10, vm7;
	vm6 =	vmor vm9, vm6;
	vm8 =	vmor vm11, vm8  }
0x142: {  	v38 =	vcvt.s32.f32 v38;
	v39 =	vcvt.s32.f32 v39;
	vm2 =	vmor vm2, vm6  }
0x143: {  	vm3 =	vmor vm3, vm7;
	vm4 =	vmor vm4, vm8;
	v42 =	vcvt.s32.f32 v42  }
0x144: {  	v44 =	vsel vm2, v35, v20;
	v37 =	vsel vm2, v38, v37;
	v38 =	vsel vm3, v39, v40  }
0x145: {  	v39 =	vadd.f32 $8.388608000e+06, v38;
	v40 =	vsel vm4, v42, v43;
	[tilespmem:s17+$0x5080] =	vst v37;
	v37 =	vadd.f32 $8.388608000e+06, v37  }
0x146: {  	v42 =	vsel vm3, v33, v21;
	v43 =	vadd.f32 $8.388608000e+06, v40;
	[tilespmem:s17+$0x5090] =	vst v38;
	v38 =	vsel vm4, v30, v41  }
0x147: {  	v22 =	vsel vm1, v22, v13;
	v13 =	vmovc v41;
	v44 =	vadd.f32 $8.388608000e+06, v44;
	v42 =	vadd.f32 $8.388608000e+06, v42;
	[tilespmem:s17+$0x50A0] =	vst v40  }
0x148: {  	v37 =	vadd.f32 $-8.388608000e+06, v37;
	v38 =	vadd.f32 $8.388608000e+06, v38;
	[tilespmem:s13+$0x40A0] =	vst v22;
	v22 =	vsel vm0, v23, v11;
	v11 =	vmovc v36  }
0x149: {  	v23 =	vadd.f32 $-8.388608000e+06, v39;
	v36 =	vadd.f32 $-8.388608000e+06, v43;
	vm0 =	vmmov vm5;
	[tilespmem:s13+$0x40B0] =	vst v22;
	s13 =	smov.u32 s17  }
0x14a: {  	v39 =	vadd.f32 $-8.388608000e+06, v42;
	v22 =	vadd.f32 $-8.388608000e+06, v44;
	v37 =	vtrunc.f32 v37  }
0x14b: {  	v38 =	vadd.f32 $-8.388608000e+06, v38;
	v23 =	vtrunc.f32 v23;
	v36 =	vtrunc.f32 v36  }
0x14c: {  	v35 =	vsub.f32 $-1.000000000e+00, v35;
	v37 =	vcvt.f32.s32 v37;
	v23 =	vcvt.f32.s32 v23  }
.Ltmp3:
0x14d: {  	v33 =	vsub.f32 $-1.000000000e+00, v33;
	v22 =	vtrunc.f32 v22;
	v40 =	vcvt.f32.s32 v36;
	(pc) =	sbr.rel @p1 .LBB2_7-.Ltmp3, $4  }
0x14e: {  	v36 =	vtrunc.f32 v39;
	v41 =	vshll.u32 v37, $0x9;
	v37 =	vtrunc.f32 v38  }
0x14f: {  	v38 =	vcvt.f32.s32 v22;
	v39 =	vcvt.f32.s32 v36;
	v23 =	vshll.u32 v23, $0x9  }
0x150: {  	v22 =	vsub.f32 $-1.000000000e+00, v30;
	v36 =	vcvt.f32.s32 v37;
	v37 =	vshll.u32 v40, $0x9  }
0x151: {  	s15 =	sadd.s32 $0x100, s15;
	v38 =	vor.u32 v38, v41;
	v30 =	vor.u32 v39, v23;
	v23 =	vsub.f32 $-1.000000000e+00, v24  }
0x152: {  	[tilespmem:s13+$0x80] =	vst v38  }
0x153: {  	v24 =	vadd.s32 $0x40000, v38;
	[tilespmem:s13+$0x90] =	vst v30  }
0x154: {  	v36 =	vor.u32 v36, v37;
	[tilespmem:s13+$0x880] =	vst v24  }
0x155: {  	v20 =	vsel vm2, v35, v20;
	[tilespmem:s13+$0xA0] =	vst v36  }
0x156: {  	v21 =	vsel vm3, v33, v21;
	[tilespmem:s13+$0x4080] =	vst v20  }
0x157: {  	v14 =	vadd.f32 v25, v14;
	v24 =	vadd.s32 $0x40000, v30;
	[tilespmem:s13+$0x4090] =	vst v21  }
0x158: {  	v15 =	vadd.f32 v26, v15;
	[tilespmem:s13+$0x890] =	vst v24  }
0x159: {  	v16 =	vadd.f32 v29, v16;
	[tilespmem:s13+$0x6080] =	vst v14  }
0x15a: {  	v12 =	vadd.f32 v27, v12;
	[tilespmem:s13+$0x7080] =	vst v15  }
0x15b: {  	v10 =	vadd.f32 v28, v10;
	[tilespmem:s13+$0x6090] =	vst v16  }
0x15c: {  	[tilespmem:s13+$0x60B0] =	vst v12  }
0x15d: {  	vm1 =	vmmov vm4;
	v24 =	vadd.s32 $0x40000, v36;
	[tilespmem:s13+$0x70B0] =	vst v10  }
0x15e: {  	v14 =	vadd.f32 v31, v17;
	v10 =	vsel vm1, v22, v13;
	[tilespmem:s13+$0x8A0] =	vst v24  }
0x15f: {  	v15 =	vadd.f32 v32, v18;
	[tilespmem:s13+$0x40A0] =	vst v10  }
0x160: {  	v16 =	vadd.f32 v34, v19;
	[tilespmem:s13+$0x7090] =	vst v14  }
0x161: {  	[tilespmem:s13+$0x60A0] =	vst v15  }
0x162: {  	v10 =	vsel vm0, v23, v11;
	[tilespmem:s13+$0x70A0] =	vst v16  }
0x163: {  	[tilespmem:s13+$0x40B0] =	vst v10  }
0x164: {  	[tilespmem:s31], [sflag:$0x1] =	stream.indirect.gather [spmem:s2], $0x1, s3, s0, $0xb8;
	[tilespmem:$0x10080] =	vst v63  }
0x165: {  	_ =	swait.ge [sflag:s29], $0x1000  }
0x166: {  	[sflag:s29] =	ssyncset.done $0x0  }
0x167: {  	s13 =	simm.s32 $0x0;
	[sflag:s29] =	ssyncadd.s32 $0xFFFFF000  }
0x168: {  	s14 =	sadd.s32 $0x0, s5;
	v11 =	vld [tilespmem:s13+$0x48B0]  }
0x169: {  	s15 =	sadd.s32 $0x800, s14;
	s16 =	sadd.s32 $0x830, s14;
	v10 =	vld [tilespmem:s13+$0x38B0]  }
0x16a: {  	s17 =	sadd.s32 $0x810, s14;
	s18 =	sadd.s32 $0x820, s14;
	s14 =	simm.s32 $0x0;
	v15 =	vld [tilespmem:s13+$0x58B0]  }
0x16b: {  	s19 =	sand.u32 $0x7C0, s14;
	v17 =	vld [tilespmem:s13+$0x4880]  }
0x16c: {  	v14 =	vor.u32 s16, v0;
	v21 =	vld [tilespmem:s19+$0x3080]  }
0x16d: {  	v18 =	vor.u32 s18, v0;
	v14 =	vand.u32 $0x1FF, v14;
	v23 =	vld [tilespmem:s19+$0x3880]  }
0x16e: {  	v20 =	vcvt.s32.f32 v14;
	v14 =	vand.u32 $0x1FF, v18;
	v28 =	vld [tilespmem:s13+$0x5880]  }
0x16f: {  	v13 =	vor.u32 s15, v0;
	v49 =	vcvt.s32.f32 v14;
	v14 =	vld [tilespmem:s13+$0x3890]  }
0x170: {  	v13 =	vand.u32 $0x1FF, v13;
	v30 =	vld [tilespmem:s13+$0x5890]  }
0x171: {  	v16 =	vor.u32 s17, v0;
	v25 =	vcvt.s32.f32 v13;
	v13 =	vmov s15;
	v58 =	vld [tilespmem:s13+$0x6880]  }
0x172: {  	v29 =	vmov s18;
	v16 =	vand.u32 $0x1FF, v16;
	v26 =	vshrl.u32 v13, $0x9;
	v12 =	vld [tilespmem:s13+$0x30B0]  }
0x173: {  	v24 =	vmov s17;
	v27 =	vcvt.s32.f32 v16;
	v26 =	vcvt.s32.f32 v26  }
0x174: {  	vm0 =	vlt.f32 v11, $-5.000000000e-01;
	v18 =	vadd.f32 v15, v10;
	vm1 =	vlt.f32 v17, $-5.000000000e-01  }
0x175: {  	v19 =	vld [tilespmem:s13+$0x4890];
	v15 =	vmov s16;
	v28 =	vadd.f32 v28, v23;
	v30 =	vadd.f32 v30, v14  }
0x176: {  	v22 =	vld [tilespmem:s13+$0x48A0];
	v33 =	vadd.f32 v58, v21;
	v11 =	vsel vm0, v20, v11;
	v16 =	vshrl.u32 v15, $0x9  }
0x177: {  	v50 =	vld [tilespmem:s13+$0x58A0];
	v17 =	vsel vm1, v25, v17;
	v11 =	vadd.f32 v11, v12;
	vm3 =	vgt.f32 v18, $5.110000000e+02  }
0x178: {  	v31 =	vcvt.s32.f32 v16;
	v16 =	vld [tilespmem:s13+$0x38A0];
	v17 =	vadd.f32 v17, v21;
	vm6 =	vgt.f32 v28, $5.110000000e+02  }
0x179: {  	v13 =	vld [tilespmem:s13+$0x3090];
	vm8 =	vgt.f32 v30, $5.110000000e+02;
	vm9 =	vlt.f32 v28, $0.0e+00;
	vm2 =	vgt.f32 v11, $5.110000000e+02  }
0x17a: {  	vm4 =	vlt.f32 v11, $0.0e+00;
	vm15 =	vlt.f32 v17, $0.0e+00;
	vm2 =	vmor vm2, vm3  }
0x17b: {  	v15 =	vld [tilespmem:s13+$0x30A0];
	vm3 =	vlt.f32 v19, $-5.000000000e-01;
	vm2 =	vmor vm2, vm4;
	vm4 =	vlt.f32 v18, $0.0e+00  }
0x17c: {  	v19 =	vsel vm3, v27, v19;
	vm2 =	vmor vm4, vm2;
	vm4 =	vlt.f32 v22, $-5.000000000e-01  }
0x17d: {  	v32 =	vadd.f32 v50, v16;
	vm0 =	vmor vm0, vm2;
	v22 =	vsel vm4, v49, v22  }
0x17e: {  	vm2 =	vgt.f32 v17, $5.110000000e+02;
	v31 =	vsel vm0, v31, v18;
	v18 =	vadd.f32 v19, v13  }
0x17f: {  	v19 =	vsel vm0, v20, v11;
	vm2 =	vmor vm2, vm6;
	v51 =	vadd.f32 $8.388608000e+06, v31  }
0x180: {  	vm14 =	vgt.f32 v32, $5.110000000e+02;
	v52 =	vadd.f32 $8.388608000e+06, v19;
	v19 =	vadd.f32 v22, v15  }
0x181: {  	vm2 =	vmor vm2, vm15;
	vm15 =	vlt.f32 v32, $0.0e+00;
	vm5 =	vgt.f32 v18, $5.110000000e+02  }
0x182: {  	vm12 =	vlt.f32 v18, $0.0e+00;
	vm2 =	vmor vm9, vm2;
	v22 =	vadd.f32 $-8.388608000e+06, v51  }
0x183: {  	v53 =	vadd.f32 $-8.388608000e+06, v52;
	vm7 =	vgt.f32 v19, $5.110000000e+02;
	vm5 =	vmor vm5, vm8  }
0x184: {  	vm13 =	vlt.f32 v19, $0.0e+00;
	vm2 =	vmor vm1, vm2;
	vm6 =	vmor vm7, vm14  }
0x185: {  	vm5 =	vmor vm5, vm12;
	vm14 =	vlt.f32 v30, $0.0e+00;
	v22 =	vtrunc.f32 v22  }
0x186: {  	v34 =	vtrunc.f32 v53;
	vm5 =	vmor vm14, vm5;
	v22 =	vcvt.f32.s32 v22  }
0x187: {  	v54 =	vsel vm2, v26, v28;
	v34 =	vcvt.f32.s32 v34;
	vm1 =	vmor vm3, vm5  }
0x188: {  	vm6 =	vmor vm6, vm13;
	v28 =	vsel vm1, v27, v18;
	v22 =	vshll.u32 v22, $0x9  }
0x189: {  	v28 =	vadd.f32 $8.388608000e+06, v28;
	v34 =	vor.u32 v34, v22;
	v22 =	vshrl.u32 v24, $0x9  }
0x18a: {  	vm6 =	vmor vm15, vm6;
	v24 =	vshrl.u32 v29, $0x9;
	v22 =	vcvt.s32.f32 v22  }
0x18b: {  	vm3 =	vmor vm4, vm6;
	v24 =	vcvt.s32.f32 v24;
	v42 =	vadd.f32 $-8.388608000e+06, v28  }
0x18c: {  	v28 =	vsub.f32 $-1.000000000e+00, v27;
	v55 =	vsel vm1, v22, v30;
	v22 =	vadd.f32 $8.388608000e+06, v54  }
0x18d: {  	v56 =	vsel vm3, v24, v32;
	v24 =	vsel vm2, v25, v17;
	v26 =	vadd.f32 $8.388608000e+06, v55  }
0x18e: {  	v30 =	vsel vm3, v49, v19;
	v29 =	vadd.f32 $8.388608000e+06, v56;
	v24 =	vadd.f32 $8.388608000e+06, v24  }
0x18f: {  	vm0 =	vmmov vm0;
	v30 =	vadd.f32 $8.388608000e+06, v30;
	v22 =	vadd.f32 $-8.388608000e+06, v22  }
0x190: {  	v27 =	vtrunc.f32 v42;
	v26 =	vadd.f32 $-8.388608000e+06, v26;
	v29 =	vadd.f32 $-8.388608000e+06, v29  }
0x191: {  	v39 =	vld [tilespmem:s13+$0x7880];
	v63 =	vcvt.f32.s32 v27;
	v30 =	vadd.f32 $-8.388608000e+06, v30;
	v41 =	vtrunc.f32 v22  }
0x192: {  	[tilespmem:s13+$0x58B0] =	vst v31;
	v32 =	vld [tilespmem:s13+$0x78A0];
	v40 =	vadd.f32 $-8.388608000e+06, v24;
	v26 =	vtrunc.f32 v26;
	v29 =	vtrunc.f32 v29  }
0x193: {  	v31 =	vsub.f32 $-1.000000000e+00, v25;
	[tilespmem:s13+$0x5880] =	vst v54;
	v25 =	vcvt.f32.s32 v41;
	v62 =	vtrunc.f32 v30;
	v30 =	vld [tilespmem:s13+$0x68A0]  }
0x194: {  	v57 =	vadd.s32 $0x40000, v34;
	[tilespmem:s13+$0x10B0] =	vst v34;
	v60 =	vtrunc.f32 v40;
	v59 =	vcvt.f32.s32 v26;
	v26 =	vld [tilespmem:s13+$0x6890]  }
0x195: {  	v20 =	vsub.f32 $-1.000000000e+00, v20;
	[tilespmem:s13+$0x18B0] =	vst v57;
	v61 =	vcvt.f32.s32 v29;
	v29 =	vld [tilespmem:s13+$0x7890];
	v34 =	vcvt.f32.s32 v60  }
0x196: {  	[tilespmem:s13+$0x5890] =	vst v55;
	v27 =	vsub.f32 $-1.000000000e+00, v49;
	v22 =	vld [tilespmem:s13+$0x68B0];
	v42 =	vcvt.f32.s32 v62;
	v25 =	vshll.u32 v25, $0x9  }
0x197: {  	[tilespmem:s13+$0x58A0] =	vst v56;
	v24 =	vld [tilespmem:s13+$0x78B0];
	v41 =	vshll.u32 v59, $0x9;
	v40 =	vshll.u32 v61, $0x9;
	v36 =	vor.u32 v34, v25  }
0x198: {  	s15 =	simm.s32 $0x0;
	s16 =	simm.s32 $0x100;
	v34 =	vadd.f32 v39, v23;
	v35 =	vor.u32 v63, v41;
	[tilespmem:s13+$0x1080] =	vst v36;
	v21 =	vor.u32 v42, v40  }
.LBB2_9:
0x199: {  	v13 =	vadd.f32 v26, v13  }
0x19a: {  	s17 =	sshra.s32 s16, $0x2;
	v23 =	vadd.s32 $0x40000, v36;
	v14 =	vadd.f32 v29, v14;
	[tilespmem:s13+$0x1090] =	vst v35;
	v15 =	vadd.f32 v30, v15;
	s14 =	sadd.s32 $0x40, s14  }
0x19b: {  	s15 =	sadd.s32 $0x4, s15;
	v16 =	vadd.f32 v32, v16;
	v22 =	vadd.f32 v22, v12;
	v25 =	vld [tilespmem:s17+$0x30B0];
	[tilespmem:s13+$0x1880] =	vst v23;
	v23 =	vadd.s32 $0x40000, v35;
	s18 =	sadd.s32 s14, s5  }
0x19c: {  	v24 =	vadd.f32 v24, v10;
	v12 =	vsel vm2, v31, v17;
	s19 =	sand.u32 $0x7C0, s14;
	p1 =	slt.u32 s15, $0x7C;
	v26 =	vld [tilespmem:s17+$0x48B0];
	[tilespmem:s13+$0x1890] =	vst v23;
	v23 =	vadd.s32 $0x40000, v21;
	s20 =	sadd.s32 $0x800, s18  }
0x19d: {  	v17 =	vsel vm1, v28, v18;
	v18 =	vsel vm3, v27, v19;
	s21 =	sadd.s32 $0x810, s18;
	s22 =	sadd.s32 $0x830, s18;
	v10 =	vld [tilespmem:s17+$0x38B0];
	[tilespmem:s13+$0x18A0] =	vst v23;
	v19 =	vor.u32 s20, v0  }
0x19e: {  	s18 =	sadd.s32 $0x820, s18;
	v23 =	vor.u32 s21, v0;
	v27 =	vor.u32 s22, v0;
	v29 =	vld [tilespmem:s17+$0x58B0];
	[tilespmem:s13+$0x10A0] =	vst v21  }
0x19f: {  	v19 =	vand.u32 $0x1FF, v19;
	v21 =	vor.u32 s18, v0;
	v27 =	vand.u32 $0x1FF, v27;
	v30 =	vld [tilespmem:s17+$0x4880];
	[tilespmem:s13+$0x4880] =	vst v12  }
0x1a0: {  	v23 =	vand.u32 $0x1FF, v23;
	v35 =	vand.u32 $0x1FF, v21;
	v21 =	vcvt.s32.f32 v27;
	v32 =	vld [tilespmem:s17+$0x4890];
	[tilespmem:s13+$0x4890] =	vst v17;
	v12 =	vmovc v25  }
0x1a1: {  	v31 =	vcvt.s32.f32 v19;
	v28 =	vcvt.s32.f32 v23;
	v19 =	vld [tilespmem:s17+$0x48A0];
	vm2 =	vlt.f32 v26, $-5.000000000e-01;
	[tilespmem:s13+$0x48A0] =	vst v18  }
0x1a2: {  	v17 =	vmov s20;
	v27 =	vcvt.s32.f32 v35;
	v23 =	vld [tilespmem:s19+$0x3080];
	v18 =	vsel vm2, v21, v26;
	[tilespmem:s13+$0x6880] =	vst v33  }
0x1a3: {  	v35 =	vmov s21;
	v25 =	vld [tilespmem:s19+$0x3880];
	v33 =	vadd.f32 v18, v12;
	v18 =	vadd.f32 v29, v10;
	[tilespmem:s13+$0x7880] =	vst v34  }
0x1a4: {  	v37 =	vmov s18;
	v36 =	vshrl.u32 v17, $0x9;
	v26 =	vld [tilespmem:s17+$0x5880];
	vm1 =	vlt.f32 v30, $-5.000000000e-01;
	[tilespmem:s13+$0x6890] =	vst v13  }
0x1a5: {  	v13 =	vld [tilespmem:s17+$0x3090];
	vm3 =	vlt.f32 v32, $-5.000000000e-01;
	vm4 =	vgt.f32 v33, $5.110000000e+02;
	vm5 =	vgt.f32 v18, $5.110000000e+02;
	[tilespmem:s13+$0x7890] =	vst v14  }
0x1a6: {  	v17 =	vmov s22;
	vm6 =	vlt.f32 v33, $0.0e+00;
	v14 =	vld [tilespmem:s17+$0x3890];
	vm4 =	vmor vm4, vm5;
	[tilespmem:s13+$0x68A0] =	vst v15  }
0x1a7: {  	v17 =	vshrl.u32 v17, $0x9;
	v38 =	vld [tilespmem:s17+$0x5890];
	vm4 =	vmor vm4, vm6;
	vm6 =	vlt.f32 v18, $0.0e+00;
	[tilespmem:s13+$0x78A0] =	vst v16  }
0x1a8: {  	v29 =	vcvt.s32.f32 v17;
	vm5 =	vlt.f32 v19, $-5.000000000e-01;
	v15 =	vld [tilespmem:s17+$0x30A0];
	vm4 =	vmor vm6, vm4;
	[tilespmem:s13+$0x68B0] =	vst v22  }
0x1a9: {  	v17 =	vsel vm1, v31, v30;
	v22 =	vsel vm3, v28, v32;
	v16 =	vld [tilespmem:s17+$0x38A0];
	vm4 =	vmor vm2, vm4;
	[tilespmem:s13+$0x78B0] =	vst v24  }
0x1aa: {  	v17 =	vadd.f32 v17, v23;
	v19 =	vsel vm5, v27, v19;
	v24 =	vld [tilespmem:s17+$0x58A0];
	v29 =	vsel vm4, v29, v18  }
0x1ab: {  	v18 =	vadd.f32 v22, v13;
	v22 =	vsel vm4, v21, v33;
	v34 =	vld [tilespmem:s17+$0x6880];
	[tilespmem:s17+$0x58B0] =	vst v29;
	v29 =	vadd.f32 $8.388608000e+06, v29  }
0x1ac: {  	v40 =	vadd.f32 v26, v25;
	vm2 =	vgt.f32 v17, $5.110000000e+02;
	v22 =	vadd.f32 $8.388608000e+06, v22;
	v39 =	vld [tilespmem:s17+$0x7880]  }
0x1ad: {  	vm6 =	vgt.f32 v18, $5.110000000e+02;
	v26 =	vld [tilespmem:s17+$0x6890];
	v19 =	vadd.f32 v19, v15;
	v32 =	vadd.f32 $-8.388608000e+06, v29  }
0x1ae: {  	vm7 =	vgt.f32 v40, $5.110000000e+02;
	v38 =	vadd.f32 v38, v14;
	v22 =	vadd.f32 $-8.388608000e+06, v22;
	v29 =	vld [tilespmem:s17+$0x7890]  }
0x1af: {  	v30 =	vld [tilespmem:s17+$0x68A0];
	v41 =	vadd.f32 v24, v16;
	vm8 =	vgt.f32 v19, $5.110000000e+02;
	v24 =	vtrunc.f32 v32  }
0x1b0: {  	vm9 =	vgt.f32 v38, $5.110000000e+02;
	v42 =	vtrunc.f32 v22;
	v32 =	vld [tilespmem:s17+$0x78A0];
	v43 =	vcvt.f32.s32 v24  }
0x1b1: {  	vm2 =	vmor vm2, vm7;
	v42 =	vcvt.f32.s32 v42;
	vm7 =	vgt.f32 v41, $5.110000000e+02;
	v22 =	vld [tilespmem:s17+$0x68B0]  }
0x1b2: {  	vm6 =	vmor vm6, vm9;
	vm7 =	vmor vm8, vm7;
	v24 =	vld [tilespmem:s17+$0x78B0];
	v43 =	vshll.u32 v43, $0x9  }
0x1b3: {  	vm9 =	vlt.f32 v18, $0.0e+00;
	vm8 =	vlt.f32 v17, $0.0e+00;
	v42 =	vor.u32 v42, v43  }
0x1b4: {  	vm2 =	vmor vm2, vm8;
	vm8 =	vlt.f32 v19, $0.0e+00;
	[tilespmem:s17+$0x10B0] =	vst v42;
	v42 =	vadd.s32 $0x40000, v42  }
0x1b5: {  	vm10 =	vlt.f32 v40, $0.0e+00;
	vm6 =	vmor vm6, vm9;
	vm7 =	vmor vm7, vm8;
	[tilespmem:s17+$0x18B0] =	vst v42  }
0x1b6: {  	v35 =	vshrl.u32 v35, $0x9;
	vm9 =	vlt.f32 v41, $0.0e+00;
	vm8 =	vlt.f32 v38, $0.0e+00  }
0x1b7: {  	v37 =	vshrl.u32 v37, $0x9;
	vm2 =	vmor vm10, vm2;
	vm6 =	vmor vm8, vm6  }
0x1b8: {  	v36 =	vcvt.s32.f32 v36;
	v35 =	vcvt.s32.f32 v35;
	vm7 =	vmor vm9, vm7  }
0x1b9: {  	v37 =	vcvt.s32.f32 v37;
	vm2 =	vmor vm1, vm2;
	vm1 =	vmor vm3, vm6  }
0x1ba: {  	v36 =	vsel vm2, v36, v40;
	vm3 =	vmor vm5, vm7;
	v35 =	vsel vm1, v35, v38  }
0x1bb: {  	v37 =	vsel vm3, v37, v41;
	v38 =	vadd.f32 $8.388608000e+06, v35;
	[tilespmem:s17+$0x5880] =	vst v36;
	v36 =	vadd.f32 $8.388608000e+06, v36  }
0x1bc: {  	v40 =	vsel vm2, v31, v17;
	v41 =	vsel vm1, v28, v18;
	[tilespmem:s17+$0x5890] =	vst v35;
	v35 =	vadd.f32 $8.388608000e+06, v37  }
0x1bd: {  	v40 =	vadd.f32 $8.388608000e+06, v40;
	v42 =	vsel vm3, v27, v19;
	v41 =	vadd.f32 $8.388608000e+06, v41;
	[tilespmem:s17+$0x58A0] =	vst v37  }
0x1be: {  	v20 =	vsel vm0, v20, v11;
	v11 =	vmovc v33;
	v36 =	vadd.f32 $-8.388608000e+06, v36;
	v37 =	vadd.f32 $8.388608000e+06, v42  }
0x1bf: {  	vm0 =	vmmov vm4;
	v33 =	vadd.f32 $-8.388608000e+06, v38;
	v35 =	vadd.f32 $-8.388608000e+06, v35;
	[tilespmem:s13+$0x48B0] =	vst v20;
	s13 =	smov.u32 s17  }
0x1c0: {  	v38 =	vadd.f32 $-8.388608000e+06, v41;
	v20 =	vadd.f32 $-8.388608000e+06, v40;
	v36 =	vtrunc.f32 v36  }
0x1c1: {  	v33 =	vtrunc.f32 v33;
	v37 =	vadd.f32 $-8.388608000e+06, v37;
	v35 =	vtrunc.f32 v35  }
0x1c2: {  	v31 =	vsub.f32 $-1.000000000e+00, v31;
	v33 =	vcvt.f32.s32 v33;
	v36 =	vcvt.f32.s32 v36  }
0x1c3: {  	v28 =	vsub.f32 $-1.000000000e+00, v28;
	v20 =	vtrunc.f32 v20;
	v35 =	vcvt.f32.s32 v35  }
.Ltmp4:
0x1c4: {  	v38 =	vtrunc.f32 v38;
	v37 =	vtrunc.f32 v37;
	v36 =	vshll.u32 v36, $0x9;
	(pc) =	sbr.rel @p1 .LBB2_9-.Ltmp4, $4  }
0x1c5: {  	v38 =	vcvt.f32.s32 v38;
	v33 =	vshll.u32 v33, $0x9;
	v20 =	vcvt.f32.s32 v20  }
0x1c6: {  	v27 =	vsub.f32 $-1.000000000e+00, v27;
	v37 =	vcvt.f32.s32 v37;
	v40 =	vshll.u32 v35, $0x9  }
0x1c7: {  	v35 =	vor.u32 v38, v33;
	v36 =	vor.u32 v20, v36;
	v20 =	vsub.f32 $-1.000000000e+00, v21  }
0x1c8: {  	s16 =	sadd.s32 $0x100, s16;
	v33 =	vadd.f32 v34, v23;
	v34 =	vadd.f32 v39, v25;
	v21 =	vor.u32 v37, v40;
	[tilespmem:s13+$0x1080] =	vst v36  }
0x1c9: {  	[tilespmem:s13+$0x1090] =	vst v35  }
0x1ca: {  	v23 =	vadd.s32 $0x40000, v36;
	[tilespmem:s13+$0x10A0] =	vst v21  }
0x1cb: {  	v60 =	vadd.s32 $0x40000, v35;
	[tilespmem:s13+$0x1880] =	vst v23  }
0x1cc: {  	v61 =	vadd.s32 $0x40000, v21;
	[tilespmem:s13+$0x1890] =	vst v60  }
0x1cd: {  	v17 =	vsel vm2, v31, v17;
	[tilespmem:s13+$0x18A0] =	vst v61  }
0x1ce: {  	v18 =	vsel vm1, v28, v18;
	[tilespmem:s13+$0x4880] =	vst v17  }
0x1cf: {  	v62 =	vsel vm3, v27, v19;
	[tilespmem:s13+$0x4890] =	vst v18  }
0x1d0: {  	[tilespmem:s13+$0x48A0] =	vst v62  }
0x1d1: {  	v13 =	vadd.f32 v26, v13;
	[tilespmem:s13+$0x6880] =	vst v33  }
0x1d2: {  	v14 =	vadd.f32 v29, v14;
	[tilespmem:s13+$0x7880] =	vst v34  }
0x1d3: {  	v15 =	vadd.f32 v30, v15;
	[tilespmem:s13+$0x6890] =	vst v13  }
0x1d4: {  	v63 =	vadd.f32 v32, v16;
	s12 =	sadd.s32 $0x1, s12;
	[tilespmem:s13+$0x7890] =	vst v14  }
0x1d5: {  	v12 =	vadd.f32 v22, v12;
	p1 =	sne.s32 s12, s10;
	[tilespmem:s13+$0x68A0] =	vst v15  }
.Ltmp5:
0x1d6: {  	v10 =	vadd.f32 v24, v10;
	[tilespmem:s13+$0x78A0] =	vst v63;
	(pc) =	sbr.rel @p1 .LBB2_6-.Ltmp5, $4  }
0x1d7: {  	[tilespmem:s13+$0x68B0] =	vst v12  }
0x1d8: {  	[tilespmem:s13+$0x78B0] =	vst v10;
	v10 =	vsel vm0, v20, v11  }
0x1d9: {  	[tilespmem:s13+$0x48B0] =	vst v10  }
0x1da: {  	[tilespmem:s1], [sflag:$0x2] =	stream.indirect.gather [spmem:s2], $0x1, s4, s0, $0xb8;
	[tilespmem:$0x10080] =	vst v63  }
.LBB2_11:
0x1db: {  	_ =	swait.ge [sflag:s28], $0x1000  }
0x1dc: {  	[sflag:s28] =	ssyncset.done $0x0  }
0x1dd: {  	[sflag:s28] =	ssyncadd.s32 $0xFFFFF000  }
0x1de: {  	_ =	swait.ge [sflag:s29], $0x1000  }
0x1df: {  	[sflag:s29] =	ssyncset.done $0x0  }
0x1e0: {  	s12 =	simm.s32 $0x60A0;
	[sflag:s29] =	ssyncadd.s32 $0xFFFFF000  }
0x1e1: {  	s17 =	simm.s32 $0x2080;
	v2 =	vld [tilespmem:s12+$0x10]  }
0x1e2: {  	v3 =	vld [tilespmem:s17+$0x30]  }
0x1e3: {  	v4 =	vld [tilespmem:s17+$0x0]  }
0x1e4: {  	v5 =	vld [tilespmem:s12+$0xFFFFFFF0]  }
0x1e5: {  	v6 =	vld [tilespmem:s17+$0x10]  }
0x1e6: {  	v7 =	vld [tilespmem:s12+$0x0]  }
0x1e7: {  	s15 =	simm.s32 $0x20C0;
	v8 =	vld [tilespmem:s17+$0x20]  }
0x1e8: {  	v9 =	vld [tilespmem:s15+$0x30]  }
0x1e9: {  	s18 =	simm.s32 $0x60E0;
	v10 =	vld [tilespmem:s15+$0x0]  }
0x1ea: {  	v11 =	vld [tilespmem:s18+$0xFFFFFFF0]  }
0x1eb: {  	v12 =	vld [tilespmem:s15+$0x10]  }
0x1ec: {  	v13 =	vld [tilespmem:s18+$0x0];
	v2 =	vadd.f32 v3, v2  }
0x1ed: {  	v3 =	vld [tilespmem:s12+$0xFFFFFFE0]  }
0x1ee: {  	s13 =	simm.s32 $0x70A0;
	v14 =	vld [tilespmem:s15+$0x20];
	[tilespmem:s12+$0x10] =	vst v2;
	v2 =	vadd.f32 v6, v5  }
0x1ef: {  	v5 =	vld [tilespmem:s13+$0x10]  }
0x1f0: {  	[tilespmem:s12+$0xFFFFFFF0] =	vst v2;
	v2 =	vadd.f32 v8, v7;
	v8 =	vld [tilespmem:s18+$0x10]  }
0x1f1: {  	v6 =	vld [tilespmem:s17+$0x830]  }
0x1f2: {  	v3 =	vadd.f32 v4, v3;
	v4 =	vld [tilespmem:s13+$0xFFFFFFF0]  }
0x1f3: {  	v7 =	vld [tilespmem:s17+$0x810];
	[tilespmem:s12+$0x0] =	vst v2  }
0x1f4: {  	[tilespmem:s12+$0xFFFFFFE0] =	vst v3;
	v2 =	vld [tilespmem:s13+$0x0]  }
0x1f5: {  	s16 =	simm.s32 $0x0;
	v3 =	vld [tilespmem:s13+$0xFFFFFFE0];
	v8 =	vadd.f32 v9, v8  }
0x1f6: {  	s12 =	sand.u32 $0x7C0, s16;
	v9 =	vld [tilespmem:s18+$0xFFFFFFE0]  }
0x1f7: {  	s14 =	simm.s32 $0x70E0;
	v5 =	vadd.f32 v6, v5;
	v6 =	vld [tilespmem:s12+$0x2880];
	[tilespmem:s18+$0x10] =	vst v8  }
0x1f8: {  	v8 =	vadd.f32 v12, v11;
	v11 =	vld [tilespmem:s14+$0x10]  }
0x1f9: {  	[tilespmem:s13+$0x10] =	vst v5;
	v4 =	vadd.f32 v7, v4;
	v63 =	vld [tilespmem:s15+$0x830]  }
0x1fa: {  	v5 =	vld [tilespmem:s17+$0x820];
	[tilespmem:s18+$0xFFFFFFF0] =	vst v8;
	v8 =	vadd.f32 v14, v13  }
0x1fb: {  	[tilespmem:s13+$0xFFFFFFF0] =	vst v4;
	v9 =	vadd.f32 v10, v9;
	v4 =	vld [tilespmem:s14+$0xFFFFFFF0]  }
0x1fc: {  	v7 =	vld [tilespmem:s15+$0x810];
	v10 =	vadd.f32 v6, v3;
	[tilespmem:s18+$0x0] =	vst v8  }
0x1fd: {  	[tilespmem:s18+$0xFFFFFFE0] =	vst v9;
	v6 =	vld [tilespmem:s14+$0x0]  }
0x1fe: {  	s19 =	simm.s32 $0x6120;
	s17 =	simm.s32 $0x4;
	[tilespmem:s13+$0xFFFFFFE0] =	vst v10;
	s18 =	simm.s32 $0x20C0;
	v3 =	vld [tilespmem:s14+$0xFFFFFFE0];
	v8 =	vadd.f32 v63, v11  }
.LBB2_12:
0x1ff: {  	v9 =	vld [tilespmem:s19+$0x10];
	s15 =	sadd.s32 $0x40, s15;
	v10 =	vadd.f32 v5, v2  }
0x200: {  	v5 =	vld [tilespmem:s15+$0x30];
	[tilespmem:s14+$0x10] =	vst v8  }
0x201: {  	s17 =	sadd.s32 $0x4, s17;
	v8 =	vld [tilespmem:s15+$0x0];
	v4 =	vadd.f32 v7, v4;
	[tilespmem:s13+$0x0] =	vst v10;
	s13 =	smov.u32 s14  }
0x202: {  	p1 =	slt.u32 s17, $0x7C;
	v7 =	vld [tilespmem:s19+$0xFFFFFFF0];
	v2 =	vmov v6  }
0x203: {  	v6 =	vld [tilespmem:s15+$0x10];
	[tilespmem:s14+$0xFFFFFFF0] =	vst v4  }
0x204: {  	v4 =	vld [tilespmem:s19+$0x0]  }
0x205: {  	s16 =	sadd.s32 $0x40, s16;
	v10 =	vld [tilespmem:s15+$0x20];
	v5 =	vadd.f32 v5, v9  }
0x206: {  	s20 =	sand.u32 $0x7C0, s16;
	v9 =	vld [tilespmem:s19+$0xFFFFFFE0]  }
0x207: {  	s14 =	sadd.s32 $0x40, s14;
	[tilespmem:s19+$0x10] =	vst v5;
	v11 =	vld [tilespmem:s20+$0x2880]  }
0x208: {  	v5 =	vadd.f32 v6, v7;
	v12 =	vld [tilespmem:s14+$0x10]  }
0x209: {  	v13 =	vld [tilespmem:s15+$0x830]  }
.Ltmp6:
0x20a: {  	[tilespmem:s19+$0xFFFFFFF0] =	vst v5;
	v6 =	vadd.f32 v10, v4;
	v5 =	vld [tilespmem:s18+$0x820];
	s18 =	smov.u32 s15;
	(pc) =	sbr.rel @p1 .LBB2_12-.Ltmp6, $4  }
0x20b: {  	v8 =	vadd.f32 v8, v9;
	v4 =	vld [tilespmem:s14+$0xFFFFFFF0]  }
0x20c: {  	v7 =	vld [tilespmem:s15+$0x810];
	[tilespmem:s19+$0x0] =	vst v6;
	v9 =	vadd.f32 v11, v3  }
0x20d: {  	[tilespmem:s19+$0xFFFFFFE0] =	vst v8;
	v6 =	vld [tilespmem:s14+$0x0]  }
0x20e: {  	s19 =	sadd.s32 $0x40, s19;
	v3 =	vld [tilespmem:s14+$0xFFFFFFE0];
	v8 =	vadd.f32 v13, v12;
	[tilespmem:s13+$0xFFFFFFE0] =	vst v9  }
0x20f: {  	s15 =	sadd.s32 $0x40, s16  }
0x210: {  	s15 =	sand.u32 $0x7C0, s15  }
0x211: {  	v9 =	vld [tilespmem:s15+$0x2880]  }
0x212: {  	v10 =	vld [tilespmem:s18+$0x820];
	_ =	sdelay $0x1  }
0x213: {  	v2 =	vadd.f32 v5, v2  }
0x214: {  	[tilespmem:s14+$0x10] =	vst v8;
	v4 =	vadd.f32 v7, v4  }
0x215: {  	[tilespmem:s13+$0x0] =	vst v2;
	v2 =	vadd.f32 v9, v3  }
0x216: {  	[tilespmem:s14+$0xFFFFFFF0] =	vst v4;
	v3 =	vadd.f32 v10, v6  }
0x217: {  	[tilespmem:s14+$0xFFFFFFE0] =	vst v2  }
0x218: {  	s21 =	simm.s32 $0x38B0;
	[tilespmem:s14+$0x0] =	vst v3  }
0x219: {  	v2 =	vld [tilespmem:s21+$0xFFFFF7E0]  }
0x21a: {  	s22 =	simm.s32 $0x68B0;
	v5 =	vld [tilespmem:s21+$0xFFFFF7F0]  }
0x21b: {  	v3 =	vld [tilespmem:s22+$0xFFFFFFD0]  }
0x21c: {  	v6 =	vld [tilespmem:s12+$0x3080]  }
0x21d: {  	v7 =	vld [tilespmem:s21+$0xFFFFF800]  }
0x21e: {  	v8 =	vld [tilespmem:s22+$0xFFFFFFE0]  }
0x21f: {  	v9 =	vld [tilespmem:s22+$0xFFFFFFF0]  }
0x220: {  	s13 =	simm.s32 $0x38F0;
	v10 =	vld [tilespmem:s22+$0x0]  }
0x221: {  	v4 =	vld [tilespmem:s13+$0xFFFFF7E0];
	v6 =	vadd.f32 v6, v3  }
0x222: {  	v3 =	vld [tilespmem:s13+$0xFFFFF7F0]  }
0x223: {  	s14 =	simm.s32 $0x78B0;
	v8 =	vadd.f32 v2, v8;
	v2 =	vld [tilespmem:s13+$0xFFFFF800];
	[tilespmem:s22+$0xFFFFFFD0] =	vst v6  }
0x224: {  	v6 =	vld [tilespmem:s14+$0xFFFFFFD0]  }
0x225: {  	v5 =	vadd.f32 v5, v9;
	[tilespmem:s22+$0xFFFFFFE0] =	vst v8;
	v8 =	vld [tilespmem:s12+$0x3880]  }
0x226: {  	v11 =	vld [tilespmem:s14+$0xFFFFFFE0]  }
0x227: {  	v7 =	vadd.f32 v7, v10;
	[tilespmem:s22+$0xFFFFFFF0] =	vst v5;
	v10 =	vld [tilespmem:s21+$0xFFFFFFE0]  }
0x228: {  	s16 =	simm.s32 $0x40;
	v12 =	vld [tilespmem:s14+$0xFFFFFFF0]  }
0x229: {  	s19 =	sand.u32 $0x7C0, s16;
	v13 =	vld [tilespmem:s21+$0xFFFFFFF0]  }
0x22a: {  	v9 =	vld [tilespmem:s19+$0x3080];
	[tilespmem:s22+$0x0] =	vst v7  }
0x22b: {  	v5 =	vld [tilespmem:s14+$0x0];
	s12 =	simm.s32 $0x68F0  }
0x22c: {  	v7 =	vld [tilespmem:s12+$0xFFFFFFD0];
	v6 =	vadd.f32 v8, v6  }
0x22d: {  	v8 =	vadd.f32 v10, v11;
	v11 =	vld [tilespmem:s12+$0xFFFFFFE0]  }
0x22e: {  	v10 =	vld [tilespmem:s12+$0xFFFFFFF0];
	[tilespmem:s14+$0xFFFFFFD0] =	vst v6;
	v6 =	vadd.f32 v13, v12  }
0x22f: {  	[tilespmem:s14+$0xFFFFFFE0] =	vst v8;
	v8 =	vld [tilespmem:s12+$0x0]  }
0x230: {  	s17 =	simm.s32 $0x4;
	s18 =	simm.s32 $0x3930;
	s15 =	simm.s32 $0x78B0;
	[tilespmem:s14+$0xFFFFFFF0] =	vst v6;
	v6 =	vld [tilespmem:s21+$0x0]  }
.LBB2_14:
0x231: {  	v12 =	vld [tilespmem:s18+$0xFFFFF7E0];
	v7 =	vadd.f32 v9, v7  }
0x232: {  	v9 =	vld [tilespmem:s18+$0xFFFFF7F0];
	v4 =	vadd.f32 v4, v11  }
0x233: {  	s14 =	sadd.s32 $0x40, s14;
	v11 =	vld [tilespmem:s18+$0xFFFFF800];
	[tilespmem:s12+$0xFFFFFFD0] =	vst v7;
	v3 =	vadd.f32 v3, v10  }
0x234: {  	v7 =	vld [tilespmem:s14+$0xFFFFFFD0];
	[tilespmem:s12+$0xFFFFFFE0] =	vst v4;
	v2 =	vadd.f32 v2, v8  }
0x235: {  	v8 =	vld [tilespmem:s19+$0x3880];
	[tilespmem:s12+$0xFFFFFFF0] =	vst v3;
	v5 =	vadd.f32 v6, v5  }
0x236: {  	v6 =	vld [tilespmem:s14+$0xFFFFFFE0];
	[tilespmem:s12+$0x0] =	vst v2;
	v4 =	vmov v12  }
0x237: {  	v10 =	vld [tilespmem:s13+$0xFFFFFFE0];
	[tilespmem:s15+$0x0] =	vst v5;
	v3 =	vmov v9;
	s15 =	smov.u32 s14  }
0x238: {  	v12 =	vld [tilespmem:s14+$0xFFFFFFF0];
	v2 =	vmov v11  }
0x239: {  	v13 =	vld [tilespmem:s13+$0xFFFFFFF0]  }
0x23a: {  	s16 =	sadd.s32 $0x40, s16;
	s17 =	sadd.s32 $0x4, s17;
	s12 =	sadd.s32 $0x40, s12;
	v8 =	vadd.f32 v8, v7;
	v5 =	vld [tilespmem:s14+$0x0]  }
0x23b: {  	p1 =	slt.u32 s17, $0x7C;
	s19 =	sand.u32 $0x7C0, s16;
	v7 =	vld [tilespmem:s12+$0xFFFFFFD0]  }
.Ltmp7:
0x23c: {  	v9 =	vld [tilespmem:s19+$0x3080];
	[tilespmem:s14+$0xFFFFFFD0] =	vst v8;
	v6 =	vadd.f32 v10, v6;
	(pc) =	sbr.rel @p1 .LBB2_14-.Ltmp7, $4  }
0x23d: {  	v11 =	vld [tilespmem:s12+$0xFFFFFFE0]  }
0x23e: {  	v10 =	vld [tilespmem:s12+$0xFFFFFFF0];
	[tilespmem:s14+$0xFFFFFFE0] =	vst v6;
	v6 =	vadd.f32 v13, v12  }
0x23f: {  	v8 =	vld [tilespmem:s12+$0x0]  }
0x240: {  	[tilespmem:s14+$0xFFFFFFF0] =	vst v6;
	v6 =	vld [tilespmem:s13+$0x0];
	s13 =	smov.u32 s18;
	s18 =	sadd.s32 $0x40, s18  }
0x241: {  	v7 =	vadd.f32 v9, v7;
	_ =	sdelay $0x1  }
0x242: {  	s14 =	sadd.s32 $0x40, s14;
	v4 =	vadd.f32 v4, v11;
	[tilespmem:s12+$0xFFFFFFD0] =	vst v7  }
0x243: {  	v7 =	vld [tilespmem:s14+$0xFFFFFFD0]  }
0x244: {  	v3 =	vadd.f32 v3, v10;
	[tilespmem:s12+$0xFFFFFFE0] =	vst v4;
	v4 =	vld [tilespmem:s19+$0x3880]  }
0x245: {  	v9 =	vld [tilespmem:s14+$0xFFFFFFE0]  }
0x246: {  	v2 =	vadd.f32 v2, v8;
	[tilespmem:s12+$0xFFFFFFF0] =	vst v3;
	v3 =	vld [tilespmem:s13+$0xFFFFFFE0]  }
0x247: {  	v8 =	vld [tilespmem:s14+$0xFFFFFFF0]  }
0x248: {  	[tilespmem:s12+$0x0] =	vst v2;
	v2 =	vld [tilespmem:s13+$0xFFFFFFF0]  }
0x249: {  	v10 =	vld [tilespmem:s14+$0x0]  }
0x24a: {  	v11 =	vld [tilespmem:s13+$0x0]  }
0x24b: {  	v5 =	vadd.f32 v6, v5  }
0x24c: {  	v4 =	vadd.f32 v4, v7  }
0x24d: {  	[tilespmem:s15+$0x0] =	vst v5;
	v3 =	vadd.f32 v3, v9  }
0x24e: {  	[tilespmem:s14+$0xFFFFFFD0] =	vst v4;
	v2 =	vadd.f32 v2, v8  }
0x24f: {  	[tilespmem:s14+$0xFFFFFFE0] =	vst v3;
	v3 =	vadd.f32 v11, v10  }
0x250: {  	[tilespmem:s14+$0xFFFFFFF0] =	vst v2  }
0x251: {  	[tilespmem:s14+$0x0] =	vst v3  }
0x252: {  	s20 =	simm.s32 $0x6080;
	s12 =	rddreg [dreg:$0xb]  }
0x253: {  	[hbm4b:s12+s3] =	stream.strided.scatter [tilespmem:s20], [sflag:$0x3], $0x1000, s8, s3, $0x38;
	[tilespmem:$0x10080] =	vst v63  }
0x254: {  	_ =	swait.ge [sflag:s30], $0x1000  }
0x255: {  	[sflag:s30] =	ssyncset.done $0x0  }
0x256: {  	s22 =	simm.s32 $0x7080;
	s21 =	rddreg [dreg:$0xc];
	[sflag:s30] =	ssyncadd.s32 $0xFFFFF000  }
0x257: {  	[hbm4b:s21+s3] =	stream.strided.scatter [tilespmem:s22], [sflag:$0x3], $0x1000, s8, s3, $0x38;
	[tilespmem:$0x10080] =	vst v63  }
0x258: {  	_ =	swait.ge [sflag:s30], $0x1000  }
0x259: {  	[sflag:s30] =	ssyncset.done $0x0  }
0x25a: {  	s14 =	rddreg [dreg:$0xd];
	[sflag:s30] =	ssyncadd.s32 $0xFFFFF000  }
0x25b: {  	[tilespmem:s31], [sflag:$0x1] =	stream.linear.gather [spmem:s14], $0x800, $0x38;
	[tilespmem:$0x10080] =	vst v63  }
0x25c: {  	s16 =	simm.s32 $0x2880;
	s15 =	rddreg [dreg:$0xe]  }
0x25d: {  	[tilespmem:s16], [sflag:$0x1] =	stream.linear.gather [spmem:s15], $0x800, $0x38;
	[tilespmem:$0x10080] =	vst v63  }
0x25e: {  	s17 =	rddreg [dreg:$0xf]  }
0x25f: {  	[tilespmem:s1], [sflag:$0x2] =	stream.linear.gather [spmem:s17], $0x800, $0x38;
	[tilespmem:$0x10080] =	vst v63  }
0x260: {  	s19 =	simm.s32 $0x3880;
	s18 =	rddreg [dreg:$0x10]  }
0x261: {  	[tilespmem:s19], [sflag:$0x2] =	stream.linear.gather [spmem:s18], $0x800, $0x38;
	[tilespmem:$0x10080] =	vst v63  }
0x262: {  	_ =	swait.ge [sflag:s28], $0x1000  }
0x263: {  	[sflag:s28] =	ssyncset.done $0x0  }
0x264: {  	s12 =	simm.s32 $0x0;
	[sflag:s28] =	ssyncadd.s32 $0xFFFFF000  }
0x265: {  	v4 =	vld [tilespmem:s12+$0x20B0]  }
0x266: {  	v2 =	vor.u32 s26, v0;
	v3 =	vmov s26;
	v5 =	vld [tilespmem:s12+$0x28B0]  }
0x267: {  	v2 =	vand.u32 $0x1FF, v2;
	v3 =	vshrl.u32 v3, $0x9;
	s20 =	sadd.s32 $0xFFFFFFD0, s26  }
0x268: {  	v11 =	vcvt.s32.f32 v2;
	v6 =	vmov s20;
	v7 =	vor.u32 s20, v0  }
0x269: {  	v3 =	vcvt.s32.f32 v3;
	v7 =	vand.u32 $0x1FF, v7;
	v6 =	vshrl.u32 v6, $0x9;
	s21 =	sadd.s32 $0xFFFFFFE0, s26;
	v16 =	vld [tilespmem:s12+$0x2880]  }
0x26a: {  	v6 =	vcvt.s32.f32 v6;
	v8 =	vmov s21;
	v9 =	vor.u32 s21, v0;
	v18 =	vld [tilespmem:s12+$0x2890]  }
0x26b: {  	s22 =	sadd.s32 $0xFFFFFFF0, s26;
	v8 =	vshrl.u32 v8, $0x9;
	v10 =	vadd.f32 v11, v4;
	v12 =	vadd.f32 v3, v5  }
0x26c: {  	v9 =	vand.u32 $0x1FF, v9;
	v8 =	vcvt.s32.f32 v8;
	v5 =	vmov s22  }
0x26d: {  	v4 =	vor.u32 s22, v0;
	vm0 =	vgt.f32 v10, $5.110000000e+02;
	vm1 =	vgt.f32 v12, $5.110000000e+02  }
0x26e: {  	v13 =	vld [tilespmem:s12+$0x2080];
	v16 =	vadd.f32 v6, v16;
	vm2 =	vlt.f32 v10, $0.0e+00;
	vm0 =	vmor vm0, vm1  }
0x26f: {  	v17 =	vld [tilespmem:s12+$0x2090];
	v18 =	vadd.f32 v8, v18;
	vm1 =	vlt.f32 v12, $0.0e+00;
	vm0 =	vmor vm0, vm2  }
0x270: {  	v20 =	vld [tilespmem:s12+$0x20A0];
	v4 =	vand.u32 $0x1FF, v4;
	v19 =	vshrl.u32 v5, $0x9;
	vm0 =	vmor vm1, vm0  }
0x271: {  	v22 =	vld [tilespmem:s12+$0x28A0];
	v5 =	vcvt.s32.f32 v7;
	v7 =	vcvt.s32.f32 v9;
	v21 =	vsel vm0, v3, v12  }
0x272: {  	v15 =	vcvt.s32.f32 v4;
	v9 =	vsel vm0, v11, v10;
	v12 =	vadd.f32 $8.388608000e+06, v21  }
0x273: {  	vm4 =	vgt.f32 v18, $5.110000000e+02;
	v14 =	vadd.f32 v5, v13;
	v13 =	vadd.f32 $8.388608000e+06, v9  }
0x274: {  	vm2 =	vgt.f32 v16, $5.110000000e+02;
	v9 =	vcvt.s32.f32 v19;
	v23 =	vadd.f32 $-8.388608000e+06, v12  }
0x275: {  	vm1 =	vgt.f32 v14, $5.110000000e+02;
	v12 =	vadd.f32 v7, v17;
	v17 =	vadd.f32 $-8.388608000e+06, v13  }
0x276: {  	vm1 =	vmor vm1, vm2;
	v13 =	vadd.f32 v15, v20;
	v20 =	vadd.f32 v9, v22  }
0x277: {  	v19 =	vtrunc.f32 v23;
	v17 =	vtrunc.f32 v17;
	vm3 =	vgt.f32 v12, $5.110000000e+02  }
0x278: {  	vm5 =	vgt.f32 v13, $5.110000000e+02;
	vm2 =	vgt.f32 v20, $5.110000000e+02;
	vm6 =	vlt.f32 v13, $0.0e+00  }
0x279: {  	vm7 =	vlt.f32 v20, $0.0e+00;
	v19 =	vcvt.f32.s32 v19;
	vm3 =	vmor vm3, vm4  }
0x27a: {  	vm2 =	vmor vm5, vm2;
	vm4 =	vlt.f32 v14, $0.0e+00;
	vm5 =	vlt.f32 v12, $0.0e+00  }
0x27b: {  	v17 =	vcvt.f32.s32 v17;
	vm1 =	vmor vm1, vm4;
	vm3 =	vmor vm3, vm5  }
0x27c: {  	vm2 =	vmor vm2, vm6;
	vm4 =	vlt.f32 v16, $0.0e+00;
	vm5 =	vlt.f32 v18, $0.0e+00  }
0x27d: {  	[tilespmem:s12+$0x6080] =	vst v1;
	v19 =	vshll.u32 v19, $0x9;
	vm1 =	vmor vm4, vm1;
	vm6 =	vmor vm5, vm3  }
0x27e: {  	[tilespmem:s12+$0x60B0] =	vst v1;
	vm5 =	vmor vm7, vm2;
	v17 =	vor.u32 v17, v19;
	v16 =	vsel vm1, v6, v16  }
0x27f: {  	[tilespmem:s12+$0x50B0] =	vst v21;
	v18 =	vsel vm6, v8, v18;
	v21 =	vsel vm5, v9, v20;
	v20 =	vsel vm1, v5, v14  }
0x280: {  	v19 =	vadd.s32 $0x40000, v17;
	v22 =	vadd.f32 $8.388608000e+06, v16;
	[tilespmem:s12+$0xB0] =	vst v17;
	v17 =	vadd.f32 $8.388608000e+06, v18  }
0x281: {  	[tilespmem:s12+$0x70B0] =	vst v1;
	v23 =	vsel vm6, v7, v12;
	v24 =	vadd.f32 $8.388608000e+06, v21;
	v20 =	vadd.f32 $8.388608000e+06, v20  }
0x282: {  	v23 =	vadd.f32 $8.388608000e+06, v23;
	[tilespmem:s12+$0x8B0] =	vst v19;
	v19 =	vsel vm5, v15, v13;
	v22 =	vadd.f32 $-8.388608000e+06, v22  }
0x283: {  	[tilespmem:s12+$0x7080] =	vst v1;
	v19 =	vadd.f32 $8.388608000e+06, v19;
	v17 =	vadd.f32 $-8.388608000e+06, v17  }
0x284: {  	[tilespmem:s12+$0x6090] =	vst v1;
	v24 =	vadd.f32 $-8.388608000e+06, v24;
	v20 =	vadd.f32 $-8.388608000e+06, v20  }
0x285: {  	[tilespmem:s12+$0x7090] =	vst v1;
	v23 =	vadd.f32 $-8.388608000e+06, v23;
	v22 =	vtrunc.f32 v22;
	v17 =	vtrunc.f32 v17  }
0x286: {  	[tilespmem:s12+$0x60A0] =	vst v1;
	v24 =	vtrunc.f32 v24;
	v26 =	vtrunc.f32 v20  }
0x287: {  	[tilespmem:s12+$0x70A0] =	vst v1;
	v25 =	vadd.f32 $-8.388608000e+06, v19;
	v23 =	vtrunc.f32 v23;
	v22 =	vcvt.f32.s32 v22  }
0x288: {  	[tilespmem:s12+$0x5080] =	vst v16;
	v16 =	vsub.f32 $-1.000000000e+00, v7;
	v17 =	vcvt.f32.s32 v17;
	v20 =	vcvt.f32.s32 v24  }
0x289: {  	[tilespmem:s12+$0x50A0] =	vst v21;
	v19 =	vsub.f32 $-1.000000000e+00, v5;
	v21 =	vcvt.f32.s32 v23;
	v24 =	vtrunc.f32 v25  }
0x28a: {  	s13 =	simm.s32 $0x0;
	s14 =	simm.s32 $0x100;
	s15 =	smov.u32 s26;
	[tilespmem:s12+$0x5090] =	vst v18;
	v18 =	vshll.u32 v22, $0x9;
	v22 =	vcvt.f32.s32 v26;
	v23 =	vshll.u32 v17, $0x9  }
.LBB2_16:
0x28b: {  	v17 =	vsub.f32 $-1.000000000e+00, v15;
	v15 =	vcvt.f32.s32 v24;
	v20 =	vshll.u32 v20, $0x9  }
0x28c: {  	s16 =	sshra.s32 s14, $0x2;
	vm2 =	vmmov vm0;
	vm4 =	vmmov vm6;
	vm3 =	vmmov vm5  }
0x28d: {  	s13 =	sadd.s32 $0x4, s13;
	[tilespmem:s16+$0x6080] =	vst v1;
	v24 =	vld [tilespmem:s16+$0x20B0];
	v22 =	vor.u32 v22, v18;
	v21 =	vor.u32 v21, v23;
	v18 =	vsub.f32 $-1.000000000e+00, v11  }
0x28e: {  	s15 =	sadd.s32 $0x40, s15;
	p1 =	slt.u32 s13, $0x7C;
	v23 =	vld [tilespmem:s16+$0x28B0];
	[tilespmem:s12+$0x80] =	vst v22;
	v11 =	vadd.s32 $0x40000, v22;
	v22 =	vadd.s32 $0x40000, v21;
	v15 =	vor.u32 v15, v20  }
0x28f: {  	s17 =	sadd.s32 $0xFFFFFFD0, s15;
	s18 =	sadd.s32 $0xFFFFFFE0, s15;
	s19 =	sadd.s32 $0xFFFFFFF0, s15;
	v25 =	vmov s15;
	v26 =	vor.u32 s15, v0;
	v20 =	vld [tilespmem:s16+$0x2080];
	[tilespmem:s12+$0x880] =	vst v11;
	v27 =	vadd.s32 $0x40000, v15  }
0x290: {  	v28 =	vmov s17;
	v25 =	vshrl.u32 v25, $0x9;
	v11 =	vand.u32 $0x1FF, v26;
	v29 =	vld [tilespmem:s16+$0x2880];
	[tilespmem:s12+$0x890] =	vst v22  }
0x291: {  	v25 =	vcvt.s32.f32 v25;
	v22 =	vor.u32 s17, v0;
	v11 =	vcvt.s32.f32 v11;
	v26 =	vld [tilespmem:s16+$0x2090];
	[tilespmem:s12+$0x8A0] =	vst v27  }
0x292: {  	v30 =	vor.u32 s18, v0;
	v32 =	vmov s19;
	v27 =	vmov s18;
	v31 =	vld [tilespmem:s16+$0x2890];
	[tilespmem:s12+$0x90] =	vst v21  }
0x293: {  	v21 =	vor.u32 s19, v0;
	v24 =	vadd.f32 v11, v24;
	v33 =	vld [tilespmem:s16+$0x20A0];
	v23 =	vadd.f32 v25, v23;
	[tilespmem:s12+$0xA0] =	vst v15  }
0x294: {  	v15 =	vand.u32 $0x1FF, v22;
	v22 =	vshrl.u32 v28, $0x9;
	v28 =	vand.u32 $0x1FF, v30;
	[tilespmem:s16+$0x7080] =	vst v1;
	v30 =	vld [tilespmem:s16+$0x28A0]  }
0x295: {  	v27 =	vshrl.u32 v27, $0x9;
	vm0 =	vgt.f32 v24, $5.110000000e+02;
	[tilespmem:s16+$0x6090] =	vst v1;
	vm5 =	vgt.f32 v23, $5.110000000e+02  }
0x296: {  	v21 =	vand.u32 $0x1FF, v21;
	vm6 =	vlt.f32 v24, $0.0e+00;
	[tilespmem:s16+$0x7090] =	vst v1;
	vm0 =	vmor vm0, vm5  }
0x297: {  	v32 =	vshrl.u32 v32, $0x9;
	vm5 =	vlt.f32 v23, $0.0e+00;
	[tilespmem:s16+$0x60A0] =	vst v1;
	vm0 =	vmor vm0, vm6  }
0x298: {  	v34 =	vcvt.s32.f32 v15;
	v22 =	vcvt.s32.f32 v22;
	[tilespmem:s16+$0x70A0] =	vst v1;
	vm0 =	vmor vm5, vm0  }
0x299: {  	v27 =	vcvt.s32.f32 v27;
	v28 =	vcvt.s32.f32 v28;
	[tilespmem:s16+$0x60B0] =	vst v1;
	v23 =	vsel vm0, v25, v23  }
0x29a: {  	v15 =	vcvt.s32.f32 v21;
	v21 =	vsel vm0, v11, v24;
	[tilespmem:s16+$0x50B0] =	vst v23;
	v23 =	vadd.f32 $8.388608000e+06, v23  }
0x29b: {  	v20 =	vadd.f32 v34, v20;
	v25 =	vcvt.s32.f32 v32;
	v21 =	vadd.f32 $8.388608000e+06, v21;
	[tilespmem:s16+$0x70B0] =	vst v1  }
0x29c: {  	v29 =	vadd.f32 v22, v29;
	v32 =	vsel vm1, v19, v14;
	v23 =	vadd.f32 $-8.388608000e+06, v23  }
0x29d: {  	vm1 =	vgt.f32 v20, $5.110000000e+02;
	v19 =	vadd.f32 v28, v26;
	v14 =	vmovc v20;
	v21 =	vadd.f32 $-8.388608000e+06, v21;
	[tilespmem:s12+$0x4080] =	vst v32  }
0x29e: {  	v20 =	vadd.f32 v27, v31;
	v26 =	vadd.f32 v15, v33;
	v23 =	vtrunc.f32 v23  }
0x29f: {  	v30 =	vadd.f32 v25, v30;
	v21 =	vtrunc.f32 v21;
	v23 =	vcvt.f32.s32 v23  }
0x2a0: {  	vm5 =	vgt.f32 v29, $5.110000000e+02;
	vm6 =	vgt.f32 v19, $5.110000000e+02;
	v21 =	vcvt.f32.s32 v21  }
0x2a1: {  	vm7 =	vgt.f32 v20, $5.110000000e+02;
	vm8 =	vgt.f32 v26, $5.110000000e+02;
	v23 =	vshll.u32 v23, $0x9  }
0x2a2: {  	vm1 =	vmor vm1, vm5;
	vm5 =	vgt.f32 v30, $5.110000000e+02;
	v21 =	vor.u32 v21, v23  }
0x2a3: {  	vm6 =	vmor vm6, vm7;
	vm5 =	vmor vm8, vm5;
	[tilespmem:s16+$0xB0] =	vst v21;
	v21 =	vadd.s32 $0x40000, v21  }
0x2a4: {  	vm9 =	vlt.f32 v26, $0.0e+00;
	vm7 =	vlt.f32 v14, $0.0e+00;
	vm8 =	vlt.f32 v19, $0.0e+00;
	[tilespmem:s16+$0x8B0] =	vst v21  }
0x2a5: {  	vm1 =	vmor vm1, vm7;
	vm6 =	vmor vm6, vm8;
	vm5 =	vmor vm5, vm9  }
0x2a6: {  	vm7 =	vlt.f32 v29, $0.0e+00;
	vm8 =	vlt.f32 v20, $0.0e+00;
	vm9 =	vlt.f32 v30, $0.0e+00  }
0x2a7: {  	vm1 =	vmor vm7, vm1;
	vm6 =	vmor vm8, vm6;
	vm5 =	vmor vm9, vm5  }
0x2a8: {  	v20 =	vsel vm6, v27, v20;
	v21 =	vsel vm1, v22, v29;
	v22 =	vsel vm5, v25, v30  }
0x2a9: {  	v23 =	vsel vm1, v34, v14;
	v25 =	vadd.f32 $8.388608000e+06, v20;
	[tilespmem:s16+$0x5080] =	vst v21;
	v21 =	vadd.f32 $8.388608000e+06, v21  }
0x2aa: {  	v27 =	vsel vm6, v28, v19;
	v29 =	vadd.f32 $8.388608000e+06, v22;
	[tilespmem:s16+$0x5090] =	vst v20;
	v20 =	vsel vm5, v15, v26  }
0x2ab: {  	v16 =	vsel vm4, v16, v12;
	v12 =	vmovc v19;
	v27 =	vadd.f32 $8.388608000e+06, v27;
	v23 =	vadd.f32 $8.388608000e+06, v23;
	[tilespmem:s16+$0x50A0] =	vst v22  }
0x2ac: {  	v19 =	vadd.f32 $-8.388608000e+06, v21;
	v20 =	vadd.f32 $8.388608000e+06, v20;
	[tilespmem:s12+$0x4090] =	vst v16;
	v16 =	vsel vm3, v17, v13;
	v13 =	vmovc v26  }
0x2ad: {  	v21 =	vadd.f32 $-8.388608000e+06, v29;
	v17 =	vadd.f32 $-8.388608000e+06, v25;
	[tilespmem:s12+$0x40A0] =	vst v16;
	v16 =	vsel vm2, v18, v10;
	v10 =	vmovc v24  }
0x2ae: {  	v18 =	vadd.f32 $-8.388608000e+06, v23;
	v22 =	vtrunc.f32 v19;
	v23 =	vadd.f32 $-8.388608000e+06, v27;
	[tilespmem:s12+$0x40B0] =	vst v16;
	s12 =	smov.u32 s16  }
.Ltmp8:
0x2af: {  	v16 =	vtrunc.f32 v17;
	v17 =	vadd.f32 $-8.388608000e+06, v20;
	v20 =	vtrunc.f32 v21;
	(pc) =	sbr.rel @p1 .LBB2_16-.Ltmp8, $4  }
0x2b0: {  	v19 =	vsub.f32 $-1.000000000e+00, v34;
	v21 =	vcvt.f32.s32 v22;
	v25 =	vcvt.f32.s32 v16  }
0x2b1: {  	v22 =	vtrunc.f32 v18;
	v16 =	vsub.f32 $-1.000000000e+00, v28;
	v20 =	vcvt.f32.s32 v20  }
0x2b2: {  	v18 =	vshll.u32 v21, $0x9;
	v21 =	vtrunc.f32 v23;
	v24 =	vtrunc.f32 v17  }
0x2b3: {  	s14 =	sadd.s32 $0x100, s14;
	v22 =	vcvt.f32.s32 v22;
	v21 =	vcvt.f32.s32 v21;
	v23 =	vshll.u32 v25, $0x9  }
0x2b4: {  	v14 =	vsel vm1, v19, v14  }
0x2b5: {  	v18 =	vor.u32 v22, v18;
	[tilespmem:s12+$0x4080] =	vst v14  }
0x2b6: {  	vm2 =	vmmov vm6;
	v21 =	vor.u32 v21, v23;
	[tilespmem:s12+$0x80] =	vst v18  }
0x2b7: {  	v12 =	vsel vm2, v16, v12;
	[tilespmem:s12+$0x90] =	vst v21  }
0x2b8: {  	v17 =	vcvt.f32.s32 v24;
	v18 =	vadd.s32 $0x40000, v18;
	[tilespmem:s12+$0x4090] =	vst v12  }
0x2b9: {  	v20 =	vshll.u32 v20, $0x9;
	v15 =	vsub.f32 $-1.000000000e+00, v15;
	v22 =	vadd.s32 $0x40000, v21;
	[tilespmem:s12+$0x880] =	vst v18  }
0x2ba: {  	vm1 =	vmmov vm5;
	v11 =	vsub.f32 $-1.000000000e+00, v11;
	v17 =	vor.u32 v17, v20;
	[tilespmem:s12+$0x890] =	vst v22  }
0x2bb: {  	vm0 =	vmmov vm0;
	v12 =	vsel vm1, v15, v13;
	[tilespmem:s12+$0xA0] =	vst v17  }
0x2bc: {  	v10 =	vsel vm0, v11, v10;
	[tilespmem:s12+$0x40A0] =	vst v12  }
0x2bd: {  	v18 =	vadd.s32 $0x40000, v17;
	[tilespmem:s12+$0x40B0] =	vst v10  }
0x2be: {  	[tilespmem:s12+$0x8A0] =	vst v18  }
0x2bf: {  	[tilespmem:s31], [sflag:$0x1] =	stream.indirect.gather [spmem:s2], $0x1, s3, s0, $0xb8;
	[tilespmem:$0x10080] =	vst v63  }
0x2c0: {  	_ =	swait.ge [sflag:s29], $0x1000  }
0x2c1: {  	[sflag:s29] =	ssyncset.done $0x0  }
0x2c2: {  	s12 =	simm.s32 $0x0;
	[sflag:s29] =	ssyncadd.s32 $0xFFFFF000  }
0x2c3: {  	s13 =	sadd.s32 $0x0, s5;
	v10 =	vld [tilespmem:s12+$0x30B0]  }
0x2c4: {  	s14 =	sadd.s32 $0x1830, s13;
	s20 =	sadd.s32 $0x1800, s13;
	v12 =	vld [tilespmem:s12+$0x38B0]  }
0x2c5: {  	s15 =	sadd.s32 $0x1810, s13;
	v11 =	vmov s14;
	v13 =	vor.u32 s14, v0;
	v15 =	vor.u32 s20, v0  }
0x2c6: {  	s21 =	sadd.s32 $0x1820, s13;
	v16 =	vmov s15;
	v13 =	vand.u32 $0x1FF, v13;
	v14 =	vshrl.u32 v11, $0x9  }
0x2c7: {  	v19 =	vor.u32 s21, v0;
	v11 =	vcvt.s32.f32 v13;
	v13 =	vcvt.s32.f32 v14  }
0x2c8: {  	s13 =	simm.s32 $0x0;
	v17 =	vor.u32 s15, v0;
	v15 =	vand.u32 $0x1FF, v15;
	v16 =	vshrl.u32 v16, $0x9  }
0x2c9: {  	s22 =	sand.u32 $0x7C0, s13;
	v19 =	vand.u32 $0x1FF, v19;
	v10 =	vadd.f32 v11, v10;
	v12 =	vadd.f32 v13, v12  }
0x2ca: {  	v14 =	vmov s20;
	v18 =	vmov s21;
	v17 =	vand.u32 $0x1FF, v17;
	v20 =	vld [tilespmem:s22+$0x3080]  }
0x2cb: {  	v24 =	vcvt.s32.f32 v15;
	v21 =	vld [tilespmem:s22+$0x3880];
	vm0 =	vgt.f32 v10, $5.110000000e+02;
	vm1 =	vgt.f32 v12, $5.110000000e+02  }
0x2cc: {  	v16 =	vcvt.s32.f32 v16;
	vm2 =	vlt.f32 v10, $0.0e+00;
	vm0 =	vmor vm0, vm1  }
0x2cd: {  	v14 =	vshrl.u32 v14, $0x9;
	v22 =	vld [tilespmem:s12+$0x3090];
	vm1 =	vlt.f32 v12, $0.0e+00;
	vm0 =	vmor vm0, vm2  }
0x2ce: {  	v15 =	vcvt.s32.f32 v19;
	v25 =	vcvt.s32.f32 v14;
	v23 =	vld [tilespmem:s12+$0x3890];
	vm0 =	vmor vm1, vm0  }
0x2cf: {  	v18 =	vshrl.u32 v18, $0x9;
	v28 =	vld [tilespmem:s12+$0x38A0];
	v14 =	vadd.f32 v24, v20;
	v26 =	vsel vm0, v13, v12  }
0x2d0: {  	v20 =	vadd.f32 v25, v21;
	v13 =	vld [tilespmem:s12+$0x30A0];
	v12 =	vsel vm0, v11, v10;
	v27 =	vadd.f32 $8.388608000e+06, v26  }
0x2d1: {  	v17 =	vcvt.s32.f32 v17;
	v18 =	vcvt.s32.f32 v18;
	v12 =	vadd.f32 $8.388608000e+06, v12  }
0x2d2: {  	vm2 =	vgt.f32 v20, $5.110000000e+02;
	vm1 =	vgt.f32 v14, $5.110000000e+02;
	v19 =	vadd.f32 $-8.388608000e+06, v27  }
0x2d3: {  	vm1 =	vmor vm1, vm2;
	v21 =	vadd.f32 $-8.388608000e+06, v12;
	v12 =	vadd.f32 v17, v22  }
0x2d4: {  	v22 =	vadd.f32 v16, v23;
	v23 =	vadd.f32 v18, v28;
	v19 =	vtrunc.f32 v19  }
0x2d5: {  	v13 =	vadd.f32 v15, v13;
	v21 =	vtrunc.f32 v21;
	vm3 =	vgt.f32 v12, $5.110000000e+02  }
0x2d6: {  	vm4 =	vgt.f32 v22, $5.110000000e+02;
	vm5 =	vgt.f32 v23, $5.110000000e+02;
	v19 =	vcvt.f32.s32 v19  }
0x2d7: {  	v21 =	vcvt.f32.s32 v21;
	vm3 =	vmor vm3, vm4;
	vm4 =	vlt.f32 v14, $0.0e+00  }
0x2d8: {  	vm2 =	vgt.f32 v13, $5.110000000e+02;
	vm1 =	vmor vm1, vm4;
	vm4 =	vlt.f32 v13, $0.0e+00  }
0x2d9: {  	v19 =	vshll.u32 v19, $0x9;
	vm2 =	vmor vm2, vm5;
	vm5 =	vlt.f32 v12, $0.0e+00  }
0x2da: {  	v19 =	vor.u32 v21, v19;
	vm3 =	vmor vm3, vm5;
	vm5 =	vlt.f32 v20, $0.0e+00  }
0x2db: {  	[tilespmem:s12+$0x6890] =	vst v1;
	vm2 =	vmor vm2, vm4;
	vm4 =	vlt.f32 v22, $0.0e+00;
	vm1 =	vmor vm5, vm1  }
0x2dc: {  	[tilespmem:s12+$0x68B0] =	vst v1;
	v21 =	vadd.s32 $0x40000, v19;
	vm5 =	vmor vm4, vm3;
	vm3 =	vlt.f32 v23, $0.0e+00  }
0x2dd: {  	[tilespmem:s12+$0x78B0] =	vst v1;
	vm6 =	vmor vm3, vm2;
	v20 =	vsel vm1, v25, v20;
	v22 =	vsel vm5, v16, v22  }
0x2de: {  	[tilespmem:s12+$0x58B0] =	vst v26;
	v16 =	vsel vm1, v24, v14;
	v23 =	vsel vm6, v18, v23;
	v18 =	vadd.f32 $8.388608000e+06, v20  }
0x2df: {  	[tilespmem:s12+$0x10B0] =	vst v19;
	v25 =	vsel vm5, v17, v12;
	v19 =	vadd.f32 $8.388608000e+06, v22;
	v16 =	vadd.f32 $8.388608000e+06, v16  }
0x2e0: {  	[tilespmem:s12+$0x18B0] =	vst v21;
	v21 =	vsel vm6, v15, v13;
	v25 =	vadd.f32 $8.388608000e+06, v25;
	v26 =	vadd.f32 $8.388608000e+06, v23  }
0x2e1: {  	[tilespmem:s12+$0x6880] =	vst v1;
	v21 =	vadd.f32 $8.388608000e+06, v21;
	v18 =	vadd.f32 $-8.388608000e+06, v18  }
0x2e2: {  	[tilespmem:s12+$0x7880] =	vst v1;
	v19 =	vadd.f32 $-8.388608000e+06, v19;
	v16 =	vadd.f32 $-8.388608000e+06, v16  }
0x2e3: {  	[tilespmem:s12+$0x7890] =	vst v1;
	v25 =	vadd.f32 $-8.388608000e+06, v25;
	v26 =	vadd.f32 $-8.388608000e+06, v26;
	v18 =	vtrunc.f32 v18  }
0x2e4: {  	[tilespmem:s12+$0x5880] =	vst v20;
	v20 =	vtrunc.f32 v19;
	v19 =	vsub.f32 $-1.000000000e+00, v24;
	v63 =	vtrunc.f32 v16  }
0x2e5: {  	[tilespmem:s12+$0x68A0] =	vst v1;
	v16 =	vsub.f32 $-1.000000000e+00, v17;
	v17 =	vtrunc.f32 v25;
	v24 =	vcvt.f32.s32 v18  }
0x2e6: {  	[tilespmem:s12+$0x78A0] =	vst v1;
	v21 =	vadd.f32 $-8.388608000e+06, v21;
	v26 =	vtrunc.f32 v26;
	v27 =	vcvt.f32.s32 v20  }
0x2e7: {  	[tilespmem:s12+$0x5890] =	vst v22;
	v22 =	vcvt.f32.s32 v17;
	v18 =	vcvt.f32.s32 v26;
	v20 =	vshll.u32 v24, $0x9  }
0x2e8: {  	s14 =	simm.s32 $0x0;
	s15 =	simm.s32 $0x100;
	[tilespmem:s12+$0x58A0] =	vst v23;
	v24 =	vtrunc.f32 v21;
	v21 =	vcvt.f32.s32 v63;
	v23 =	vshll.u32 v27, $0x9  }
.LBB2_18:
0x2e9: {  	v17 =	vsub.f32 $-1.000000000e+00, v15;
	v15 =	vcvt.f32.s32 v24;
	v24 =	vshll.u32 v18, $0x9  }
0x2ea: {  	s16 =	sshra.s32 s15, $0x2;
	s13 =	sadd.s32 $0x40, s13;
	vm2 =	vmmov vm0;
	vm4 =	vmmov vm5;
	vm3 =	vmmov vm6  }
0x2eb: {  	s14 =	sadd.s32 $0x4, s14;
	v18 =	vsub.f32 $-1.000000000e+00, v11;
	s17 =	sadd.s32 s13, s5;
	s18 =	sand.u32 $0x7C0, s13;
	[tilespmem:s16+$0x6890] =	vst v1;
	v25 =	vld [tilespmem:s16+$0x30B0];
	v20 =	vor.u32 v21, v20;
	v21 =	vor.u32 v22, v23  }
0x2ec: {  	p1 =	slt.u32 s14, $0x7C;
	s19 =	sadd.s32 $0x1800, s17;
	s20 =	sadd.s32 $0x1830, s17;
	v22 =	vld [tilespmem:s16+$0x38B0];
	[tilespmem:s12+$0x1080] =	vst v20;
	v11 =	vadd.s32 $0x40000, v20;
	v20 =	vadd.s32 $0x40000, v21;
	v23 =	vor.u32 v15, v24  }
0x2ed: {  	s21 =	sadd.s32 $0x1810, s17;
	s17 =	sadd.s32 $0x1820, s17;
	v15 =	vmov s19;
	v24 =	vld [tilespmem:s18+$0x3080];
	v26 =	vmov s20;
	v27 =	vor.u32 s20, v0;
	[tilespmem:s12+$0x1880] =	vst v11  }
0x2ee: {  	v28 =	vor.u32 s19, v0;
	v29 =	vld [tilespmem:s18+$0x3880];
	v11 =	vand.u32 $0x1FF, v27;
	v26 =	vshrl.u32 v26, $0x9;
	[tilespmem:s12+$0x1890] =	vst v20  }
0x2ef: {  	v20 =	vmov s21;
	v27 =	vld [tilespmem:s16+$0x3090];
	v11 =	vcvt.s32.f32 v11;
	v26 =	vcvt.s32.f32 v26;
	[tilespmem:s12+$0x1090] =	vst v21  }
0x2f0: {  	v31 =	vmov s17;
	v32 =	vor.u32 s17, v0;
	v21 =	vor.u32 s21, v0;
	v30 =	vld [tilespmem:s16+$0x3890];
	[tilespmem:s12+$0x10A0] =	vst v23  }
0x2f1: {  	v28 =	vand.u32 $0x1FF, v28;
	[tilespmem:s16+$0x6880] =	vst v1;
	v33 =	vld [tilespmem:s16+$0x30A0];
	v25 =	vadd.f32 v11, v25;
	v22 =	vadd.f32 v26, v22  }
0x2f2: {  	v15 =	vshrl.u32 v15, $0x9;
	v20 =	vshrl.u32 v20, $0x9;
	v21 =	vand.u32 $0x1FF, v21;
	[tilespmem:s16+$0x7880] =	vst v1;
	v34 =	vld [tilespmem:s16+$0x38A0]  }
0x2f3: {  	v32 =	vand.u32 $0x1FF, v32;
	[tilespmem:s16+$0x7890] =	vst v1;
	vm0 =	vgt.f32 v25, $5.110000000e+02;
	vm5 =	vgt.f32 v22, $5.110000000e+02  }
0x2f4: {  	v31 =	vshrl.u32 v31, $0x9;
	vm6 =	vlt.f32 v25, $0.0e+00;
	[tilespmem:s16+$0x68A0] =	vst v1;
	vm0 =	vmor vm0, vm5  }
0x2f5: {  	v28 =	vcvt.s32.f32 v28;
	vm5 =	vlt.f32 v22, $0.0e+00;
	[tilespmem:s16+$0x78A0] =	vst v1;
	vm0 =	vmor vm0, vm6  }
0x2f6: {  	v35 =	vcvt.s32.f32 v15;
	v21 =	vcvt.s32.f32 v21;
	[tilespmem:s16+$0x68B0] =	vst v1;
	vm0 =	vmor vm5, vm0  }
0x2f7: {  	v15 =	vcvt.s32.f32 v32;
	v20 =	vcvt.s32.f32 v20;
	[tilespmem:s16+$0x78B0] =	vst v1;
	v22 =	vsel vm0, v26, v22  }
0x2f8: {  	v26 =	vcvt.s32.f32 v31;
	v31 =	vsel vm0, v11, v25;
	[tilespmem:s16+$0x58B0] =	vst v22;
	v22 =	vadd.f32 $8.388608000e+06, v22  }
0x2f9: {  	v23 =	vadd.s32 $0x40000, v23;
	v24 =	vadd.f32 v28, v24;
	v31 =	vadd.f32 $8.388608000e+06, v31  }
0x2fa: {  	v32 =	vsel vm1, v19, v14;
	v29 =	vadd.f32 v35, v29;
	v22 =	vadd.f32 $-8.388608000e+06, v22;
	[tilespmem:s12+$0x18A0] =	vst v23  }
0x2fb: {  	vm1 =	vgt.f32 v24, $5.110000000e+02;
	v19 =	vadd.f32 v21, v27;
	v14 =	vmovc v24;
	v23 =	vadd.f32 $-8.388608000e+06, v31;
	[tilespmem:s12+$0x4880] =	vst v32  }
0x2fc: {  	v24 =	vadd.f32 v20, v30;
	v27 =	vadd.f32 v15, v33;
	v22 =	vtrunc.f32 v22  }
0x2fd: {  	v30 =	vadd.f32 v26, v34;
	v23 =	vtrunc.f32 v23;
	v22 =	vcvt.f32.s32 v22  }
0x2fe: {  	vm5 =	vgt.f32 v29, $5.110000000e+02;
	vm6 =	vgt.f32 v19, $5.110000000e+02;
	v23 =	vcvt.f32.s32 v23  }
0x2ff: {  	vm7 =	vgt.f32 v24, $5.110000000e+02;
	vm8 =	vgt.f32 v27, $5.110000000e+02;
	v22 =	vshll.u32 v22, $0x9  }
0x300: {  	vm1 =	vmor vm1, vm5;
	vm5 =	vgt.f32 v30, $5.110000000e+02;
	v22 =	vor.u32 v23, v22  }
0x301: {  	vm6 =	vmor vm6, vm7;
	vm5 =	vmor vm8, vm5;
	[tilespmem:s16+$0x10B0] =	vst v22;
	v22 =	vadd.s32 $0x40000, v22  }
0x302: {  	vm7 =	vlt.f32 v14, $0.0e+00;
	vm9 =	vlt.f32 v27, $0.0e+00;
	vm8 =	vlt.f32 v19, $0.0e+00;
	[tilespmem:s16+$0x18B0] =	vst v22  }
0x303: {  	vm1 =	vmor vm1, vm7;
	vm6 =	vmor vm6, vm8;
	vm7 =	vmor vm5, vm9  }
0x304: {  	vm5 =	vlt.f32 v29, $0.0e+00;
	vm8 =	vlt.f32 v24, $0.0e+00;
	vm9 =	vlt.f32 v30, $0.0e+00  }
0x305: {  	vm1 =	vmor vm5, vm1;
	vm5 =	vmor vm8, vm6;
	vm6 =	vmor vm9, vm7  }
0x306: {  	v20 =	vsel vm5, v20, v24;
	v23 =	vsel vm6, v26, v30;
	v22 =	vsel vm1, v35, v29  }
0x307: {  	v24 =	vsel vm1, v28, v14;
	v26 =	vadd.f32 $8.388608000e+06, v20;
	[tilespmem:s16+$0x5880] =	vst v22;
	v22 =	vadd.f32 $8.388608000e+06, v22  }
0x308: {  	v30 =	vadd.f32 $8.388608000e+06, v23;
	v29 =	vsel vm5, v21, v19;
	[tilespmem:s16+$0x5890] =	vst v20;
	v20 =	vsel vm6, v15, v27  }
0x309: {  	v16 =	vsel vm4, v16, v12;
	v12 =	vmovc v19;
	v24 =	vadd.f32 $8.388608000e+06, v24;
	v29 =	vadd.f32 $8.388608000e+06, v29;
	[tilespmem:s16+$0x58A0] =	vst v23  }
0x30a: {  	v19 =	vadd.f32 $-8.388608000e+06, v22;
	v20 =	vadd.f32 $8.388608000e+06, v20;
	[tilespmem:s12+$0x4890] =	vst v16;
	v16 =	vsel vm3, v17, v13;
	v13 =	vmovc v27  }
0x30b: {  	v22 =	vadd.f32 $-8.388608000e+06, v30;
	v17 =	vadd.f32 $-8.388608000e+06, v26;
	[tilespmem:s12+$0x48A0] =	vst v16;
	v16 =	vsel vm2, v18, v10;
	v10 =	vmovc v25  }
0x30c: {  	v18 =	vadd.f32 $-8.388608000e+06, v24;
	v23 =	vtrunc.f32 v19;
	v24 =	vadd.f32 $-8.388608000e+06, v29;
	[tilespmem:s12+$0x48B0] =	vst v16;
	s12 =	smov.u32 s16  }
.Ltmp9:
0x30d: {  	v16 =	vtrunc.f32 v17;
	v17 =	vadd.f32 $-8.388608000e+06, v20;
	v20 =	vtrunc.f32 v22;
	(pc) =	sbr.rel @p1 .LBB2_18-.Ltmp9, $4  }
0x30e: {  	v19 =	vsub.f32 $-1.000000000e+00, v28;
	v22 =	vcvt.f32.s32 v23;
	v23 =	vcvt.f32.s32 v16  }
0x30f: {  	v25 =	vtrunc.f32 v18;
	v16 =	vsub.f32 $-1.000000000e+00, v21;
	v18 =	vcvt.f32.s32 v20  }
0x310: {  	v20 =	vshll.u32 v22, $0x9;
	v22 =	vtrunc.f32 v24;
	v24 =	vtrunc.f32 v17  }
0x311: {  	s15 =	sadd.s32 $0x100, s15;
	v21 =	vcvt.f32.s32 v25;
	v22 =	vcvt.f32.s32 v22;
	v23 =	vshll.u32 v23, $0x9  }
0x312: {  	v14 =	vsel vm1, v19, v14  }
0x313: {  	v17 =	vor.u32 v21, v20;
	[tilespmem:s12+$0x4880] =	vst v14  }
0x314: {  	vm2 =	vmmov vm5;
	v60 =	vor.u32 v22, v23;
	[tilespmem:s12+$0x1080] =	vst v17  }
0x315: {  	v12 =	vsel vm2, v16, v12;
	[tilespmem:s12+$0x1090] =	vst v60  }
0x316: {  	v15 =	vsub.f32 $-1.000000000e+00, v15;
	v17 =	vadd.s32 $0x40000, v17;
	[tilespmem:s12+$0x4890] =	vst v12  }
0x317: {  	vm15 =	vmmov vm6;
	v11 =	vsub.f32 $-1.000000000e+00, v11;
	v22 =	vadd.s32 $0x40000, v60;
	[tilespmem:s12+$0x1880] =	vst v17  }
0x318: {  	v61 =	vcvt.f32.s32 v24;
	vm0 =	vmmov vm0;
	v63 =	vsel vm15, v15, v13;
	[tilespmem:s12+$0x1890] =	vst v22  }
.Ltmp10:
0x319: {  	v62 =	vshll.u32 v18, $0x9;
	v10 =	vsel vm0, v11, v10;
	[tilespmem:s12+$0x48A0] =	vst v63;
	(pc) =	sbr.rel @p0 .LBB2_25-.Ltmp10, $4  }
0x31a: {  	v17 =	vor.u32 v61, v62;
	[tilespmem:s12+$0x48B0] =	vst v10  }
0x31b: {  	[tilespmem:s12+$0x10A0] =	vst v17;
	v17 =	vadd.s32 $0x40000, v17  }
0x31c: {  	[tilespmem:s12+$0x18A0] =	vst v17;
	s12 =	simm.s32 $0x1  }
0x31d: {  	[tilespmem:s1], [sflag:$0x2] =	stream.indirect.gather [spmem:s2], $0x1, s4, s0, $0xb8;
	[tilespmem:$0x10080] =	vst v63  }
.LBB2_20:
0x31e: {  	_ =	swait.ge [sflag:s28], $0x1000  }
0x31f: {  	[sflag:s28] =	ssyncset.done $0x0  }
0x320: {  	s13 =	simm.s32 $0x0;
	[sflag:s28] =	ssyncadd.s32 $0xFFFFF000  }
0x321: {  	v12 =	vld [tilespmem:s13+$0x20B0]  }
0x322: {  	v11 =	vld [tilespmem:s13+$0x40B0]  }
0x323: {  	v10 =	vld [tilespmem:s13+$0x28B0]  }
0x324: {  	v13 =	vld [tilespmem:s13+$0x50B0]  }
0x325: {  	v21 =	vld [tilespmem:s13+$0x40A0]  }
0x326: {  	v15 =	vld [tilespmem:s13+$0x2880]  }
0x327: {  	v22 =	vld [tilespmem:s13+$0x5080]  }
0x328: {  	v17 =	vld [tilespmem:s13+$0x2890]  }
0x329: {  	v25 =	vld [tilespmem:s13+$0x5090]  }
0x32a: {  	v23 =	vcvt.s32.f32 v2  }
0x32b: {  	vm0 =	vlt.f32 v11, $-5.000000000e-01  }
0x32c: {  	v24 =	vcvt.s32.f32 v4;
	v19 =	vld [tilespmem:s13+$0x4080];
	v13 =	vadd.f32 v13, v10;
	v11 =	vsel vm0, v23, v11  }
0x32d: {  	v20 =	vld [tilespmem:s13+$0x4090];
	vm4 =	vlt.f32 v21, $-5.000000000e-01;
	v22 =	vadd.f32 v22, v15;
	v11 =	vadd.f32 v11, v12  }
0x32e: {  	v14 =	vld [tilespmem:s13+$0x2080];
	v25 =	vadd.f32 v25, v17;
	v28 =	vsel vm4, v24, v21;
	vm2 =	vgt.f32 v13, $5.110000000e+02  }
0x32f: {  	v16 =	vld [tilespmem:s13+$0x2090];
	vm5 =	vlt.f32 v13, $0.0e+00;
	vm6 =	vgt.f32 v22, $5.110000000e+02;
	vm1 =	vgt.f32 v11, $5.110000000e+02  }
0x330: {  	vm8 =	vgt.f32 v25, $5.110000000e+02;
	vm3 =	vlt.f32 v11, $0.0e+00;
	vm2 =	vmor vm1, vm2  }
0x331: {  	v18 =	vld [tilespmem:s13+$0x20A0];
	vm14 =	vlt.f32 v25, $0.0e+00;
	vm1 =	vlt.f32 v19, $-5.000000000e-01;
	vm2 =	vmor vm2, vm3  }
0x332: {  	vm3 =	vlt.f32 v20, $-5.000000000e-01;
	v26 =	vsel vm1, v5, v19;
	v19 =	vld [tilespmem:s13+$0x28A0];
	vm2 =	vmor vm5, vm2  }
0x333: {  	v27 =	vsel vm3, v7, v20;
	v20 =	vadd.f32 v26, v14;
	v26 =	vld [tilespmem:s13+$0x50A0];
	vm0 =	vmor vm0, vm2  }
0x334: {  	v21 =	vadd.f32 v27, v16;
	v29 =	vsel vm0, v3, v13;
	v13 =	vsel vm0, v23, v11  }
0x335: {  	vm2 =	vgt.f32 v20, $5.110000000e+02;
	v23 =	vsub.f32 $-1.000000000e+00, v23;
	v27 =	vadd.f32 $8.388608000e+06, v29  }
0x336: {  	v30 =	vadd.f32 $8.388608000e+06, v13;
	vm5 =	vgt.f32 v21, $5.110000000e+02;
	v13 =	vadd.f32 v28, v18  }
0x337: {  	vm2 =	vmor vm2, vm6;
	vm13 =	vlt.f32 v21, $0.0e+00;
	v27 =	vadd.f32 $-8.388608000e+06, v27  }
0x338: {  	vm5 =	vmor vm5, vm8;
	v28 =	vadd.f32 $-8.388608000e+06, v30;
	v26 =	vadd.f32 v26, v19  }
0x339: {  	vm7 =	vgt.f32 v13, $5.110000000e+02;
	vm9 =	vlt.f32 v13, $0.0e+00;
	vm5 =	vmor vm5, vm13  }
0x33a: {  	vm5 =	vmor vm14, vm5;
	v27 =	vtrunc.f32 v27;
	v28 =	vtrunc.f32 v28  }
0x33b: {  	vm6 =	vgt.f32 v26, $5.110000000e+02;
	vm15 =	vlt.f32 v26, $0.0e+00;
	vm3 =	vmor vm3, vm5  }
0x33c: {  	v27 =	vcvt.f32.s32 v27;
	vm6 =	vmor vm7, vm6;
	vm7 =	vlt.f32 v20, $0.0e+00  }
0x33d: {  	v28 =	vcvt.f32.s32 v28;
	v34 =	vsel vm3, v8, v25;
	vm2 =	vmor vm2, vm7  }
0x33e: {  	vm6 =	vmor vm6, vm9;
	vm7 =	vlt.f32 v22, $0.0e+00;
	v27 =	vshll.u32 v27, $0x9  }
0x33f: {  	vm2 =	vmor vm7, vm2;
	vm6 =	vmor vm15, vm6;
	v30 =	vor.u32 v28, v27  }
0x340: {  	vm2 =	vmor vm1, vm2;
	vm4 =	vmor vm4, vm6;
	v28 =	vsel vm3, v7, v21  }
0x341: {  	v22 =	vsel vm2, v6, v22;
	v38 =	vsel vm4, v9, v26;
	v26 =	vadd.f32 $8.388608000e+06, v34  }
0x342: {  	v27 =	vsel vm2, v5, v20;
	v28 =	vadd.f32 $8.388608000e+06, v28;
	v25 =	vadd.f32 $8.388608000e+06, v22  }
0x343: {  	v32 =	vsel vm4, v24, v13;
	v31 =	vadd.f32 $8.388608000e+06, v38;
	v27 =	vadd.f32 $8.388608000e+06, v27  }
0x344: {  	v32 =	vadd.f32 $8.388608000e+06, v32;
	v35 =	vadd.f32 $-8.388608000e+06, v26  }
0x345: {  	vm0 =	vmmov vm0;
	v39 =	vadd.f32 $-8.388608000e+06, v28;
	v33 =	vadd.f32 $-8.388608000e+06, v25  }
0x346: {  	[tilespmem:s13+$0x5090] =	vst v34;
	v34 =	vld [tilespmem:s13+$0x70A0];
	v31 =	vadd.f32 $-8.388608000e+06, v31;
	v37 =	vadd.f32 $-8.388608000e+06, v27;
	v60 =	vtrunc.f32 v35  }
0x347: {  	[tilespmem:s13+$0x50B0] =	vst v29;
	v26 =	vld [tilespmem:s13+$0x7080];
	v32 =	vadd.f32 $-8.388608000e+06, v32;
	v62 =	vtrunc.f32 v39;
	v29 =	vtrunc.f32 v33  }
0x348: {  	v36 =	vadd.s32 $0x40000, v30;
	[tilespmem:s13+$0xB0] =	vst v30;
	v28 =	vld [tilespmem:s13+$0x70B0];
	v31 =	vtrunc.f32 v31;
	v41 =	vcvt.f32.s32 v60  }
0x349: {  	[tilespmem:s13+$0x5080] =	vst v22;
	v22 =	vsub.f32 $-1.000000000e+00, v24;
	v25 =	vld [tilespmem:s13+$0x6080];
	v30 =	vtrunc.f32 v37;
	v63 =	vtrunc.f32 v32  }
0x34a: {  	v35 =	vsub.f32 $-1.000000000e+00, v5;
	v42 =	vcvt.f32.s32 v62;
	v40 =	vcvt.f32.s32 v29;
	v29 =	vld [tilespmem:s13+$0x6090]  }
0x34b: {  	v33 =	vsub.f32 $-1.000000000e+00, v7;
	v61 =	vcvt.f32.s32 v31;
	v31 =	vld [tilespmem:s13+$0x7090];
	v30 =	vcvt.f32.s32 v30  }
0x34c: {  	[tilespmem:s13+$0x8B0] =	vst v36;
	v32 =	vld [tilespmem:s13+$0x60A0];
	v36 =	vcvt.f32.s32 v63;
	v41 =	vshll.u32 v41, $0x9;
	v40 =	vshll.u32 v40, $0x9  }
0x34d: {  	s14 =	simm.s32 $0x0;
	s15 =	simm.s32 $0x100;
	s16 =	smov.u32 s26;
	[tilespmem:s13+$0x50A0] =	vst v38;
	v27 =	vld [tilespmem:s13+$0x60B0];
	v37 =	vshll.u32 v61, $0x9;
	v38 =	vor.u32 v30, v40;
	v30 =	vor.u32 v42, v41  }
.LBB2_21:
0x34e: {  	v25 =	vadd.f32 v25, v14  }
0x34f: {  	s17 =	sshra.s32 s15, $0x2;
	v26 =	vadd.f32 v26, v15;
	[tilespmem:s13+$0x80] =	vst v38;
	v14 =	vor.u32 v36, v37;
	vm1 =	vmmov vm4  }
0x350: {  	s14 =	sadd.s32 $0x4, s14;
	v24 =	vadd.s32 $0x40000, v38;
	v16 =	vadd.f32 v29, v16;
	v17 =	vadd.f32 v31, v17;
	v15 =	vld [tilespmem:s17+$0x20B0];
	[tilespmem:s13+$0x90] =	vst v30  }
0x351: {  	v18 =	vadd.f32 v32, v18;
	v19 =	vadd.f32 v34, v19;
	p0 =	slt.u32 s14, $0x7C;
	v29 =	vld [tilespmem:s17+$0x40B0];
	[tilespmem:s13+$0x880] =	vst v24;
	v24 =	vadd.s32 $0x40000, v30  }
0x352: {  	v27 =	vadd.f32 v27, v12;
	v28 =	vadd.f32 v28, v10;
	s16 =	sadd.s32 $0x40, s16;
	[tilespmem:s13+$0x890] =	vst v24;
	v24 =	vadd.s32 $0x40000, v14;
	v10 =	vld [tilespmem:s17+$0x28B0]  }
0x353: {  	v20 =	vsel vm2, v35, v20;
	v21 =	vsel vm3, v33, v21;
	s19 =	sadd.s32 $0xFFFFFFD0, s16;
	s20 =	sadd.s32 $0xFFFFFFE0, s16;
	s18 =	sadd.s32 $0xFFFFFFF0, s16;
	v36 =	vor.u32 s16, v0;
	v31 =	vld [tilespmem:s17+$0x50B0];
	[tilespmem:s13+$0x8A0] =	vst v24  }
0x354: {  	v30 =	vor.u32 s20, v0;
	v35 =	vand.u32 $0x1FF, v36;
	v24 =	vor.u32 s19, v0;
	v32 =	vld [tilespmem:s17+$0x4080];
	[tilespmem:s13+$0xA0] =	vst v14  }
0x355: {  	v33 =	vor.u32 s18, v0;
	v14 =	vand.u32 $0x1FF, v24;
	v24 =	vcvt.s32.f32 v35;
	v34 =	vld [tilespmem:s17+$0x4090];
	[tilespmem:s13+$0x4080] =	vst v20;
	v12 =	vmovc v15  }
0x356: {  	v15 =	vand.u32 $0x1FF, v30;
	v20 =	vand.u32 $0x1FF, v33;
	v37 =	vld [tilespmem:s17+$0x40A0];
	vm5 =	vlt.f32 v29, $-5.000000000e-01;
	[tilespmem:s13+$0x4090] =	vst v21  }
0x357: {  	v35 =	vcvt.s32.f32 v14;
	v33 =	vcvt.s32.f32 v15;
	v14 =	vld [tilespmem:s17+$0x2080];
	v21 =	vsel vm5, v24, v29;
	[tilespmem:s13+$0x6080] =	vst v25  }
0x358: {  	v30 =	vcvt.s32.f32 v20;
	v15 =	vld [tilespmem:s17+$0x2880];
	v36 =	vadd.f32 v21, v12;
	v21 =	vadd.f32 v31, v10;
	[tilespmem:s13+$0x7080] =	vst v26  }
0x359: {  	v38 =	vmov s19;
	v39 =	vmov s20;
	v29 =	vld [tilespmem:s17+$0x5080];
	vm2 =	vlt.f32 v32, $-5.000000000e-01;
	[tilespmem:s13+$0x6090] =	vst v16  }
0x35a: {  	v16 =	vld [tilespmem:s17+$0x2090];
	vm3 =	vlt.f32 v34, $-5.000000000e-01;
	vm4 =	vgt.f32 v36, $5.110000000e+02;
	vm6 =	vgt.f32 v21, $5.110000000e+02;
	[tilespmem:s13+$0x7090] =	vst v17  }
0x35b: {  	v20 =	vmov s16;
	vm7 =	vlt.f32 v36, $0.0e+00;
	v17 =	vld [tilespmem:s17+$0x2890];
	vm4 =	vmor vm4, vm6;
	[tilespmem:s13+$0x60A0] =	vst v18  }
0x35c: {  	v20 =	vshrl.u32 v20, $0x9;
	v40 =	vld [tilespmem:s17+$0x5090];
	vm6 =	vmor vm4, vm7;
	vm7 =	vlt.f32 v21, $0.0e+00;
	[tilespmem:s13+$0x70A0] =	vst v19  }
0x35d: {  	v25 =	vcvt.s32.f32 v20;
	vm4 =	vlt.f32 v37, $-5.000000000e-01;
	v18 =	vld [tilespmem:s17+$0x20A0];
	vm6 =	vmor vm7, vm6;
	[tilespmem:s13+$0x60B0] =	vst v27  }
0x35e: {  	v20 =	vsel vm2, v35, v32;
	v26 =	vsel vm3, v33, v34;
	v19 =	vld [tilespmem:s17+$0x28A0];
	vm5 =	vmor vm5, vm6;
	[tilespmem:s13+$0x70B0] =	vst v28  }
0x35f: {  	v20 =	vadd.f32 v20, v14;
	v28 =	vsel vm4, v30, v37;
	v27 =	vld [tilespmem:s17+$0x50A0];
	v31 =	vsel vm5, v25, v21  }
0x360: {  	v21 =	vadd.f32 v26, v16;
	v32 =	vsel vm5, v24, v36;
	v25 =	vld [tilespmem:s17+$0x6080];
	[tilespmem:s17+$0x50B0] =	vst v31;
	v31 =	vadd.f32 $8.388608000e+06, v31  }
0x361: {  	v37 =	vadd.f32 v29, v15;
	vm6 =	vgt.f32 v20, $5.110000000e+02;
	v32 =	vadd.f32 $8.388608000e+06, v32;
	v26 =	vld [tilespmem:s17+$0x7080]  }
0x362: {  	vm7 =	vgt.f32 v21, $5.110000000e+02;
	v29 =	vld [tilespmem:s17+$0x6090];
	v41 =	vadd.f32 v28, v18;
	v28 =	vadd.f32 $-8.388608000e+06, v31  }
0x363: {  	vm8 =	vgt.f32 v37, $5.110000000e+02;
	v40 =	vadd.f32 v40, v17;
	v42 =	vadd.f32 $-8.388608000e+06, v32;
	v31 =	vld [tilespmem:s17+$0x7090]  }
0x364: {  	v32 =	vld [tilespmem:s17+$0x60A0];
	v43 =	vadd.f32 v27, v19;
	vm9 =	vgt.f32 v41, $5.110000000e+02;
	v27 =	vtrunc.f32 v28  }
0x365: {  	vm10 =	vgt.f32 v40, $5.110000000e+02;
	v28 =	vtrunc.f32 v42;
	v34 =	vld [tilespmem:s17+$0x70A0];
	v42 =	vcvt.f32.s32 v27  }
0x366: {  	vm6 =	vmor vm6, vm8;
	v44 =	vcvt.f32.s32 v28;
	vm8 =	vgt.f32 v43, $5.110000000e+02;
	v27 =	vld [tilespmem:s17+$0x60B0]  }
0x367: {  	vm7 =	vmor vm7, vm10;
	vm8 =	vmor vm9, vm8;
	v28 =	vld [tilespmem:s17+$0x70B0];
	v42 =	vshll.u32 v42, $0x9  }
0x368: {  	vm10 =	vlt.f32 v21, $0.0e+00;
	vm9 =	vlt.f32 v20, $0.0e+00;
	v42 =	vor.u32 v44, v42  }
0x369: {  	vm11 =	vlt.f32 v41, $0.0e+00;
	v44 =	vmov s18;
	[tilespmem:s17+$0xB0] =	vst v42;
	v42 =	vadd.s32 $0x40000, v42  }
0x36a: {  	vm7 =	vmor vm7, vm10;
	vm6 =	vmor vm6, vm9;
	vm8 =	vmor vm8, vm11;
	[tilespmem:s17+$0x8B0] =	vst v42  }
0x36b: {  	vm10 =	vlt.f32 v40, $0.0e+00;
	vm9 =	vlt.f32 v37, $0.0e+00;
	vm11 =	vlt.f32 v43, $0.0e+00  }
0x36c: {  	v38 =	vshrl.u32 v38, $0x9;
	v39 =	vshrl.u32 v39, $0x9;
	v42 =	vshrl.u32 v44, $0x9  }
0x36d: {  	vm7 =	vmor vm10, vm7;
	vm6 =	vmor vm9, vm6;
	vm8 =	vmor vm11, vm8  }
0x36e: {  	v38 =	vcvt.s32.f32 v38;
	v39 =	vcvt.s32.f32 v39;
	vm2 =	vmor vm2, vm6  }
0x36f: {  	vm3 =	vmor vm3, vm7;
	vm4 =	vmor vm4, vm8;
	v42 =	vcvt.s32.f32 v42  }
0x370: {  	v44 =	vsel vm2, v35, v20;
	v37 =	vsel vm2, v38, v37;
	v38 =	vsel vm3, v39, v40  }
0x371: {  	v39 =	vadd.f32 $8.388608000e+06, v38;
	v40 =	vsel vm4, v42, v43;
	[tilespmem:s17+$0x5080] =	vst v37;
	v37 =	vadd.f32 $8.388608000e+06, v37  }
0x372: {  	v42 =	vsel vm3, v33, v21;
	v43 =	vadd.f32 $8.388608000e+06, v40;
	[tilespmem:s17+$0x5090] =	vst v38;
	v38 =	vsel vm4, v30, v41  }
0x373: {  	v22 =	vsel vm1, v22, v13;
	v13 =	vmovc v41;
	v44 =	vadd.f32 $8.388608000e+06, v44;
	v42 =	vadd.f32 $8.388608000e+06, v42;
	[tilespmem:s17+$0x50A0] =	vst v40  }
0x374: {  	v37 =	vadd.f32 $-8.388608000e+06, v37;
	v38 =	vadd.f32 $8.388608000e+06, v38;
	[tilespmem:s13+$0x40A0] =	vst v22;
	v22 =	vsel vm0, v23, v11;
	v11 =	vmovc v36  }
0x375: {  	v23 =	vadd.f32 $-8.388608000e+06, v39;
	v36 =	vadd.f32 $-8.388608000e+06, v43;
	vm0 =	vmmov vm5;
	[tilespmem:s13+$0x40B0] =	vst v22;
	s13 =	smov.u32 s17  }
0x376: {  	v39 =	vadd.f32 $-8.388608000e+06, v42;
	v22 =	vadd.f32 $-8.388608000e+06, v44;
	v37 =	vtrunc.f32 v37  }
0x377: {  	v38 =	vadd.f32 $-8.388608000e+06, v38;
	v23 =	vtrunc.f32 v23;
	v36 =	vtrunc.f32 v36  }
0x378: {  	v35 =	vsub.f32 $-1.000000000e+00, v35;
	v37 =	vcvt.f32.s32 v37;
	v23 =	vcvt.f32.s32 v23  }
.Ltmp11:
0x379: {  	v33 =	vsub.f32 $-1.000000000e+00, v33;
	v22 =	vtrunc.f32 v22;
	v40 =	vcvt.f32.s32 v36;
	(pc) =	sbr.rel @p0 .LBB2_21-.Ltmp11, $4  }
0x37a: {  	v36 =	vtrunc.f32 v39;
	v41 =	vshll.u32 v37, $0x9;
	v37 =	vtrunc.f32 v38  }
0x37b: {  	v38 =	vcvt.f32.s32 v22;
	v39 =	vcvt.f32.s32 v36;
	v23 =	vshll.u32 v23, $0x9  }
0x37c: {  	v22 =	vsub.f32 $-1.000000000e+00, v30;
	v36 =	vcvt.f32.s32 v37;
	v37 =	vshll.u32 v40, $0x9  }
0x37d: {  	s15 =	sadd.s32 $0x100, s15;
	v38 =	vor.u32 v38, v41;
	v30 =	vor.u32 v39, v23;
	v23 =	vsub.f32 $-1.000000000e+00, v24  }
0x37e: {  	[tilespmem:s13+$0x80] =	vst v38  }
0x37f: {  	v24 =	vadd.s32 $0x40000, v38;
	[tilespmem:s13+$0x90] =	vst v30  }
0x380: {  	v36 =	vor.u32 v36, v37;
	[tilespmem:s13+$0x880] =	vst v24  }
0x381: {  	v20 =	vsel vm2, v35, v20;
	[tilespmem:s13+$0xA0] =	vst v36  }
0x382: {  	v21 =	vsel vm3, v33, v21;
	[tilespmem:s13+$0x4080] =	vst v20  }
0x383: {  	v14 =	vadd.f32 v25, v14;
	v24 =	vadd.s32 $0x40000, v30;
	[tilespmem:s13+$0x4090] =	vst v21  }
0x384: {  	v15 =	vadd.f32 v26, v15;
	[tilespmem:s13+$0x890] =	vst v24  }
0x385: {  	v16 =	vadd.f32 v29, v16;
	[tilespmem:s13+$0x6080] =	vst v14  }
0x386: {  	v12 =	vadd.f32 v27, v12;
	[tilespmem:s13+$0x7080] =	vst v15  }
0x387: {  	v10 =	vadd.f32 v28, v10;
	[tilespmem:s13+$0x6090] =	vst v16  }
0x388: {  	[tilespmem:s13+$0x60B0] =	vst v12  }
0x389: {  	vm1 =	vmmov vm4;
	v24 =	vadd.s32 $0x40000, v36;
	[tilespmem:s13+$0x70B0] =	vst v10  }
0x38a: {  	v14 =	vadd.f32 v31, v17;
	v10 =	vsel vm1, v22, v13;
	[tilespmem:s13+$0x8A0] =	vst v24  }
0x38b: {  	v15 =	vadd.f32 v32, v18;
	[tilespmem:s13+$0x40A0] =	vst v10  }
0x38c: {  	v16 =	vadd.f32 v34, v19;
	[tilespmem:s13+$0x7090] =	vst v14  }
0x38d: {  	[tilespmem:s13+$0x60A0] =	vst v15  }
0x38e: {  	v10 =	vsel vm0, v23, v11;
	[tilespmem:s13+$0x70A0] =	vst v16  }
0x38f: {  	[tilespmem:s13+$0x40B0] =	vst v10  }
0x390: {  	[tilespmem:s31], [sflag:$0x1] =	stream.indirect.gather [spmem:s2], $0x1, s3, s0, $0xb8;
	[tilespmem:$0x10080] =	vst v63  }
0x391: {  	_ =	swait.ge [sflag:s29], $0x1000  }
0x392: {  	[sflag:s29] =	ssyncset.done $0x0  }
0x393: {  	s13 =	simm.s32 $0x0;
	[sflag:s29] =	ssyncadd.s32 $0xFFFFF000  }
0x394: {  	s14 =	sadd.s32 $0x0, s5;
	v11 =	vld [tilespmem:s13+$0x48B0]  }
0x395: {  	s15 =	sadd.s32 $0x1800, s14;
	s16 =	sadd.s32 $0x1830, s14;
	v10 =	vld [tilespmem:s13+$0x38B0]  }
0x396: {  	s17 =	sadd.s32 $0x1810, s14;
	s18 =	sadd.s32 $0x1820, s14;
	s14 =	simm.s32 $0x0;
	v15 =	vld [tilespmem:s13+$0x58B0]  }
0x397: {  	s19 =	sand.u32 $0x7C0, s14;
	v17 =	vld [tilespmem:s13+$0x4880]  }
0x398: {  	v14 =	vor.u32 s16, v0;
	v21 =	vld [tilespmem:s19+$0x3080]  }
0x399: {  	v18 =	vor.u32 s18, v0;
	v14 =	vand.u32 $0x1FF, v14;
	v23 =	vld [tilespmem:s19+$0x3880]  }
0x39a: {  	v20 =	vcvt.s32.f32 v14;
	v14 =	vand.u32 $0x1FF, v18;
	v28 =	vld [tilespmem:s13+$0x5880]  }
0x39b: {  	v13 =	vor.u32 s15, v0;
	v49 =	vcvt.s32.f32 v14;
	v14 =	vld [tilespmem:s13+$0x3890]  }
0x39c: {  	v13 =	vand.u32 $0x1FF, v13;
	v30 =	vld [tilespmem:s13+$0x5890]  }
0x39d: {  	v16 =	vor.u32 s17, v0;
	v25 =	vcvt.s32.f32 v13;
	v13 =	vmov s15;
	v58 =	vld [tilespmem:s13+$0x6880]  }
0x39e: {  	v29 =	vmov s18;
	v16 =	vand.u32 $0x1FF, v16;
	v26 =	vshrl.u32 v13, $0x9;
	v12 =	vld [tilespmem:s13+$0x30B0]  }
0x39f: {  	v24 =	vmov s17;
	v27 =	vcvt.s32.f32 v16;
	v26 =	vcvt.s32.f32 v26  }
0x3a0: {  	vm0 =	vlt.f32 v11, $-5.000000000e-01;
	v18 =	vadd.f32 v15, v10;
	vm1 =	vlt.f32 v17, $-5.000000000e-01  }
0x3a1: {  	v19 =	vld [tilespmem:s13+$0x4890];
	v15 =	vmov s16;
	v28 =	vadd.f32 v28, v23;
	v30 =	vadd.f32 v30, v14  }
0x3a2: {  	v22 =	vld [tilespmem:s13+$0x48A0];
	v33 =	vadd.f32 v58, v21;
	v11 =	vsel vm0, v20, v11;
	v16 =	vshrl.u32 v15, $0x9  }
0x3a3: {  	v50 =	vld [tilespmem:s13+$0x58A0];
	v17 =	vsel vm1, v25, v17;
	v11 =	vadd.f32 v11, v12;
	vm3 =	vgt.f32 v18, $5.110000000e+02  }
0x3a4: {  	v31 =	vcvt.s32.f32 v16;
	v16 =	vld [tilespmem:s13+$0x38A0];
	v17 =	vadd.f32 v17, v21;
	vm6 =	vgt.f32 v28, $5.110000000e+02  }
0x3a5: {  	v13 =	vld [tilespmem:s13+$0x3090];
	vm8 =	vgt.f32 v30, $5.110000000e+02;
	vm9 =	vlt.f32 v28, $0.0e+00;
	vm2 =	vgt.f32 v11, $5.110000000e+02  }
0x3a6: {  	vm4 =	vlt.f32 v11, $0.0e+00;
	vm15 =	vlt.f32 v17, $0.0e+00;
	vm2 =	vmor vm2, vm3  }
0x3a7: {  	v15 =	vld [tilespmem:s13+$0x30A0];
	vm3 =	vlt.f32 v19, $-5.000000000e-01;
	vm2 =	vmor vm2, vm4;
	vm4 =	vlt.f32 v18, $0.0e+00  }
0x3a8: {  	v19 =	vsel vm3, v27, v19;
	vm2 =	vmor vm4, vm2;
	vm4 =	vlt.f32 v22, $-5.000000000e-01  }
0x3a9: {  	v32 =	vadd.f32 v50, v16;
	vm0 =	vmor vm0, vm2;
	v22 =	vsel vm4, v49, v22  }
0x3aa: {  	vm2 =	vgt.f32 v17, $5.110000000e+02;
	v31 =	vsel vm0, v31, v18;
	v18 =	vadd.f32 v19, v13  }
0x3ab: {  	v19 =	vsel vm0, v20, v11;
	vm2 =	vmor vm2, vm6;
	v51 =	vadd.f32 $8.388608000e+06, v31  }
0x3ac: {  	vm14 =	vgt.f32 v32, $5.110000000e+02;
	v52 =	vadd.f32 $8.388608000e+06, v19;
	v19 =	vadd.f32 v22, v15  }
0x3ad: {  	vm2 =	vmor vm2, vm15;
	vm15 =	vlt.f32 v32, $0.0e+00;
	vm5 =	vgt.f32 v18, $5.110000000e+02  }
0x3ae: {  	vm12 =	vlt.f32 v18, $0.0e+00;
	vm2 =	vmor vm9, vm2;
	v22 =	vadd.f32 $-8.388608000e+06, v51  }
0x3af: {  	v53 =	vadd.f32 $-8.388608000e+06, v52;
	vm7 =	vgt.f32 v19, $5.110000000e+02;
	vm5 =	vmor vm5, vm8  }
0x3b0: {  	vm13 =	vlt.f32 v19, $0.0e+00;
	vm2 =	vmor vm1, vm2;
	vm6 =	vmor vm7, vm14  }
0x3b1: {  	vm5 =	vmor vm5, vm12;
	vm14 =	vlt.f32 v30, $0.0e+00;
	v22 =	vtrunc.f32 v22  }
0x3b2: {  	v34 =	vtrunc.f32 v53;
	vm5 =	vmor vm14, vm5;
	v22 =	vcvt.f32.s32 v22  }
0x3b3: {  	v54 =	vsel vm2, v26, v28;
	v34 =	vcvt.f32.s32 v34;
	vm1 =	vmor vm3, vm5  }
0x3b4: {  	vm6 =	vmor vm6, vm13;
	v28 =	vsel vm1, v27, v18;
	v22 =	vshll.u32 v22, $0x9  }
0x3b5: {  	v28 =	vadd.f32 $8.388608000e+06, v28;
	v34 =	vor.u32 v34, v22;
	v22 =	vshrl.u32 v24, $0x9  }
0x3b6: {  	vm6 =	vmor vm15, vm6;
	v24 =	vshrl.u32 v29, $0x9;
	v22 =	vcvt.s32.f32 v22  }
0x3b7: {  	vm3 =	vmor vm4, vm6;
	v24 =	vcvt.s32.f32 v24;
	v42 =	vadd.f32 $-8.388608000e+06, v28  }
0x3b8: {  	v28 =	vsub.f32 $-1.000000000e+00, v27;
	v55 =	vsel vm1, v22, v30;
	v22 =	vadd.f32 $8.388608000e+06, v54  }
0x3b9: {  	v56 =	vsel vm3, v24, v32;
	v24 =	vsel vm2, v25, v17;
	v26 =	vadd.f32 $8.388608000e+06, v55  }
0x3ba: {  	v30 =	vsel vm3, v49, v19;
	v29 =	vadd.f32 $8.388608000e+06, v56;
	v24 =	vadd.f32 $8.388608000e+06, v24  }
0x3bb: {  	vm0 =	vmmov vm0;
	v30 =	vadd.f32 $8.388608000e+06, v30;
	v22 =	vadd.f32 $-8.388608000e+06, v22  }
0x3bc: {  	v27 =	vtrunc.f32 v42;
	v26 =	vadd.f32 $-8.388608000e+06, v26;
	v29 =	vadd.f32 $-8.388608000e+06, v29  }
0x3bd: {  	v39 =	vld [tilespmem:s13+$0x7880];
	v63 =	vcvt.f32.s32 v27;
	v30 =	vadd.f32 $-8.388608000e+06, v30;
	v41 =	vtrunc.f32 v22  }
0x3be: {  	[tilespmem:s13+$0x58B0] =	vst v31;
	v32 =	vld [tilespmem:s13+$0x78A0];
	v40 =	vadd.f32 $-8.388608000e+06, v24;
	v26 =	vtrunc.f32 v26;
	v29 =	vtrunc.f32 v29  }
0x3bf: {  	v31 =	vsub.f32 $-1.000000000e+00, v25;
	[tilespmem:s13+$0x5880] =	vst v54;
	v25 =	vcvt.f32.s32 v41;
	v62 =	vtrunc.f32 v30;
	v30 =	vld [tilespmem:s13+$0x68A0]  }
0x3c0: {  	v57 =	vadd.s32 $0x40000, v34;
	[tilespmem:s13+$0x10B0] =	vst v34;
	v60 =	vtrunc.f32 v40;
	v59 =	vcvt.f32.s32 v26;
	v26 =	vld [tilespmem:s13+$0x6890]  }
0x3c1: {  	v20 =	vsub.f32 $-1.000000000e+00, v20;
	[tilespmem:s13+$0x18B0] =	vst v57;
	v61 =	vcvt.f32.s32 v29;
	v29 =	vld [tilespmem:s13+$0x7890];
	v34 =	vcvt.f32.s32 v60  }
0x3c2: {  	[tilespmem:s13+$0x5890] =	vst v55;
	v27 =	vsub.f32 $-1.000000000e+00, v49;
	v22 =	vld [tilespmem:s13+$0x68B0];
	v42 =	vcvt.f32.s32 v62;
	v25 =	vshll.u32 v25, $0x9  }
0x3c3: {  	[tilespmem:s13+$0x58A0] =	vst v56;
	v24 =	vld [tilespmem:s13+$0x78B0];
	v41 =	vshll.u32 v59, $0x9;
	v40 =	vshll.u32 v61, $0x9;
	v36 =	vor.u32 v34, v25  }
0x3c4: {  	s15 =	simm.s32 $0x0;
	s16 =	simm.s32 $0x100;
	v34 =	vadd.f32 v39, v23;
	v35 =	vor.u32 v63, v41;
	[tilespmem:s13+$0x1080] =	vst v36;
	v21 =	vor.u32 v42, v40  }
.LBB2_23:
0x3c5: {  	v13 =	vadd.f32 v26, v13  }
0x3c6: {  	s17 =	sshra.s32 s16, $0x2;
	v23 =	vadd.s32 $0x40000, v36;
	v14 =	vadd.f32 v29, v14;
	[tilespmem:s13+$0x1090] =	vst v35;
	v15 =	vadd.f32 v30, v15;
	s14 =	sadd.s32 $0x40, s14  }
0x3c7: {  	s15 =	sadd.s32 $0x4, s15;
	v16 =	vadd.f32 v32, v16;
	v22 =	vadd.f32 v22, v12;
	v25 =	vld [tilespmem:s17+$0x30B0];
	[tilespmem:s13+$0x1880] =	vst v23;
	v23 =	vadd.s32 $0x40000, v35;
	s18 =	sadd.s32 s14, s5  }
0x3c8: {  	v24 =	vadd.f32 v24, v10;
	v12 =	vsel vm2, v31, v17;
	s19 =	sand.u32 $0x7C0, s14;
	p0 =	slt.u32 s15, $0x7C;
	v26 =	vld [tilespmem:s17+$0x48B0];
	[tilespmem:s13+$0x1890] =	vst v23;
	v23 =	vadd.s32 $0x40000, v21;
	s20 =	sadd.s32 $0x1800, s18  }
0x3c9: {  	v17 =	vsel vm1, v28, v18;
	v18 =	vsel vm3, v27, v19;
	s21 =	sadd.s32 $0x1810, s18;
	s22 =	sadd.s32 $0x1830, s18;
	v10 =	vld [tilespmem:s17+$0x38B0];
	[tilespmem:s13+$0x18A0] =	vst v23;
	v19 =	vor.u32 s20, v0  }
0x3ca: {  	s18 =	sadd.s32 $0x1820, s18;
	v23 =	vor.u32 s21, v0;
	v27 =	vor.u32 s22, v0;
	v29 =	vld [tilespmem:s17+$0x58B0];
	[tilespmem:s13+$0x10A0] =	vst v21  }
0x3cb: {  	v19 =	vand.u32 $0x1FF, v19;
	v21 =	vor.u32 s18, v0;
	v27 =	vand.u32 $0x1FF, v27;
	v30 =	vld [tilespmem:s17+$0x4880];
	[tilespmem:s13+$0x4880] =	vst v12  }
0x3cc: {  	v23 =	vand.u32 $0x1FF, v23;
	v35 =	vand.u32 $0x1FF, v21;
	v21 =	vcvt.s32.f32 v27;
	v32 =	vld [tilespmem:s17+$0x4890];
	[tilespmem:s13+$0x4890] =	vst v17;
	v12 =	vmovc v25  }
0x3cd: {  	v31 =	vcvt.s32.f32 v19;
	v28 =	vcvt.s32.f32 v23;
	v19 =	vld [tilespmem:s17+$0x48A0];
	vm2 =	vlt.f32 v26, $-5.000000000e-01;
	[tilespmem:s13+$0x48A0] =	vst v18  }
0x3ce: {  	v17 =	vmov s20;
	v27 =	vcvt.s32.f32 v35;
	v23 =	vld [tilespmem:s19+$0x3080];
	v18 =	vsel vm2, v21, v26;
	[tilespmem:s13+$0x6880] =	vst v33  }
0x3cf: {  	v35 =	vmov s21;
	v25 =	vld [tilespmem:s19+$0x3880];
	v33 =	vadd.f32 v18, v12;
	v18 =	vadd.f32 v29, v10;
	[tilespmem:s13+$0x7880] =	vst v34  }
0x3d0: {  	v37 =	vmov s18;
	v36 =	vshrl.u32 v17, $0x9;
	v26 =	vld [tilespmem:s17+$0x5880];
	vm1 =	vlt.f32 v30, $-5.000000000e-01;
	[tilespmem:s13+$0x6890] =	vst v13  }
0x3d1: {  	v13 =	vld [tilespmem:s17+$0x3090];
	vm3 =	vlt.f32 v32, $-5.000000000e-01;
	vm4 =	vgt.f32 v33, $5.110000000e+02;
	vm5 =	vgt.f32 v18, $5.110000000e+02;
	[tilespmem:s13+$0x7890] =	vst v14  }
0x3d2: {  	v17 =	vmov s22;
	vm6 =	vlt.f32 v33, $0.0e+00;
	v14 =	vld [tilespmem:s17+$0x3890];
	vm4 =	vmor vm4, vm5;
	[tilespmem:s13+$0x68A0] =	vst v15  }
0x3d3: {  	v17 =	vshrl.u32 v17, $0x9;
	v38 =	vld [tilespmem:s17+$0x5890];
	vm4 =	vmor vm4, vm6;
	vm6 =	vlt.f32 v18, $0.0e+00;
	[tilespmem:s13+$0x78A0] =	vst v16  }
0x3d4: {  	v29 =	vcvt.s32.f32 v17;
	vm5 =	vlt.f32 v19, $-5.000000000e-01;
	v15 =	vld [tilespmem:s17+$0x30A0];
	vm4 =	vmor vm6, vm4;
	[tilespmem:s13+$0x68B0] =	vst v22  }
0x3d5: {  	v17 =	vsel vm1, v31, v30;
	v22 =	vsel vm3, v28, v32;
	v16 =	vld [tilespmem:s17+$0x38A0];
	vm4 =	vmor vm2, vm4;
	[tilespmem:s13+$0x78B0] =	vst v24  }
0x3d6: {  	v17 =	vadd.f32 v17, v23;
	v19 =	vsel vm5, v27, v19;
	v24 =	vld [tilespmem:s17+$0x58A0];
	v29 =	vsel vm4, v29, v18  }
0x3d7: {  	v18 =	vadd.f32 v22, v13;
	v22 =	vsel vm4, v21, v33;
	v34 =	vld [tilespmem:s17+$0x6880];
	[tilespmem:s17+$0x58B0] =	vst v29;
	v29 =	vadd.f32 $8.388608000e+06, v29  }
0x3d8: {  	v40 =	vadd.f32 v26, v25;
	vm2 =	vgt.f32 v17, $5.110000000e+02;
	v22 =	vadd.f32 $8.388608000e+06, v22;
	v39 =	vld [tilespmem:s17+$0x7880]  }
0x3d9: {  	vm6 =	vgt.f32 v18, $5.110000000e+02;
	v26 =	vld [tilespmem:s17+$0x6890];
	v19 =	vadd.f32 v19, v15;
	v32 =	vadd.f32 $-8.388608000e+06, v29  }
0x3da: {  	vm7 =	vgt.f32 v40, $5.110000000e+02;
	v38 =	vadd.f32 v38, v14;
	v22 =	vadd.f32 $-8.388608000e+06, v22;
	v29 =	vld [tilespmem:s17+$0x7890]  }
0x3db: {  	v30 =	vld [tilespmem:s17+$0x68A0];
	v41 =	vadd.f32 v24, v16;
	vm8 =	vgt.f32 v19, $5.110000000e+02;
	v24 =	vtrunc.f32 v32  }
0x3dc: {  	vm9 =	vgt.f32 v38, $5.110000000e+02;
	v42 =	vtrunc.f32 v22;
	v32 =	vld [tilespmem:s17+$0x78A0];
	v43 =	vcvt.f32.s32 v24  }
0x3dd: {  	vm2 =	vmor vm2, vm7;
	v42 =	vcvt.f32.s32 v42;
	vm7 =	vgt.f32 v41, $5.110000000e+02;
	v22 =	vld [tilespmem:s17+$0x68B0]  }
0x3de: {  	vm6 =	vmor vm6, vm9;
	vm7 =	vmor vm8, vm7;
	v24 =	vld [tilespmem:s17+$0x78B0];
	v43 =	vshll.u32 v43, $0x9  }
0x3df: {  	vm9 =	vlt.f32 v18, $0.0e+00;
	vm8 =	vlt.f32 v17, $0.0e+00;
	v42 =	vor.u32 v42, v43  }
0x3e0: {  	vm2 =	vmor vm2, vm8;
	vm8 =	vlt.f32 v19, $0.0e+00;
	[tilespmem:s17+$0x10B0] =	vst v42;
	v42 =	vadd.s32 $0x40000, v42  }
0x3e1: {  	vm10 =	vlt.f32 v40, $0.0e+00;
	vm6 =	vmor vm6, vm9;
	vm7 =	vmor vm7, vm8;
	[tilespmem:s17+$0x18B0] =	vst v42  }
0x3e2: {  	v35 =	vshrl.u32 v35, $0x9;
	vm9 =	vlt.f32 v41, $0.0e+00;
	vm8 =	vlt.f32 v38, $0.0e+00  }
0x3e3: {  	v37 =	vshrl.u32 v37, $0x9;
	vm2 =	vmor vm10, vm2;
	vm6 =	vmor vm8, vm6  }
0x3e4: {  	v36 =	vcvt.s32.f32 v36;
	v35 =	vcvt.s32.f32 v35;
	vm7 =	vmor vm9, vm7  }
0x3e5: {  	v37 =	vcvt.s32.f32 v37;
	vm2 =	vmor vm1, vm2;
	vm1 =	vmor vm3, vm6  }
0x3e6: {  	v36 =	vsel vm2, v36, v40;
	vm3 =	vmor vm5, vm7;
	v35 =	vsel vm1, v35, v38  }
0x3e7: {  	v37 =	vsel vm3, v37, v41;
	v38 =	vadd.f32 $8.388608000e+06, v35;
	[tilespmem:s17+$0x5880] =	vst v36;
	v36 =	vadd.f32 $8.388608000e+06, v36  }
0x3e8: {  	v40 =	vsel vm2, v31, v17;
	v41 =	vsel vm1, v28, v18;
	[tilespmem:s17+$0x5890] =	vst v35;
	v35 =	vadd.f32 $8.388608000e+06, v37  }
0x3e9: {  	v40 =	vadd.f32 $8.388608000e+06, v40;
	v42 =	vsel vm3, v27, v19;
	v41 =	vadd.f32 $8.388608000e+06, v41;
	[tilespmem:s17+$0x58A0] =	vst v37  }
0x3ea: {  	v20 =	vsel vm0, v20, v11;
	v11 =	vmovc v33;
	v36 =	vadd.f32 $-8.388608000e+06, v36;
	v37 =	vadd.f32 $8.388608000e+06, v42  }
0x3eb: {  	vm0 =	vmmov vm4;
	v33 =	vadd.f32 $-8.388608000e+06, v38;
	v35 =	vadd.f32 $-8.388608000e+06, v35;
	[tilespmem:s13+$0x48B0] =	vst v20;
	s13 =	smov.u32 s17  }
0x3ec: {  	v38 =	vadd.f32 $-8.388608000e+06, v41;
	v20 =	vadd.f32 $-8.388608000e+06, v40;
	v36 =	vtrunc.f32 v36  }
0x3ed: {  	v33 =	vtrunc.f32 v33;
	v37 =	vadd.f32 $-8.388608000e+06, v37;
	v35 =	vtrunc.f32 v35  }
0x3ee: {  	v31 =	vsub.f32 $-1.000000000e+00, v31;
	v33 =	vcvt.f32.s32 v33;
	v36 =	vcvt.f32.s32 v36  }
0x3ef: {  	v28 =	vsub.f32 $-1.000000000e+00, v28;
	v20 =	vtrunc.f32 v20;
	v35 =	vcvt.f32.s32 v35  }
.Ltmp12:
0x3f0: {  	v38 =	vtrunc.f32 v38;
	v37 =	vtrunc.f32 v37;
	v36 =	vshll.u32 v36, $0x9;
	(pc) =	sbr.rel @p0 .LBB2_23-.Ltmp12, $4  }
0x3f1: {  	v38 =	vcvt.f32.s32 v38;
	v33 =	vshll.u32 v33, $0x9;
	v20 =	vcvt.f32.s32 v20  }
0x3f2: {  	v27 =	vsub.f32 $-1.000000000e+00, v27;
	v37 =	vcvt.f32.s32 v37;
	v40 =	vshll.u32 v35, $0x9  }
0x3f3: {  	v35 =	vor.u32 v38, v33;
	v36 =	vor.u32 v20, v36;
	v20 =	vsub.f32 $-1.000000000e+00, v21  }
0x3f4: {  	s16 =	sadd.s32 $0x100, s16;
	v33 =	vadd.f32 v34, v23;
	v34 =	vadd.f32 v39, v25;
	v21 =	vor.u32 v37, v40;
	[tilespmem:s13+$0x1080] =	vst v36  }
0x3f5: {  	[tilespmem:s13+$0x1090] =	vst v35  }
0x3f6: {  	v23 =	vadd.s32 $0x40000, v36;
	[tilespmem:s13+$0x10A0] =	vst v21  }
0x3f7: {  	v60 =	vadd.s32 $0x40000, v35;
	[tilespmem:s13+$0x1880] =	vst v23  }
0x3f8: {  	v61 =	vadd.s32 $0x40000, v21;
	[tilespmem:s13+$0x1890] =	vst v60  }
0x3f9: {  	v17 =	vsel vm2, v31, v17;
	[tilespmem:s13+$0x18A0] =	vst v61  }
0x3fa: {  	v18 =	vsel vm1, v28, v18;
	[tilespmem:s13+$0x4880] =	vst v17  }
0x3fb: {  	v62 =	vsel vm3, v27, v19;
	[tilespmem:s13+$0x4890] =	vst v18  }
0x3fc: {  	[tilespmem:s13+$0x48A0] =	vst v62  }
0x3fd: {  	v13 =	vadd.f32 v26, v13;
	[tilespmem:s13+$0x6880] =	vst v33  }
0x3fe: {  	v14 =	vadd.f32 v29, v14;
	[tilespmem:s13+$0x7880] =	vst v34  }
0x3ff: {  	v15 =	vadd.f32 v30, v15;
	[tilespmem:s13+$0x6890] =	vst v13  }
0x400: {  	v63 =	vadd.f32 v32, v16;
	s12 =	sadd.s32 $0x1, s12;
	[tilespmem:s13+$0x7890] =	vst v14  }
0x401: {  	v12 =	vadd.f32 v22, v12;
	p0 =	sne.s32 s12, s10;
	[tilespmem:s13+$0x68A0] =	vst v15  }
.Ltmp13:
0x402: {  	v10 =	vadd.f32 v24, v10;
	[tilespmem:s13+$0x78A0] =	vst v63;
	(pc) =	sbr.rel @p0 .LBB2_20-.Ltmp13, $4  }
0x403: {  	[tilespmem:s13+$0x68B0] =	vst v12  }
0x404: {  	[tilespmem:s13+$0x78B0] =	vst v10;
	v10 =	vsel vm0, v20, v11  }
0x405: {  	[tilespmem:s13+$0x48B0] =	vst v10  }
0x406: {  	[tilespmem:s1], [sflag:$0x2] =	stream.indirect.gather [spmem:s2], $0x1, s4, s0, $0xb8;
	[tilespmem:$0x10080] =	vst v63  }
.LBB2_25:
0x407: {  	_ =	swait.ge [sflag:s28], $0x1000  }
0x408: {  	[sflag:s28] =	ssyncset.done $0x0  }
0x409: {  	[sflag:s28] =	ssyncadd.s32 $0xFFFFF000  }
0x40a: {  	_ =	swait.ge [sflag:s29], $0x1000  }
0x40b: {  	[sflag:s29] =	ssyncset.done $0x0  }
0x40c: {  	s10 =	simm.s32 $0x60A0;
	[sflag:s29] =	ssyncadd.s32 $0xFFFFF000  }
0x40d: {  	s16 =	simm.s32 $0x2080;
	v2 =	vld [tilespmem:s10+$0x10]  }
0x40e: {  	v3 =	vld [tilespmem:s16+$0x30]  }
0x40f: {  	v4 =	vld [tilespmem:s16+$0x0]  }
0x410: {  	v5 =	vld [tilespmem:s10+$0xFFFFFFF0]  }
0x411: {  	v6 =	vld [tilespmem:s16+$0x10]  }
0x412: {  	v7 =	vld [tilespmem:s10+$0x0]  }
0x413: {  	s14 =	simm.s32 $0x20C0;
	v8 =	vld [tilespmem:s16+$0x20]  }
0x414: {  	v9 =	vld [tilespmem:s14+$0x30]  }
0x415: {  	s17 =	simm.s32 $0x60E0;
	v10 =	vld [tilespmem:s14+$0x0]  }
0x416: {  	v11 =	vld [tilespmem:s17+$0xFFFFFFF0]  }
0x417: {  	v12 =	vld [tilespmem:s14+$0x10]  }
0x418: {  	v13 =	vld [tilespmem:s17+$0x0];
	v2 =	vadd.f32 v3, v2  }
0x419: {  	v3 =	vld [tilespmem:s10+$0xFFFFFFE0]  }
0x41a: {  	s12 =	simm.s32 $0x70A0;
	v14 =	vld [tilespmem:s14+$0x20];
	[tilespmem:s10+$0x10] =	vst v2;
	v2 =	vadd.f32 v6, v5  }
0x41b: {  	v5 =	vld [tilespmem:s12+$0x10]  }
0x41c: {  	[tilespmem:s10+$0xFFFFFFF0] =	vst v2;
	v2 =	vadd.f32 v8, v7;
	v8 =	vld [tilespmem:s17+$0x10]  }
0x41d: {  	v6 =	vld [tilespmem:s16+$0x830]  }
0x41e: {  	v3 =	vadd.f32 v4, v3;
	v4 =	vld [tilespmem:s12+$0xFFFFFFF0]  }
0x41f: {  	v7 =	vld [tilespmem:s16+$0x810];
	[tilespmem:s10+$0x0] =	vst v2  }
0x420: {  	[tilespmem:s10+$0xFFFFFFE0] =	vst v3;
	v2 =	vld [tilespmem:s12+$0x0]  }
0x421: {  	s15 =	simm.s32 $0x0;
	v3 =	vld [tilespmem:s12+$0xFFFFFFE0];
	v8 =	vadd.f32 v9, v8  }
0x422: {  	s10 =	sand.u32 $0x7C0, s15;
	v9 =	vld [tilespmem:s17+$0xFFFFFFE0]  }
0x423: {  	s13 =	simm.s32 $0x70E0;
	v5 =	vadd.f32 v6, v5;
	v6 =	vld [tilespmem:s10+$0x2880];
	[tilespmem:s17+$0x10] =	vst v8  }
0x424: {  	v8 =	vadd.f32 v12, v11;
	v11 =	vld [tilespmem:s13+$0x10]  }
0x425: {  	[tilespmem:s12+$0x10] =	vst v5;
	v4 =	vadd.f32 v7, v4;
	v63 =	vld [tilespmem:s14+$0x830]  }
0x426: {  	v5 =	vld [tilespmem:s16+$0x820];
	[tilespmem:s17+$0xFFFFFFF0] =	vst v8;
	v8 =	vadd.f32 v14, v13  }
0x427: {  	[tilespmem:s12+$0xFFFFFFF0] =	vst v4;
	v9 =	vadd.f32 v10, v9;
	v4 =	vld [tilespmem:s13+$0xFFFFFFF0]  }
0x428: {  	v7 =	vld [tilespmem:s14+$0x810];
	v10 =	vadd.f32 v6, v3;
	[tilespmem:s17+$0x0] =	vst v8  }
0x429: {  	[tilespmem:s17+$0xFFFFFFE0] =	vst v9;
	v6 =	vld [tilespmem:s13+$0x0]  }
0x42a: {  	s18 =	simm.s32 $0x6120;
	s16 =	simm.s32 $0x4;
	[tilespmem:s12+$0xFFFFFFE0] =	vst v10;
	s17 =	simm.s32 $0x20C0;
	v3 =	vld [tilespmem:s13+$0xFFFFFFE0];
	v8 =	vadd.f32 v63, v11  }
.LBB2_26:
0x42b: {  	v9 =	vld [tilespmem:s18+$0x10];
	s14 =	sadd.s32 $0x40, s14;
	v10 =	vadd.f32 v5, v2  }
0x42c: {  	v5 =	vld [tilespmem:s14+$0x30];
	[tilespmem:s13+$0x10] =	vst v8  }
0x42d: {  	s16 =	sadd.s32 $0x4, s16;
	v8 =	vld [tilespmem:s14+$0x0];
	v4 =	vadd.f32 v7, v4;
	[tilespmem:s12+$0x0] =	vst v10;
	s12 =	smov.u32 s13  }
0x42e: {  	p0 =	slt.u32 s16, $0x7C;
	v7 =	vld [tilespmem:s18+$0xFFFFFFF0];
	v2 =	vmov v6  }
0x42f: {  	v6 =	vld [tilespmem:s14+$0x10];
	[tilespmem:s13+$0xFFFFFFF0] =	vst v4  }
0x430: {  	v4 =	vld [tilespmem:s18+$0x0]  }
0x431: {  	s15 =	sadd.s32 $0x40, s15;
	v10 =	vld [tilespmem:s14+$0x20];
	v5 =	vadd.f32 v5, v9  }
0x432: {  	s19 =	sand.u32 $0x7C0, s15;
	v9 =	vld [tilespmem:s18+$0xFFFFFFE0]  }
0x433: {  	s13 =	sadd.s32 $0x40, s13;
	[tilespmem:s18+$0x10] =	vst v5;
	v11 =	vld [tilespmem:s19+$0x2880]  }
0x434: {  	v5 =	vadd.f32 v6, v7;
	v12 =	vld [tilespmem:s13+$0x10]  }
0x435: {  	v13 =	vld [tilespmem:s14+$0x830]  }
.Ltmp14:
0x436: {  	[tilespmem:s18+$0xFFFFFFF0] =	vst v5;
	v6 =	vadd.f32 v10, v4;
	v5 =	vld [tilespmem:s17+$0x820];
	s17 =	smov.u32 s14;
	(pc) =	sbr.rel @p0 .LBB2_26-.Ltmp14, $4  }
0x437: {  	v8 =	vadd.f32 v8, v9;
	v4 =	vld [tilespmem:s13+$0xFFFFFFF0]  }
0x438: {  	v7 =	vld [tilespmem:s14+$0x810];
	[tilespmem:s18+$0x0] =	vst v6;
	v9 =	vadd.f32 v11, v3  }
0x439: {  	[tilespmem:s18+$0xFFFFFFE0] =	vst v8;
	v6 =	vld [tilespmem:s13+$0x0]  }
0x43a: {  	s18 =	sadd.s32 $0x40, s18;
	v3 =	vld [tilespmem:s13+$0xFFFFFFE0];
	v8 =	vadd.f32 v13, v12;
	[tilespmem:s12+$0xFFFFFFE0] =	vst v9  }
0x43b: {  	s14 =	sadd.s32 $0x40, s15  }
0x43c: {  	s14 =	sand.u32 $0x7C0, s14  }
0x43d: {  	v9 =	vld [tilespmem:s14+$0x2880]  }
0x43e: {  	v10 =	vld [tilespmem:s17+$0x820];
	_ =	sdelay $0x1  }
0x43f: {  	v2 =	vadd.f32 v5, v2  }
0x440: {  	[tilespmem:s13+$0x10] =	vst v8;
	v4 =	vadd.f32 v7, v4  }
0x441: {  	[tilespmem:s12+$0x0] =	vst v2;
	v2 =	vadd.f32 v9, v3  }
0x442: {  	[tilespmem:s13+$0xFFFFFFF0] =	vst v4;
	v3 =	vadd.f32 v10, v6  }
0x443: {  	[tilespmem:s13+$0xFFFFFFE0] =	vst v2  }
0x444: {  	s21 =	simm.s32 $0x38B0;
	[tilespmem:s13+$0x0] =	vst v3  }
0x445: {  	v2 =	vld [tilespmem:s21+$0xFFFFF7E0]  }
0x446: {  	s22 =	simm.s32 $0x68B0;
	v5 =	vld [tilespmem:s21+$0xFFFFF7F0]  }
0x447: {  	v3 =	vld [tilespmem:s22+$0xFFFFFFD0]  }
0x448: {  	v6 =	vld [tilespmem:s10+$0x3080]  }
0x449: {  	v7 =	vld [tilespmem:s21+$0xFFFFF800]  }
0x44a: {  	v8 =	vld [tilespmem:s22+$0xFFFFFFE0]  }
0x44b: {  	v9 =	vld [tilespmem:s22+$0xFFFFFFF0]  }
0x44c: {  	s12 =	simm.s32 $0x38F0;
	v10 =	vld [tilespmem:s22+$0x0]  }
0x44d: {  	v4 =	vld [tilespmem:s12+$0xFFFFF7E0];
	v6 =	vadd.f32 v6, v3  }
0x44e: {  	v3 =	vld [tilespmem:s12+$0xFFFFF7F0]  }
0x44f: {  	s13 =	simm.s32 $0x78B0;
	v8 =	vadd.f32 v2, v8;
	v2 =	vld [tilespmem:s12+$0xFFFFF800];
	[tilespmem:s22+$0xFFFFFFD0] =	vst v6  }
0x450: {  	v6 =	vld [tilespmem:s13+$0xFFFFFFD0]  }
0x451: {  	v5 =	vadd.f32 v5, v9;
	[tilespmem:s22+$0xFFFFFFE0] =	vst v8;
	v8 =	vld [tilespmem:s10+$0x3880]  }
0x452: {  	v11 =	vld [tilespmem:s13+$0xFFFFFFE0]  }
0x453: {  	v7 =	vadd.f32 v7, v10;
	[tilespmem:s22+$0xFFFFFFF0] =	vst v5;
	v10 =	vld [tilespmem:s21+$0xFFFFFFE0]  }
0x454: {  	s15 =	simm.s32 $0x40;
	v12 =	vld [tilespmem:s13+$0xFFFFFFF0]  }
0x455: {  	s18 =	sand.u32 $0x7C0, s15;
	v13 =	vld [tilespmem:s21+$0xFFFFFFF0]  }
0x456: {  	v9 =	vld [tilespmem:s18+$0x3080];
	[tilespmem:s22+$0x0] =	vst v7  }
0x457: {  	v5 =	vld [tilespmem:s13+$0x0];
	s10 =	simm.s32 $0x68F0  }
0x458: {  	v7 =	vld [tilespmem:s10+$0xFFFFFFD0];
	v6 =	vadd.f32 v8, v6  }
0x459: {  	v8 =	vadd.f32 v10, v11;
	v11 =	vld [tilespmem:s10+$0xFFFFFFE0]  }
0x45a: {  	v10 =	vld [tilespmem:s10+$0xFFFFFFF0];
	[tilespmem:s13+$0xFFFFFFD0] =	vst v6;
	v6 =	vadd.f32 v13, v12  }
0x45b: {  	[tilespmem:s13+$0xFFFFFFE0] =	vst v8;
	v8 =	vld [tilespmem:s10+$0x0]  }
0x45c: {  	s16 =	simm.s32 $0x4;
	s17 =	simm.s32 $0x3930;
	s14 =	simm.s32 $0x78B0;
	[tilespmem:s13+$0xFFFFFFF0] =	vst v6;
	v6 =	vld [tilespmem:s21+$0x0]  }
.LBB2_28:
0x45d: {  	v12 =	vld [tilespmem:s17+$0xFFFFF7E0];
	v7 =	vadd.f32 v9, v7  }
0x45e: {  	v9 =	vld [tilespmem:s17+$0xFFFFF7F0];
	v4 =	vadd.f32 v4, v11  }
0x45f: {  	s13 =	sadd.s32 $0x40, s13;
	v11 =	vld [tilespmem:s17+$0xFFFFF800];
	[tilespmem:s10+$0xFFFFFFD0] =	vst v7;
	v3 =	vadd.f32 v3, v10  }
0x460: {  	v7 =	vld [tilespmem:s13+$0xFFFFFFD0];
	[tilespmem:s10+$0xFFFFFFE0] =	vst v4;
	v2 =	vadd.f32 v2, v8  }
0x461: {  	v8 =	vld [tilespmem:s18+$0x3880];
	[tilespmem:s10+$0xFFFFFFF0] =	vst v3;
	v5 =	vadd.f32 v6, v5  }
0x462: {  	v6 =	vld [tilespmem:s13+$0xFFFFFFE0];
	[tilespmem:s10+$0x0] =	vst v2;
	v4 =	vmov v12  }
0x463: {  	v10 =	vld [tilespmem:s12+$0xFFFFFFE0];
	[tilespmem:s14+$0x0] =	vst v5;
	v3 =	vmov v9;
	s14 =	smov.u32 s13  }
0x464: {  	v12 =	vld [tilespmem:s13+$0xFFFFFFF0];
	v2 =	vmov v11  }
0x465: {  	v13 =	vld [tilespmem:s12+$0xFFFFFFF0]  }
0x466: {  	s15 =	sadd.s32 $0x40, s15;
	s16 =	sadd.s32 $0x4, s16;
	s10 =	sadd.s32 $0x40, s10;
	v8 =	vadd.f32 v8, v7;
	v5 =	vld [tilespmem:s13+$0x0]  }
0x467: {  	p0 =	slt.u32 s16, $0x7C;
	s18 =	sand.u32 $0x7C0, s15;
	v7 =	vld [tilespmem:s10+$0xFFFFFFD0]  }
.Ltmp15:
0x468: {  	v9 =	vld [tilespmem:s18+$0x3080];
	[tilespmem:s13+$0xFFFFFFD0] =	vst v8;
	v6 =	vadd.f32 v10, v6;
	(pc) =	sbr.rel @p0 .LBB2_28-.Ltmp15, $4  }
0x469: {  	v11 =	vld [tilespmem:s10+$0xFFFFFFE0]  }
0x46a: {  	v10 =	vld [tilespmem:s10+$0xFFFFFFF0];
	[tilespmem:s13+$0xFFFFFFE0] =	vst v6;
	v6 =	vadd.f32 v13, v12  }
0x46b: {  	v8 =	vld [tilespmem:s10+$0x0]  }
0x46c: {  	[tilespmem:s13+$0xFFFFFFF0] =	vst v6;
	v6 =	vld [tilespmem:s12+$0x0];
	s12 =	smov.u32 s17;
	s17 =	sadd.s32 $0x40, s17  }
0x46d: {  	v7 =	vadd.f32 v9, v7;
	_ =	sdelay $0x1  }
0x46e: {  	s13 =	sadd.s32 $0x40, s13;
	v4 =	vadd.f32 v4, v11;
	[tilespmem:s10+$0xFFFFFFD0] =	vst v7  }
0x46f: {  	v7 =	vld [tilespmem:s13+$0xFFFFFFD0]  }
0x470: {  	v3 =	vadd.f32 v3, v10;
	[tilespmem:s10+$0xFFFFFFE0] =	vst v4;
	v59 =	vld [tilespmem:s18+$0x3880]  }
0x471: {  	v60 =	vld [tilespmem:s13+$0xFFFFFFE0]  }
0x472: {  	v2 =	vadd.f32 v2, v8;
	[tilespmem:s10+$0xFFFFFFF0] =	vst v3;
	v3 =	vld [tilespmem:s12+$0xFFFFFFE0]  }
0x473: {  	v61 =	vld [tilespmem:s13+$0xFFFFFFF0]  }
0x474: {  	[tilespmem:s10+$0x0] =	vst v2;
	v2 =	vld [tilespmem:s12+$0xFFFFFFF0]  }
0x475: {  	v62 =	vld [tilespmem:s13+$0x0]  }
0x476: {  	v63 =	vld [tilespmem:s12+$0x0]  }
0x477: {  	v5 =	vadd.f32 v6, v5  }
0x478: {  	v4 =	vadd.f32 v59, v7  }
0x479: {  	[tilespmem:s14+$0x0] =	vst v5;
	v3 =	vadd.f32 v3, v60  }
0x47a: {  	[tilespmem:s13+$0xFFFFFFD0] =	vst v4;
	v2 =	vadd.f32 v2, v61  }
0x47b: {  	[tilespmem:s13+$0xFFFFFFE0] =	vst v3;
	v3 =	vadd.f32 v63, v62  }
0x47c: {  	[tilespmem:s13+$0xFFFFFFF0] =	vst v2  }
0x47d: {  	[tilespmem:s13+$0x0] =	vst v3  }
0x47e: {  	s20 =	simm.s32 $0x6080;
	s10 =	rddreg [dreg:$0x11]  }
0x47f: {  	[hbm4b:s10+s3] =	stream.strided.scatter [tilespmem:s20], [sflag:$0x3], $0x1000, s8, s3, $0x38;
	[tilespmem:$0x10080] =	vst v63  }
0x480: {  	s9 =	sadd.s32 $0x1, s9;
	_ =	swait.ge [sflag:s30], $0x1000  }
0x481: {  	s22 =	simm.s32 $0x7080;
	p0 =	sne.s32 s9, s23;
	[sflag:s30] =	ssyncset.done $0x0  }
.Ltmp16:
0x482: {  	s21 =	rddreg [dreg:$0x12];
	[sflag:s30] =	ssyncadd.s32 $0xFFFFF000;
	(pc) =	sbr.rel @p0 .LBB2_1-.Ltmp16, $4  }
0x483: {  	[hbm4b:s21+s3] =	stream.strided.scatter [tilespmem:s22], [sflag:$0x3], $0x1000, s8, s3, $0x38;
	[tilespmem:$0x10080] =	vst v63  }
0x484: {  	_ =	swait.ge [sflag:s30], $0x1000  }
0x485: {  	[sflag:s30] =	ssyncset.done $0x0  }
0x486: {  	[sflag:s30] =	ssyncadd.s32 $0xFFFFF000  }
0x487: {  	_ =	sfence.sel $0x180000  }
0x488: {  	[bflag:$0x0] =	sbarrier.arrive $0xFFFF  }
0x489: {  	_ =	strace $0x90000047  }
0x48a: {  	s0 =	stileid.u32;
	[bflag:$0x2] =	sbarrier.arrive $0xFFFF  }
0x48b: {  	p0 =	sne.s32 s0, $0x0;
	s0 =	rddreg [dreg:$0x3]  }
0x48c: {  	s0 =	sadd.s32 @!p0 $0x100000, s0  }
0x48d: {  	[sflag:s0] =	ssyncadd.tile.s32 @!p0 $0x1;
	_ =	shalt  }
.Lfunc_end2:
_tile_overlayer_lowered:
.L_overlay_start_2:
0x48e: {  	(tag) =	ssettag $0x2  }
0x48f: {  	s0 =	rddreg [dreg:$0x0];
	s2 =	stileid.u32  }
0x490: {  	s1 =	rddreg [dreg:$0x1];
	p0 =	sne.s32 s2, $0x0  }
0x491: {  	s3 =	rddreg [dreg:$0x2];
	[bflag:$0x3] =	sbarrier.arrive $0xFFFF;
	s2 =	simm.s32 @!p0 $0x1C03  }
0x492: {  	[timem:s3], [sflag:s2] =	dma.local @!p0 [hbm:s0], s1  }
0x493: {  	s0 =	simm.s32 @!p0 $0x3  }
0x494: {  	_ =	swait.ge @!p0 [sflag:s0], s1  }
0x495: {  	s1 =	ssub.s32 @!p0 $0x0, s1;
	[sflag:s0] =	ssyncset.done @!p0 $0x0  }
0x496: {  	[sflag:s0] =	ssyncadd.s32 @!p0 s1  }
0x497: {  	[bflag:$0x3] =	sbarrier.arrive $0xFFFF  }
0x498: {  	_ =	shalt  }

</sc_bundles>
